<compile_context>
chip_gen: v7x
topology: tpu7x:2x2x1
jax: 0.10.2.dev20260603
libtpu: 0.0.44.dev20260713+nightly
codegen_flags: <defaults>
</compile_context>

<pallas_src>
import functools

import jax
import jax.numpy as jnp
from jax import lax
from jax.experimental import pallas as pl
from jax.experimental.pallas import tpu as pltpu
from jax.experimental.pallas import tpu_sc as plsc

NC = 2
NS = 16
NW = NC * NS
LANES = 16
CHUNK = 128
IB = 16
ZBLK = 64


def _sc_meshes():
    return plsc.VectorSubcoreMesh(core_axis_name="c", subcore_axis_name="s")


def _sc_degree(dst2d, n, n_pad, cpt):
    npad_per_tile = n_pad // NS

    @functools.partial(
        pl.kernel,
        out_type=jax.ShapeDtypeStruct((NC * n_pad,), jnp.float32),
        mesh=_sc_meshes(),
        scratch_types=[
            pltpu.VMEM((cpt, CHUNK), jnp.int32),
            pltpu.VMEM((CHUNK,), jnp.float32),
            pltpu.VMEM((npad_per_tile,), jnp.float32),
            pltpu.VMEM_SHARED((n_pad,), jnp.float32),
        ],
    )
    def deg_kernel(dst_hbm, out_hbm, didx, ones, zbuf, acc):
        c = lax.axis_index("c")
        s = lax.axis_index("s")
        wid = c * NS + s

        one = jnp.ones((LANES,), jnp.float32)
        zero = jnp.zeros((LANES,), jnp.float32)

        @pl.loop(0, CHUNK // LANES)
        def _(r):
            ones[pl.ds(r * LANES, LANES)] = one

        @pl.loop(0, npad_per_tile // LANES)
        def _(r):
            zbuf[pl.ds(r * LANES, LANES)] = zero

        pltpu.sync_copy(dst_hbm.at[pl.ds(wid * cpt, cpt)], didx)
        rbase = s * npad_per_tile
        pltpu.sync_copy(zbuf, acc.at[pl.ds(rbase, npad_per_tile)])
        plsc.subcore_barrier()

        @pl.loop(0, cpt)
        def _(i):
            pltpu.sync_copy(ones, acc.at[didx.at[i]], add=True)

        plsc.subcore_barrier()
        pltpu.sync_copy(acc.at[pl.ds(rbase, npad_per_tile)],
                        out_hbm.at[pl.ds(c * n_pad + rbase, npad_per_tile)])

    return deg_kernel(dst2d)


def _sc_propagate(g, src2d, dst2d, n, n_pad, d, cpt):
    npad_per_tile = n_pad // NS
    nbuf = 2
    ib = IB
    nb = cpt // ib
    assert cpt % ib == 0

    @functools.partial(
        pl.kernel,
        out_type=jax.ShapeDtypeStruct((NC, n_pad, d), jnp.float32),
        mesh=_sc_meshes(),
        scratch_types=[
            [pltpu.VMEM((ib, CHUNK), jnp.int32)] * 2,
            [pltpu.VMEM((ib, CHUNK), jnp.int32)] * 2,
            [pltpu.VMEM((CHUNK, d), jnp.float32)] * nbuf,
            pltpu.VMEM((ZBLK, d), jnp.float32),
            pltpu.VMEM_SHARED((n_pad, d), jnp.float32),
            [pltpu.SemaphoreType.DMA] * nbuf,
            [pltpu.SemaphoreType.DMA] * 2,
        ],
    )
    def prop_kernel(g_hbm, src_hbm, dst_hbm, out_hbm, sidx, didx, rows, zbuf, acc,
                    gsem, isem):
        c = lax.axis_index("c")
        s = lax.axis_index("s")
        wid = c * NS + s

        zero = jnp.zeros((LANES,), jnp.float32)

        @pl.loop(0, ZBLK)
        def _(r):
            for l in range(d // LANES):
                zbuf[r, pl.ds(l * LANES, LANES)] = zero

        def load_idx(k):
            base = wid * cpt + k * ib
            p = k % 2
            pltpu.async_copy(src_hbm.at[pl.ds(base, ib)], sidx[p], isem[p])
            pltpu.async_copy(dst_hbm.at[pl.ds(base, ib)], didx[p], isem[p])

        def wait_idx(k):
            base = wid * cpt + k * ib
            p = k % 2
            pltpu.make_async_copy(src_hbm.at[pl.ds(base, ib)], sidx[p],
                                  isem[p]).wait()
            pltpu.make_async_copy(dst_hbm.at[pl.ds(base, ib)], didx[p],
                                  isem[p]).wait()

        load_idx(0)

        @pl.loop(0, npad_per_tile // ZBLK)
        def _(i):
            pltpu.sync_copy(zbuf, acc.at[pl.ds(s * npad_per_tile + i * ZBLK, ZBLK)])

        wait_idx(0)
        for b in range(nbuf):
            pltpu.async_copy(g_hbm.at[sidx[0].at[b]], rows[b], gsem[b])

        plsc.subcore_barrier()

        for k in range(nb):
            p = k % 2
            if k + 1 < nb:
                load_idx(k + 1)

            @pl.loop(0, ib // nbuf)
            def _(t):
                j = t * nbuf
                for b in range(nbuf):
                    pltpu.make_async_copy(g_hbm.at[sidx[p].at[j + b]], rows[b],
                                          gsem[b]).wait()
                    pltpu.sync_copy(rows[b], acc.at[didx[p].at[j + b]], add=True)

                    @pl.when(j + b + nbuf < ib)
                    def _():
                        pltpu.async_copy(g_hbm.at[sidx[p].at[j + b + nbuf]],
                                         rows[b], gsem[b])

            if k + 1 < nb:
                wait_idx(k + 1)
                for b in range(nbuf):
                    pltpu.async_copy(g_hbm.at[sidx[(k + 1) % 2].at[b]], rows[b],
                                     gsem[b])

        plsc.subcore_barrier()
        rbase = s * npad_per_tile
        pltpu.sync_copy(acc.at[pl.ds(rbase, npad_per_tile)],
                        out_hbm.at[c, pl.ds(rbase, npad_per_tile)])

    return prop_kernel(g, src2d, dst2d)


def _dinv_block(deg_ref):
    deg = deg_ref[:, 0:1] + deg_ref[:, 1:2] + 1.0
    return lax.rsqrt(deg)


def _tc_scale_matmul(degp, x, w, br):
    n, d = x.shape

    def body(deg_ref, x_ref, w_ref, o_ref):
        dinv = _dinv_block(deg_ref)
        o_ref[...] = jnp.dot(x_ref[...], w_ref[...],
                             preferred_element_type=jnp.float32) * dinv

    return pl.pallas_call(
        body,
        grid=(n // br,),
        in_specs=[
            pl.BlockSpec((br, 2), lambda i: (i, 0)),
            pl.BlockSpec((br, d), lambda i: (i, 0)),
            pl.BlockSpec((d, w.shape[1]), lambda i: (0, 0)),
        ],
        out_specs=pl.BlockSpec((br, w.shape[1]), lambda i: (i, 0)),
        out_shape=jax.ShapeDtypeStruct((n, w.shape[1]), jnp.float32),
    )(degp, x, w)


def _tc_mid_layer(degp, rp, g, b, w, br):
    n, d = g.shape

    def body(deg_ref, rp_ref, g_ref, b_ref, w_ref, o_ref):
        dinv = _dinv_block(deg_ref)
        h = dinv * (rp_ref[0] + rp_ref[1] + g_ref[...]) + b_ref[...]
        h = jnp.maximum(h, 0.0)
        o_ref[...] = jnp.dot(h, w_ref[...],
                             preferred_element_type=jnp.float32) * dinv

    return pl.pallas_call(
        body,
        grid=(n // br,),
        in_specs=[
            pl.BlockSpec((br, 2), lambda i: (i, 0)),
            pl.BlockSpec((2, br, d), lambda i: (0, i, 0)),
            pl.BlockSpec((br, d), lambda i: (i, 0)),
            pl.BlockSpec((1, d), lambda i: (0, 0)),
            pl.BlockSpec((d, w.shape[1]), lambda i: (0, 0)),
        ],
        out_specs=pl.BlockSpec((br, w.shape[1]), lambda i: (i, 0)),
        out_shape=jax.ShapeDtypeStruct((n, w.shape[1]), jnp.float32),
    )(degp, rp, g, b, w)


def _tc_final_layer(degp, rp, g, b, w, bo, br):
    n, d = g.shape

    def body(deg_ref, rp_ref, g_ref, b_ref, w_ref, bo_ref, o_ref):
        dinv = _dinv_block(deg_ref)
        h = dinv * (rp_ref[0] + rp_ref[1] + g_ref[...]) + b_ref[...]
        h = jnp.maximum(h, 0.0)
        o_ref[...] = jnp.dot(h, w_ref[...],
                             preferred_element_type=jnp.float32) + bo_ref[...]

    return pl.pallas_call(
        body,
        grid=(n // br,),
        in_specs=[
            pl.BlockSpec((br, 2), lambda i: (i, 0)),
            pl.BlockSpec((2, br, d), lambda i: (0, i, 0)),
            pl.BlockSpec((br, d), lambda i: (i, 0)),
            pl.BlockSpec((1, d), lambda i: (0, 0)),
            pl.BlockSpec((d, w.shape[1]), lambda i: (0, 0)),
            pl.BlockSpec((1, w.shape[1]), lambda i: (0, 0)),
        ],
        out_specs=pl.BlockSpec((br, w.shape[1]), lambda i: (i, 0)),
        out_shape=jax.ShapeDtypeStruct((n, w.shape[1]), jnp.float32),
    )(degp, rp, g, b, w, bo)


def kernel(x, edge_index, W1, b1, W2, b2, Wo, bo):
    n, d = x.shape
    e = edge_index.shape[1]

    quantum = NW * CHUNK * IB
    e_pad = ((e + quantum - 1) // quantum) * quantum
    pad = e_pad - e
    n_pad = ((n + NS * ZBLK - 1) // (NS * ZBLK)) * (NS * ZBLK)
    src = edge_index[0]
    dst = edge_index[1]
    if pad:
        pad_src = jnp.arange(pad, dtype=src.dtype) % n
        pad_dst = n + (jnp.arange(pad, dtype=dst.dtype) % (n_pad - n))
        src = jnp.concatenate([src, pad_src])
        dst = jnp.concatenate([dst, pad_dst])
    cpt = e_pad // NW // CHUNK
    src2d = src.reshape(-1, CHUNK)
    dst2d = dst.reshape(-1, CHUNK)

    br = 1000 if n % 1000 == 0 else n // 10
    degf = _sc_degree(dst2d, n, n_pad, cpt)
    degp = degf.reshape(NC, n_pad)[:, :n].T
    g1 = _tc_scale_matmul(degp, x, W1, br)
    r1 = _sc_propagate(g1, src2d, dst2d, n, n_pad, d, cpt)
    g2 = _tc_mid_layer(degp, r1, g1, b1.reshape(1, -1), W2, br)
    r2 = _sc_propagate(g2, src2d, dst2d, n, n_pad, W2.shape[1], cpt)
    out = _tc_final_layer(degp, r2, g2, b2.reshape(1, -1), Wo, bo.reshape(1, -1), br)
    return out

# --- scband reference (transcript-rebuilt; emitter-appended) ---
"""Pipeline reference for scband-constraint-processor-61246233641261 (READ-ONLY COPY).

The authoritative reference and input builder live on the scoring server;
editing this copy changes nothing except your own understanding.
"""

import jax, jax.numpy as jnp
import numpy as np

N = 10000
D = 128
H = 128
E = 320000


def setup_inputs(seed: int = 0) -> dict:
    key = jax.random.key(seed)
    ks = jax.random.split(key, 6)
    x = jax.random.normal(ks[0], (N, D), dtype=jnp.float32)
    edge_index = jax.random.randint(ks[1], (2, E), 0, N)
    W1 = jax.random.normal(ks[2], (D, H), dtype=jnp.float32) * (1.0 / np.sqrt(D))
    b1 = jnp.zeros((H,), dtype=jnp.float32)
    W2 = jax.random.normal(ks[3], (H, H), dtype=jnp.float32) * (1.0 / np.sqrt(H))
    b2 = jnp.zeros((H,), dtype=jnp.float32)
    Wo = jax.random.normal(ks[4], (H, D), dtype=jnp.float32) * (1.0 / np.sqrt(H))
    bo = jnp.zeros((D,), dtype=jnp.float32)
    return {"x": x, "edge_index": edge_index, "W1": W1, "b1": b1, "W2": W2, "b2": b2, "Wo": Wo, "bo": bo}


def _gcn_conv(x, src, dst, W, b, n):
    # GCNConv (PyG semantics): add self-loops, symmetric normalization, x' = D^-1/2 (A+I) D^-1/2 X W + b
    h = x @ W
    loop = jnp.arange(n, dtype=src.dtype)
    s = jnp.concatenate([src, loop])
    d = jnp.concatenate([dst, loop])
    deg = jnp.zeros((n,), dtype=h.dtype).at[d].add(1.0)
    deg_inv_sqrt = jnp.where(deg > 0, jax.lax.rsqrt(jnp.maximum(deg, 1e-12)), 0.0)
    norm = deg_inv_sqrt[s] * deg_inv_sqrt[d]
    msg = h[s] * norm[:, None]
    out = jnp.zeros((n, h.shape[1]), dtype=h.dtype).at[d].add(msg)
    return out + b


def reference(x, edge_index, W1, b1, W2, b2, Wo, bo):
    src = edge_index[0]
    dst = edge_index[1]
    h = jax.nn.relu(_gcn_conv(x, src, dst, W1, b1, N))
    h = jax.nn.relu(_gcn_conv(h, src, dst, W2, b2, N))
    return h @ Wo + bo

if __name__ == "__main__":
    import jax
    _d = setup_inputs()
    print(jax.jit(kernel)(*tuple(_d.values())))

</pallas_src>

<mosaic_0001>
#map = affine_map<(d0, d1) -> (0, 0)>
#map1 = affine_map<(d0, d1) -> (0, 0, 0)>
module attributes {stable_mosaic.version = 14 : i64} {
  func.func @prop_kernel(%arg0: i32, %arg1: i32, %arg2: memref<10000x128xf32, #tpu.memory_space<hbm>>, %arg3: memref<2560x128xi32, #tpu.memory_space<hbm>>, %arg4: memref<2560x128xi32, #tpu.memory_space<hbm>>, %arg5: memref<2x10240x128xf32, #tpu.memory_space<hbm>>, %arg6: memref<16x128xi32, #tpu.memory_space<vmem>>, %arg7: memref<16x128xi32, #tpu.memory_space<vmem>>, %arg8: memref<16x128xi32, #tpu.memory_space<vmem>>, %arg9: memref<16x128xi32, #tpu.memory_space<vmem>>, %arg10: memref<128x128xf32, #tpu.memory_space<vmem>>, %arg11: memref<128x128xf32, #tpu.memory_space<vmem>>, %arg12: memref<64x128xf32, #tpu.memory_space<vmem>>, %arg13: memref<10240x128xf32, #tpu.memory_space<vmem_shared>>, %arg14: memref<!tpu.dma_semaphore, #tpu.memory_space<semaphore_mem>>, %arg15: memref<!tpu.dma_semaphore, #tpu.memory_space<semaphore_mem>>, %arg16: memref<!tpu.dma_semaphore, #tpu.memory_space<semaphore_mem>>, %arg17: memref<!tpu.dma_semaphore, #tpu.memory_space<semaphore_mem>>) attributes {dimension_semantics = [#tpu.dimension_semantics<core_parallel>, #tpu.dimension_semantics<subcore_parallel>], iteration_bounds = array<i64: 2, 16>, scalar_prefetch = 0 : i64, scratch_operands = 12 : i64, tpu.core_type = #tpu.core_type<sc_vector_subcore>, window_params = [{transform_indices = #map}, {transform_indices = #map}, {transform_indices = #map}, {transform_indices = #map1}]} {
    %mul3A = arith.constant 16 : i32
    %mul3A_0 = arith.muli %arg0, %mul3A : i32
    %add3A = arith.addi %mul3A_0, %arg1 : i32
    %broadcast_in_dim3A = arith.constant 0.000000e+00 : f32
    %broadcast_in_dim3A_1 = vector.broadcast %broadcast_in_dim3A : f32 to vector<16xf32>
    %scan3A = arith.constant 0 : i32
    %scan3A_2 = arith.constant 64 : i32
    %scan3A_3 = arith.addi %scan3A, %scan3A_2 : i32
    %scan3A_4 = arith.constant 1 : i32
    scf.for %scan3A_227 = %scan3A to %scan3A_3 step %scan3A_4  : i32 {
      %mul3A_228 = arith.constant 1 : i32
      %mul3A_229 = arith.muli %scan3A_227, %mul3A_228 : i32
      %add3A_230 = arith.constant 0 : i32
      %add3A_231 = arith.addi %add3A_230, %mul3A_229 : i32
      %swap3A = arith.index_cast %add3A_231 : i32 to index
      %swap3A_232 = arith.constant 0 : index
      %swap3A_233 = tpu.vector_load %arg12[%swap3A, %swap3A_232] {strides = array<i32>} : memref<64x128xf32, #tpu.memory_space<vmem>>, vector<1x16xf32>,
      %swap3A_234 = vector.shape_cast %swap3A_233 : vector<1x16xf32> to vector<16xf32>
      %swap3A_235 = vector.shape_cast %broadcast_in_dim3A_1 : vector<16xf32> to vector<1x16xf32>
      tpu.vector_store %arg12[%swap3A, %swap3A_232], %swap3A_235 {strides = array<i32>} : memref<64x128xf32, #tpu.memory_space<vmem>>, vector<1x16xf32>,
      %swap3A_236 = arith.index_cast %add3A_231 : i32 to index
      %swap3A_237 = arith.constant 16 : index
      %swap3A_238 = tpu.vector_load %arg12[%swap3A_236, %swap3A_237] {strides = array<i32>} : memref<64x128xf32, #tpu.memory_space<vmem>>, vector<1x16xf32>,
      %swap3A_239 = vector.shape_cast %swap3A_238 : vector<1x16xf32> to vector<16xf32>
      %swap3A_240 = vector.shape_cast %broadcast_in_dim3A_1 : vector<16xf32> to vector<1x16xf32>
      tpu.vector_store %arg12[%swap3A_236, %swap3A_237], %swap3A_240 {strides = array<i32>} : memref<64x128xf32, #tpu.memory_space<vmem>>, vector<1x16xf32>,
      %swap3A_241 = arith.index_cast %add3A_231 : i32 to index
      %swap3A_242 = arith.constant 32 : index
      %swap3A_243 = tpu.vector_load %arg12[%swap3A_241, %swap3A_242] {strides = array<i32>} : memref<64x128xf32, #tpu.memory_space<vmem>>, vector<1x16xf32>,
      %swap3A_244 = vector.shape_cast %swap3A_243 : vector<1x16xf32> to vector<16xf32>
      %swap3A_245 = vector.shape_cast %broadcast_in_dim3A_1 : vector<16xf32> to vector<1x16xf32>
      tpu.vector_store %arg12[%swap3A_241, %swap3A_242], %swap3A_245 {strides = array<i32>} : memref<64x128xf32, #tpu.memory_space<vmem>>, vector<1x16xf32>,
      %swap3A_246 = arith.index_cast %add3A_231 : i32 to index
      %swap3A_247 = arith.constant 48 : index
      %swap3A_248 = tpu.vector_load %arg12[%swap3A_246, %swap3A_247] {strides = array<i32>} : memref<64x128xf32, #tpu.memory_space<vmem>>, vector<1x16xf32>,
      %swap3A_249 = vector.shape_cast %swap3A_248 : vector<1x16xf32> to vector<16xf32>
      %swap3A_250 = vector.shape_cast %broadcast_in_dim3A_1 : vector<16xf32> to vector<1x16xf32>
      tpu.vector_store %arg12[%swap3A_246, %swap3A_247], %swap3A_250 {strides = array<i32>} : memref<64x128xf32, #tpu.memory_space<vmem>>, vector<1x16xf32>,
      %swap3A_251 = arith.index_cast %add3A_231 : i32 to index
      %swap3A_252 = arith.constant 64 : index
      %swap3A_253 = tpu.vector_load %arg12[%swap3A_251, %swap3A_252] {strides = array<i32>} : memref<64x128xf32, #tpu.memory_space<vmem>>, vector<1x16xf32>,
      %swap3A_254 = vector.shape_cast %swap3A_253 : vector<1x16xf32> to vector<16xf32>
      %swap3A_255 = vector.shape_cast %broadcast_in_dim3A_1 : vector<16xf32> to vector<1x16xf32>
      tpu.vector_store %arg12[%swap3A_251, %swap3A_252], %swap3A_255 {strides = array<i32>} : memref<64x128xf32, #tpu.memory_space<vmem>>, vector<1x16xf32>,
      %swap3A_256 = arith.index_cast %add3A_231 : i32 to index
      %swap3A_257 = arith.constant 80 : index
      %swap3A_258 = tpu.vector_load %arg12[%swap3A_256, %swap3A_257] {strides = array<i32>} : memref<64x128xf32, #tpu.memory_space<vmem>>, vector<1x16xf32>,
      %swap3A_259 = vector.shape_cast %swap3A_258 : vector<1x16xf32> to vector<16xf32>
      %swap3A_260 = vector.shape_cast %broadcast_in_dim3A_1 : vector<16xf32> to vector<1x16xf32>
      tpu.vector_store %arg12[%swap3A_256, %swap3A_257], %swap3A_260 {strides = array<i32>} : memref<64x128xf32, #tpu.memory_space<vmem>>, vector<1x16xf32>,
      %swap3A_261 = arith.index_cast %add3A_231 : i32 to index
      %swap3A_262 = arith.constant 96 : index
      %swap3A_263 = tpu.vector_load %arg12[%swap3A_261, %swap3A_262] {strides = array<i32>} : memref<64x128xf32, #tpu.memory_space<vmem>>, vector<1x16xf32>,
      %swap3A_264 = vector.shape_cast %swap3A_263 : vector<1x16xf32> to vector<16xf32>
      %swap3A_265 = vector.shape_cast %broadcast_in_dim3A_1 : vector<16xf32> to vector<1x16xf32>
      tpu.vector_store %arg12[%swap3A_261, %swap3A_262], %swap3A_265 {strides = array<i32>} : memref<64x128xf32, #tpu.memory_space<vmem>>, vector<1x16xf32>,
      %swap3A_266 = arith.index_cast %add3A_231 : i32 to index
      %swap3A_267 = arith.constant 112 : index
      %swap3A_268 = tpu.vector_load %arg12[%swap3A_266, %swap3A_267] {strides = array<i32>} : memref<64x128xf32, #tpu.memory_space<vmem>>, vector<1x16xf32>,
      %swap3A_269 = vector.shape_cast %swap3A_268 : vector<1x16xf32> to vector<16xf32>
      %swap3A_270 = vector.shape_cast %broadcast_in_dim3A_1 : vector<16xf32> to vector<1x16xf32>
      tpu.vector_store %arg12[%swap3A_266, %swap3A_267], %swap3A_270 {strides = array<i32>} : memref<64x128xf32, #tpu.memory_space<vmem>>, vector<1x16xf32>,
    }
    %scan3A_5 = arith.constant 64 : i32
    %mul3A_6 = arith.constant 80 : i32
    %mul3A_7 = arith.muli %add3A, %mul3A_6 : i32
    %add3A_8 = arith.constant 0 : i32
    %add3A_9 = arith.addi %mul3A_7, %add3A_8 : i32
    %dma_start3A = arith.constant 0 : i32
    %dma_start3A_10 = tpu.memref_slice %arg3[%add3A_9, %dma_start3A] : memref<2560x128xi32, #tpu.memory_space<hbm>> -> memref<16x128xi32, #tpu.memory_space<hbm>>
    %dma_start3A_11 = arith.constant 0 : i32
    %dma_start3A_12 = tpu.memref_slice %arg3[%add3A_9, %dma_start3A_11] : memref<2560x128xi32, #tpu.memory_space<hbm>> -> memref<16x128xi32, #tpu.memory_space<hbm>>
    tpu.enqueue_dma source(%dma_start3A_12 : memref<16x128xi32, #tpu.memory_space<hbm>>) target(%arg6 : memref<16x128xi32, #tpu.memory_space<vmem>>) target_semaphore(%arg16 : memref<!tpu.dma_semaphore, #tpu.memory_space<semaphore_mem>>)
    %dma_start3A_13 = arith.constant 0 : i32
    %dma_start3A_14 = tpu.memref_slice %arg4[%add3A_9, %dma_start3A_13] : memref<2560x128xi32, #tpu.memory_space<hbm>> -> memref<16x128xi32, #tpu.memory_space<hbm>>
    %dma_start3A_15 = arith.constant 0 : i32
    %dma_start3A_16 = tpu.memref_slice %arg4[%add3A_9, %dma_start3A_15] : memref<2560x128xi32, #tpu.memory_space<hbm>> -> memref<16x128xi32, #tpu.memory_space<hbm>>
    tpu.enqueue_dma source(%dma_start3A_16 : memref<16x128xi32, #tpu.memory_space<hbm>>) target(%arg8 : memref<16x128xi32, #tpu.memory_space<vmem>>) target_semaphore(%arg16 : memref<!tpu.dma_semaphore, #tpu.memory_space<semaphore_mem>>)
    %scan3A_17 = arith.constant 0 : i32
    %scan3A_18 = arith.constant 10 : i32
    %scan3A_19 = arith.addi %scan3A_17, %scan3A_18 : i32
    %scan3A_20 = arith.constant 1 : i32
    scf.for %scan3A_227 = %scan3A_17 to %scan3A_19 step %scan3A_20  : i32 {
      %mul3A_228 = arith.constant 1 : i32
      %mul3A_229 = arith.muli %scan3A_227, %mul3A_228 : i32
      %add3A_230 = arith.constant 0 : i32
      %add3A_231 = arith.addi %add3A_230, %mul3A_229 : i32
      %mul3A_232 = arith.constant 640 : i32
      %mul3A_233 = arith.muli %arg1, %mul3A_232 : i32
      %mul3A_234 = arith.constant 64 : i32
      %mul3A_235 = arith.muli %add3A_231, %mul3A_234 : i32
      %add3A_236 = arith.addi %mul3A_233, %mul3A_235 : i32
      "tpu.region"() ({
        %run_scoped3A = tpu.sem_alloc : memref<!tpu.dma_semaphore, #tpu.memory_space<semaphore_mem>>
        %dma_start3A_237 = arith.constant 0 : i32
        %dma_start3A_238 = tpu.memref_slice %arg13[%add3A_236, %dma_start3A_237] : memref<10240x128xf32, #tpu.memory_space<vmem_shared>> -> memref<64x128xf32, #tpu.memory_space<vmem_shared>>
        %dma_start3A_239 = arith.constant 0 : i32
        %dma_start3A_240 = tpu.memref_slice %arg13[%add3A_236, %dma_start3A_239] : memref<10240x128xf32, #tpu.memory_space<vmem_shared>> -> memref<64x128xf32, #tpu.memory_space<vmem_shared>>
        tpu.enqueue_dma source(%arg12 : memref<64x128xf32, #tpu.memory_space<vmem>>) target(%dma_start3A_240 : memref<64x128xf32, #tpu.memory_space<vmem_shared>>) target_semaphore(%run_scoped3A : memref<!tpu.dma_semaphore, #tpu.memory_space<semaphore_mem>>)
        %dma_wait3A_241 = arith.constant 0 : i32
        %dma_wait3A_242 = tpu.memref_slice %arg13[%add3A_236, %dma_wait3A_241] : memref<10240x128xf32, #tpu.memory_space<vmem_shared>> -> memref<64x128xf32, #tpu.memory_space<vmem_shared>>
        %dma_wait3A_243 = arith.constant 0 : i32
        %dma_wait3A_244 = tpu.memref_slice %arg13[%add3A_236, %dma_wait3A_243] : memref<10240x128xf32, #tpu.memory_space<vmem_shared>> -> memref<64x128xf32, #tpu.memory_space<vmem_shared>>
        tpu.wait_dma2 semaphore(%run_scoped3A : memref<!tpu.dma_semaphore, #tpu.memory_space<semaphore_mem>>) src(%arg12 : memref<64x128xf32, #tpu.memory_space<vmem>>) dst(%dma_wait3A_244 : memref<64x128xf32, #tpu.memory_space<vmem_shared>>)
        tpu.yield
      }) : () -> ()
    }
    %scan3A_21 = arith.constant 10 : i32
    %mul3A_22 = arith.constant 80 : i32
    %mul3A_23 = arith.muli %add3A, %mul3A_22 : i32
    %add3A_24 = arith.constant 0 : i32
    %add3A_25 = arith.addi %mul3A_23, %add3A_24 : i32
    %dma_wait3A = arith.constant 0 : i32
    %dma_wait3A_26 = tpu.memref_slice %arg3[%add3A_25, %dma_wait3A] : memref<2560x128xi32, #tpu.memory_space<hbm>> -> memref<16x128xi32, #tpu.memory_space<hbm>>
    %dma_wait3A_27 = arith.constant 0 : i32
    %dma_wait3A_28 = tpu.memref_slice %arg3[%add3A_25, %dma_wait3A_27] : memref<2560x128xi32, #tpu.memory_space<hbm>> -> memref<16x128xi32, #tpu.memory_space<hbm>>
    tpu.wait_dma2 semaphore(%arg16 : memref<!tpu.dma_semaphore, #tpu.memory_space<semaphore_mem>>) src(%dma_wait3A_28 : memref<16x128xi32, #tpu.memory_space<hbm>>) dst(%arg6 : memref<16x128xi32, #tpu.memory_space<vmem>>)
    %dma_wait3A_29 = arith.constant 0 : i32
    %dma_wait3A_30 = tpu.memref_slice %arg4[%add3A_25, %dma_wait3A_29] : memref<2560x128xi32, #tpu.memory_space<hbm>> -> memref<16x128xi32, #tpu.memory_space<hbm>>
    %dma_wait3A_31 = arith.constant 0 : i32
    %dma_wait3A_32 = tpu.memref_slice %arg4[%add3A_25, %dma_wait3A_31] : memref<2560x128xi32, #tpu.memory_space<hbm>> -> memref<16x128xi32, #tpu.memory_space<hbm>>
    tpu.wait_dma2 semaphore(%arg16 : memref<!tpu.dma_semaphore, #tpu.memory_space<semaphore_mem>>) src(%dma_wait3A_32 : memref<16x128xi32, #tpu.memory_space<hbm>>) dst(%arg8 : memref<16x128xi32, #tpu.memory_space<vmem>>)
    %dma_start3A_33 = arith.constant 0 : i32
    %dma_start3A_34 = arith.constant 0 : i32
    %dma_start3A_35 = tpu.memref_slice %arg6[%dma_start3A_33, %dma_start3A_34] : memref<16x128xi32, #tpu.memory_space<vmem>> -> memref<1x128xi32, #tpu.memory_space<vmem>>
    %dma_start3A_36 = tpu.memref_squeeze %dma_start3A_35 : memref<1x128xi32, #tpu.memory_space<vmem>> -> memref<128xi32, #tpu.memory_space<vmem>>
    %dma_start3A_37 = arith.constant 0 : i32
    %dma_start3A_38 = arith.constant 0 : i32
    %dma_start3A_39 = tpu.memref_slice %arg2[%dma_start3A_37, %dma_start3A_38] : memref<10000x128xf32, #tpu.memory_space<hbm>> -> memref<10000x128xf32, #tpu.memory_space<hbm>>
    tpu.enqueue_indirect_dma source(%dma_start3A_39 : memref<10000x128xf32, #tpu.memory_space<hbm>>) target(%arg10 : memref<128x128xf32, #tpu.memory_space<vmem>>) offsets(%dma_start3A_36 : memref<128xi32, #tpu.memory_space<vmem>>) semaphore(%arg14 : memref<!tpu.dma_semaphore, #tpu.memory_space<semaphore_mem>>)
    %dma_start3A_40 = arith.constant 1 : i32
    %dma_start3A_41 = arith.constant 0 : i32
    %dma_start3A_42 = tpu.memref_slice %arg6[%dma_start3A_40, %dma_start3A_41] : memref<16x128xi32, #tpu.memory_space<vmem>> -> memref<1x128xi32, #tpu.memory_space<vmem>>
    %dma_start3A_43 = tpu.memref_squeeze %dma_start3A_42 : memref<1x128xi32, #tpu.memory_space<vmem>> -> memref<128xi32, #tpu.memory_space<vmem>>
    %dma_start3A_44 = arith.constant 0 : i32
    %dma_start3A_45 = arith.constant 0 : i32
    %dma_start3A_46 = tpu.memref_slice %arg2[%dma_start3A_44, %dma_start3A_45] : memref<10000x128xf32, #tpu.memory_space<hbm>> -> memref<10000x128xf32, #tpu.memory_space<hbm>>
    tpu.enqueue_indirect_dma source(%dma_start3A_46 : memref<10000x128xf32, #tpu.memory_space<hbm>>) target(%arg11 : memref<128x128xf32, #tpu.memory_space<vmem>>) offsets(%dma_start3A_43 : memref<128xi32, #tpu.memory_space<vmem>>) semaphore(%arg15 : memref<!tpu.dma_semaphore, #tpu.memory_space<semaphore_mem>>)
    %barrier3A = arith.constant 0 : index
    tpu.barrier barrier_id(%barrier3A)
    %mul3A_47 = arith.constant 80 : i32
    %mul3A_48 = arith.muli %add3A, %mul3A_47 : i32
    %add3A_49 = arith.constant 16 : i32
    %add3A_50 = arith.addi %mul3A_48, %add3A_49 : i32
    %dma_start3A_51 = arith.constant 0 : i32
    %dma_start3A_52 = tpu.memref_slice %arg3[%add3A_50, %dma_start3A_51] : memref<2560x128xi32, #tpu.memory_space<hbm>> -> memref<16x128xi32, #tpu.memory_space<hbm>>
    %dma_start3A_53 = arith.constant 0 : i32
    %dma_start3A_54 = tpu.memref_slice %arg3[%add3A_50, %dma_start3A_53] : memref<2560x128xi32, #tpu.memory_space<hbm>> -> memref<16x128xi32, #tpu.memory_space<hbm>>
    tpu.enqueue_dma source(%dma_start3A_54 : memref<16x128xi32, #tpu.memory_space<hbm>>) target(%arg7 : memref<16x128xi32, #tpu.memory_space<vmem>>) target_semaphore(%arg17 : memref<!tpu.dma_semaphore, #tpu.memory_space<semaphore_mem>>)
    %dma_start3A_55 = arith.constant 0 : i32
    %dma_start3A_56 = tpu.memref_slice %arg4[%add3A_50, %dma_start3A_55] : memref<2560x128xi32, #tpu.memory_space<hbm>> -> memref<16x128xi32, #tpu.memory_space<hbm>>
    %dma_start3A_57 = arith.constant 0 : i32
    %dma_start3A_58 = tpu.memref_slice %arg4[%add3A_50, %dma_start3A_57] : memref<2560x128xi32, #tpu.memory_space<hbm>> -> memref<16x128xi32, #tpu.memory_space<hbm>>
    tpu.enqueue_dma source(%dma_start3A_58 : memref<16x128xi32, #tpu.memory_space<hbm>>) target(%arg9 : memref<16x128xi32, #tpu.memory_space<vmem>>) target_semaphore(%arg17 : memref<!tpu.dma_semaphore, #tpu.memory_space<semaphore_mem>>)
    %scan3A_59 = arith.constant 0 : i32
    %scan3A_60 = arith.constant 8 : i32
    %scan3A_61 = arith.addi %scan3A_59, %scan3A_60 : i32
    %scan3A_62 = arith.constant 1 : i32
    scf.for %scan3A_227 = %scan3A_59 to %scan3A_61 step %scan3A_62  : i32 {
      %mul3A_228 = arith.constant 1 : i32
      %mul3A_229 = arith.muli %scan3A_227, %mul3A_228 : i32
      %add3A_230 = arith.constant 0 : i32
      %add3A_231 = arith.addi %add3A_230, %mul3A_229 : i32
      %mul3A_232 = arith.constant 2 : i32
      %mul3A_233 = arith.muli %add3A_231, %mul3A_232 : i32
      %add3A_234 = arith.constant 0 : i32
      %add3A_235 = arith.addi %mul3A_233, %add3A_234 : i32
      %dma_wait3A_236 = arith.constant 0 : i32
      %dma_wait3A_237 = tpu.memref_slice %arg6[%add3A_235, %dma_wait3A_236] : memref<16x128xi32, #tpu.memory_space<vmem>> -> memref<1x128xi32, #tpu.memory_space<vmem>>
      %dma_wait3A_238 = tpu.memref_squeeze %dma_wait3A_237 : memref<1x128xi32, #tpu.memory_space<vmem>> -> memref<128xi32, #tpu.memory_space<vmem>>
      %dma_wait3A_239 = arith.constant 0 : i32
      %dma_wait3A_240 = arith.constant 0 : i32
      %dma_wait3A_241 = tpu.memref_slice %arg2[%dma_wait3A_239, %dma_wait3A_240] : memref<10000x128xf32, #tpu.memory_space<hbm>> -> memref<10000x128xf32, #tpu.memory_space<hbm>>
      tpu.wait_indirect_dma semaphore(%arg14 : memref<!tpu.dma_semaphore, #tpu.memory_space<semaphore_mem>>) src(%dma_wait3A_241 : memref<10000x128xf32, #tpu.memory_space<hbm>>) dst(%arg10 : memref<128x128xf32, #tpu.memory_space<vmem>>)
      %add3A_242 = arith.constant 0 : i32
      %add3A_243 = arith.addi %mul3A_233, %add3A_242 : i32
      "tpu.region"() ({
        %run_scoped3A = tpu.sem_alloc : memref<!tpu.dma_semaphore, #tpu.memory_space<semaphore_mem>>
        %dma_start3A_269 = arith.constant 0 : i32
        %dma_start3A_270 = tpu.memref_slice %arg8[%add3A_243, %dma_start3A_269] : memref<16x128xi32, #tpu.memory_space<vmem>> -> memref<1x128xi32, #tpu.memory_space<vmem>>
        %dma_start3A_271 = tpu.memref_squeeze %dma_start3A_270 : memref<1x128xi32, #tpu.memory_space<vmem>> -> memref<128xi32, #tpu.memory_space<vmem>>
        %dma_start3A_272 = arith.constant 0 : i32
        %dma_start3A_273 = arith.constant 0 : i32
        %dma_start3A_274 = tpu.memref_slice %arg13[%dma_start3A_272, %dma_start3A_273] : memref<10240x128xf32, #tpu.memory_space<vmem_shared>> -> memref<10240x128xf32, #tpu.memory_space<vmem_shared>>
        tpu.enqueue_indirect_dma source(%arg10 : memref<128x128xf32, #tpu.memory_space<vmem>>) target(%dma_start3A_274 : memref<10240x128xf32, #tpu.memory_space<vmem_shared>>) offsets(%dma_start3A_271 : memref<128xi32, #tpu.memory_space<vmem>>) semaphore(%run_scoped3A : memref<!tpu.dma_semaphore, #tpu.memory_space<semaphore_mem>>) {add = true}
        %dma_wait3A_275 = arith.constant 0 : i32
        %dma_wait3A_276 = tpu.memref_slice %arg8[%add3A_243, %dma_wait3A_275] : memref<16x128xi32, #tpu.memory_space<vmem>> -> memref<1x128xi32, #tpu.memory_space<vmem>>
        %dma_wait3A_277 = tpu.memref_squeeze %dma_wait3A_276 : memref<1x128xi32, #tpu.memory_space<vmem>> -> memref<128xi32, #tpu.memory_space<vmem>>
        %dma_wait3A_278 = arith.constant 0 : i32
        %dma_wait3A_279 = arith.constant 0 : i32
        %dma_wait3A_280 = tpu.memref_slice %arg13[%dma_wait3A_278, %dma_wait3A_279] : memref<10240x128xf32, #tpu.memory_space<vmem_shared>> -> memref<10240x128xf32, #tpu.memory_space<vmem_shared>>
        tpu.wait_indirect_dma semaphore(%run_scoped3A : memref<!tpu.dma_semaphore, #tpu.memory_space<semaphore_mem>>) src(%arg10 : memref<128x128xf32, #tpu.memory_space<vmem>>) dst(%dma_wait3A_280 : memref<10240x128xf32, #tpu.memory_space<vmem_shared>>)
        tpu.yield
      }) : () -> ()
      %add3A_244 = arith.constant 0 : i32
      %add3A_245 = arith.addi %mul3A_233, %add3A_244 : i32
      %add3A_246 = arith.constant 2 : i32
      %add3A_247 = arith.addi %add3A_245, %add3A_246 : i32
      %lt3A = arith.constant 16 : i32
      %lt3A_248 = arith.cmpi slt, %add3A_247, %lt3A : i32
      %convert_element_type3A = arith.extui %lt3A_248 : i1 to i32
      %cond3A = arith.constant 0 : i32
      %cond3A_249 = arith.cmpi ne, %convert_element_type3A, %cond3A : i32
      scf.if %cond3A_249 {
        %add3A_269 = arith.constant 0 : i32
        %add3A_270 = arith.addi %mul3A_233, %add3A_269 : i32
        %add3A_271 = arith.constant 2 : i32
        %add3A_272 = arith.addi %add3A_270, %add3A_271 : i32
        %dma_start3A_273 = arith.constant 0 : i32
        %dma_start3A_274 = tpu.memref_slice %arg6[%add3A_272, %dma_start3A_273] : memref<16x128xi32, #tpu.memory_space<vmem>> -> memref<1x128xi32, #tpu.memory_space<vmem>>
        %dma_start3A_275 = tpu.memref_squeeze %dma_start3A_274 : memref<1x128xi32, #tpu.memory_space<vmem>> -> memref<128xi32, #tpu.memory_space<vmem>>
        %dma_start3A_276 = arith.constant 0 : i32
        %dma_start3A_277 = arith.constant 0 : i32
        %dma_start3A_278 = tpu.memref_slice %arg2[%dma_start3A_276, %dma_start3A_277] : memref<10000x128xf32, #tpu.memory_space<hbm>> -> memref<10000x128xf32, #tpu.memory_space<hbm>>
        tpu.enqueue_indirect_dma source(%dma_start3A_278 : memref<10000x128xf32, #tpu.memory_space<hbm>>) target(%arg10 : memref<128x128xf32, #tpu.memory_space<vmem>>) offsets(%dma_start3A_275 : memref<128xi32, #tpu.memory_space<vmem>>) semaphore(%arg14 : memref<!tpu.dma_semaphore, #tpu.memory_space<semaphore_mem>>)
      } else {
      }
      %add3A_250 = arith.constant 1 : i32
      %add3A_251 = arith.addi %mul3A_233, %add3A_250 : i32
      %dma_wait3A_252 = arith.constant 0 : i32
      %dma_wait3A_253 = tpu.memref_slice %arg6[%add3A_251, %dma_wait3A_252] : memref<16x128xi32, #tpu.memory_space<vmem>> -> memref<1x128xi32, #tpu.memory_space<vmem>>
      %dma_wait3A_254 = tpu.memref_squeeze %dma_wait3A_253 : memref<1x128xi32, #tpu.memory_space<vmem>> -> memref<128xi32, #tpu.memory_space<vmem>>
      %dma_wait3A_255 = arith.constant 0 : i32
      %dma_wait3A_256 = arith.constant 0 : i32
      %dma_wait3A_257 = tpu.memref_slice %arg2[%dma_wait3A_255, %dma_wait3A_256] : memref<10000x128xf32, #tpu.memory_space<hbm>> -> memref<10000x128xf32, #tpu.memory_space<hbm>>
      tpu.wait_indirect_dma semaphore(%arg15 : memref<!tpu.dma_semaphore, #tpu.memory_space<semaphore_mem>>) src(%dma_wait3A_257 : memref<10000x128xf32, #tpu.memory_space<hbm>>) dst(%arg11 : memref<128x128xf32, #tpu.memory_space<vmem>>)
      %add3A_258 = arith.constant 1 : i32
      %add3A_259 = arith.addi %mul3A_233, %add3A_258 : i32
      "tpu.region"() ({
        %run_scoped3A = tpu.sem_alloc : memref<!tpu.dma_semaphore, #tpu.memory_space<semaphore_mem>>
        %dma_start3A_269 = arith.constant 0 : i32
        %dma_start3A_270 = tpu.memref_slice %arg8[%add3A_259, %dma_start3A_269] : memref<16x128xi32, #tpu.memory_space<vmem>> -> memref<1x128xi32, #tpu.memory_space<vmem>>
        %dma_start3A_271 = tpu.memref_squeeze %dma_start3A_270 : memref<1x128xi32, #tpu.memory_space<vmem>> -> memref<128xi32, #tpu.memory_space<vmem>>
        %dma_start3A_272 = arith.constant 0 : i32
        %dma_start3A_273 = arith.constant 0 : i32
        %dma_start3A_274 = tpu.memref_slice %arg13[%dma_start3A_272, %dma_start3A_273] : memref<10240x128xf32, #tpu.memory_space<vmem_shared>> -> memref<10240x128xf32, #tpu.memory_space<vmem_shared>>
        tpu.enqueue_indirect_dma source(%arg11 : memref<128x128xf32, #tpu.memory_space<vmem>>) target(%dma_start3A_274 : memref<10240x128xf32, #tpu.memory_space<vmem_shared>>) offsets(%dma_start3A_271 : memref<128xi32, #tpu.memory_space<vmem>>) semaphore(%run_scoped3A : memref<!tpu.dma_semaphore, #tpu.memory_space<semaphore_mem>>) {add = true}
        %dma_wait3A_275 = arith.constant 0 : i32
        %dma_wait3A_276 = tpu.memref_slice %arg8[%add3A_259, %dma_wait3A_275] : memref<16x128xi32, #tpu.memory_space<vmem>> -> memref<1x128xi32, #tpu.memory_space<vmem>>
        %dma_wait3A_277 = tpu.memref_squeeze %dma_wait3A_276 : memref<1x128xi32, #tpu.memory_space<vmem>> -> memref<128xi32, #tpu.memory_space<vmem>>
        %dma_wait3A_278 = arith.constant 0 : i32
        %dma_wait3A_279 = arith.constant 0 : i32
        %dma_wait3A_280 = tpu.memref_slice %arg13[%dma_wait3A_278, %dma_wait3A_279] : memref<10240x128xf32, #tpu.memory_space<vmem_shared>> -> memref<10240x128xf32, #tpu.memory_space<vmem_shared>>
        tpu.wait_indirect_dma semaphore(%run_scoped3A : memref<!tpu.dma_semaphore, #tpu.memory_space<semaphore_mem>>) src(%arg11 : memref<128x128xf32, #tpu.memory_space<vmem>>) dst(%dma_wait3A_280 : memref<10240x128xf32, #tpu.memory_space<vmem_shared>>)
        tpu.yield
      }) : () -> ()
      %add3A_260 = arith.constant 1 : i32
      %add3A_261 = arith.addi %mul3A_233, %add3A_260 : i32
      %add3A_262 = arith.constant 2 : i32
      %add3A_263 = arith.addi %add3A_261, %add3A_262 : i32
      %lt3A_264 = arith.constant 16 : i32
      %lt3A_265 = arith.cmpi slt, %add3A_263, %lt3A_264 : i32
      %convert_element_type3A_266 = arith.extui %lt3A_265 : i1 to i32
      %cond3A_267 = arith.constant 0 : i32
      %cond3A_268 = arith.cmpi ne, %convert_element_type3A_266, %cond3A_267 : i32
      scf.if %cond3A_268 {
        %add3A_269 = arith.constant 1 : i32
        %add3A_270 = arith.addi %mul3A_233, %add3A_269 : i32
        %add3A_271 = arith.constant 2 : i32
        %add3A_272 = arith.addi %add3A_270, %add3A_271 : i32
        %dma_start3A_273 = arith.constant 0 : i32
        %dma_start3A_274 = tpu.memref_slice %arg6[%add3A_272, %dma_start3A_273] : memref<16x128xi32, #tpu.memory_space<vmem>> -> memref<1x128xi32, #tpu.memory_space<vmem>>
        %dma_start3A_275 = tpu.memref_squeeze %dma_start3A_274 : memref<1x128xi32, #tpu.memory_space<vmem>> -> memref<128xi32, #tpu.memory_space<vmem>>
        %dma_start3A_276 = arith.constant 0 : i32
        %dma_start3A_277 = arith.constant 0 : i32
        %dma_start3A_278 = tpu.memref_slice %arg2[%dma_start3A_276, %dma_start3A_277] : memref<10000x128xf32, #tpu.memory_space<hbm>> -> memref<10000x128xf32, #tpu.memory_space<hbm>>
        tpu.enqueue_indirect_dma source(%dma_start3A_278 : memref<10000x128xf32, #tpu.memory_space<hbm>>) target(%arg11 : memref<128x128xf32, #tpu.memory_space<vmem>>) offsets(%dma_start3A_275 : memref<128xi32, #tpu.memory_space<vmem>>) semaphore(%arg15 : memref<!tpu.dma_semaphore, #tpu.memory_space<semaphore_mem>>)
      } else {
      }
    }
    %scan3A_63 = arith.constant 8 : i32
    %mul3A_64 = arith.constant 80 : i32
    %mul3A_65 = arith.muli %add3A, %mul3A_64 : i32
    %add3A_66 = arith.constant 16 : i32
    %add3A_67 = arith.addi %mul3A_65, %add3A_66 : i32
    %dma_wait3A_68 = arith.constant 0 : i32
    %dma_wait3A_69 = tpu.memref_slice %arg3[%add3A_67, %dma_wait3A_68] : memref<2560x128xi32, #tpu.memory_space<hbm>> -> memref<16x128xi32, #tpu.memory_space<hbm>>
    %dma_wait3A_70 = arith.constant 0 : i32
    %dma_wait3A_71 = tpu.memref_slice %arg3[%add3A_67, %dma_wait3A_70] : memref<2560x128xi32, #tpu.memory_space<hbm>> -> memref<16x128xi32, #tpu.memory_space<hbm>>
    tpu.wait_dma2 semaphore(%arg17 : memref<!tpu.dma_semaphore, #tpu.memory_space<semaphore_mem>>) src(%dma_wait3A_71 : memref<16x128xi32, #tpu.memory_space<hbm>>) dst(%arg7 : memref<16x128xi32, #tpu.memory_space<vmem>>)
    %dma_wait3A_72 = arith.constant 0 : i32
    %dma_wait3A_73 = tpu.memref_slice %arg4[%add3A_67, %dma_wait3A_72] : memref<2560x128xi32, #tpu.memory_space<hbm>> -> memref<16x128xi32, #tpu.memory_space<hbm>>
    %dma_wait3A_74 = arith.constant 0 : i32
    %dma_wait3A_75 = tpu.memref_slice %arg4[%add3A_67, %dma_wait3A_74] : memref<2560x128xi32, #tpu.memory_space<hbm>> -> memref<16x128xi32, #tpu.memory_space<hbm>>
    tpu.wait_dma2 semaphore(%arg17 : memref<!tpu.dma_semaphore, #tpu.memory_space<semaphore_mem>>) src(%dma_wait3A_75 : memref<16x128xi32, #tpu.memory_space<hbm>>) dst(%arg9 : memref<16x128xi32, #tpu.memory_space<vmem>>)
    %dma_start3A_76 = arith.constant 0 : i32
    %dma_start3A_77 = arith.constant 0 : i32
    %dma_start3A_78 = tpu.memref_slice %arg7[%dma_start3A_76, %dma_start3A_77] : memref<16x128xi32, #tpu.memory_space<vmem>> -> memref<1x128xi32, #tpu.memory_space<vmem>>
    %dma_start3A_79 = tpu.memref_squeeze %dma_start3A_78 : memref<1x128xi32, #tpu.memory_space<vmem>> -> memref<128xi32, #tpu.memory_space<vmem>>
    %dma_start3A_80 = arith.constant 0 : i32
    %dma_start3A_81 = arith.constant 0 : i32
    %dma_start3A_82 = tpu.memref_slice %arg2[%dma_start3A_80, %dma_start3A_81] : memref<10000x128xf32, #tpu.memory_space<hbm>> -> memref<10000x128xf32, #tpu.memory_space<hbm>>
    tpu.enqueue_indirect_dma source(%dma_start3A_82 : memref<10000x128xf32, #tpu.memory_space<hbm>>) target(%arg10 : memref<128x128xf32, #tpu.memory_space<vmem>>) offsets(%dma_start3A_79 : memref<128xi32, #tpu.memory_space<vmem>>) semaphore(%arg14 : memref<!tpu.dma_semaphore, #tpu.memory_space<semaphore_mem>>)
    %dma_start3A_83 = arith.constant 1 : i32
    %dma_start3A_84 = arith.constant 0 : i32
    %dma_start3A_85 = tpu.memref_slice %arg7[%dma_start3A_83, %dma_start3A_84] : memref<16x128xi32, #tpu.memory_space<vmem>> -> memref<1x128xi32, #tpu.memory_space<vmem>>
    %dma_start3A_86 = tpu.memref_squeeze %dma_start3A_85 : memref<1x128xi32, #tpu.memory_space<vmem>> -> memref<128xi32, #tpu.memory_space<vmem>>
    %dma_start3A_87 = arith.constant 0 : i32
    %dma_start3A_88 = arith.constant 0 : i32
    %dma_start3A_89 = tpu.memref_slice %arg2[%dma_start3A_87, %dma_start3A_88] : memref<10000x128xf32, #tpu.memory_space<hbm>> -> memref<10000x128xf32, #tpu.memory_space<hbm>>
    tpu.enqueue_indirect_dma source(%dma_start3A_89 : memref<10000x128xf32, #tpu.memory_space<hbm>>) target(%arg11 : memref<128x128xf32, #tpu.memory_space<vmem>>) offsets(%dma_start3A_86 : memref<128xi32, #tpu.memory_space<vmem>>) semaphore(%arg15 : memref<!tpu.dma_semaphore, #tpu.memory_space<semaphore_mem>>)
    %mul3A_90 = arith.constant 80 : i32
    %mul3A_91 = arith.muli %add3A, %mul3A_90 : i32
    %add3A_92 = arith.constant 32 : i32
    %add3A_93 = arith.addi %mul3A_91, %add3A_92 : i32
    %dma_start3A_94 = arith.constant 0 : i32
    %dma_start3A_95 = tpu.memref_slice %arg3[%add3A_93, %dma_start3A_94] : memref<2560x128xi32, #tpu.memory_space<hbm>> -> memref<16x128xi32, #tpu.memory_space<hbm>>
    %dma_start3A_96 = arith.constant 0 : i32
    %dma_start3A_97 = tpu.memref_slice %arg3[%add3A_93, %dma_start3A_96] : memref<2560x128xi32, #tpu.memory_space<hbm>> -> memref<16x128xi32, #tpu.memory_space<hbm>>
    tpu.enqueue_dma source(%dma_start3A_97 : memref<16x128xi32, #tpu.memory_space<hbm>>) target(%arg6 : memref<16x128xi32, #tpu.memory_space<vmem>>) target_semaphore(%arg16 : memref<!tpu.dma_semaphore, #tpu.memory_space<semaphore_mem>>)
    %dma_start3A_98 = arith.constant 0 : i32
    %dma_start3A_99 = tpu.memref_slice %arg4[%add3A_93, %dma_start3A_98] : memref<2560x128xi32, #tpu.memory_space<hbm>> -> memref<16x128xi32, #tpu.memory_space<hbm>>
    %dma_start3A_100 = arith.constant 0 : i32
    %dma_start3A_101 = tpu.memref_slice %arg4[%add3A_93, %dma_start3A_100] : memref<2560x128xi32, #tpu.memory_space<hbm>> -> memref<16x128xi32, #tpu.memory_space<hbm>>
    tpu.enqueue_dma source(%dma_start3A_101 : memref<16x128xi32, #tpu.memory_space<hbm>>) target(%arg8 : memref<16x128xi32, #tpu.memory_space<vmem>>) target_semaphore(%arg16 : memref<!tpu.dma_semaphore, #tpu.memory_space<semaphore_mem>>)
    %scan3A_102 = arith.constant 0 : i32
    %scan3A_103 = arith.constant 8 : i32
    %scan3A_104 = arith.addi %scan3A_102, %scan3A_103 : i32
    %scan3A_105 = arith.constant 1 : i32
    scf.for %scan3A_227 = %scan3A_102 to %scan3A_104 step %scan3A_105  : i32 {
      %mul3A_228 = arith.constant 1 : i32
      %mul3A_229 = arith.muli %scan3A_227, %mul3A_228 : i32
      %add3A_230 = arith.constant 0 : i32
      %add3A_231 = arith.addi %add3A_230, %mul3A_229 : i32
      %mul3A_232 = arith.constant 2 : i32
      %mul3A_233 = arith.muli %add3A_231, %mul3A_232 : i32
      %add3A_234 = arith.constant 0 : i32
      %add3A_235 = arith.addi %mul3A_233, %add3A_234 : i32
      %dma_wait3A_236 = arith.constant 0 : i32
      %dma_wait3A_237 = tpu.memref_slice %arg7[%add3A_235, %dma_wait3A_236] : memref<16x128xi32, #tpu.memory_space<vmem>> -> memref<1x128xi32, #tpu.memory_space<vmem>>
      %dma_wait3A_238 = tpu.memref_squeeze %dma_wait3A_237 : memref<1x128xi32, #tpu.memory_space<vmem>> -> memref<128xi32, #tpu.memory_space<vmem>>
      %dma_wait3A_239 = arith.constant 0 : i32
      %dma_wait3A_240 = arith.constant 0 : i32
      %dma_wait3A_241 = tpu.memref_slice %arg2[%dma_wait3A_239, %dma_wait3A_240] : memref<10000x128xf32, #tpu.memory_space<hbm>> -> memref<10000x128xf32, #tpu.memory_space<hbm>>
      tpu.wait_indirect_dma semaphore(%arg14 : memref<!tpu.dma_semaphore, #tpu.memory_space<semaphore_mem>>) src(%dma_wait3A_241 : memref<10000x128xf32, #tpu.memory_space<hbm>>) dst(%arg10 : memref<128x128xf32, #tpu.memory_space<vmem>>)
      %add3A_242 = arith.constant 0 : i32
      %add3A_243 = arith.addi %mul3A_233, %add3A_242 : i32
      "tpu.region"() ({
        %run_scoped3A = tpu.sem_alloc : memref<!tpu.dma_semaphore, #tpu.memory_space<semaphore_mem>>
        %dma_start3A_269 = arith.constant 0 : i32
        %dma_start3A_270 = tpu.memref_slice %arg9[%add3A_243, %dma_start3A_269] : memref<16x128xi32, #tpu.memory_space<vmem>> -> memref<1x128xi32, #tpu.memory_space<vmem>>
        %dma_start3A_271 = tpu.memref_squeeze %dma_start3A_270 : memref<1x128xi32, #tpu.memory_space<vmem>> -> memref<128xi32, #tpu.memory_space<vmem>>
        %dma_start3A_272 = arith.constant 0 : i32
        %dma_start3A_273 = arith.constant 0 : i32
        %dma_start3A_274 = tpu.memref_slice %arg13[%dma_start3A_272, %dma_start3A_273] : memref<10240x128xf32, #tpu.memory_space<vmem_shared>> -> memref<10240x128xf32, #tpu.memory_space<vmem_shared>>
        tpu.enqueue_indirect_dma source(%arg10 : memref<128x128xf32, #tpu.memory_space<vmem>>) target(%dma_start3A_274 : memref<10240x128xf32, #tpu.memory_space<vmem_shared>>) offsets(%dma_start3A_271 : memref<128xi32, #tpu.memory_space<vmem>>) semaphore(%run_scoped3A : memref<!tpu.dma_semaphore, #tpu.memory_space<semaphore_mem>>) {add = true}
        %dma_wait3A_275 = arith.constant 0 : i32
        %dma_wait3A_276 = tpu.memref_slice %arg9[%add3A_243, %dma_wait3A_275] : memref<16x128xi32, #tpu.memory_space<vmem>> -> memref<1x128xi32, #tpu.memory_space<vmem>>
        %dma_wait3A_277 = tpu.memref_squeeze %dma_wait3A_276 : memref<1x128xi32, #tpu.memory_space<vmem>> -> memref<128xi32, #tpu.memory_space<vmem>>
        %dma_wait3A_278 = arith.constant 0 : i32
        %dma_wait3A_279 = arith.constant 0 : i32
        %dma_wait3A_280 = tpu.memref_slice %arg13[%dma_wait3A_278, %dma_wait3A_279] : memref<10240x128xf32, #tpu.memory_space<vmem_shared>> -> memref<10240x128xf32, #tpu.memory_space<vmem_shared>>
        tpu.wait_indirect_dma semaphore(%run_scoped3A : memref<!tpu.dma_semaphore, #tpu.memory_space<semaphore_mem>>) src(%arg10 : memref<128x128xf32, #tpu.memory_space<vmem>>) dst(%dma_wait3A_280 : memref<10240x128xf32, #tpu.memory_space<vmem_shared>>)
        tpu.yield
      }) : () -> ()
      %add3A_244 = arith.constant 0 : i32
      %add3A_245 = arith.addi %mul3A_233, %add3A_244 : i32
      %add3A_246 = arith.constant 2 : i32
      %add3A_247 = arith.addi %add3A_245, %add3A_246 : i32
      %lt3A = arith.constant 16 : i32
      %lt3A_248 = arith.cmpi slt, %add3A_247, %lt3A : i32
      %convert_element_type3A = arith.extui %lt3A_248 : i1 to i32
      %cond3A = arith.constant 0 : i32
      %cond3A_249 = arith.cmpi ne, %convert_element_type3A, %cond3A : i32
      scf.if %cond3A_249 {
        %add3A_269 = arith.constant 0 : i32
        %add3A_270 = arith.addi %mul3A_233, %add3A_269 : i32
        %add3A_271 = arith.constant 2 : i32
        %add3A_272 = arith.addi %add3A_270, %add3A_271 : i32
        %dma_start3A_273 = arith.constant 0 : i32
        %dma_start3A_274 = tpu.memref_slice %arg7[%add3A_272, %dma_start3A_273] : memref<16x128xi32, #tpu.memory_space<vmem>> -> memref<1x128xi32, #tpu.memory_space<vmem>>
        %dma_start3A_275 = tpu.memref_squeeze %dma_start3A_274 : memref<1x128xi32, #tpu.memory_space<vmem>> -> memref<128xi32, #tpu.memory_space<vmem>>
        %dma_start3A_276 = arith.constant 0 : i32
        %dma_start3A_277 = arith.constant 0 : i32
        %dma_start3A_278 = tpu.memref_slice %arg2[%dma_start3A_276, %dma_start3A_277] : memref<10000x128xf32, #tpu.memory_space<hbm>> -> memref<10000x128xf32, #tpu.memory_space<hbm>>
        tpu.enqueue_indirect_dma source(%dma_start3A_278 : memref<10000x128xf32, #tpu.memory_space<hbm>>) target(%arg10 : memref<128x128xf32, #tpu.memory_space<vmem>>) offsets(%dma_start3A_275 : memref<128xi32, #tpu.memory_space<vmem>>) semaphore(%arg14 : memref<!tpu.dma_semaphore, #tpu.memory_space<semaphore_mem>>)
      } else {
      }
      %add3A_250 = arith.constant 1 : i32
      %add3A_251 = arith.addi %mul3A_233, %add3A_250 : i32
      %dma_wait3A_252 = arith.constant 0 : i32
      %dma_wait3A_253 = tpu.memref_slice %arg7[%add3A_251, %dma_wait3A_252] : memref<16x128xi32, #tpu.memory_space<vmem>> -> memref<1x128xi32, #tpu.memory_space<vmem>>
      %dma_wait3A_254 = tpu.memref_squeeze %dma_wait3A_253 : memref<1x128xi32, #tpu.memory_space<vmem>> -> memref<128xi32, #tpu.memory_space<vmem>>
      %dma_wait3A_255 = arith.constant 0 : i32
      %dma_wait3A_256 = arith.constant 0 : i32
      %dma_wait3A_257 = tpu.memref_slice %arg2[%dma_wait3A_255, %dma_wait3A_256] : memref<10000x128xf32, #tpu.memory_space<hbm>> -> memref<10000x128xf32, #tpu.memory_space<hbm>>
      tpu.wait_indirect_dma semaphore(%arg15 : memref<!tpu.dma_semaphore, #tpu.memory_space<semaphore_mem>>) src(%dma_wait3A_257 : memref<10000x128xf32, #tpu.memory_space<hbm>>) dst(%arg11 : memref<128x128xf32, #tpu.memory_space<vmem>>)
      %add3A_258 = arith.constant 1 : i32
      %add3A_259 = arith.addi %mul3A_233, %add3A_258 : i32
      "tpu.region"() ({
        %run_scoped3A = tpu.sem_alloc : memref<!tpu.dma_semaphore, #tpu.memory_space<semaphore_mem>>
        %dma_start3A_269 = arith.constant 0 : i32
        %dma_start3A_270 = tpu.memref_slice %arg9[%add3A_259, %dma_start3A_269] : memref<16x128xi32, #tpu.memory_space<vmem>> -> memref<1x128xi32, #tpu.memory_space<vmem>>
        %dma_start3A_271 = tpu.memref_squeeze %dma_start3A_270 : memref<1x128xi32, #tpu.memory_space<vmem>> -> memref<128xi32, #tpu.memory_space<vmem>>
        %dma_start3A_272 = arith.constant 0 : i32
        %dma_start3A_273 = arith.constant 0 : i32
        %dma_start3A_274 = tpu.memref_slice %arg13[%dma_start3A_272, %dma_start3A_273] : memref<10240x128xf32, #tpu.memory_space<vmem_shared>> -> memref<10240x128xf32, #tpu.memory_space<vmem_shared>>
        tpu.enqueue_indirect_dma source(%arg11 : memref<128x128xf32, #tpu.memory_space<vmem>>) target(%dma_start3A_274 : memref<10240x128xf32, #tpu.memory_space<vmem_shared>>) offsets(%dma_start3A_271 : memref<128xi32, #tpu.memory_space<vmem>>) semaphore(%run_scoped3A : memref<!tpu.dma_semaphore, #tpu.memory_space<semaphore_mem>>) {add = true}
        %dma_wait3A_275 = arith.constant 0 : i32
        %dma_wait3A_276 = tpu.memref_slice %arg9[%add3A_259, %dma_wait3A_275] : memref<16x128xi32, #tpu.memory_space<vmem>> -> memref<1x128xi32, #tpu.memory_space<vmem>>
        %dma_wait3A_277 = tpu.memref_squeeze %dma_wait3A_276 : memref<1x128xi32, #tpu.memory_space<vmem>> -> memref<128xi32, #tpu.memory_space<vmem>>
        %dma_wait3A_278 = arith.constant 0 : i32
        %dma_wait3A_279 = arith.constant 0 : i32
        %dma_wait3A_280 = tpu.memref_slice %arg13[%dma_wait3A_278, %dma_wait3A_279] : memref<10240x128xf32, #tpu.memory_space<vmem_shared>> -> memref<10240x128xf32, #tpu.memory_space<vmem_shared>>
        tpu.wait_indirect_dma semaphore(%run_scoped3A : memref<!tpu.dma_semaphore, #tpu.memory_space<semaphore_mem>>) src(%arg11 : memref<128x128xf32, #tpu.memory_space<vmem>>) dst(%dma_wait3A_280 : memref<10240x128xf32, #tpu.memory_space<vmem_shared>>)
        tpu.yield
      }) : () -> ()
      %add3A_260 = arith.constant 1 : i32
      %add3A_261 = arith.addi %mul3A_233, %add3A_260 : i32
      %add3A_262 = arith.constant 2 : i32
      %add3A_263 = arith.addi %add3A_261, %add3A_262 : i32
      %lt3A_264 = arith.constant 16 : i32
      %lt3A_265 = arith.cmpi slt, %add3A_263, %lt3A_264 : i32
      %convert_element_type3A_266 = arith.extui %lt3A_265 : i1 to i32
      %cond3A_267 = arith.constant 0 : i32
      %cond3A_268 = arith.cmpi ne, %convert_element_type3A_266, %cond3A_267 : i32
      scf.if %cond3A_268 {
        %add3A_269 = arith.constant 1 : i32
        %add3A_270 = arith.addi %mul3A_233, %add3A_269 : i32
        %add3A_271 = arith.constant 2 : i32
        %add3A_272 = arith.addi %add3A_270, %add3A_271 : i32
        %dma_start3A_273 = arith.constant 0 : i32
        %dma_start3A_274 = tpu.memref_slice %arg7[%add3A_272, %dma_start3A_273] : memref<16x128xi32, #tpu.memory_space<vmem>> -> memref<1x128xi32, #tpu.memory_space<vmem>>
        %dma_start3A_275 = tpu.memref_squeeze %dma_start3A_274 : memref<1x128xi32, #tpu.memory_space<vmem>> -> memref<128xi32, #tpu.memory_space<vmem>>
        %dma_start3A_276 = arith.constant 0 : i32
        %dma_start3A_277 = arith.constant 0 : i32
        %dma_start3A_278 = tpu.memref_slice %arg2[%dma_start3A_276, %dma_start3A_277] : memref<10000x128xf32, #tpu.memory_space<hbm>> -> memref<10000x128xf32, #tpu.memory_space<hbm>>
        tpu.enqueue_indirect_dma source(%dma_start3A_278 : memref<10000x128xf32, #tpu.memory_space<hbm>>) target(%arg11 : memref<128x128xf32, #tpu.memory_space<vmem>>) offsets(%dma_start3A_275 : memref<128xi32, #tpu.memory_space<vmem>>) semaphore(%arg15 : memref<!tpu.dma_semaphore, #tpu.memory_space<semaphore_mem>>)
      } else {
      }
    }
    %scan3A_106 = arith.constant 8 : i32
    %mul3A_107 = arith.constant 80 : i32
    %mul3A_108 = arith.muli %add3A, %mul3A_107 : i32
    %add3A_109 = arith.constant 32 : i32
    %add3A_110 = arith.addi %mul3A_108, %add3A_109 : i32
    %dma_wait3A_111 = arith.constant 0 : i32
    %dma_wait3A_112 = tpu.memref_slice %arg3[%add3A_110, %dma_wait3A_111] : memref<2560x128xi32, #tpu.memory_space<hbm>> -> memref<16x128xi32, #tpu.memory_space<hbm>>
    %dma_wait3A_113 = arith.constant 0 : i32
    %dma_wait3A_114 = tpu.memref_slice %arg3[%add3A_110, %dma_wait3A_113] : memref<2560x128xi32, #tpu.memory_space<hbm>> -> memref<16x128xi32, #tpu.memory_space<hbm>>
    tpu.wait_dma2 semaphore(%arg16 : memref<!tpu.dma_semaphore, #tpu.memory_space<semaphore_mem>>) src(%dma_wait3A_114 : memref<16x128xi32, #tpu.memory_space<hbm>>) dst(%arg6 : memref<16x128xi32, #tpu.memory_space<vmem>>)
    %dma_wait3A_115 = arith.constant 0 : i32
    %dma_wait3A_116 = tpu.memref_slice %arg4[%add3A_110, %dma_wait3A_115] : memref<2560x128xi32, #tpu.memory_space<hbm>> -> memref<16x128xi32, #tpu.memory_space<hbm>>
    %dma_wait3A_117 = arith.constant 0 : i32
    %dma_wait3A_118 = tpu.memref_slice %arg4[%add3A_110, %dma_wait3A_117] : memref<2560x128xi32, #tpu.memory_space<hbm>> -> memref<16x128xi32, #tpu.memory_space<hbm>>
    tpu.wait_dma2 semaphore(%arg16 : memref<!tpu.dma_semaphore, #tpu.memory_space<semaphore_mem>>) src(%dma_wait3A_118 : memref<16x128xi32, #tpu.memory_space<hbm>>) dst(%arg8 : memref<16x128xi32, #tpu.memory_space<vmem>>)
    %dma_start3A_119 = arith.constant 0 : i32
    %dma_start3A_120 = arith.constant 0 : i32
    %dma_start3A_121 = tpu.memref_slice %arg6[%dma_start3A_119, %dma_start3A_120] : memref<16x128xi32, #tpu.memory_space<vmem>> -> memref<1x128xi32, #tpu.memory_space<vmem>>
    %dma_start3A_122 = tpu.memref_squeeze %dma_start3A_121 : memref<1x128xi32, #tpu.memory_space<vmem>> -> memref<128xi32, #tpu.memory_space<vmem>>
    %dma_start3A_123 = arith.constant 0 : i32
    %dma_start3A_124 = arith.constant 0 : i32
    %dma_start3A_125 = tpu.memref_slice %arg2[%dma_start3A_123, %dma_start3A_124] : memref<10000x128xf32, #tpu.memory_space<hbm>> -> memref<10000x128xf32, #tpu.memory_space<hbm>>
    tpu.enqueue_indirect_dma source(%dma_start3A_125 : memref<10000x128xf32, #tpu.memory_space<hbm>>) target(%arg10 : memref<128x128xf32, #tpu.memory_space<vmem>>) offsets(%dma_start3A_122 : memref<128xi32, #tpu.memory_space<vmem>>) semaphore(%arg14 : memref<!tpu.dma_semaphore, #tpu.memory_space<semaphore_mem>>)
    %dma_start3A_126 = arith.constant 1 : i32
    %dma_start3A_127 = arith.constant 0 : i32
    %dma_start3A_128 = tpu.memref_slice %arg6[%dma_start3A_126, %dma_start3A_127] : memref<16x128xi32, #tpu.memory_space<vmem>> -> memref<1x128xi32, #tpu.memory_space<vmem>>
    %dma_start3A_129 = tpu.memref_squeeze %dma_start3A_128 : memref<1x128xi32, #tpu.memory_space<vmem>> -> memref<128xi32, #tpu.memory_space<vmem>>
    %dma_start3A_130 = arith.constant 0 : i32
    %dma_start3A_131 = arith.constant 0 : i32
    %dma_start3A_132 = tpu.memref_slice %arg2[%dma_start3A_130, %dma_start3A_131] : memref<10000x128xf32, #tpu.memory_space<hbm>> -> memref<10000x128xf32, #tpu.memory_space<hbm>>
    tpu.enqueue_indirect_dma source(%dma_start3A_132 : memref<10000x128xf32, #tpu.memory_space<hbm>>) target(%arg11 : memref<128x128xf32, #tpu.memory_space<vmem>>) offsets(%dma_start3A_129 : memref<128xi32, #tpu.memory_space<vmem>>) semaphore(%arg15 : memref<!tpu.dma_semaphore, #tpu.memory_space<semaphore_mem>>)
    %mul3A_133 = arith.constant 80 : i32
    %mul3A_134 = arith.muli %add3A, %mul3A_133 : i32
    %add3A_135 = arith.constant 48 : i32
    %add3A_136 = arith.addi %mul3A_134, %add3A_135 : i32
    %dma_start3A_137 = arith.constant 0 : i32
    %dma_start3A_138 = tpu.memref_slice %arg3[%add3A_136, %dma_start3A_137] : memref<2560x128xi32, #tpu.memory_space<hbm>> -> memref<16x128xi32, #tpu.memory_space<hbm>>
    %dma_start3A_139 = arith.constant 0 : i32
    %dma_start3A_140 = tpu.memref_slice %arg3[%add3A_136, %dma_start3A_139] : memref<2560x128xi32, #tpu.memory_space<hbm>> -> memref<16x128xi32, #tpu.memory_space<hbm>>
    tpu.enqueue_dma source(%dma_start3A_140 : memref<16x128xi32, #tpu.memory_space<hbm>>) target(%arg7 : memref<16x128xi32, #tpu.memory_space<vmem>>) target_semaphore(%arg17 : memref<!tpu.dma_semaphore, #tpu.memory_space<semaphore_mem>>)
    %dma_start3A_141 = arith.constant 0 : i32
    %dma_start3A_142 = tpu.memref_slice %arg4[%add3A_136, %dma_start3A_141] : memref<2560x128xi32, #tpu.memory_space<hbm>> -> memref<16x128xi32, #tpu.memory_space<hbm>>
    %dma_start3A_143 = arith.constant 0 : i32
    %dma_start3A_144 = tpu.memref_slice %arg4[%add3A_136, %dma_start3A_143] : memref<2560x128xi32, #tpu.memory_space<hbm>> -> memref<16x128xi32, #tpu.memory_space<hbm>>
    tpu.enqueue_dma source(%dma_start3A_144 : memref<16x128xi32, #tpu.memory_space<hbm>>) target(%arg9 : memref<16x128xi32, #tpu.memory_space<vmem>>) target_semaphore(%arg17 : memref<!tpu.dma_semaphore, #tpu.memory_space<semaphore_mem>>)
    %scan3A_145 = arith.constant 0 : i32
    %scan3A_146 = arith.constant 8 : i32
    %scan3A_147 = arith.addi %scan3A_145, %scan3A_146 : i32
    %scan3A_148 = arith.constant 1 : i32
    scf.for %scan3A_227 = %scan3A_145 to %scan3A_147 step %scan3A_148  : i32 {
      %mul3A_228 = arith.constant 1 : i32
      %mul3A_229 = arith.muli %scan3A_227, %mul3A_228 : i32
      %add3A_230 = arith.constant 0 : i32
      %add3A_231 = arith.addi %add3A_230, %mul3A_229 : i32
      %mul3A_232 = arith.constant 2 : i32
      %mul3A_233 = arith.muli %add3A_231, %mul3A_232 : i32
      %add3A_234 = arith.constant 0 : i32
      %add3A_235 = arith.addi %mul3A_233, %add3A_234 : i32
      %dma_wait3A_236 = arith.constant 0 : i32
      %dma_wait3A_237 = tpu.memref_slice %arg6[%add3A_235, %dma_wait3A_236] : memref<16x128xi32, #tpu.memory_space<vmem>> -> memref<1x128xi32, #tpu.memory_space<vmem>>
      %dma_wait3A_238 = tpu.memref_squeeze %dma_wait3A_237 : memref<1x128xi32, #tpu.memory_space<vmem>> -> memref<128xi32, #tpu.memory_space<vmem>>
      %dma_wait3A_239 = arith.constant 0 : i32
      %dma_wait3A_240 = arith.constant 0 : i32
      %dma_wait3A_241 = tpu.memref_slice %arg2[%dma_wait3A_239, %dma_wait3A_240] : memref<10000x128xf32, #tpu.memory_space<hbm>> -> memref<10000x128xf32, #tpu.memory_space<hbm>>
      tpu.wait_indirect_dma semaphore(%arg14 : memref<!tpu.dma_semaphore, #tpu.memory_space<semaphore_mem>>) src(%dma_wait3A_241 : memref<10000x128xf32, #tpu.memory_space<hbm>>) dst(%arg10 : memref<128x128xf32, #tpu.memory_space<vmem>>)
      %add3A_242 = arith.constant 0 : i32
      %add3A_243 = arith.addi %mul3A_233, %add3A_242 : i32
      "tpu.region"() ({
        %run_scoped3A = tpu.sem_alloc : memref<!tpu.dma_semaphore, #tpu.memory_space<semaphore_mem>>
        %dma_start3A_269 = arith.constant 0 : i32
        %dma_start3A_270 = tpu.memref_slice %arg8[%add3A_243, %dma_start3A_269] : memref<16x128xi32, #tpu.memory_space<vmem>> -> memref<1x128xi32, #tpu.memory_space<vmem>>
        %dma_start3A_271 = tpu.memref_squeeze %dma_start3A_270 : memref<1x128xi32, #tpu.memory_space<vmem>> -> memref<128xi32, #tpu.memory_space<vmem>>
        %dma_start3A_272 = arith.constant 0 : i32
        %dma_start3A_273 = arith.constant 0 : i32
        %dma_start3A_274 = tpu.memref_slice %arg13[%dma_start3A_272, %dma_start3A_273] : memref<10240x128xf32, #tpu.memory_space<vmem_shared>> -> memref<10240x128xf32, #tpu.memory_space<vmem_shared>>
        tpu.enqueue_indirect_dma source(%arg10 : memref<128x128xf32, #tpu.memory_space<vmem>>) target(%dma_start3A_274 : memref<10240x128xf32, #tpu.memory_space<vmem_shared>>) offsets(%dma_start3A_271 : memref<128xi32, #tpu.memory_space<vmem>>) semaphore(%run_scoped3A : memref<!tpu.dma_semaphore, #tpu.memory_space<semaphore_mem>>) {add = true}
        %dma_wait3A_275 = arith.constant 0 : i32
        %dma_wait3A_276 = tpu.memref_slice %arg8[%add3A_243, %dma_wait3A_275] : memref<16x128xi32, #tpu.memory_space<vmem>> -> memref<1x128xi32, #tpu.memory_space<vmem>>
        %dma_wait3A_277 = tpu.memref_squeeze %dma_wait3A_276 : memref<1x128xi32, #tpu.memory_space<vmem>> -> memref<128xi32, #tpu.memory_space<vmem>>
        %dma_wait3A_278 = arith.constant 0 : i32
        %dma_wait3A_279 = arith.constant 0 : i32
        %dma_wait3A_280 = tpu.memref_slice %arg13[%dma_wait3A_278, %dma_wait3A_279] : memref<10240x128xf32, #tpu.memory_space<vmem_shared>> -> memref<10240x128xf32, #tpu.memory_space<vmem_shared>>
        tpu.wait_indirect_dma semaphore(%run_scoped3A : memref<!tpu.dma_semaphore, #tpu.memory_space<semaphore_mem>>) src(%arg10 : memref<128x128xf32, #tpu.memory_space<vmem>>) dst(%dma_wait3A_280 : memref<10240x128xf32, #tpu.memory_space<vmem_shared>>)
        tpu.yield
      }) : () -> ()
      %add3A_244 = arith.constant 0 : i32
      %add3A_245 = arith.addi %mul3A_233, %add3A_244 : i32
      %add3A_246 = arith.constant 2 : i32
      %add3A_247 = arith.addi %add3A_245, %add3A_246 : i32
      %lt3A = arith.constant 16 : i32
      %lt3A_248 = arith.cmpi slt, %add3A_247, %lt3A : i32
      %convert_element_type3A = arith.extui %lt3A_248 : i1 to i32
      %cond3A = arith.constant 0 : i32
      %cond3A_249 = arith.cmpi ne, %convert_element_type3A, %cond3A : i32
      scf.if %cond3A_249 {
        %add3A_269 = arith.constant 0 : i32
        %add3A_270 = arith.addi %mul3A_233, %add3A_269 : i32
        %add3A_271 = arith.constant 2 : i32
        %add3A_272 = arith.addi %add3A_270, %add3A_271 : i32
        %dma_start3A_273 = arith.constant 0 : i32
        %dma_start3A_274 = tpu.memref_slice %arg6[%add3A_272, %dma_start3A_273] : memref<16x128xi32, #tpu.memory_space<vmem>> -> memref<1x128xi32, #tpu.memory_space<vmem>>
        %dma_start3A_275 = tpu.memref_squeeze %dma_start3A_274 : memref<1x128xi32, #tpu.memory_space<vmem>> -> memref<128xi32, #tpu.memory_space<vmem>>
        %dma_start3A_276 = arith.constant 0 : i32
        %dma_start3A_277 = arith.constant 0 : i32
        %dma_start3A_278 = tpu.memref_slice %arg2[%dma_start3A_276, %dma_start3A_277] : memref<10000x128xf32, #tpu.memory_space<hbm>> -> memref<10000x128xf32, #tpu.memory_space<hbm>>
        tpu.enqueue_indirect_dma source(%dma_start3A_278 : memref<10000x128xf32, #tpu.memory_space<hbm>>) target(%arg10 : memref<128x128xf32, #tpu.memory_space<vmem>>) offsets(%dma_start3A_275 : memref<128xi32, #tpu.memory_space<vmem>>) semaphore(%arg14 : memref<!tpu.dma_semaphore, #tpu.memory_space<semaphore_mem>>)
      } else {
      }
      %add3A_250 = arith.constant 1 : i32
      %add3A_251 = arith.addi %mul3A_233, %add3A_250 : i32
      %dma_wait3A_252 = arith.constant 0 : i32
      %dma_wait3A_253 = tpu.memref_slice %arg6[%add3A_251, %dma_wait3A_252] : memref<16x128xi32, #tpu.memory_space<vmem>> -> memref<1x128xi32, #tpu.memory_space<vmem>>
      %dma_wait3A_254 = tpu.memref_squeeze %dma_wait3A_253 : memref<1x128xi32, #tpu.memory_space<vmem>> -> memref<128xi32, #tpu.memory_space<vmem>>
      %dma_wait3A_255 = arith.constant 0 : i32
      %dma_wait3A_256 = arith.constant 0 : i32
      %dma_wait3A_257 = tpu.memref_slice %arg2[%dma_wait3A_255, %dma_wait3A_256] : memref<10000x128xf32, #tpu.memory_space<hbm>> -> memref<10000x128xf32, #tpu.memory_space<hbm>>
      tpu.wait_indirect_dma semaphore(%arg15 : memref<!tpu.dma_semaphore, #tpu.memory_space<semaphore_mem>>) src(%dma_wait3A_257 : memref<10000x128xf32, #tpu.memory_space<hbm>>) dst(%arg11 : memref<128x128xf32, #tpu.memory_space<vmem>>)
      %add3A_258 = arith.constant 1 : i32
      %add3A_259 = arith.addi %mul3A_233, %add3A_258 : i32
      "tpu.region"() ({
        %run_scoped3A = tpu.sem_alloc : memref<!tpu.dma_semaphore, #tpu.memory_space<semaphore_mem>>
        %dma_start3A_269 = arith.constant 0 : i32
        %dma_start3A_270 = tpu.memref_slice %arg8[%add3A_259, %dma_start3A_269] : memref<16x128xi32, #tpu.memory_space<vmem>> -> memref<1x128xi32, #tpu.memory_space<vmem>>
        %dma_start3A_271 = tpu.memref_squeeze %dma_start3A_270 : memref<1x128xi32, #tpu.memory_space<vmem>> -> memref<128xi32, #tpu.memory_space<vmem>>
        %dma_start3A_272 = arith.constant 0 : i32
        %dma_start3A_273 = arith.constant 0 : i32
        %dma_start3A_274 = tpu.memref_slice %arg13[%dma_start3A_272, %dma_start3A_273] : memref<10240x128xf32, #tpu.memory_space<vmem_shared>> -> memref<10240x128xf32, #tpu.memory_space<vmem_shared>>
        tpu.enqueue_indirect_dma source(%arg11 : memref<128x128xf32, #tpu.memory_space<vmem>>) target(%dma_start3A_274 : memref<10240x128xf32, #tpu.memory_space<vmem_shared>>) offsets(%dma_start3A_271 : memref<128xi32, #tpu.memory_space<vmem>>) semaphore(%run_scoped3A : memref<!tpu.dma_semaphore, #tpu.memory_space<semaphore_mem>>) {add = true}
        %dma_wait3A_275 = arith.constant 0 : i32
        %dma_wait3A_276 = tpu.memref_slice %arg8[%add3A_259, %dma_wait3A_275] : memref<16x128xi32, #tpu.memory_space<vmem>> -> memref<1x128xi32, #tpu.memory_space<vmem>>
        %dma_wait3A_277 = tpu.memref_squeeze %dma_wait3A_276 : memref<1x128xi32, #tpu.memory_space<vmem>> -> memref<128xi32, #tpu.memory_space<vmem>>
        %dma_wait3A_278 = arith.constant 0 : i32
        %dma_wait3A_279 = arith.constant 0 : i32
        %dma_wait3A_280 = tpu.memref_slice %arg13[%dma_wait3A_278, %dma_wait3A_279] : memref<10240x128xf32, #tpu.memory_space<vmem_shared>> -> memref<10240x128xf32, #tpu.memory_space<vmem_shared>>
        tpu.wait_indirect_dma semaphore(%run_scoped3A : memref<!tpu.dma_semaphore, #tpu.memory_space<semaphore_mem>>) src(%arg11 : memref<128x128xf32, #tpu.memory_space<vmem>>) dst(%dma_wait3A_280 : memref<10240x128xf32, #tpu.memory_space<vmem_shared>>)
        tpu.yield
      }) : () -> ()
      %add3A_260 = arith.constant 1 : i32
      %add3A_261 = arith.addi %mul3A_233, %add3A_260 : i32
      %add3A_262 = arith.constant 2 : i32
      %add3A_263 = arith.addi %add3A_261, %add3A_262 : i32
      %lt3A_264 = arith.constant 16 : i32
      %lt3A_265 = arith.cmpi slt, %add3A_263, %lt3A_264 : i32
      %convert_element_type3A_266 = arith.extui %lt3A_265 : i1 to i32
      %cond3A_267 = arith.constant 0 : i32
      %cond3A_268 = arith.cmpi ne, %convert_element_type3A_266, %cond3A_267 : i32
      scf.if %cond3A_268 {
        %add3A_269 = arith.constant 1 : i32
        %add3A_270 = arith.addi %mul3A_233, %add3A_269 : i32
        %add3A_271 = arith.constant 2 : i32
        %add3A_272 = arith.addi %add3A_270, %add3A_271 : i32
        %dma_start3A_273 = arith.constant 0 : i32
        %dma_start3A_274 = tpu.memref_slice %arg6[%add3A_272, %dma_start3A_273] : memref<16x128xi32, #tpu.memory_space<vmem>> -> memref<1x128xi32, #tpu.memory_space<vmem>>
        %dma_start3A_275 = tpu.memref_squeeze %dma_start3A_274 : memref<1x128xi32, #tpu.memory_space<vmem>> -> memref<128xi32, #tpu.memory_space<vmem>>
        %dma_start3A_276 = arith.constant 0 : i32
        %dma_start3A_277 = arith.constant 0 : i32
        %dma_start3A_278 = tpu.memref_slice %arg2[%dma_start3A_276, %dma_start3A_277] : memref<10000x128xf32, #tpu.memory_space<hbm>> -> memref<10000x128xf32, #tpu.memory_space<hbm>>
        tpu.enqueue_indirect_dma source(%dma_start3A_278 : memref<10000x128xf32, #tpu.memory_space<hbm>>) target(%arg11 : memref<128x128xf32, #tpu.memory_space<vmem>>) offsets(%dma_start3A_275 : memref<128xi32, #tpu.memory_space<vmem>>) semaphore(%arg15 : memref<!tpu.dma_semaphore, #tpu.memory_space<semaphore_mem>>)
      } else {
      }
    }
    %scan3A_149 = arith.constant 8 : i32
    %mul3A_150 = arith.constant 80 : i32
    %mul3A_151 = arith.muli %add3A, %mul3A_150 : i32
    %add3A_152 = arith.constant 48 : i32
    %add3A_153 = arith.addi %mul3A_151, %add3A_152 : i32
    %dma_wait3A_154 = arith.constant 0 : i32
    %dma_wait3A_155 = tpu.memref_slice %arg3[%add3A_153, %dma_wait3A_154] : memref<2560x128xi32, #tpu.memory_space<hbm>> -> memref<16x128xi32, #tpu.memory_space<hbm>>
    %dma_wait3A_156 = arith.constant 0 : i32
    %dma_wait3A_157 = tpu.memref_slice %arg3[%add3A_153, %dma_wait3A_156] : memref<2560x128xi32, #tpu.memory_space<hbm>> -> memref<16x128xi32, #tpu.memory_space<hbm>>
    tpu.wait_dma2 semaphore(%arg17 : memref<!tpu.dma_semaphore, #tpu.memory_space<semaphore_mem>>) src(%dma_wait3A_157 : memref<16x128xi32, #tpu.memory_space<hbm>>) dst(%arg7 : memref<16x128xi32, #tpu.memory_space<vmem>>)
    %dma_wait3A_158 = arith.constant 0 : i32
    %dma_wait3A_159 = tpu.memref_slice %arg4[%add3A_153, %dma_wait3A_158] : memref<2560x128xi32, #tpu.memory_space<hbm>> -> memref<16x128xi32, #tpu.memory_space<hbm>>
    %dma_wait3A_160 = arith.constant 0 : i32
    %dma_wait3A_161 = tpu.memref_slice %arg4[%add3A_153, %dma_wait3A_160] : memref<2560x128xi32, #tpu.memory_space<hbm>> -> memref<16x128xi32, #tpu.memory_space<hbm>>
    tpu.wait_dma2 semaphore(%arg17 : memref<!tpu.dma_semaphore, #tpu.memory_space<semaphore_mem>>) src(%dma_wait3A_161 : memref<16x128xi32, #tpu.memory_space<hbm>>) dst(%arg9 : memref<16x128xi32, #tpu.memory_space<vmem>>)
    %dma_start3A_162 = arith.constant 0 : i32
    %dma_start3A_163 = arith.constant 0 : i32
    %dma_start3A_164 = tpu.memref_slice %arg7[%dma_start3A_162, %dma_start3A_163] : memref<16x128xi32, #tpu.memory_space<vmem>> -> memref<1x128xi32, #tpu.memory_space<vmem>>
    %dma_start3A_165 = tpu.memref_squeeze %dma_start3A_164 : memref<1x128xi32, #tpu.memory_space<vmem>> -> memref<128xi32, #tpu.memory_space<vmem>>
    %dma_start3A_166 = arith.constant 0 : i32
    %dma_start3A_167 = arith.constant 0 : i32
    %dma_start3A_168 = tpu.memref_slice %arg2[%dma_start3A_166, %dma_start3A_167] : memref<10000x128xf32, #tpu.memory_space<hbm>> -> memref<10000x128xf32, #tpu.memory_space<hbm>>
    tpu.enqueue_indirect_dma source(%dma_start3A_168 : memref<10000x128xf32, #tpu.memory_space<hbm>>) target(%arg10 : memref<128x128xf32, #tpu.memory_space<vmem>>) offsets(%dma_start3A_165 : memref<128xi32, #tpu.memory_space<vmem>>) semaphore(%arg14 : memref<!tpu.dma_semaphore, #tpu.memory_space<semaphore_mem>>)
    %dma_start3A_169 = arith.constant 1 : i32
    %dma_start3A_170 = arith.constant 0 : i32
    %dma_start3A_171 = tpu.memref_slice %arg7[%dma_start3A_169, %dma_start3A_170] : memref<16x128xi32, #tpu.memory_space<vmem>> -> memref<1x128xi32, #tpu.memory_space<vmem>>
    %dma_start3A_172 = tpu.memref_squeeze %dma_start3A_171 : memref<1x128xi32, #tpu.memory_space<vmem>> -> memref<128xi32, #tpu.memory_space<vmem>>
    %dma_start3A_173 = arith.constant 0 : i32
    %dma_start3A_174 = arith.constant 0 : i32
    %dma_start3A_175 = tpu.memref_slice %arg2[%dma_start3A_173, %dma_start3A_174] : memref<10000x128xf32, #tpu.memory_space<hbm>> -> memref<10000x128xf32, #tpu.memory_space<hbm>>
    tpu.enqueue_indirect_dma source(%dma_start3A_175 : memref<10000x128xf32, #tpu.memory_space<hbm>>) target(%arg11 : memref<128x128xf32, #tpu.memory_space<vmem>>) offsets(%dma_start3A_172 : memref<128xi32, #tpu.memory_space<vmem>>) semaphore(%arg15 : memref<!tpu.dma_semaphore, #tpu.memory_space<semaphore_mem>>)
    %mul3A_176 = arith.constant 80 : i32
    %mul3A_177 = arith.muli %add3A, %mul3A_176 : i32
    %add3A_178 = arith.constant 64 : i32
    %add3A_179 = arith.addi %mul3A_177, %add3A_178 : i32
    %dma_start3A_180 = arith.constant 0 : i32
    %dma_start3A_181 = tpu.memref_slice %arg3[%add3A_179, %dma_start3A_180] : memref<2560x128xi32, #tpu.memory_space<hbm>> -> memref<16x128xi32, #tpu.memory_space<hbm>>
    %dma_start3A_182 = arith.constant 0 : i32
    %dma_start3A_183 = tpu.memref_slice %arg3[%add3A_179, %dma_start3A_182] : memref<2560x128xi32, #tpu.memory_space<hbm>> -> memref<16x128xi32, #tpu.memory_space<hbm>>
    tpu.enqueue_dma source(%dma_start3A_183 : memref<16x128xi32, #tpu.memory_space<hbm>>) target(%arg6 : memref<16x128xi32, #tpu.memory_space<vmem>>) target_semaphore(%arg16 : memref<!tpu.dma_semaphore, #tpu.memory_space<semaphore_mem>>)
    %dma_start3A_184 = arith.constant 0 : i32
    %dma_start3A_185 = tpu.memref_slice %arg4[%add3A_179, %dma_start3A_184] : memref<2560x128xi32, #tpu.memory_space<hbm>> -> memref<16x128xi32, #tpu.memory_space<hbm>>
    %dma_start3A_186 = arith.constant 0 : i32
    %dma_start3A_187 = tpu.memref_slice %arg4[%add3A_179, %dma_start3A_186] : memref<2560x128xi32, #tpu.memory_space<hbm>> -> memref<16x128xi32, #tpu.memory_space<hbm>>
    tpu.enqueue_dma source(%dma_start3A_187 : memref<16x128xi32, #tpu.memory_space<hbm>>) target(%arg8 : memref<16x128xi32, #tpu.memory_space<vmem>>) target_semaphore(%arg16 : memref<!tpu.dma_semaphore, #tpu.memory_space<semaphore_mem>>)
    %scan3A_188 = arith.constant 0 : i32
    %scan3A_189 = arith.constant 8 : i32
    %scan3A_190 = arith.addi %scan3A_188, %scan3A_189 : i32
    %scan3A_191 = arith.constant 1 : i32
    scf.for %scan3A_227 = %scan3A_188 to %scan3A_190 step %scan3A_191  : i32 {
      %mul3A_228 = arith.constant 1 : i32
      %mul3A_229 = arith.muli %scan3A_227, %mul3A_228 : i32
      %add3A_230 = arith.constant 0 : i32
      %add3A_231 = arith.addi %add3A_230, %mul3A_229 : i32
      %mul3A_232 = arith.constant 2 : i32
      %mul3A_233 = arith.muli %add3A_231, %mul3A_232 : i32
      %add3A_234 = arith.constant 0 : i32
      %add3A_235 = arith.addi %mul3A_233, %add3A_234 : i32
      %dma_wait3A_236 = arith.constant 0 : i32
      %dma_wait3A_237 = tpu.memref_slice %arg7[%add3A_235, %dma_wait3A_236] : memref<16x128xi32, #tpu.memory_space<vmem>> -> memref<1x128xi32, #tpu.memory_space<vmem>>
      %dma_wait3A_238 = tpu.memref_squeeze %dma_wait3A_237 : memref<1x128xi32, #tpu.memory_space<vmem>> -> memref<128xi32, #tpu.memory_space<vmem>>
      %dma_wait3A_239 = arith.constant 0 : i32
      %dma_wait3A_240 = arith.constant 0 : i32
      %dma_wait3A_241 = tpu.memref_slice %arg2[%dma_wait3A_239, %dma_wait3A_240] : memref<10000x128xf32, #tpu.memory_space<hbm>> -> memref<10000x128xf32, #tpu.memory_space<hbm>>
      tpu.wait_indirect_dma semaphore(%arg14 : memref<!tpu.dma_semaphore, #tpu.memory_space<semaphore_mem>>) src(%dma_wait3A_241 : memref<10000x128xf32, #tpu.memory_space<hbm>>) dst(%arg10 : memref<128x128xf32, #tpu.memory_space<vmem>>)
      %add3A_242 = arith.constant 0 : i32
      %add3A_243 = arith.addi %mul3A_233, %add3A_242 : i32
      "tpu.region"() ({
        %run_scoped3A = tpu.sem_alloc : memref<!tpu.dma_semaphore, #tpu.memory_space<semaphore_mem>>
        %dma_start3A_269 = arith.constant 0 : i32
        %dma_start3A_270 = tpu.memref_slice %arg9[%add3A_243, %dma_start3A_269] : memref<16x128xi32, #tpu.memory_space<vmem>> -> memref<1x128xi32, #tpu.memory_space<vmem>>
        %dma_start3A_271 = tpu.memref_squeeze %dma_start3A_270 : memref<1x128xi32, #tpu.memory_space<vmem>> -> memref<128xi32, #tpu.memory_space<vmem>>
        %dma_start3A_272 = arith.constant 0 : i32
        %dma_start3A_273 = arith.constant 0 : i32
        %dma_start3A_274 = tpu.memref_slice %arg13[%dma_start3A_272, %dma_start3A_273] : memref<10240x128xf32, #tpu.memory_space<vmem_shared>> -> memref<10240x128xf32, #tpu.memory_space<vmem_shared>>
        tpu.enqueue_indirect_dma source(%arg10 : memref<128x128xf32, #tpu.memory_space<vmem>>) target(%dma_start3A_274 : memref<10240x128xf32, #tpu.memory_space<vmem_shared>>) offsets(%dma_start3A_271 : memref<128xi32, #tpu.memory_space<vmem>>) semaphore(%run_scoped3A : memref<!tpu.dma_semaphore, #tpu.memory_space<semaphore_mem>>) {add = true}
        %dma_wait3A_275 = arith.constant 0 : i32
        %dma_wait3A_276 = tpu.memref_slice %arg9[%add3A_243, %dma_wait3A_275] : memref<16x128xi32, #tpu.memory_space<vmem>> -> memref<1x128xi32, #tpu.memory_space<vmem>>
        %dma_wait3A_277 = tpu.memref_squeeze %dma_wait3A_276 : memref<1x128xi32, #tpu.memory_space<vmem>> -> memref<128xi32, #tpu.memory_space<vmem>>
        %dma_wait3A_278 = arith.constant 0 : i32
        %dma_wait3A_279 = arith.constant 0 : i32
        %dma_wait3A_280 = tpu.memref_slice %arg13[%dma_wait3A_278, %dma_wait3A_279] : memref<10240x128xf32, #tpu.memory_space<vmem_shared>> -> memref<10240x128xf32, #tpu.memory_space<vmem_shared>>
        tpu.wait_indirect_dma semaphore(%run_scoped3A : memref<!tpu.dma_semaphore, #tpu.memory_space<semaphore_mem>>) src(%arg10 : memref<128x128xf32, #tpu.memory_space<vmem>>) dst(%dma_wait3A_280 : memref<10240x128xf32, #tpu.memory_space<vmem_shared>>)
        tpu.yield
      }) : () -> ()
      %add3A_244 = arith.constant 0 : i32
      %add3A_245 = arith.addi %mul3A_233, %add3A_244 : i32
      %add3A_246 = arith.constant 2 : i32
      %add3A_247 = arith.addi %add3A_245, %add3A_246 : i32
      %lt3A = arith.constant 16 : i32
      %lt3A_248 = arith.cmpi slt, %add3A_247, %lt3A : i32
      %convert_element_type3A = arith.extui %lt3A_248 : i1 to i32
      %cond3A = arith.constant 0 : i32
      %cond3A_249 = arith.cmpi ne, %convert_element_type3A, %cond3A : i32
      scf.if %cond3A_249 {
        %add3A_269 = arith.constant 0 : i32
        %add3A_270 = arith.addi %mul3A_233, %add3A_269 : i32
        %add3A_271 = arith.constant 2 : i32
        %add3A_272 = arith.addi %add3A_270, %add3A_271 : i32
        %dma_start3A_273 = arith.constant 0 : i32
        %dma_start3A_274 = tpu.memref_slice %arg7[%add3A_272, %dma_start3A_273] : memref<16x128xi32, #tpu.memory_space<vmem>> -> memref<1x128xi32, #tpu.memory_space<vmem>>
        %dma_start3A_275 = tpu.memref_squeeze %dma_start3A_274 : memref<1x128xi32, #tpu.memory_space<vmem>> -> memref<128xi32, #tpu.memory_space<vmem>>
        %dma_start3A_276 = arith.constant 0 : i32
        %dma_start3A_277 = arith.constant 0 : i32
        %dma_start3A_278 = tpu.memref_slice %arg2[%dma_start3A_276, %dma_start3A_277] : memref<10000x128xf32, #tpu.memory_space<hbm>> -> memref<10000x128xf32, #tpu.memory_space<hbm>>
        tpu.enqueue_indirect_dma source(%dma_start3A_278 : memref<10000x128xf32, #tpu.memory_space<hbm>>) target(%arg10 : memref<128x128xf32, #tpu.memory_space<vmem>>) offsets(%dma_start3A_275 : memref<128xi32, #tpu.memory_space<vmem>>) semaphore(%arg14 : memref<!tpu.dma_semaphore, #tpu.memory_space<semaphore_mem>>)
      } else {
      }
      %add3A_250 = arith.constant 1 : i32
      %add3A_251 = arith.addi %mul3A_233, %add3A_250 : i32
      %dma_wait3A_252 = arith.constant 0 : i32
      %dma_wait3A_253 = tpu.memref_slice %arg7[%add3A_251, %dma_wait3A_252] : memref<16x128xi32, #tpu.memory_space<vmem>> -> memref<1x128xi32, #tpu.memory_space<vmem>>
      %dma_wait3A_254 = tpu.memref_squeeze %dma_wait3A_253 : memref<1x128xi32, #tpu.memory_space<vmem>> -> memref<128xi32, #tpu.memory_space<vmem>>
      %dma_wait3A_255 = arith.constant 0 : i32
      %dma_wait3A_256 = arith.constant 0 : i32
      %dma_wait3A_257 = tpu.memref_slice %arg2[%dma_wait3A_255, %dma_wait3A_256] : memref<10000x128xf32, #tpu.memory_space<hbm>> -> memref<10000x128xf32, #tpu.memory_space<hbm>>
      tpu.wait_indirect_dma semaphore(%arg15 : memref<!tpu.dma_semaphore, #tpu.memory_space<semaphore_mem>>) src(%dma_wait3A_257 : memref<10000x128xf32, #tpu.memory_space<hbm>>) dst(%arg11 : memref<128x128xf32, #tpu.memory_space<vmem>>)
      %add3A_258 = arith.constant 1 : i32
      %add3A_259 = arith.addi %mul3A_233, %add3A_258 : i32
      "tpu.region"() ({
        %run_scoped3A = tpu.sem_alloc : memref<!tpu.dma_semaphore, #tpu.memory_space<semaphore_mem>>
        %dma_start3A_269 = arith.constant 0 : i32
        %dma_start3A_270 = tpu.memref_slice %arg9[%add3A_259, %dma_start3A_269] : memref<16x128xi32, #tpu.memory_space<vmem>> -> memref<1x128xi32, #tpu.memory_space<vmem>>
        %dma_start3A_271 = tpu.memref_squeeze %dma_start3A_270 : memref<1x128xi32, #tpu.memory_space<vmem>> -> memref<128xi32, #tpu.memory_space<vmem>>
        %dma_start3A_272 = arith.constant 0 : i32
        %dma_start3A_273 = arith.constant 0 : i32
        %dma_start3A_274 = tpu.memref_slice %arg13[%dma_start3A_272, %dma_start3A_273] : memref<10240x128xf32, #tpu.memory_space<vmem_shared>> -> memref<10240x128xf32, #tpu.memory_space<vmem_shared>>
        tpu.enqueue_indirect_dma source(%arg11 : memref<128x128xf32, #tpu.memory_space<vmem>>) target(%dma_start3A_274 : memref<10240x128xf32, #tpu.memory_space<vmem_shared>>) offsets(%dma_start3A_271 : memref<128xi32, #tpu.memory_space<vmem>>) semaphore(%run_scoped3A : memref<!tpu.dma_semaphore, #tpu.memory_space<semaphore_mem>>) {add = true}
        %dma_wait3A_275 = arith.constant 0 : i32
        %dma_wait3A_276 = tpu.memref_slice %arg9[%add3A_259, %dma_wait3A_275] : memref<16x128xi32, #tpu.memory_space<vmem>> -> memref<1x128xi32, #tpu.memory_space<vmem>>
        %dma_wait3A_277 = tpu.memref_squeeze %dma_wait3A_276 : memref<1x128xi32, #tpu.memory_space<vmem>> -> memref<128xi32, #tpu.memory_space<vmem>>
        %dma_wait3A_278 = arith.constant 0 : i32
        %dma_wait3A_279 = arith.constant 0 : i32
        %dma_wait3A_280 = tpu.memref_slice %arg13[%dma_wait3A_278, %dma_wait3A_279] : memref<10240x128xf32, #tpu.memory_space<vmem_shared>> -> memref<10240x128xf32, #tpu.memory_space<vmem_shared>>
        tpu.wait_indirect_dma semaphore(%run_scoped3A : memref<!tpu.dma_semaphore, #tpu.memory_space<semaphore_mem>>) src(%arg11 : memref<128x128xf32, #tpu.memory_space<vmem>>) dst(%dma_wait3A_280 : memref<10240x128xf32, #tpu.memory_space<vmem_shared>>)
        tpu.yield
      }) : () -> ()
      %add3A_260 = arith.constant 1 : i32
      %add3A_261 = arith.addi %mul3A_233, %add3A_260 : i32
      %add3A_262 = arith.constant 2 : i32
      %add3A_263 = arith.addi %add3A_261, %add3A_262 : i32
      %lt3A_264 = arith.constant 16 : i32
      %lt3A_265 = arith.cmpi slt, %add3A_263, %lt3A_264 : i32
      %convert_element_type3A_266 = arith.extui %lt3A_265 : i1 to i32
      %cond3A_267 = arith.constant 0 : i32
      %cond3A_268 = arith.cmpi ne, %convert_element_type3A_266, %cond3A_267 : i32
      scf.if %cond3A_268 {
        %add3A_269 = arith.constant 1 : i32
        %add3A_270 = arith.addi %mul3A_233, %add3A_269 : i32
        %add3A_271 = arith.constant 2 : i32
        %add3A_272 = arith.addi %add3A_270, %add3A_271 : i32
        %dma_start3A_273 = arith.constant 0 : i32
        %dma_start3A_274 = tpu.memref_slice %arg7[%add3A_272, %dma_start3A_273] : memref<16x128xi32, #tpu.memory_space<vmem>> -> memref<1x128xi32, #tpu.memory_space<vmem>>
        %dma_start3A_275 = tpu.memref_squeeze %dma_start3A_274 : memref<1x128xi32, #tpu.memory_space<vmem>> -> memref<128xi32, #tpu.memory_space<vmem>>
        %dma_start3A_276 = arith.constant 0 : i32
        %dma_start3A_277 = arith.constant 0 : i32
        %dma_start3A_278 = tpu.memref_slice %arg2[%dma_start3A_276, %dma_start3A_277] : memref<10000x128xf32, #tpu.memory_space<hbm>> -> memref<10000x128xf32, #tpu.memory_space<hbm>>
        tpu.enqueue_indirect_dma source(%dma_start3A_278 : memref<10000x128xf32, #tpu.memory_space<hbm>>) target(%arg11 : memref<128x128xf32, #tpu.memory_space<vmem>>) offsets(%dma_start3A_275 : memref<128xi32, #tpu.memory_space<vmem>>) semaphore(%arg15 : memref<!tpu.dma_semaphore, #tpu.memory_space<semaphore_mem>>)
      } else {
      }
    }
    %scan3A_192 = arith.constant 8 : i32
    %mul3A_193 = arith.constant 80 : i32
    %mul3A_194 = arith.muli %add3A, %mul3A_193 : i32
    %add3A_195 = arith.constant 64 : i32
    %add3A_196 = arith.addi %mul3A_194, %add3A_195 : i32
    %dma_wait3A_197 = arith.constant 0 : i32
    %dma_wait3A_198 = tpu.memref_slice %arg3[%add3A_196, %dma_wait3A_197] : memref<2560x128xi32, #tpu.memory_space<hbm>> -> memref<16x128xi32, #tpu.memory_space<hbm>>
    %dma_wait3A_199 = arith.constant 0 : i32
    %dma_wait3A_200 = tpu.memref_slice %arg3[%add3A_196, %dma_wait3A_199] : memref<2560x128xi32, #tpu.memory_space<hbm>> -> memref<16x128xi32, #tpu.memory_space<hbm>>
    tpu.wait_dma2 semaphore(%arg16 : memref<!tpu.dma_semaphore, #tpu.memory_space<semaphore_mem>>) src(%dma_wait3A_200 : memref<16x128xi32, #tpu.memory_space<hbm>>) dst(%arg6 : memref<16x128xi32, #tpu.memory_space<vmem>>)
    %dma_wait3A_201 = arith.constant 0 : i32
    %dma_wait3A_202 = tpu.memref_slice %arg4[%add3A_196, %dma_wait3A_201] : memref<2560x128xi32, #tpu.memory_space<hbm>> -> memref<16x128xi32, #tpu.memory_space<hbm>>
    %dma_wait3A_203 = arith.constant 0 : i32
    %dma_wait3A_204 = tpu.memref_slice %arg4[%add3A_196, %dma_wait3A_203] : memref<2560x128xi32, #tpu.memory_space<hbm>> -> memref<16x128xi32, #tpu.memory_space<hbm>>
    tpu.wait_dma2 semaphore(%arg16 : memref<!tpu.dma_semaphore, #tpu.memory_space<semaphore_mem>>) src(%dma_wait3A_204 : memref<16x128xi32, #tpu.memory_space<hbm>>) dst(%arg8 : memref<16x128xi32, #tpu.memory_space<vmem>>)
    %dma_start3A_205 = arith.constant 0 : i32
    %dma_start3A_206 = arith.constant 0 : i32
    %dma_start3A_207 = tpu.memref_slice %arg6[%dma_start3A_205, %dma_start3A_206] : memref<16x128xi32, #tpu.memory_space<vmem>> -> memref<1x128xi32, #tpu.memory_space<vmem>>
    %dma_start3A_208 = tpu.memref_squeeze %dma_start3A_207 : memref<1x128xi32, #tpu.memory_space<vmem>> -> memref<128xi32, #tpu.memory_space<vmem>>
    %dma_start3A_209 = arith.constant 0 : i32
    %dma_start3A_210 = arith.constant 0 : i32
    %dma_start3A_211 = tpu.memref_slice %arg2[%dma_start3A_209, %dma_start3A_210] : memref<10000x128xf32, #tpu.memory_space<hbm>> -> memref<10000x128xf32, #tpu.memory_space<hbm>>
    tpu.enqueue_indirect_dma source(%dma_start3A_211 : memref<10000x128xf32, #tpu.memory_space<hbm>>) target(%arg10 : memref<128x128xf32, #tpu.memory_space<vmem>>) offsets(%dma_start3A_208 : memref<128xi32, #tpu.memory_space<vmem>>) semaphore(%arg14 : memref<!tpu.dma_semaphore, #tpu.memory_space<semaphore_mem>>)
    %dma_start3A_212 = arith.constant 1 : i32
    %dma_start3A_213 = arith.constant 0 : i32
    %dma_start3A_214 = tpu.memref_slice %arg6[%dma_start3A_212, %dma_start3A_213] : memref<16x128xi32, #tpu.memory_space<vmem>> -> memref<1x128xi32, #tpu.memory_space<vmem>>
    %dma_start3A_215 = tpu.memref_squeeze %dma_start3A_214 : memref<1x128xi32, #tpu.memory_space<vmem>> -> memref<128xi32, #tpu.memory_space<vmem>>
    %dma_start3A_216 = arith.constant 0 : i32
    %dma_start3A_217 = arith.constant 0 : i32
    %dma_start3A_218 = tpu.memref_slice %arg2[%dma_start3A_216, %dma_start3A_217] : memref<10000x128xf32, #tpu.memory_space<hbm>> -> memref<10000x128xf32, #tpu.memory_space<hbm>>
    tpu.enqueue_indirect_dma source(%dma_start3A_218 : memref<10000x128xf32, #tpu.memory_space<hbm>>) target(%arg11 : memref<128x128xf32, #tpu.memory_space<vmem>>) offsets(%dma_start3A_215 : memref<128xi32, #tpu.memory_space<vmem>>) semaphore(%arg15 : memref<!tpu.dma_semaphore, #tpu.memory_space<semaphore_mem>>)
    %scan3A_219 = arith.constant 0 : i32
    %scan3A_220 = arith.constant 8 : i32
    %scan3A_221 = arith.addi %scan3A_219, %scan3A_220 : i32
    %scan3A_222 = arith.constant 1 : i32
    scf.for %scan3A_227 = %scan3A_219 to %scan3A_221 step %scan3A_222  : i32 {
      %mul3A_228 = arith.constant 1 : i32
      %mul3A_229 = arith.muli %scan3A_227, %mul3A_228 : i32
      %add3A_230 = arith.constant 0 : i32
      %add3A_231 = arith.addi %add3A_230, %mul3A_229 : i32
      %mul3A_232 = arith.constant 2 : i32
      %mul3A_233 = arith.muli %add3A_231, %mul3A_232 : i32
      %add3A_234 = arith.constant 0 : i32
      %add3A_235 = arith.addi %mul3A_233, %add3A_234 : i32
      %dma_wait3A_236 = arith.constant 0 : i32
      %dma_wait3A_237 = tpu.memref_slice %arg6[%add3A_235, %dma_wait3A_236] : memref<16x128xi32, #tpu.memory_space<vmem>> -> memref<1x128xi32, #tpu.memory_space<vmem>>
      %dma_wait3A_238 = tpu.memref_squeeze %dma_wait3A_237 : memref<1x128xi32, #tpu.memory_space<vmem>> -> memref<128xi32, #tpu.memory_space<vmem>>
      %dma_wait3A_239 = arith.constant 0 : i32
      %dma_wait3A_240 = arith.constant 0 : i32
      %dma_wait3A_241 = tpu.memref_slice %arg2[%dma_wait3A_239, %dma_wait3A_240] : memref<10000x128xf32, #tpu.memory_space<hbm>> -> memref<10000x128xf32, #tpu.memory_space<hbm>>
      tpu.wait_indirect_dma semaphore(%arg14 : memref<!tpu.dma_semaphore, #tpu.memory_space<semaphore_mem>>) src(%dma_wait3A_241 : memref<10000x128xf32, #tpu.memory_space<hbm>>) dst(%arg10 : memref<128x128xf32, #tpu.memory_space<vmem>>)
      %add3A_242 = arith.constant 0 : i32
      %add3A_243 = arith.addi %mul3A_233, %add3A_242 : i32
      "tpu.region"() ({
        %run_scoped3A = tpu.sem_alloc : memref<!tpu.dma_semaphore, #tpu.memory_space<semaphore_mem>>
        %dma_start3A_269 = arith.constant 0 : i32
        %dma_start3A_270 = tpu.memref_slice %arg8[%add3A_243, %dma_start3A_269] : memref<16x128xi32, #tpu.memory_space<vmem>> -> memref<1x128xi32, #tpu.memory_space<vmem>>
        %dma_start3A_271 = tpu.memref_squeeze %dma_start3A_270 : memref<1x128xi32, #tpu.memory_space<vmem>> -> memref<128xi32, #tpu.memory_space<vmem>>
        %dma_start3A_272 = arith.constant 0 : i32
        %dma_start3A_273 = arith.constant 0 : i32
        %dma_start3A_274 = tpu.memref_slice %arg13[%dma_start3A_272, %dma_start3A_273] : memref<10240x128xf32, #tpu.memory_space<vmem_shared>> -> memref<10240x128xf32, #tpu.memory_space<vmem_shared>>
        tpu.enqueue_indirect_dma source(%arg10 : memref<128x128xf32, #tpu.memory_space<vmem>>) target(%dma_start3A_274 : memref<10240x128xf32, #tpu.memory_space<vmem_shared>>) offsets(%dma_start3A_271 : memref<128xi32, #tpu.memory_space<vmem>>) semaphore(%run_scoped3A : memref<!tpu.dma_semaphore, #tpu.memory_space<semaphore_mem>>) {add = true}
        %dma_wait3A_275 = arith.constant 0 : i32
        %dma_wait3A_276 = tpu.memref_slice %arg8[%add3A_243, %dma_wait3A_275] : memref<16x128xi32, #tpu.memory_space<vmem>> -> memref<1x128xi32, #tpu.memory_space<vmem>>
        %dma_wait3A_277 = tpu.memref_squeeze %dma_wait3A_276 : memref<1x128xi32, #tpu.memory_space<vmem>> -> memref<128xi32, #tpu.memory_space<vmem>>
        %dma_wait3A_278 = arith.constant 0 : i32
        %dma_wait3A_279 = arith.constant 0 : i32
        %dma_wait3A_280 = tpu.memref_slice %arg13[%dma_wait3A_278, %dma_wait3A_279] : memref<10240x128xf32, #tpu.memory_space<vmem_shared>> -> memref<10240x128xf32, #tpu.memory_space<vmem_shared>>
        tpu.wait_indirect_dma semaphore(%run_scoped3A : memref<!tpu.dma_semaphore, #tpu.memory_space<semaphore_mem>>) src(%arg10 : memref<128x128xf32, #tpu.memory_space<vmem>>) dst(%dma_wait3A_280 : memref<10240x128xf32, #tpu.memory_space<vmem_shared>>)
        tpu.yield
      }) : () -> ()
      %add3A_244 = arith.constant 0 : i32
      %add3A_245 = arith.addi %mul3A_233, %add3A_244 : i32
      %add3A_246 = arith.constant 2 : i32
      %add3A_247 = arith.addi %add3A_245, %add3A_246 : i32
      %lt3A = arith.constant 16 : i32
      %lt3A_248 = arith.cmpi slt, %add3A_247, %lt3A : i32
      %convert_element_type3A = arith.extui %lt3A_248 : i1 to i32
      %cond3A = arith.constant 0 : i32
      %cond3A_249 = arith.cmpi ne, %convert_element_type3A, %cond3A : i32
      scf.if %cond3A_249 {
        %add3A_269 = arith.constant 0 : i32
        %add3A_270 = arith.addi %mul3A_233, %add3A_269 : i32
        %add3A_271 = arith.constant 2 : i32
        %add3A_272 = arith.addi %add3A_270, %add3A_271 : i32
        %dma_start3A_273 = arith.constant 0 : i32
        %dma_start3A_274 = tpu.memref_slice %arg6[%add3A_272, %dma_start3A_273] : memref<16x128xi32, #tpu.memory_space<vmem>> -> memref<1x128xi32, #tpu.memory_space<vmem>>
        %dma_start3A_275 = tpu.memref_squeeze %dma_start3A_274 : memref<1x128xi32, #tpu.memory_space<vmem>> -> memref<128xi32, #tpu.memory_space<vmem>>
        %dma_start3A_276 = arith.constant 0 : i32
        %dma_start3A_277 = arith.constant 0 : i32
        %dma_start3A_278 = tpu.memref_slice %arg2[%dma_start3A_276, %dma_start3A_277] : memref<10000x128xf32, #tpu.memory_space<hbm>> -> memref<10000x128xf32, #tpu.memory_space<hbm>>
        tpu.enqueue_indirect_dma source(%dma_start3A_278 : memref<10000x128xf32, #tpu.memory_space<hbm>>) target(%arg10 : memref<128x128xf32, #tpu.memory_space<vmem>>) offsets(%dma_start3A_275 : memref<128xi32, #tpu.memory_space<vmem>>) semaphore(%arg14 : memref<!tpu.dma_semaphore, #tpu.memory_space<semaphore_mem>>)
      } else {
      }
      %add3A_250 = arith.constant 1 : i32
      %add3A_251 = arith.addi %mul3A_233, %add3A_250 : i32
      %dma_wait3A_252 = arith.constant 0 : i32
      %dma_wait3A_253 = tpu.memref_slice %arg6[%add3A_251, %dma_wait3A_252] : memref<16x128xi32, #tpu.memory_space<vmem>> -> memref<1x128xi32, #tpu.memory_space<vmem>>
      %dma_wait3A_254 = tpu.memref_squeeze %dma_wait3A_253 : memref<1x128xi32, #tpu.memory_space<vmem>> -> memref<128xi32, #tpu.memory_space<vmem>>
      %dma_wait3A_255 = arith.constant 0 : i32
      %dma_wait3A_256 = arith.constant 0 : i32
      %dma_wait3A_257 = tpu.memref_slice %arg2[%dma_wait3A_255, %dma_wait3A_256] : memref<10000x128xf32, #tpu.memory_space<hbm>> -> memref<10000x128xf32, #tpu.memory_space<hbm>>
      tpu.wait_indirect_dma semaphore(%arg15 : memref<!tpu.dma_semaphore, #tpu.memory_space<semaphore_mem>>) src(%dma_wait3A_257 : memref<10000x128xf32, #tpu.memory_space<hbm>>) dst(%arg11 : memref<128x128xf32, #tpu.memory_space<vmem>>)
      %add3A_258 = arith.constant 1 : i32
      %add3A_259 = arith.addi %mul3A_233, %add3A_258 : i32
      "tpu.region"() ({
        %run_scoped3A = tpu.sem_alloc : memref<!tpu.dma_semaphore, #tpu.memory_space<semaphore_mem>>
        %dma_start3A_269 = arith.constant 0 : i32
        %dma_start3A_270 = tpu.memref_slice %arg8[%add3A_259, %dma_start3A_269] : memref<16x128xi32, #tpu.memory_space<vmem>> -> memref<1x128xi32, #tpu.memory_space<vmem>>
        %dma_start3A_271 = tpu.memref_squeeze %dma_start3A_270 : memref<1x128xi32, #tpu.memory_space<vmem>> -> memref<128xi32, #tpu.memory_space<vmem>>
        %dma_start3A_272 = arith.constant 0 : i32
        %dma_start3A_273 = arith.constant 0 : i32
        %dma_start3A_274 = tpu.memref_slice %arg13[%dma_start3A_272, %dma_start3A_273] : memref<10240x128xf32, #tpu.memory_space<vmem_shared>> -> memref<10240x128xf32, #tpu.memory_space<vmem_shared>>
        tpu.enqueue_indirect_dma source(%arg11 : memref<128x128xf32, #tpu.memory_space<vmem>>) target(%dma_start3A_274 : memref<10240x128xf32, #tpu.memory_space<vmem_shared>>) offsets(%dma_start3A_271 : memref<128xi32, #tpu.memory_space<vmem>>) semaphore(%run_scoped3A : memref<!tpu.dma_semaphore, #tpu.memory_space<semaphore_mem>>) {add = true}
        %dma_wait3A_275 = arith.constant 0 : i32
        %dma_wait3A_276 = tpu.memref_slice %arg8[%add3A_259, %dma_wait3A_275] : memref<16x128xi32, #tpu.memory_space<vmem>> -> memref<1x128xi32, #tpu.memory_space<vmem>>
        %dma_wait3A_277 = tpu.memref_squeeze %dma_wait3A_276 : memref<1x128xi32, #tpu.memory_space<vmem>> -> memref<128xi32, #tpu.memory_space<vmem>>
        %dma_wait3A_278 = arith.constant 0 : i32
        %dma_wait3A_279 = arith.constant 0 : i32
        %dma_wait3A_280 = tpu.memref_slice %arg13[%dma_wait3A_278, %dma_wait3A_279] : memref<10240x128xf32, #tpu.memory_space<vmem_shared>> -> memref<10240x128xf32, #tpu.memory_space<vmem_shared>>
        tpu.wait_indirect_dma semaphore(%run_scoped3A : memref<!tpu.dma_semaphore, #tpu.memory_space<semaphore_mem>>) src(%arg11 : memref<128x128xf32, #tpu.memory_space<vmem>>) dst(%dma_wait3A_280 : memref<10240x128xf32, #tpu.memory_space<vmem_shared>>)
        tpu.yield
      }) : () -> ()
      %add3A_260 = arith.constant 1 : i32
      %add3A_261 = arith.addi %mul3A_233, %add3A_260 : i32
      %add3A_262 = arith.constant 2 : i32
      %add3A_263 = arith.addi %add3A_261, %add3A_262 : i32
      %lt3A_264 = arith.constant 16 : i32
      %lt3A_265 = arith.cmpi slt, %add3A_263, %lt3A_264 : i32
      %convert_element_type3A_266 = arith.extui %lt3A_265 : i1 to i32
      %cond3A_267 = arith.constant 0 : i32
      %cond3A_268 = arith.cmpi ne, %convert_element_type3A_266, %cond3A_267 : i32
      scf.if %cond3A_268 {
        %add3A_269 = arith.constant 1 : i32
        %add3A_270 = arith.addi %mul3A_233, %add3A_269 : i32
        %add3A_271 = arith.constant 2 : i32
        %add3A_272 = arith.addi %add3A_270, %add3A_271 : i32
        %dma_start3A_273 = arith.constant 0 : i32
        %dma_start3A_274 = tpu.memref_slice %arg6[%add3A_272, %dma_start3A_273] : memref<16x128xi32, #tpu.memory_space<vmem>> -> memref<1x128xi32, #tpu.memory_space<vmem>>
        %dma_start3A_275 = tpu.memref_squeeze %dma_start3A_274 : memref<1x128xi32, #tpu.memory_space<vmem>> -> memref<128xi32, #tpu.memory_space<vmem>>
        %dma_start3A_276 = arith.constant 0 : i32
        %dma_start3A_277 = arith.constant 0 : i32
        %dma_start3A_278 = tpu.memref_slice %arg2[%dma_start3A_276, %dma_start3A_277] : memref<10000x128xf32, #tpu.memory_space<hbm>> -> memref<10000x128xf32, #tpu.memory_space<hbm>>
        tpu.enqueue_indirect_dma source(%dma_start3A_278 : memref<10000x128xf32, #tpu.memory_space<hbm>>) target(%arg11 : memref<128x128xf32, #tpu.memory_space<vmem>>) offsets(%dma_start3A_275 : memref<128xi32, #tpu.memory_space<vmem>>) semaphore(%arg15 : memref<!tpu.dma_semaphore, #tpu.memory_space<semaphore_mem>>)
      } else {
      }
    }
    %scan3A_223 = arith.constant 8 : i32
    %barrier3A_224 = arith.constant 0 : index
    tpu.barrier barrier_id(%barrier3A_224)
    %mul3A_225 = arith.constant 640 : i32
    %mul3A_226 = arith.muli %arg1, %mul3A_225 : i32
    "tpu.region"() ({
      %run_scoped3A = tpu.sem_alloc : memref<!tpu.dma_semaphore, #tpu.memory_space<semaphore_mem>>
      %dma_start3A_227 = arith.constant 0 : i32
      %dma_start3A_228 = tpu.memref_slice %arg5[%arg0, %mul3A_226, %dma_start3A_227] : memref<2x10240x128xf32, #tpu.memory_space<hbm>> -> memref<1x640x128xf32, #tpu.memory_space<hbm>>
      %dma_start3A_229 = tpu.memref_squeeze %dma_start3A_228 : memref<1x640x128xf32, #tpu.memory_space<hbm>> -> memref<640x128xf32, #tpu.memory_space<hbm>>
      %dma_start3A_230 = arith.constant 0 : i32
      %dma_start3A_231 = tpu.memref_slice %arg13[%mul3A_226, %dma_start3A_230] : memref<10240x128xf32, #tpu.memory_space<vmem_shared>> -> memref<640x128xf32, #tpu.memory_space<vmem_shared>>
      tpu.enqueue_dma source(%dma_start3A_231 : memref<640x128xf32, #tpu.memory_space<vmem_shared>>) target(%dma_start3A_229 : memref<640x128xf32, #tpu.memory_space<hbm>>) target_semaphore(%run_scoped3A : memref<!tpu.dma_semaphore, #tpu.memory_space<semaphore_mem>>)
      %dma_wait3A_232 = arith.constant 0 : i32
      %dma_wait3A_233 = tpu.memref_slice %arg5[%arg0, %mul3A_226, %dma_wait3A_232] : memref<2x10240x128xf32, #tpu.memory_space<hbm>> -> memref<1x640x128xf32, #tpu.memory_space<hbm>>
      %dma_wait3A_234 = tpu.memref_squeeze %dma_wait3A_233 : memref<1x640x128xf32, #tpu.memory_space<hbm>> -> memref<640x128xf32, #tpu.memory_space<hbm>>
      %dma_wait3A_235 = arith.constant 0 : i32
      %dma_wait3A_236 = tpu.memref_slice %arg13[%mul3A_226, %dma_wait3A_235] : memref<10240x128xf32, #tpu.memory_space<vmem_shared>> -> memref<640x128xf32, #tpu.memory_space<vmem_shared>>
      tpu.wait_dma2 semaphore(%run_scoped3A : memref<!tpu.dma_semaphore, #tpu.memory_space<semaphore_mem>>) src(%dma_wait3A_236 : memref<640x128xf32, #tpu.memory_space<vmem_shared>>) dst(%dma_wait3A_234 : memref<640x128xf32, #tpu.memory_space<hbm>>)
      tpu.yield
    }) : () -> ()
    return
  }
}

#map = affine_map<(d0, d1) -> (0, 0)>
#map1 = affine_map<(d0, d1) -> (0)>
module attributes {stable_mosaic.version = 14 : i64} {
  func.func @deg_kernel(%arg0: i32, %arg1: i32, %arg2: memref<2560x128xi32, #tpu.memory_space<hbm>>, %arg3: memref<20480xf32, #tpu.memory_space<hbm>>, %arg4: memref<80x128xi32, #tpu.memory_space<vmem>>, %arg5: memref<128xf32, #tpu.memory_space<vmem>>, %arg6: memref<640xf32, #tpu.memory_space<vmem>>, %arg7: memref<10240xf32, #tpu.memory_space<vmem_shared>>) attributes {dimension_semantics = [#tpu.dimension_semantics<core_parallel>, #tpu.dimension_semantics<subcore_parallel>], iteration_bounds = array<i64: 2, 16>, scalar_prefetch = 0 : i64, scratch_operands = 4 : i64, tpu.core_type = #tpu.core_type<sc_vector_subcore>, window_params = [{transform_indices = #map}, {transform_indices = #map1}]} {
    %mul3A = arith.constant 16 : i32
    %mul3A_0 = arith.muli %arg0, %mul3A : i32
    %add3A = arith.addi %mul3A_0, %arg1 : i32
    %broadcast_in_dim3A = arith.constant 1.000000e+00 : f32
    %broadcast_in_dim3A_1 = vector.broadcast %broadcast_in_dim3A : f32 to vector<16xf32>
    %broadcast_in_dim3A_2 = arith.constant 0.000000e+00 : f32
    %broadcast_in_dim3A_3 = vector.broadcast %broadcast_in_dim3A_2 : f32 to vector<16xf32>
    %scan3A = arith.constant 0 : i32
    %scan3A_4 = arith.constant 8 : i32
    %scan3A_5 = arith.addi %scan3A, %scan3A_4 : i32
    %scan3A_6 = arith.constant 1 : i32
    scf.for %scan3A_26 = %scan3A to %scan3A_5 step %scan3A_6  : i32 {
      %mul3A_27 = arith.constant 1 : i32
      %mul3A_28 = arith.muli %scan3A_26, %mul3A_27 : i32
      %add3A_29 = arith.constant 0 : i32
      %add3A_30 = arith.addi %add3A_29, %mul3A_28 : i32
      %mul3A_31 = arith.constant 16 : i32
      %mul3A_32 = arith.muli %add3A_30, %mul3A_31 : i32
      %swap3A = arith.index_cast %mul3A_32 : i32 to index
      %swap3A_33 = tpu.vector_load %arg5[%swap3A] {strides = array<i32>} : memref<128xf32, #tpu.memory_space<vmem>>, vector<16xf32>,
      %swap3A_34 = vector.shape_cast %swap3A_33 : vector<16xf32> to vector<16xf32>
      %swap3A_35 = vector.shape_cast %broadcast_in_dim3A_1 : vector<16xf32> to vector<16xf32>
      tpu.vector_store %arg5[%swap3A], %swap3A_35 {strides = array<i32>} : memref<128xf32, #tpu.memory_space<vmem>>, vector<16xf32>,
    }
    %scan3A_7 = arith.constant 8 : i32
    %scan3A_8 = arith.constant 0 : i32
    %scan3A_9 = arith.constant 40 : i32
    %scan3A_10 = arith.addi %scan3A_8, %scan3A_9 : i32
    %scan3A_11 = arith.constant 1 : i32
    scf.for %scan3A_26 = %scan3A_8 to %scan3A_10 step %scan3A_11  : i32 {
      %mul3A_27 = arith.constant 1 : i32
      %mul3A_28 = arith.muli %scan3A_26, %mul3A_27 : i32
      %add3A_29 = arith.constant 0 : i32
      %add3A_30 = arith.addi %add3A_29, %mul3A_28 : i32
      %mul3A_31 = arith.constant 16 : i32
      %mul3A_32 = arith.muli %add3A_30, %mul3A_31 : i32
      %swap3A = arith.index_cast %mul3A_32 : i32 to index
      %swap3A_33 = tpu.vector_load %arg6[%swap3A] {strides = array<i32>} : memref<640xf32, #tpu.memory_space<vmem>>, vector<16xf32>,
      %swap3A_34 = vector.shape_cast %swap3A_33 : vector<16xf32> to vector<16xf32>
      %swap3A_35 = vector.shape_cast %broadcast_in_dim3A_3 : vector<16xf32> to vector<16xf32>
      tpu.vector_store %arg6[%swap3A], %swap3A_35 {strides = array<i32>} : memref<640xf32, #tpu.memory_space<vmem>>, vector<16xf32>,
    }
    %scan3A_12 = arith.constant 40 : i32
    %mul3A_13 = arith.constant 80 : i32
    %mul3A_14 = arith.muli %add3A, %mul3A_13 : i32
    "tpu.region"() ({
      %run_scoped3A = tpu.sem_alloc : memref<!tpu.dma_semaphore, #tpu.memory_space<semaphore_mem>>
      %dma_start3A = arith.constant 0 : i32
      %dma_start3A_26 = tpu.memref_slice %arg2[%mul3A_14, %dma_start3A] : memref<2560x128xi32, #tpu.memory_space<hbm>> -> memref<80x128xi32, #tpu.memory_space<hbm>>
      %dma_start3A_27 = arith.constant 0 : i32
      %dma_start3A_28 = tpu.memref_slice %arg2[%mul3A_14, %dma_start3A_27] : memref<2560x128xi32, #tpu.memory_space<hbm>> -> memref<80x128xi32, #tpu.memory_space<hbm>>
      tpu.enqueue_dma source(%dma_start3A_28 : memref<80x128xi32, #tpu.memory_space<hbm>>) target(%arg4 : memref<80x128xi32, #tpu.memory_space<vmem>>) target_semaphore(%run_scoped3A : memref<!tpu.dma_semaphore, #tpu.memory_space<semaphore_mem>>)
      %dma_wait3A = arith.constant 0 : i32
      %dma_wait3A_29 = tpu.memref_slice %arg2[%mul3A_14, %dma_wait3A] : memref<2560x128xi32, #tpu.memory_space<hbm>> -> memref<80x128xi32, #tpu.memory_space<hbm>>
      %dma_wait3A_30 = arith.constant 0 : i32
      %dma_wait3A_31 = tpu.memref_slice %arg2[%mul3A_14, %dma_wait3A_30] : memref<2560x128xi32, #tpu.memory_space<hbm>> -> memref<80x128xi32, #tpu.memory_space<hbm>>
      tpu.wait_dma2 semaphore(%run_scoped3A : memref<!tpu.dma_semaphore, #tpu.memory_space<semaphore_mem>>) src(%dma_wait3A_31 : memref<80x128xi32, #tpu.memory_space<hbm>>) dst(%arg4 : memref<80x128xi32, #tpu.memory_space<vmem>>)
      tpu.yield
    }) : () -> ()
    %mul3A_15 = arith.constant 640 : i32
    %mul3A_16 = arith.muli %arg1, %mul3A_15 : i32
    "tpu.region"() ({
      %run_scoped3A = tpu.sem_alloc : memref<!tpu.dma_semaphore, #tpu.memory_space<semaphore_mem>>
      %dma_start3A = tpu.memref_slice %arg7[%mul3A_16] : memref<10240xf32, #tpu.memory_space<vmem_shared>> -> memref<640xf32, #tpu.memory_space<vmem_shared>>
      %dma_start3A_26 = tpu.memref_slice %arg7[%mul3A_16] : memref<10240xf32, #tpu.memory_space<vmem_shared>> -> memref<640xf32, #tpu.memory_space<vmem_shared>>
      tpu.enqueue_dma source(%arg6 : memref<640xf32, #tpu.memory_space<vmem>>) target(%dma_start3A_26 : memref<640xf32, #tpu.memory_space<vmem_shared>>) target_semaphore(%run_scoped3A : memref<!tpu.dma_semaphore, #tpu.memory_space<semaphore_mem>>)
      %dma_wait3A = tpu.memref_slice %arg7[%mul3A_16] : memref<10240xf32, #tpu.memory_space<vmem_shared>> -> memref<640xf32, #tpu.memory_space<vmem_shared>>
      %dma_wait3A_27 = tpu.memref_slice %arg7[%mul3A_16] : memref<10240xf32, #tpu.memory_space<vmem_shared>> -> memref<640xf32, #tpu.memory_space<vmem_shared>>
      tpu.wait_dma2 semaphore(%run_scoped3A : memref<!tpu.dma_semaphore, #tpu.memory_space<semaphore_mem>>) src(%arg6 : memref<640xf32, #tpu.memory_space<vmem>>) dst(%dma_wait3A_27 : memref<640xf32, #tpu.memory_space<vmem_shared>>)
      tpu.yield
    }) : () -> ()
    %barrier3A = arith.constant 0 : index
    tpu.barrier barrier_id(%barrier3A)
    %scan3A_17 = arith.constant 0 : i32
    %scan3A_18 = arith.constant 80 : i32
    %scan3A_19 = arith.addi %scan3A_17, %scan3A_18 : i32
    %scan3A_20 = arith.constant 1 : i32
    scf.for %scan3A_26 = %scan3A_17 to %scan3A_19 step %scan3A_20  : i32 {
      %mul3A_27 = arith.constant 1 : i32
      %mul3A_28 = arith.muli %scan3A_26, %mul3A_27 : i32
      %add3A_29 = arith.constant 0 : i32
      %add3A_30 = arith.addi %add3A_29, %mul3A_28 : i32
      "tpu.region"() ({
        %run_scoped3A = tpu.sem_alloc : memref<!tpu.dma_semaphore, #tpu.memory_space<semaphore_mem>>
        %dma_start3A = arith.constant 0 : i32
        %dma_start3A_31 = tpu.memref_slice %arg4[%add3A_30, %dma_start3A] : memref<80x128xi32, #tpu.memory_space<vmem>> -> memref<1x128xi32, #tpu.memory_space<vmem>>
        %dma_start3A_32 = tpu.memref_squeeze %dma_start3A_31 : memref<1x128xi32, #tpu.memory_space<vmem>> -> memref<128xi32, #tpu.memory_space<vmem>>
        %dma_start3A_33 = arith.constant 0 : i32
        %dma_start3A_34 = tpu.memref_slice %arg7[%dma_start3A_33] : memref<10240xf32, #tpu.memory_space<vmem_shared>> -> memref<10240xf32, #tpu.memory_space<vmem_shared>>
        tpu.enqueue_indirect_dma source(%arg5 : memref<128xf32, #tpu.memory_space<vmem>>) target(%dma_start3A_34 : memref<10240xf32, #tpu.memory_space<vmem_shared>>) offsets(%dma_start3A_32 : memref<128xi32, #tpu.memory_space<vmem>>) semaphore(%run_scoped3A : memref<!tpu.dma_semaphore, #tpu.memory_space<semaphore_mem>>) {add = true}
        %dma_wait3A = arith.constant 0 : i32
        %dma_wait3A_35 = tpu.memref_slice %arg4[%add3A_30, %dma_wait3A] : memref<80x128xi32, #tpu.memory_space<vmem>> -> memref<1x128xi32, #tpu.memory_space<vmem>>
        %dma_wait3A_36 = tpu.memref_squeeze %dma_wait3A_35 : memref<1x128xi32, #tpu.memory_space<vmem>> -> memref<128xi32, #tpu.memory_space<vmem>>
        %dma_wait3A_37 = arith.constant 0 : i32
        %dma_wait3A_38 = tpu.memref_slice %arg7[%dma_wait3A_37] : memref<10240xf32, #tpu.memory_space<vmem_shared>> -> memref<10240xf32, #tpu.memory_space<vmem_shared>>
        tpu.wait_indirect_dma semaphore(%run_scoped3A : memref<!tpu.dma_semaphore, #tpu.memory_space<semaphore_mem>>) src(%arg5 : memref<128xf32, #tpu.memory_space<vmem>>) dst(%dma_wait3A_38 : memref<10240xf32, #tpu.memory_space<vmem_shared>>)
        tpu.yield
      }) : () -> ()
    }
    %scan3A_21 = arith.constant 80 : i32
    %barrier3A_22 = arith.constant 0 : index
    tpu.barrier barrier_id(%barrier3A_22)
    %mul3A_23 = arith.constant 10240 : i32
    %mul3A_24 = arith.muli %arg0, %mul3A_23 : i32
    %add3A_25 = arith.addi %mul3A_24, %mul3A_16 : i32
    "tpu.region"() ({
      %run_scoped3A = tpu.sem_alloc : memref<!tpu.dma_semaphore, #tpu.memory_space<semaphore_mem>>
      %dma_start3A = tpu.memref_slice %arg3[%add3A_25] : memref<20480xf32, #tpu.memory_space<hbm>> -> memref<640xf32, #tpu.memory_space<hbm>>
      %dma_start3A_26 = tpu.memref_slice %arg7[%mul3A_16] : memref<10240xf32, #tpu.memory_space<vmem_shared>> -> memref<640xf32, #tpu.memory_space<vmem_shared>>
      tpu.enqueue_dma source(%dma_start3A_26 : memref<640xf32, #tpu.memory_space<vmem_shared>>) target(%dma_start3A : memref<640xf32, #tpu.memory_space<hbm>>) target_semaphore(%run_scoped3A : memref<!tpu.dma_semaphore, #tpu.memory_space<semaphore_mem>>)
      %dma_wait3A = tpu.memref_slice %arg3[%add3A_25] : memref<20480xf32, #tpu.memory_space<hbm>> -> memref<640xf32, #tpu.memory_space<hbm>>
      %dma_wait3A_27 = tpu.memref_slice %arg7[%mul3A_16] : memref<10240xf32, #tpu.memory_space<vmem_shared>> -> memref<640xf32, #tpu.memory_space<vmem_shared>>
      tpu.wait_dma2 semaphore(%run_scoped3A : memref<!tpu.dma_semaphore, #tpu.memory_space<semaphore_mem>>) src(%dma_wait3A_27 : memref<640xf32, #tpu.memory_space<vmem_shared>>) dst(%dma_wait3A : memref<640xf32, #tpu.memory_space<hbm>>)
      tpu.yield
    }) : () -> ()
    return
  }
}

#map = affine_map<(d0, d1) -> (0, 0)>
#map1 = affine_map<(d0, d1) -> (0, 0, 0)>
module attributes {stable_mosaic.version = 14 : i64} {
  func.func @prop_kernel(%arg0: i32, %arg1: i32, %arg2: memref<10000x128xf32, #tpu.memory_space<hbm>>, %arg3: memref<2560x128xi32, #tpu.memory_space<hbm>>, %arg4: memref<2560x128xi32, #tpu.memory_space<hbm>>, %arg5: memref<2x10240x128xf32, #tpu.memory_space<hbm>>, %arg6: memref<16x128xi32, #tpu.memory_space<vmem>>, %arg7: memref<16x128xi32, #tpu.memory_space<vmem>>, %arg8: memref<16x128xi32, #tpu.memory_space<vmem>>, %arg9: memref<16x128xi32, #tpu.memory_space<vmem>>, %arg10: memref<128x128xf32, #tpu.memory_space<vmem>>, %arg11: memref<128x128xf32, #tpu.memory_space<vmem>>, %arg12: memref<64x128xf32, #tpu.memory_space<vmem>>, %arg13: memref<10240x128xf32, #tpu.memory_space<vmem_shared>>, %arg14: memref<!tpu.dma_semaphore, #tpu.memory_space<semaphore_mem>>, %arg15: memref<!tpu.dma_semaphore, #tpu.memory_space<semaphore_mem>>, %arg16: memref<!tpu.dma_semaphore, #tpu.memory_space<semaphore_mem>>, %arg17: memref<!tpu.dma_semaphore, #tpu.memory_space<semaphore_mem>>) attributes {dimension_semantics = [#tpu.dimension_semantics<core_parallel>, #tpu.dimension_semantics<subcore_parallel>], iteration_bounds = array<i64: 2, 16>, scalar_prefetch = 0 : i64, scratch_operands = 12 : i64, tpu.core_type = #tpu.core_type<sc_vector_subcore>, window_params = [{transform_indices = #map}, {transform_indices = #map}, {transform_indices = #map}, {transform_indices = #map1}]} {
    %mul3A = arith.constant 16 : i32
    %mul3A_0 = arith.muli %arg0, %mul3A : i32
    %add3A = arith.addi %mul3A_0, %arg1 : i32
    %broadcast_in_dim3A = arith.constant 0.000000e+00 : f32
    %broadcast_in_dim3A_1 = vector.broadcast %broadcast_in_dim3A : f32 to vector<16xf32>
    %scan3A = arith.constant 0 : i32
    %scan3A_2 = arith.constant 64 : i32
    %scan3A_3 = arith.addi %scan3A, %scan3A_2 : i32
    %scan3A_4 = arith.constant 1 : i32
    scf.for %scan3A_227 = %scan3A to %scan3A_3 step %scan3A_4  : i32 {
      %mul3A_228 = arith.constant 1 : i32
      %mul3A_229 = arith.muli %scan3A_227, %mul3A_228 : i32
      %add3A_230 = arith.constant 0 : i32
      %add3A_231 = arith.addi %add3A_230, %mul3A_229 : i32
      %swap3A = arith.index_cast %add3A_231 : i32 to index
      %swap3A_232 = arith.constant 0 : index
      %swap3A_233 = tpu.vector_load %arg12[%swap3A, %swap3A_232] {strides = array<i32>} : memref<64x128xf32, #tpu.memory_space<vmem>>, vector<1x16xf32>,
      %swap3A_234 = vector.shape_cast %swap3A_233 : vector<1x16xf32> to vector<16xf32>
      %swap3A_235 = vector.shape_cast %broadcast_in_dim3A_1 : vector<16xf32> to vector<1x16xf32>
      tpu.vector_store %arg12[%swap3A, %swap3A_232], %swap3A_235 {strides = array<i32>} : memref<64x128xf32, #tpu.memory_space<vmem>>, vector<1x16xf32>,
      %swap3A_236 = arith.index_cast %add3A_231 : i32 to index
      %swap3A_237 = arith.constant 16 : index
      %swap3A_238 = tpu.vector_load %arg12[%swap3A_236, %swap3A_237] {strides = array<i32>} : memref<64x128xf32, #tpu.memory_space<vmem>>, vector<1x16xf32>,
      %swap3A_239 = vector.shape_cast %swap3A_238 : vector<1x16xf32> to vector<16xf32>
      %swap3A_240 = vector.shape_cast %broadcast_in_dim3A_1 : vector<16xf32> to vector<1x16xf32>
      tpu.vector_store %arg12[%swap3A_236, %swap3A_237], %swap3A_240 {strides = array<i32>} : memref<64x128xf32, #tpu.memory_space<vmem>>, vector<1x16xf32>,
      %swap3A_241 = arith.index_cast %add3A_231 : i32 to index
      %swap3A_242 = arith.constant 32 : index
      %swap3A_243 = tpu.vector_load %arg12[%swap3A_241, %swap3A_242] {strides = array<i32>} : memref<64x128xf32, #tpu.memory_space<vmem>>, vector<1x16xf32>,
      %swap3A_244 = vector.shape_cast %swap3A_243 : vector<1x16xf32> to vector<16xf32>
      %swap3A_245 = vector.shape_cast %broadcast_in_dim3A_1 : vector<16xf32> to vector<1x16xf32>
      tpu.vector_store %arg12[%swap3A_241, %swap3A_242], %swap3A_245 {strides = array<i32>} : memref<64x128xf32, #tpu.memory_space<vmem>>, vector<1x16xf32>,
      %swap3A_246 = arith.index_cast %add3A_231 : i32 to index
      %swap3A_247 = arith.constant 48 : index
      %swap3A_248 = tpu.vector_load %arg12[%swap3A_246, %swap3A_247] {strides = array<i32>} : memref<64x128xf32, #tpu.memory_space<vmem>>, vector<1x16xf32>,
      %swap3A_249 = vector.shape_cast %swap3A_248 : vector<1x16xf32> to vector<16xf32>
      %swap3A_250 = vector.shape_cast %broadcast_in_dim3A_1 : vector<16xf32> to vector<1x16xf32>
      tpu.vector_store %arg12[%swap3A_246, %swap3A_247], %swap3A_250 {strides = array<i32>} : memref<64x128xf32, #tpu.memory_space<vmem>>, vector<1x16xf32>,
      %swap3A_251 = arith.index_cast %add3A_231 : i32 to index
      %swap3A_252 = arith.constant 64 : index
      %swap3A_253 = tpu.vector_load %arg12[%swap3A_251, %swap3A_252] {strides = array<i32>} : memref<64x128xf32, #tpu.memory_space<vmem>>, vector<1x16xf32>,
      %swap3A_254 = vector.shape_cast %swap3A_253 : vector<1x16xf32> to vector<16xf32>
      %swap3A_255 = vector.shape_cast %broadcast_in_dim3A_1 : vector<16xf32> to vector<1x16xf32>
      tpu.vector_store %arg12[%swap3A_251, %swap3A_252], %swap3A_255 {strides = array<i32>} : memref<64x128xf32, #tpu.memory_space<vmem>>, vector<1x16xf32>,
      %swap3A_256 = arith.index_cast %add3A_231 : i32 to index
      %swap3A_257 = arith.constant 80 : index
      %swap3A_258 = tpu.vector_load %arg12[%swap3A_256, %swap3A_257] {strides = array<i32>} : memref<64x128xf32, #tpu.memory_space<vmem>>, vector<1x16xf32>,
      %swap3A_259 = vector.shape_cast %swap3A_258 : vector<1x16xf32> to vector<16xf32>
      %swap3A_260 = vector.shape_cast %broadcast_in_dim3A_1 : vector<16xf32> to vector<1x16xf32>
      tpu.vector_store %arg12[%swap3A_256, %swap3A_257], %swap3A_260 {strides = array<i32>} : memref<64x128xf32, #tpu.memory_space<vmem>>, vector<1x16xf32>,
      %swap3A_261 = arith.index_cast %add3A_231 : i32 to index
      %swap3A_262 = arith.constant 96 : index
      %swap3A_263 = tpu.vector_load %arg12[%swap3A_261, %swap3A_262] {strides = array<i32>} : memref<64x128xf32, #tpu.memory_space<vmem>>, vector<1x16xf32>,
      %swap3A_264 = vector.shape_cast %swap3A_263 : vector<1x16xf32> to vector<16xf32>
      %swap3A_265 = vector.shape_cast %broadcast_in_dim3A_1 : vector<16xf32> to vector<1x16xf32>
      tpu.vector_store %arg12[%swap3A_261, %swap3A_262], %swap3A_265 {strides = array<i32>} : memref<64x128xf32, #tpu.memory_space<vmem>>, vector<1x16xf32>,
      %swap3A_266 = arith.index_cast %add3A_231 : i32 to index
      %swap3A_267 = arith.constant 112 : index
      %swap3A_268 = tpu.vector_load %arg12[%swap3A_266, %swap3A_267] {strides = array<i32>} : memref<64x128xf32, #tpu.memory_space<vmem>>, vector<1x16xf32>,
      %swap3A_269 = vector.shape_cast %swap3A_268 : vector<1x16xf32> to vector<16xf32>
      %swap3A_270 = vector.shape_cast %broadcast_in_dim3A_1 : vector<16xf32> to vector<1x16xf32>
      tpu.vector_store %arg12[%swap3A_266, %swap3A_267], %swap3A_270 {strides = array<i32>} : memref<64x128xf32, #tpu.memory_space<vmem>>, vector<1x16xf32>,
    }
    %scan3A_5 = arith.constant 64 : i32
    %mul3A_6 = arith.constant 80 : i32
    %mul3A_7 = arith.muli %add3A, %mul3A_6 : i32
    %add3A_8 = arith.constant 0 : i32
    %add3A_9 = arith.addi %mul3A_7, %add3A_8 : i32
    %dma_start3A = arith.constant 0 : i32
    %dma_start3A_10 = tpu.memref_slice %arg3[%add3A_9, %dma_start3A] : memref<2560x128xi32, #tpu.memory_space<hbm>> -> memref<16x128xi32, #tpu.memory_space<hbm>>
    %dma_start3A_11 = arith.constant 0 : i32
    %dma_start3A_12 = tpu.memref_slice %arg3[%add3A_9, %dma_start3A_11] : memref<2560x128xi32, #tpu.memory_space<hbm>> -> memref<16x128xi32, #tpu.memory_space<hbm>>
    tpu.enqueue_dma source(%dma_start3A_12 : memref<16x128xi32, #tpu.memory_space<hbm>>) target(%arg6 : memref<16x128xi32, #tpu.memory_space<vmem>>) target_semaphore(%arg16 : memref<!tpu.dma_semaphore, #tpu.memory_space<semaphore_mem>>)
    %dma_start3A_13 = arith.constant 0 : i32
    %dma_start3A_14 = tpu.memref_slice %arg4[%add3A_9, %dma_start3A_13] : memref<2560x128xi32, #tpu.memory_space<hbm>> -> memref<16x128xi32, #tpu.memory_space<hbm>>
    %dma_start3A_15 = arith.constant 0 : i32
    %dma_start3A_16 = tpu.memref_slice %arg4[%add3A_9, %dma_start3A_15] : memref<2560x128xi32, #tpu.memory_space<hbm>> -> memref<16x128xi32, #tpu.memory_space<hbm>>
    tpu.enqueue_dma source(%dma_start3A_16 : memref<16x128xi32, #tpu.memory_space<hbm>>) target(%arg8 : memref<16x128xi32, #tpu.memory_space<vmem>>) target_semaphore(%arg16 : memref<!tpu.dma_semaphore, #tpu.memory_space<semaphore_mem>>)
    %scan3A_17 = arith.constant 0 : i32
    %scan3A_18 = arith.constant 10 : i32
    %scan3A_19 = arith.addi %scan3A_17, %scan3A_18 : i32
    %scan3A_20 = arith.constant 1 : i32
    scf.for %scan3A_227 = %scan3A_17 to %scan3A_19 step %scan3A_20  : i32 {
      %mul3A_228 = arith.constant 1 : i32
      %mul3A_229 = arith.muli %scan3A_227, %mul3A_228 : i32
      %add3A_230 = arith.constant 0 : i32
      %add3A_231 = arith.addi %add3A_230, %mul3A_229 : i32
      %mul3A_232 = arith.constant 640 : i32
      %mul3A_233 = arith.muli %arg1, %mul3A_232 : i32
      %mul3A_234 = arith.constant 64 : i32
      %mul3A_235 = arith.muli %add3A_231, %mul3A_234 : i32
      %add3A_236 = arith.addi %mul3A_233, %mul3A_235 : i32
      "tpu.region"() ({
        %run_scoped3A = tpu.sem_alloc : memref<!tpu.dma_semaphore, #tpu.memory_space<semaphore_mem>>
        %dma_start3A_237 = arith.constant 0 : i32
        %dma_start3A_238 = tpu.memref_slice %arg13[%add3A_236, %dma_start3A_237] : memref<10240x128xf32, #tpu.memory_space<vmem_shared>> -> memref<64x128xf32, #tpu.memory_space<vmem_shared>>
        %dma_start3A_239 = arith.constant 0 : i32
        %dma_start3A_240 = tpu.memref_slice %arg13[%add3A_236, %dma_start3A_239] : memref<10240x128xf32, #tpu.memory_space<vmem_shared>> -> memref<64x128xf32, #tpu.memory_space<vmem_shared>>
        tpu.enqueue_dma source(%arg12 : memref<64x128xf32, #tpu.memory_space<vmem>>) target(%dma_start3A_240 : memref<64x128xf32, #tpu.memory_space<vmem_shared>>) target_semaphore(%run_scoped3A : memref<!tpu.dma_semaphore, #tpu.memory_space<semaphore_mem>>)
        %dma_wait3A_241 = arith.constant 0 : i32
        %dma_wait3A_242 = tpu.memref_slice %arg13[%add3A_236, %dma_wait3A_241] : memref<10240x128xf32, #tpu.memory_space<vmem_shared>> -> memref<64x128xf32, #tpu.memory_space<vmem_shared>>
        %dma_wait3A_243 = arith.constant 0 : i32
        %dma_wait3A_244 = tpu.memref_slice %arg13[%add3A_236, %dma_wait3A_243] : memref<10240x128xf32, #tpu.memory_space<vmem_shared>> -> memref<64x128xf32, #tpu.memory_space<vmem_shared>>
        tpu.wait_dma2 semaphore(%run_scoped3A : memref<!tpu.dma_semaphore, #tpu.memory_space<semaphore_mem>>) src(%arg12 : memref<64x128xf32, #tpu.memory_space<vmem>>) dst(%dma_wait3A_244 : memref<64x128xf32, #tpu.memory_space<vmem_shared>>)
        tpu.yield
      }) : () -> ()
    }
    %scan3A_21 = arith.constant 10 : i32
    %mul3A_22 = arith.constant 80 : i32
    %mul3A_23 = arith.muli %add3A, %mul3A_22 : i32
    %add3A_24 = arith.constant 0 : i32
    %add3A_25 = arith.addi %mul3A_23, %add3A_24 : i32
    %dma_wait3A = arith.constant 0 : i32
    %dma_wait3A_26 = tpu.memref_slice %arg3[%add3A_25, %dma_wait3A] : memref<2560x128xi32, #tpu.memory_space<hbm>> -> memref<16x128xi32, #tpu.memory_space<hbm>>
    %dma_wait3A_27 = arith.constant 0 : i32
    %dma_wait3A_28 = tpu.memref_slice %arg3[%add3A_25, %dma_wait3A_27] : memref<2560x128xi32, #tpu.memory_space<hbm>> -> memref<16x128xi32, #tpu.memory_space<hbm>>
    tpu.wait_dma2 semaphore(%arg16 : memref<!tpu.dma_semaphore, #tpu.memory_space<semaphore_mem>>) src(%dma_wait3A_28 : memref<16x128xi32, #tpu.memory_space<hbm>>) dst(%arg6 : memref<16x128xi32, #tpu.memory_space<vmem>>)
    %dma_wait3A_29 = arith.constant 0 : i32
    %dma_wait3A_30 = tpu.memref_slice %arg4[%add3A_25, %dma_wait3A_29] : memref<2560x128xi32, #tpu.memory_space<hbm>> -> memref<16x128xi32, #tpu.memory_space<hbm>>
    %dma_wait3A_31 = arith.constant 0 : i32
    %dma_wait3A_32 = tpu.memref_slice %arg4[%add3A_25, %dma_wait3A_31] : memref<2560x128xi32, #tpu.memory_space<hbm>> -> memref<16x128xi32, #tpu.memory_space<hbm>>
    tpu.wait_dma2 semaphore(%arg16 : memref<!tpu.dma_semaphore, #tpu.memory_space<semaphore_mem>>) src(%dma_wait3A_32 : memref<16x128xi32, #tpu.memory_space<hbm>>) dst(%arg8 : memref<16x128xi32, #tpu.memory_space<vmem>>)
    %dma_start3A_33 = arith.constant 0 : i32
    %dma_start3A_34 = arith.constant 0 : i32
    %dma_start3A_35 = tpu.memref_slice %arg6[%dma_start3A_33, %dma_start3A_34] : memref<16x128xi32, #tpu.memory_space<vmem>> -> memref<1x128xi32, #tpu.memory_space<vmem>>
    %dma_start3A_36 = tpu.memref_squeeze %dma_start3A_35 : memref<1x128xi32, #tpu.memory_space<vmem>> -> memref<128xi32, #tpu.memory_space<vmem>>
    %dma_start3A_37 = arith.constant 0 : i32
    %dma_start3A_38 = arith.constant 0 : i32
    %dma_start3A_39 = tpu.memref_slice %arg2[%dma_start3A_37, %dma_start3A_38] : memref<10000x128xf32, #tpu.memory_space<hbm>> -> memref<10000x128xf32, #tpu.memory_space<hbm>>
    tpu.enqueue_indirect_dma source(%dma_start3A_39 : memref<10000x128xf32, #tpu.memory_space<hbm>>) target(%arg10 : memref<128x128xf32, #tpu.memory_space<vmem>>) offsets(%dma_start3A_36 : memref<128xi32, #tpu.memory_space<vmem>>) semaphore(%arg14 : memref<!tpu.dma_semaphore, #tpu.memory_space<semaphore_mem>>)
    %dma_start3A_40 = arith.constant 1 : i32
    %dma_start3A_41 = arith.constant 0 : i32
    %dma_start3A_42 = tpu.memref_slice %arg6[%dma_start3A_40, %dma_start3A_41] : memref<16x128xi32, #tpu.memory_space<vmem>> -> memref<1x128xi32, #tpu.memory_space<vmem>>
    %dma_start3A_43 = tpu.memref_squeeze %dma_start3A_42 : memref<1x128xi32, #tpu.memory_space<vmem>> -> memref<128xi32, #tpu.memory_space<vmem>>
    %dma_start3A_44 = arith.constant 0 : i32
    %dma_start3A_45 = arith.constant 0 : i32
    %dma_start3A_46 = tpu.memref_slice %arg2[%dma_start3A_44, %dma_start3A_45] : memref<10000x128xf32, #tpu.memory_space<hbm>> -> memref<10000x128xf32, #tpu.memory_space<hbm>>
    tpu.enqueue_indirect_dma source(%dma_start3A_46 : memref<10000x128xf32, #tpu.memory_space<hbm>>) target(%arg11 : memref<128x128xf32, #tpu.memory_space<vmem>>) offsets(%dma_start3A_43 : memref<128xi32, #tpu.memory_space<vmem>>) semaphore(%arg15 : memref<!tpu.dma_semaphore, #tpu.memory_space<semaphore_mem>>)
    %barrier3A = arith.constant 0 : index
    tpu.barrier barrier_id(%barrier3A)
    %mul3A_47 = arith.constant 80 : i32
    %mul3A_48 = arith.muli %add3A, %mul3A_47 : i32
    %add3A_49 = arith.constant 16 : i32
    %add3A_50 = arith.addi %mul3A_48, %add3A_49 : i32
    %dma_start3A_51 = arith.constant 0 : i32
    %dma_start3A_52 = tpu.memref_slice %arg3[%add3A_50, %dma_start3A_51] : memref<2560x128xi32, #tpu.memory_space<hbm>> -> memref<16x128xi32, #tpu.memory_space<hbm>>
    %dma_start3A_53 = arith.constant 0 : i32
    %dma_start3A_54 = tpu.memref_slice %arg3[%add3A_50, %dma_start3A_53] : memref<2560x128xi32, #tpu.memory_space<hbm>> -> memref<16x128xi32, #tpu.memory_space<hbm>>
    tpu.enqueue_dma source(%dma_start3A_54 : memref<16x128xi32, #tpu.memory_space<hbm>>) target(%arg7 : memref<16x128xi32, #tpu.memory_space<vmem>>) target_semaphore(%arg17 : memref<!tpu.dma_semaphore, #tpu.memory_space<semaphore_mem>>)
    %dma_start3A_55 = arith.constant 0 : i32
    %dma_start3A_56 = tpu.memref_slice %arg4[%add3A_50, %dma_start3A_55] : memref<2560x128xi32, #tpu.memory_space<hbm>> -> memref<16x128xi32, #tpu.memory_space<hbm>>
    %dma_start3A_57 = arith.constant 0 : i32
    %dma_start3A_58 = tpu.memref_slice %arg4[%add3A_50, %dma_start3A_57] : memref<2560x128xi32, #tpu.memory_space<hbm>> -> memref<16x128xi32, #tpu.memory_space<hbm>>
    tpu.enqueue_dma source(%dma_start3A_58 : memref<16x128xi32, #tpu.memory_space<hbm>>) target(%arg9 : memref<16x128xi32, #tpu.memory_space<vmem>>) target_semaphore(%arg17 : memref<!tpu.dma_semaphore, #tpu.memory_space<semaphore_mem>>)
    %scan3A_59 = arith.constant 0 : i32
    %scan3A_60 = arith.constant 8 : i32
    %scan3A_61 = arith.addi %scan3A_59, %scan3A_60 : i32
    %scan3A_62 = arith.constant 1 : i32
    scf.for %scan3A_227 = %scan3A_59 to %scan3A_61 step %scan3A_62  : i32 {
      %mul3A_228 = arith.constant 1 : i32
      %mul3A_229 = arith.muli %scan3A_227, %mul3A_228 : i32
      %add3A_230 = arith.constant 0 : i32
      %add3A_231 = arith.addi %add3A_230, %mul3A_229 : i32
      %mul3A_232 = arith.constant 2 : i32
      %mul3A_233 = arith.muli %add3A_231, %mul3A_232 : i32
      %add3A_234 = arith.constant 0 : i32
      %add3A_235 = arith.addi %mul3A_233, %add3A_234 : i32
      %dma_wait3A_236 = arith.constant 0 : i32
      %dma_wait3A_237 = tpu.memref_slice %arg6[%add3A_235, %dma_wait3A_236] : memref<16x128xi32, #tpu.memory_space<vmem>> -> memref<1x128xi32, #tpu.memory_space<vmem>>
      %dma_wait3A_238 = tpu.memref_squeeze %dma_wait3A_237 : memref<1x128xi32, #tpu.memory_space<vmem>> -> memref<128xi32, #tpu.memory_space<vmem>>
      %dma_wait3A_239 = arith.constant 0 : i32
      %dma_wait3A_240 = arith.constant 0 : i32
      %dma_wait3A_241 = tpu.memref_slice %arg2[%dma_wait3A_239, %dma_wait3A_240] : memref<10000x128xf32, #tpu.memory_space<hbm>> -> memref<10000x128xf32, #tpu.memory_space<hbm>>
      tpu.wait_indirect_dma semaphore(%arg14 : memref<!tpu.dma_semaphore, #tpu.memory_space<semaphore_mem>>) src(%dma_wait3A_241 : memref<10000x128xf32, #tpu.memory_space<hbm>>) dst(%arg10 : memref<128x128xf32, #tpu.memory_space<vmem>>)
      %add3A_242 = arith.constant 0 : i32
      %add3A_243 = arith.addi %mul3A_233, %add3A_242 : i32
      "tpu.region"() ({
        %run_scoped3A = tpu.sem_alloc : memref<!tpu.dma_semaphore, #tpu.memory_space<semaphore_mem>>
        %dma_start3A_269 = arith.constant 0 : i32
        %dma_start3A_270 = tpu.memref_slice %arg8[%add3A_243, %dma_start3A_269] : memref<16x128xi32, #tpu.memory_space<vmem>> -> memref<1x128xi32, #tpu.memory_space<vmem>>
        %dma_start3A_271 = tpu.memref_squeeze %dma_start3A_270 : memref<1x128xi32, #tpu.memory_space<vmem>> -> memref<128xi32, #tpu.memory_space<vmem>>
        %dma_start3A_272 = arith.constant 0 : i32
        %dma_start3A_273 = arith.constant 0 : i32
        %dma_start3A_274 = tpu.memref_slice %arg13[%dma_start3A_272, %dma_start3A_273] : memref<10240x128xf32, #tpu.memory_space<vmem_shared>> -> memref<10240x128xf32, #tpu.memory_space<vmem_shared>>
        tpu.enqueue_indirect_dma source(%arg10 : memref<128x128xf32, #tpu.memory_space<vmem>>) target(%dma_start3A_274 : memref<10240x128xf32, #tpu.memory_space<vmem_shared>>) offsets(%dma_start3A_271 : memref<128xi32, #tpu.memory_space<vmem>>) semaphore(%run_scoped3A : memref<!tpu.dma_semaphore, #tpu.memory_space<semaphore_mem>>) {add = true}
        %dma_wait3A_275 = arith.constant 0 : i32
        %dma_wait3A_276 = tpu.memref_slice %arg8[%add3A_243, %dma_wait3A_275] : memref<16x128xi32, #tpu.memory_space<vmem>> -> memref<1x128xi32, #tpu.memory_space<vmem>>
        %dma_wait3A_277 = tpu.memref_squeeze %dma_wait3A_276 : memref<1x128xi32, #tpu.memory_space<vmem>> -> memref<128xi32, #tpu.memory_space<vmem>>
        %dma_wait3A_278 = arith.constant 0 : i32
        %dma_wait3A_279 = arith.constant 0 : i32
        %dma_wait3A_280 = tpu.memref_slice %arg13[%dma_wait3A_278, %dma_wait3A_279] : memref<10240x128xf32, #tpu.memory_space<vmem_shared>> -> memref<10240x128xf32, #tpu.memory_space<vmem_shared>>
        tpu.wait_indirect_dma semaphore(%run_scoped3A : memref<!tpu.dma_semaphore, #tpu.memory_space<semaphore_mem>>) src(%arg10 : memref<128x128xf32, #tpu.memory_space<vmem>>) dst(%dma_wait3A_280 : memref<10240x128xf32, #tpu.memory_space<vmem_shared>>)
        tpu.yield
      }) : () -> ()
      %add3A_244 = arith.constant 0 : i32
      %add3A_245 = arith.addi %mul3A_233, %add3A_244 : i32
      %add3A_246 = arith.constant 2 : i32
      %add3A_247 = arith.addi %add3A_245, %add3A_246 : i32
      %lt3A = arith.constant 16 : i32
      %lt3A_248 = arith.cmpi slt, %add3A_247, %lt3A : i32
      %convert_element_type3A = arith.extui %lt3A_248 : i1 to i32
      %cond3A = arith.constant 0 : i32
      %cond3A_249 = arith.cmpi ne, %convert_element_type3A, %cond3A : i32
      scf.if %cond3A_249 {
        %add3A_269 = arith.constant 0 : i32
        %add3A_270 = arith.addi %mul3A_233, %add3A_269 : i32
        %add3A_271 = arith.constant 2 : i32
        %add3A_272 = arith.addi %add3A_270, %add3A_271 : i32
        %dma_start3A_273 = arith.constant 0 : i32
        %dma_start3A_274 = tpu.memref_slice %arg6[%add3A_272, %dma_start3A_273] : memref<16x128xi32, #tpu.memory_space<vmem>> -> memref<1x128xi32, #tpu.memory_space<vmem>>
        %dma_start3A_275 = tpu.memref_squeeze %dma_start3A_274 : memref<1x128xi32, #tpu.memory_space<vmem>> -> memref<128xi32, #tpu.memory_space<vmem>>
        %dma_start3A_276 = arith.constant 0 : i32
        %dma_start3A_277 = arith.constant 0 : i32
        %dma_start3A_278 = tpu.memref_slice %arg2[%dma_start3A_276, %dma_start3A_277] : memref<10000x128xf32, #tpu.memory_space<hbm>> -> memref<10000x128xf32, #tpu.memory_space<hbm>>
        tpu.enqueue_indirect_dma source(%dma_start3A_278 : memref<10000x128xf32, #tpu.memory_space<hbm>>) target(%arg10 : memref<128x128xf32, #tpu.memory_space<vmem>>) offsets(%dma_start3A_275 : memref<128xi32, #tpu.memory_space<vmem>>) semaphore(%arg14 : memref<!tpu.dma_semaphore, #tpu.memory_space<semaphore_mem>>)
      } else {
      }
      %add3A_250 = arith.constant 1 : i32
      %add3A_251 = arith.addi %mul3A_233, %add3A_250 : i32
      %dma_wait3A_252 = arith.constant 0 : i32
      %dma_wait3A_253 = tpu.memref_slice %arg6[%add3A_251, %dma_wait3A_252] : memref<16x128xi32, #tpu.memory_space<vmem>> -> memref<1x128xi32, #tpu.memory_space<vmem>>
      %dma_wait3A_254 = tpu.memref_squeeze %dma_wait3A_253 : memref<1x128xi32, #tpu.memory_space<vmem>> -> memref<128xi32, #tpu.memory_space<vmem>>
      %dma_wait3A_255 = arith.constant 0 : i32
      %dma_wait3A_256 = arith.constant 0 : i32
      %dma_wait3A_257 = tpu.memref_slice %arg2[%dma_wait3A_255, %dma_wait3A_256] : memref<10000x128xf32, #tpu.memory_space<hbm>> -> memref<10000x128xf32, #tpu.memory_space<hbm>>
      tpu.wait_indirect_dma semaphore(%arg15 : memref<!tpu.dma_semaphore, #tpu.memory_space<semaphore_mem>>) src(%dma_wait3A_257 : memref<10000x128xf32, #tpu.memory_space<hbm>>) dst(%arg11 : memref<128x128xf32, #tpu.memory_space<vmem>>)
      %add3A_258 = arith.constant 1 : i32
      %add3A_259 = arith.addi %mul3A_233, %add3A_258 : i32
      "tpu.region"() ({
        %run_scoped3A = tpu.sem_alloc : memref<!tpu.dma_semaphore, #tpu.memory_space<semaphore_mem>>
        %dma_start3A_269 = arith.constant 0 : i32
        %dma_start3A_270 = tpu.memref_slice %arg8[%add3A_259, %dma_start3A_269] : memref<16x128xi32, #tpu.memory_space<vmem>> -> memref<1x128xi32, #tpu.memory_space<vmem>>
        %dma_start3A_271 = tpu.memref_squeeze %dma_start3A_270 : memref<1x128xi32, #tpu.memory_space<vmem>> -> memref<128xi32, #tpu.memory_space<vmem>>
        %dma_start3A_272 = arith.constant 0 : i32
        %dma_start3A_273 = arith.constant 0 : i32
        %dma_start3A_274 = tpu.memref_slice %arg13[%dma_start3A_272, %dma_start3A_273] : memref<10240x128xf32, #tpu.memory_space<vmem_shared>> -> memref<10240x128xf32, #tpu.memory_space<vmem_shared>>
        tpu.enqueue_indirect_dma source(%arg11 : memref<128x128xf32, #tpu.memory_space<vmem>>) target(%dma_start3A_274 : memref<10240x128xf32, #tpu.memory_space<vmem_shared>>) offsets(%dma_start3A_271 : memref<128xi32, #tpu.memory_space<vmem>>) semaphore(%run_scoped3A : memref<!tpu.dma_semaphore, #tpu.memory_space<semaphore_mem>>) {add = true}
        %dma_wait3A_275 = arith.constant 0 : i32
        %dma_wait3A_276 = tpu.memref_slice %arg8[%add3A_259, %dma_wait3A_275] : memref<16x128xi32, #tpu.memory_space<vmem>> -> memref<1x128xi32, #tpu.memory_space<vmem>>
        %dma_wait3A_277 = tpu.memref_squeeze %dma_wait3A_276 : memref<1x128xi32, #tpu.memory_space<vmem>> -> memref<128xi32, #tpu.memory_space<vmem>>
        %dma_wait3A_278 = arith.constant 0 : i32
        %dma_wait3A_279 = arith.constant 0 : i32
        %dma_wait3A_280 = tpu.memref_slice %arg13[%dma_wait3A_278, %dma_wait3A_279] : memref<10240x128xf32, #tpu.memory_space<vmem_shared>> -> memref<10240x128xf32, #tpu.memory_space<vmem_shared>>
        tpu.wait_indirect_dma semaphore(%run_scoped3A : memref<!tpu.dma_semaphore, #tpu.memory_space<semaphore_mem>>) src(%arg11 : memref<128x128xf32, #tpu.memory_space<vmem>>) dst(%dma_wait3A_280 : memref<10240x128xf32, #tpu.memory_space<vmem_shared>>)
        tpu.yield
      }) : () -> ()
      %add3A_260 = arith.constant 1 : i32
      %add3A_261 = arith.addi %mul3A_233, %add3A_260 : i32
      %add3A_262 = arith.constant 2 : i32
      %add3A_263 = arith.addi %add3A_261, %add3A_262 : i32
      %lt3A_264 = arith.constant 16 : i32
      %lt3A_265 = arith.cmpi slt, %add3A_263, %lt3A_264 : i32
      %convert_element_type3A_266 = arith.extui %lt3A_265 : i1 to i32
      %cond3A_267 = arith.constant 0 : i32
      %cond3A_268 = arith.cmpi ne, %convert_element_type3A_266, %cond3A_267 : i32
      scf.if %cond3A_268 {
        %add3A_269 = arith.constant 1 : i32
        %add3A_270 = arith.addi %mul3A_233, %add3A_269 : i32
        %add3A_271 = arith.constant 2 : i32
        %add3A_272 = arith.addi %add3A_270, %add3A_271 : i32
        %dma_start3A_273 = arith.constant 0 : i32
        %dma_start3A_274 = tpu.memref_slice %arg6[%add3A_272, %dma_start3A_273] : memref<16x128xi32, #tpu.memory_space<vmem>> -> memref<1x128xi32, #tpu.memory_space<vmem>>
        %dma_start3A_275 = tpu.memref_squeeze %dma_start3A_274 : memref<1x128xi32, #tpu.memory_space<vmem>> -> memref<128xi32, #tpu.memory_space<vmem>>
        %dma_start3A_276 = arith.constant 0 : i32
        %dma_start3A_277 = arith.constant 0 : i32
        %dma_start3A_278 = tpu.memref_slice %arg2[%dma_start3A_276, %dma_start3A_277] : memref<10000x128xf32, #tpu.memory_space<hbm>> -> memref<10000x128xf32, #tpu.memory_space<hbm>>
        tpu.enqueue_indirect_dma source(%dma_start3A_278 : memref<10000x128xf32, #tpu.memory_space<hbm>>) target(%arg11 : memref<128x128xf32, #tpu.memory_space<vmem>>) offsets(%dma_start3A_275 : memref<128xi32, #tpu.memory_space<vmem>>) semaphore(%arg15 : memref<!tpu.dma_semaphore, #tpu.memory_space<semaphore_mem>>)
      } else {
      }
    }
    %scan3A_63 = arith.constant 8 : i32
    %mul3A_64 = arith.constant 80 : i32
    %mul3A_65 = arith.muli %add3A, %mul3A_64 : i32
    %add3A_66 = arith.constant 16 : i32
    %add3A_67 = arith.addi %mul3A_65, %add3A_66 : i32
    %dma_wait3A_68 = arith.constant 0 : i32
    %dma_wait3A_69 = tpu.memref_slice %arg3[%add3A_67, %dma_wait3A_68] : memref<2560x128xi32, #tpu.memory_space<hbm>> -> memref<16x128xi32, #tpu.memory_space<hbm>>
    %dma_wait3A_70 = arith.constant 0 : i32
    %dma_wait3A_71 = tpu.memref_slice %arg3[%add3A_67, %dma_wait3A_70] : memref<2560x128xi32, #tpu.memory_space<hbm>> -> memref<16x128xi32, #tpu.memory_space<hbm>>
    tpu.wait_dma2 semaphore(%arg17 : memref<!tpu.dma_semaphore, #tpu.memory_space<semaphore_mem>>) src(%dma_wait3A_71 : memref<16x128xi32, #tpu.memory_space<hbm>>) dst(%arg7 : memref<16x128xi32, #tpu.memory_space<vmem>>)
    %dma_wait3A_72 = arith.constant 0 : i32
    %dma_wait3A_73 = tpu.memref_slice %arg4[%add3A_67, %dma_wait3A_72] : memref<2560x128xi32, #tpu.memory_space<hbm>> -> memref<16x128xi32, #tpu.memory_space<hbm>>
    %dma_wait3A_74 = arith.constant 0 : i32
    %dma_wait3A_75 = tpu.memref_slice %arg4[%add3A_67, %dma_wait3A_74] : memref<2560x128xi32, #tpu.memory_space<hbm>> -> memref<16x128xi32, #tpu.memory_space<hbm>>
    tpu.wait_dma2 semaphore(%arg17 : memref<!tpu.dma_semaphore, #tpu.memory_space<semaphore_mem>>) src(%dma_wait3A_75 : memref<16x128xi32, #tpu.memory_space<hbm>>) dst(%arg9 : memref<16x128xi32, #tpu.memory_space<vmem>>)
    %dma_start3A_76 = arith.constant 0 : i32
    %dma_start3A_77 = arith.constant 0 : i32
    %dma_start3A_78 = tpu.memref_slice %arg7[%dma_start3A_76, %dma_start3A_77] : memref<16x128xi32, #tpu.memory_space<vmem>> -> memref<1x128xi32, #tpu.memory_space<vmem>>
    %dma_start3A_79 = tpu.memref_squeeze %dma_start3A_78 : memref<1x128xi32, #tpu.memory_space<vmem>> -> memref<128xi32, #tpu.memory_space<vmem>>
    %dma_start3A_80 = arith.constant 0 : i32
    %dma_start3A_81 = arith.constant 0 : i32
    %dma_start3A_82 = tpu.memref_slice %arg2[%dma_start3A_80, %dma_start3A_81] : memref<10000x128xf32, #tpu.memory_space<hbm>> -> memref<10000x128xf32, #tpu.memory_space<hbm>>
    tpu.enqueue_indirect_dma source(%dma_start3A_82 : memref<10000x128xf32, #tpu.memory_space<hbm>>) target(%arg10 : memref<128x128xf32, #tpu.memory_space<vmem>>) offsets(%dma_start3A_79 : memref<128xi32, #tpu.memory_space<vmem>>) semaphore(%arg14 : memref<!tpu.dma_semaphore, #tpu.memory_space<semaphore_mem>>)
    %dma_start3A_83 = arith.constant 1 : i32
    %dma_start3A_84 = arith.constant 0 : i32
    %dma_start3A_85 = tpu.memref_slice %arg7[%dma_start3A_83, %dma_start3A_84] : memref<16x128xi32, #tpu.memory_space<vmem>> -> memref<1x128xi32, #tpu.memory_space<vmem>>
    %dma_start3A_86 = tpu.memref_squeeze %dma_start3A_85 : memref<1x128xi32, #tpu.memory_space<vmem>> -> memref<128xi32, #tpu.memory_space<vmem>>
    %dma_start3A_87 = arith.constant 0 : i32
    %dma_start3A_88 = arith.constant 0 : i32
    %dma_start3A_89 = tpu.memref_slice %arg2[%dma_start3A_87, %dma_start3A_88] : memref<10000x128xf32, #tpu.memory_space<hbm>> -> memref<10000x128xf32, #tpu.memory_space<hbm>>
    tpu.enqueue_indirect_dma source(%dma_start3A_89 : memref<10000x128xf32, #tpu.memory_space<hbm>>) target(%arg11 : memref<128x128xf32, #tpu.memory_space<vmem>>) offsets(%dma_start3A_86 : memref<128xi32, #tpu.memory_space<vmem>>) semaphore(%arg15 : memref<!tpu.dma_semaphore, #tpu.memory_space<semaphore_mem>>)
    %mul3A_90 = arith.constant 80 : i32
    %mul3A_91 = arith.muli %add3A, %mul3A_90 : i32
    %add3A_92 = arith.constant 32 : i32
    %add3A_93 = arith.addi %mul3A_91, %add3A_92 : i32
    %dma_start3A_94 = arith.constant 0 : i32
    %dma_start3A_95 = tpu.memref_slice %arg3[%add3A_93, %dma_start3A_94] : memref<2560x128xi32, #tpu.memory_space<hbm>> -> memref<16x128xi32, #tpu.memory_space<hbm>>
    %dma_start3A_96 = arith.constant 0 : i32
    %dma_start3A_97 = tpu.memref_slice %arg3[%add3A_93, %dma_start3A_96] : memref<2560x128xi32, #tpu.memory_space<hbm>> -> memref<16x128xi32, #tpu.memory_space<hbm>>
    tpu.enqueue_dma source(%dma_start3A_97 : memref<16x128xi32, #tpu.memory_space<hbm>>) target(%arg6 : memref<16x128xi32, #tpu.memory_space<vmem>>) target_semaphore(%arg16 : memref<!tpu.dma_semaphore, #tpu.memory_space<semaphore_mem>>)
    %dma_start3A_98 = arith.constant 0 : i32
    %dma_start3A_99 = tpu.memref_slice %arg4[%add3A_93, %dma_start3A_98] : memref<2560x128xi32, #tpu.memory_space<hbm>> -> memref<16x128xi32, #tpu.memory_space<hbm>>
    %dma_start3A_100 = arith.constant 0 : i32
    %dma_start3A_101 = tpu.memref_slice %arg4[%add3A_93, %dma_start3A_100] : memref<2560x128xi32, #tpu.memory_space<hbm>> -> memref<16x128xi32, #tpu.memory_space<hbm>>
    tpu.enqueue_dma source(%dma_start3A_101 : memref<16x128xi32, #tpu.memory_space<hbm>>) target(%arg8 : memref<16x128xi32, #tpu.memory_space<vmem>>) target_semaphore(%arg16 : memref<!tpu.dma_semaphore, #tpu.memory_space<semaphore_mem>>)
    %scan3A_102 = arith.constant 0 : i32
    %scan3A_103 = arith.constant 8 : i32
    %scan3A_104 = arith.addi %scan3A_102, %scan3A_103 : i32
    %scan3A_105 = arith.constant 1 : i32
    scf.for %scan3A_227 = %scan3A_102 to %scan3A_104 step %scan3A_105  : i32 {
      %mul3A_228 = arith.constant 1 : i32
      %mul3A_229 = arith.muli %scan3A_227, %mul3A_228 : i32
      %add3A_230 = arith.constant 0 : i32
      %add3A_231 = arith.addi %add3A_230, %mul3A_229 : i32
      %mul3A_232 = arith.constant 2 : i32
      %mul3A_233 = arith.muli %add3A_231, %mul3A_232 : i32
      %add3A_234 = arith.constant 0 : i32
      %add3A_235 = arith.addi %mul3A_233, %add3A_234 : i32
      %dma_wait3A_236 = arith.constant 0 : i32
      %dma_wait3A_237 = tpu.memref_slice %arg7[%add3A_235, %dma_wait3A_236] : memref<16x128xi32, #tpu.memory_space<vmem>> -> memref<1x128xi32, #tpu.memory_space<vmem>>
      %dma_wait3A_238 = tpu.memref_squeeze %dma_wait3A_237 : memref<1x128xi32, #tpu.memory_space<vmem>> -> memref<128xi32, #tpu.memory_space<vmem>>
      %dma_wait3A_239 = arith.constant 0 : i32
      %dma_wait3A_240 = arith.constant 0 : i32
      %dma_wait3A_241 = tpu.memref_slice %arg2[%dma_wait3A_239, %dma_wait3A_240] : memref<10000x128xf32, #tpu.memory_space<hbm>> -> memref<10000x128xf32, #tpu.memory_space<hbm>>
      tpu.wait_indirect_dma semaphore(%arg14 : memref<!tpu.dma_semaphore, #tpu.memory_space<semaphore_mem>>) src(%dma_wait3A_241 : memref<10000x128xf32, #tpu.memory_space<hbm>>) dst(%arg10 : memref<128x128xf32, #tpu.memory_space<vmem>>)
      %add3A_242 = arith.constant 0 : i32
      %add3A_243 = arith.addi %mul3A_233, %add3A_242 : i32
      "tpu.region"() ({
        %run_scoped3A = tpu.sem_alloc : memref<!tpu.dma_semaphore, #tpu.memory_space<semaphore_mem>>
        %dma_start3A_269 = arith.constant 0 : i32
        %dma_start3A_270 = tpu.memref_slice %arg9[%add3A_243, %dma_start3A_269] : memref<16x128xi32, #tpu.memory_space<vmem>> -> memref<1x128xi32, #tpu.memory_space<vmem>>
        %dma_start3A_271 = tpu.memref_squeeze %dma_start3A_270 : memref<1x128xi32, #tpu.memory_space<vmem>> -> memref<128xi32, #tpu.memory_space<vmem>>
        %dma_start3A_272 = arith.constant 0 : i32
        %dma_start3A_273 = arith.constant 0 : i32
        %dma_start3A_274 = tpu.memref_slice %arg13[%dma_start3A_272, %dma_start3A_273] : memref<10240x128xf32, #tpu.memory_space<vmem_shared>> -> memref<10240x128xf32, #tpu.memory_space<vmem_shared>>
        tpu.enqueue_indirect_dma source(%arg10 : memref<128x128xf32, #tpu.memory_space<vmem>>) target(%dma_start3A_274 : memref<10240x128xf32, #tpu.memory_space<vmem_shared>>) offsets(%dma_start3A_271 : memref<128xi32, #tpu.memory_space<vmem>>) semaphore(%run_scoped3A : memref<!tpu.dma_semaphore, #tpu.memory_space<semaphore_mem>>) {add = true}
        %dma_wait3A_275 = arith.constant 0 : i32
        %dma_wait3A_276 = tpu.memref_slice %arg9[%add3A_243, %dma_wait3A_275] : memref<16x128xi32, #tpu.memory_space<vmem>> -> memref<1x128xi32, #tpu.memory_space<vmem>>
        %dma_wait3A_277 = tpu.memref_squeeze %dma_wait3A_276 : memref<1x128xi32, #tpu.memory_space<vmem>> -> memref<128xi32, #tpu.memory_space<vmem>>
        %dma_wait3A_278 = arith.constant 0 : i32
        %dma_wait3A_279 = arith.constant 0 : i32
        %dma_wait3A_280 = tpu.memref_slice %arg13[%dma_wait3A_278, %dma_wait3A_279] : memref<10240x128xf32, #tpu.memory_space<vmem_shared>> -> memref<10240x128xf32, #tpu.memory_space<vmem_shared>>
        tpu.wait_indirect_dma semaphore(%run_scoped3A : memref<!tpu.dma_semaphore, #tpu.memory_space<semaphore_mem>>) src(%arg10 : memref<128x128xf32, #tpu.memory_space<vmem>>) dst(%dma_wait3A_280 : memref<10240x128xf32, #tpu.memory_space<vmem_shared>>)
        tpu.yield
      }) : () -> ()
      %add3A_244 = arith.constant 0 : i32
      %add3A_245 = arith.addi %mul3A_233, %add3A_244 : i32
      %add3A_246 = arith.constant 2 : i32
      %add3A_247 = arith.addi %add3A_245, %add3A_246 : i32
      %lt3A = arith.constant 16 : i32
      %lt3A_248 = arith.cmpi slt, %add3A_247, %lt3A : i32
      %convert_element_type3A = arith.extui %lt3A_248 : i1 to i32
      %cond3A = arith.constant 0 : i32
      %cond3A_249 = arith.cmpi ne, %convert_element_type3A, %cond3A : i32
      scf.if %cond3A_249 {
        %add3A_269 = arith.constant 0 : i32
        %add3A_270 = arith.addi %mul3A_233, %add3A_269 : i32
        %add3A_271 = arith.constant 2 : i32
        %add3A_272 = arith.addi %add3A_270, %add3A_271 : i32
        %dma_start3A_273 = arith.constant 0 : i32
        %dma_start3A_274 = tpu.memref_slice %arg7[%add3A_272, %dma_start3A_273] : memref<16x128xi32, #tpu.memory_space<vmem>> -> memref<1x128xi32, #tpu.memory_space<vmem>>
        %dma_start3A_275 = tpu.memref_squeeze %dma_start3A_274 : memref<1x128xi32, #tpu.memory_space<vmem>> -> memref<128xi32, #tpu.memory_space<vmem>>
        %dma_start3A_276 = arith.constant 0 : i32
        %dma_start3A_277 = arith.constant 0 : i32
        %dma_start3A_278 = tpu.memref_slice %arg2[%dma_start3A_276, %dma_start3A_277] : memref<10000x128xf32, #tpu.memory_space<hbm>> -> memref<10000x128xf32, #tpu.memory_space<hbm>>
        tpu.enqueue_indirect_dma source(%dma_start3A_278 : memref<10000x128xf32, #tpu.memory_space<hbm>>) target(%arg10 : memref<128x128xf32, #tpu.memory_space<vmem>>) offsets(%dma_start3A_275 : memref<128xi32, #tpu.memory_space<vmem>>) semaphore(%arg14 : memref<!tpu.dma_semaphore, #tpu.memory_space<semaphore_mem>>)
      } else {
      }
      %add3A_250 = arith.constant 1 : i32
      %add3A_251 = arith.addi %mul3A_233, %add3A_250 : i32
      %dma_wait3A_252 = arith.constant 0 : i32
      %dma_wait3A_253 = tpu.memref_slice %arg7[%add3A_251, %dma_wait3A_252] : memref<16x128xi32, #tpu.memory_space<vmem>> -> memref<1x128xi32, #tpu.memory_space<vmem>>
      %dma_wait3A_254 = tpu.memref_squeeze %dma_wait3A_253 : memref<1x128xi32, #tpu.memory_space<vmem>> -> memref<128xi32, #tpu.memory_space<vmem>>
      %dma_wait3A_255 = arith.constant 0 : i32
      %dma_wait3A_256 = arith.constant 0 : i32
      %dma_wait3A_257 = tpu.memref_slice %arg2[%dma_wait3A_255, %dma_wait3A_256] : memref<10000x128xf32, #tpu.memory_space<hbm>> -> memref<10000x128xf32, #tpu.memory_space<hbm>>
      tpu.wait_indirect_dma semaphore(%arg15 : memref<!tpu.dma_semaphore, #tpu.memory_space<semaphore_mem>>) src(%dma_wait3A_257 : memref<10000x128xf32, #tpu.memory_space<hbm>>) dst(%arg11 : memref<128x128xf32, #tpu.memory_space<vmem>>)
      %add3A_258 = arith.constant 1 : i32
      %add3A_259 = arith.addi %mul3A_233, %add3A_258 : i32
      "tpu.region"() ({
        %run_scoped3A = tpu.sem_alloc : memref<!tpu.dma_semaphore, #tpu.memory_space<semaphore_mem>>
        %dma_start3A_269 = arith.constant 0 : i32
        %dma_start3A_270 = tpu.memref_slice %arg9[%add3A_259, %dma_start3A_269] : memref<16x128xi32, #tpu.memory_space<vmem>> -> memref<1x128xi32, #tpu.memory_space<vmem>>
        %dma_start3A_271 = tpu.memref_squeeze %dma_start3A_270 : memref<1x128xi32, #tpu.memory_space<vmem>> -> memref<128xi32, #tpu.memory_space<vmem>>
        %dma_start3A_272 = arith.constant 0 : i32
        %dma_start3A_273 = arith.constant 0 : i32
        %dma_start3A_274 = tpu.memref_slice %arg13[%dma_start3A_272, %dma_start3A_273] : memref<10240x128xf32, #tpu.memory_space<vmem_shared>> -> memref<10240x128xf32, #tpu.memory_space<vmem_shared>>
        tpu.enqueue_indirect_dma source(%arg11 : memref<128x128xf32, #tpu.memory_space<vmem>>) target(%dma_start3A_274 : memref<10240x128xf32, #tpu.memory_space<vmem_shared>>) offsets(%dma_start3A_271 : memref<128xi32, #tpu.memory_space<vmem>>) semaphore(%run_scoped3A : memref<!tpu.dma_semaphore, #tpu.memory_space<semaphore_mem>>) {add = true}
        %dma_wait3A_275 = arith.constant 0 : i32
        %dma_wait3A_276 = tpu.memref_slice %arg9[%add3A_259, %dma_wait3A_275] : memref<16x128xi32, #tpu.memory_space<vmem>> -> memref<1x128xi32, #tpu.memory_space<vmem>>
        %dma_wait3A_277 = tpu.memref_squeeze %dma_wait3A_276 : memref<1x128xi32, #tpu.memory_space<vmem>> -> memref<128xi32, #tpu.memory_space<vmem>>
        %dma_wait3A_278 = arith.constant 0 : i32
        %dma_wait3A_279 = arith.constant 0 : i32
        %dma_wait3A_280 = tpu.memref_slice %arg13[%dma_wait3A_278, %dma_wait3A_279] : memref<10240x128xf32, #tpu.memory_space<vmem_shared>> -> memref<10240x128xf32, #tpu.memory_space<vmem_shared>>
        tpu.wait_indirect_dma semaphore(%run_scoped3A : memref<!tpu.dma_semaphore, #tpu.memory_space<semaphore_mem>>) src(%arg11 : memref<128x128xf32, #tpu.memory_space<vmem>>) dst(%dma_wait3A_280 : memref<10240x128xf32, #tpu.memory_space<vmem_shared>>)
        tpu.yield
      }) : () -> ()
      %add3A_260 = arith.constant 1 : i32
      %add3A_261 = arith.addi %mul3A_233, %add3A_260 : i32
      %add3A_262 = arith.constant 2 : i32
      %add3A_263 = arith.addi %add3A_261, %add3A_262 : i32
      %lt3A_264 = arith.constant 16 : i32
      %lt3A_265 = arith.cmpi slt, %add3A_263, %lt3A_264 : i32
      %convert_element_type3A_266 = arith.extui %lt3A_265 : i1 to i32
      %cond3A_267 = arith.constant 0 : i32
      %cond3A_268 = arith.cmpi ne, %convert_element_type3A_266, %cond3A_267 : i32
      scf.if %cond3A_268 {
        %add3A_269 = arith.constant 1 : i32
        %add3A_270 = arith.addi %mul3A_233, %add3A_269 : i32
        %add3A_271 = arith.constant 2 : i32
        %add3A_272 = arith.addi %add3A_270, %add3A_271 : i32
        %dma_start3A_273 = arith.constant 0 : i32
        %dma_start3A_274 = tpu.memref_slice %arg7[%add3A_272, %dma_start3A_273] : memref<16x128xi32, #tpu.memory_space<vmem>> -> memref<1x128xi32, #tpu.memory_space<vmem>>
        %dma_start3A_275 = tpu.memref_squeeze %dma_start3A_274 : memref<1x128xi32, #tpu.memory_space<vmem>> -> memref<128xi32, #tpu.memory_space<vmem>>
        %dma_start3A_276 = arith.constant 0 : i32
        %dma_start3A_277 = arith.constant 0 : i32
        %dma_start3A_278 = tpu.memref_slice %arg2[%dma_start3A_276, %dma_start3A_277] : memref<10000x128xf32, #tpu.memory_space<hbm>> -> memref<10000x128xf32, #tpu.memory_space<hbm>>
        tpu.enqueue_indirect_dma source(%dma_start3A_278 : memref<10000x128xf32, #tpu.memory_space<hbm>>) target(%arg11 : memref<128x128xf32, #tpu.memory_space<vmem>>) offsets(%dma_start3A_275 : memref<128xi32, #tpu.memory_space<vmem>>) semaphore(%arg15 : memref<!tpu.dma_semaphore, #tpu.memory_space<semaphore_mem>>)
      } else {
      }
    }
    %scan3A_106 = arith.constant 8 : i32
    %mul3A_107 = arith.constant 80 : i32
    %mul3A_108 = arith.muli %add3A, %mul3A_107 : i32
    %add3A_109 = arith.constant 32 : i32
    %add3A_110 = arith.addi %mul3A_108, %add3A_109 : i32
    %dma_wait3A_111 = arith.constant 0 : i32
    %dma_wait3A_112 = tpu.memref_slice %arg3[%add3A_110, %dma_wait3A_111] : memref<2560x128xi32, #tpu.memory_space<hbm>> -> memref<16x128xi32, #tpu.memory_space<hbm>>
    %dma_wait3A_113 = arith.constant 0 : i32
    %dma_wait3A_114 = tpu.memref_slice %arg3[%add3A_110, %dma_wait3A_113] : memref<2560x128xi32, #tpu.memory_space<hbm>> -> memref<16x128xi32, #tpu.memory_space<hbm>>
    tpu.wait_dma2 semaphore(%arg16 : memref<!tpu.dma_semaphore, #tpu.memory_space<semaphore_mem>>) src(%dma_wait3A_114 : memref<16x128xi32, #tpu.memory_space<hbm>>) dst(%arg6 : memref<16x128xi32, #tpu.memory_space<vmem>>)
    %dma_wait3A_115 = arith.constant 0 : i32
    %dma_wait3A_116 = tpu.memref_slice %arg4[%add3A_110, %dma_wait3A_115] : memref<2560x128xi32, #tpu.memory_space<hbm>> -> memref<16x128xi32, #tpu.memory_space<hbm>>
    %dma_wait3A_117 = arith.constant 0 : i32
    %dma_wait3A_118 = tpu.memref_slice %arg4[%add3A_110, %dma_wait3A_117] : memref<2560x128xi32, #tpu.memory_space<hbm>> -> memref<16x128xi32, #tpu.memory_space<hbm>>
    tpu.wait_dma2 semaphore(%arg16 : memref<!tpu.dma_semaphore, #tpu.memory_space<semaphore_mem>>) src(%dma_wait3A_118 : memref<16x128xi32, #tpu.memory_space<hbm>>) dst(%arg8 : memref<16x128xi32, #tpu.memory_space<vmem>>)
    %dma_start3A_119 = arith.constant 0 : i32
    %dma_start3A_120 = arith.constant 0 : i32
    %dma_start3A_121 = tpu.memref_slice %arg6[%dma_start3A_119, %dma_start3A_120] : memref<16x128xi32, #tpu.memory_space<vmem>> -> memref<1x128xi32, #tpu.memory_space<vmem>>
    %dma_start3A_122 = tpu.memref_squeeze %dma_start3A_121 : memref<1x128xi32, #tpu.memory_space<vmem>> -> memref<128xi32, #tpu.memory_space<vmem>>
    %dma_start3A_123 = arith.constant 0 : i32
    %dma_start3A_124 = arith.constant 0 : i32
    %dma_start3A_125 = tpu.memref_slice %arg2[%dma_start3A_123, %dma_start3A_124] : memref<10000x128xf32, #tpu.memory_space<hbm>> -> memref<10000x128xf32, #tpu.memory_space<hbm>>
    tpu.enqueue_indirect_dma source(%dma_start3A_125 : memref<10000x128xf32, #tpu.memory_space<hbm>>) target(%arg10 : memref<128x128xf32, #tpu.memory_space<vmem>>) offsets(%dma_start3A_122 : memref<128xi32, #tpu.memory_space<vmem>>) semaphore(%arg14 : memref<!tpu.dma_semaphore, #tpu.memory_space<semaphore_mem>>)
    %dma_start3A_126 = arith.constant 1 : i32
    %dma_start3A_127 = arith.constant 0 : i32
    %dma_start3A_128 = tpu.memref_slice %arg6[%dma_start3A_126, %dma_start3A_127] : memref<16x128xi32, #tpu.memory_space<vmem>> -> memref<1x128xi32, #tpu.memory_space<vmem>>
    %dma_start3A_129 = tpu.memref_squeeze %dma_start3A_128 : memref<1x128xi32, #tpu.memory_space<vmem>> -> memref<128xi32, #tpu.memory_space<vmem>>
    %dma_start3A_130 = arith.constant 0 : i32
    %dma_start3A_131 = arith.constant 0 : i32
    %dma_start3A_132 = tpu.memref_slice %arg2[%dma_start3A_130, %dma_start3A_131] : memref<10000x128xf32, #tpu.memory_space<hbm>> -> memref<10000x128xf32, #tpu.memory_space<hbm>>
    tpu.enqueue_indirect_dma source(%dma_start3A_132 : memref<10000x128xf32, #tpu.memory_space<hbm>>) target(%arg11 : memref<128x128xf32, #tpu.memory_space<vmem>>) offsets(%dma_start3A_129 : memref<128xi32, #tpu.memory_space<vmem>>) semaphore(%arg15 : memref<!tpu.dma_semaphore, #tpu.memory_space<semaphore_mem>>)
    %mul3A_133 = arith.constant 80 : i32
    %mul3A_134 = arith.muli %add3A, %mul3A_133 : i32
    %add3A_135 = arith.constant 48 : i32
    %add3A_136 = arith.addi %mul3A_134, %add3A_135 : i32
    %dma_start3A_137 = arith.constant 0 : i32
    %dma_start3A_138 = tpu.memref_slice %arg3[%add3A_136, %dma_start3A_137] : memref<2560x128xi32, #tpu.memory_space<hbm>> -> memref<16x128xi32, #tpu.memory_space<hbm>>
    %dma_start3A_139 = arith.constant 0 : i32
    %dma_start3A_140 = tpu.memref_slice %arg3[%add3A_136, %dma_start3A_139] : memref<2560x128xi32, #tpu.memory_space<hbm>> -> memref<16x128xi32, #tpu.memory_space<hbm>>
    tpu.enqueue_dma source(%dma_start3A_140 : memref<16x128xi32, #tpu.memory_space<hbm>>) target(%arg7 : memref<16x128xi32, #tpu.memory_space<vmem>>) target_semaphore(%arg17 : memref<!tpu.dma_semaphore, #tpu.memory_space<semaphore_mem>>)
    %dma_start3A_141 = arith.constant 0 : i32
    %dma_start3A_142 = tpu.memref_slice %arg4[%add3A_136, %dma_start3A_141] : memref<2560x128xi32, #tpu.memory_space<hbm>> -> memref<16x128xi32, #tpu.memory_space<hbm>>
    %dma_start3A_143 = arith.constant 0 : i32
    %dma_start3A_144 = tpu.memref_slice %arg4[%add3A_136, %dma_start3A_143] : memref<2560x128xi32, #tpu.memory_space<hbm>> -> memref<16x128xi32, #tpu.memory_space<hbm>>
    tpu.enqueue_dma source(%dma_start3A_144 : memref<16x128xi32, #tpu.memory_space<hbm>>) target(%arg9 : memref<16x128xi32, #tpu.memory_space<vmem>>) target_semaphore(%arg17 : memref<!tpu.dma_semaphore, #tpu.memory_space<semaphore_mem>>)
    %scan3A_145 = arith.constant 0 : i32
    %scan3A_146 = arith.constant 8 : i32
    %scan3A_147 = arith.addi %scan3A_145, %scan3A_146 : i32
    %scan3A_148 = arith.constant 1 : i32
    scf.for %scan3A_227 = %scan3A_145 to %scan3A_147 step %scan3A_148  : i32 {
      %mul3A_228 = arith.constant 1 : i32
      %mul3A_229 = arith.muli %scan3A_227, %mul3A_228 : i32
      %add3A_230 = arith.constant 0 : i32
      %add3A_231 = arith.addi %add3A_230, %mul3A_229 : i32
      %mul3A_232 = arith.constant 2 : i32
      %mul3A_233 = arith.muli %add3A_231, %mul3A_232 : i32
      %add3A_234 = arith.constant 0 : i32
      %add3A_235 = arith.addi %mul3A_233, %add3A_234 : i32
      %dma_wait3A_236 = arith.constant 0 : i32
      %dma_wait3A_237 = tpu.memref_slice %arg6[%add3A_235, %dma_wait3A_236] : memref<16x128xi32, #tpu.memory_space<vmem>> -> memref<1x128xi32, #tpu.memory_space<vmem>>
      %dma_wait3A_238 = tpu.memref_squeeze %dma_wait3A_237 : memref<1x128xi32, #tpu.memory_space<vmem>> -> memref<128xi32, #tpu.memory_space<vmem>>
      %dma_wait3A_239 = arith.constant 0 : i32
      %dma_wait3A_240 = arith.constant 0 : i32
      %dma_wait3A_241 = tpu.memref_slice %arg2[%dma_wait3A_239, %dma_wait3A_240] : memref<10000x128xf32, #tpu.memory_space<hbm>> -> memref<10000x128xf32, #tpu.memory_space<hbm>>
      tpu.wait_indirect_dma semaphore(%arg14 : memref<!tpu.dma_semaphore, #tpu.memory_space<semaphore_mem>>) src(%dma_wait3A_241 : memref<10000x128xf32, #tpu.memory_space<hbm>>) dst(%arg10 : memref<128x128xf32, #tpu.memory_space<vmem>>)
      %add3A_242 = arith.constant 0 : i32
      %add3A_243 = arith.addi %mul3A_233, %add3A_242 : i32
      "tpu.region"() ({
        %run_scoped3A = tpu.sem_alloc : memref<!tpu.dma_semaphore, #tpu.memory_space<semaphore_mem>>
        %dma_start3A_269 = arith.constant 0 : i32
        %dma_start3A_270 = tpu.memref_slice %arg8[%add3A_243, %dma_start3A_269] : memref<16x128xi32, #tpu.memory_space<vmem>> -> memref<1x128xi32, #tpu.memory_space<vmem>>
        %dma_start3A_271 = tpu.memref_squeeze %dma_start3A_270 : memref<1x128xi32, #tpu.memory_space<vmem>> -> memref<128xi32, #tpu.memory_space<vmem>>
        %dma_start3A_272 = arith.constant 0 : i32
        %dma_start3A_273 = arith.constant 0 : i32
        %dma_start3A_274 = tpu.memref_slice %arg13[%dma_start3A_272, %dma_start3A_273] : memref<10240x128xf32, #tpu.memory_space<vmem_shared>> -> memref<10240x128xf32, #tpu.memory_space<vmem_shared>>
        tpu.enqueue_indirect_dma source(%arg10 : memref<128x128xf32, #tpu.memory_space<vmem>>) target(%dma_start3A_274 : memref<10240x128xf32, #tpu.memory_space<vmem_shared>>) offsets(%dma_start3A_271 : memref<128xi32, #tpu.memory_space<vmem>>) semaphore(%run_scoped3A : memref<!tpu.dma_semaphore, #tpu.memory_space<semaphore_mem>>) {add = true}
        %dma_wait3A_275 = arith.constant 0 : i32
        %dma_wait3A_276 = tpu.memref_slice %arg8[%add3A_243, %dma_wait3A_275] : memref<16x128xi32, #tpu.memory_space<vmem>> -> memref<1x128xi32, #tpu.memory_space<vmem>>
        %dma_wait3A_277 = tpu.memref_squeeze %dma_wait3A_276 : memref<1x128xi32, #tpu.memory_space<vmem>> -> memref<128xi32, #tpu.memory_space<vmem>>
        %dma_wait3A_278 = arith.constant 0 : i32
        %dma_wait3A_279 = arith.constant 0 : i32
        %dma_wait3A_280 = tpu.memref_slice %arg13[%dma_wait3A_278, %dma_wait3A_279] : memref<10240x128xf32, #tpu.memory_space<vmem_shared>> -> memref<10240x128xf32, #tpu.memory_space<vmem_shared>>
        tpu.wait_indirect_dma semaphore(%run_scoped3A : memref<!tpu.dma_semaphore, #tpu.memory_space<semaphore_mem>>) src(%arg10 : memref<128x128xf32, #tpu.memory_space<vmem>>) dst(%dma_wait3A_280 : memref<10240x128xf32, #tpu.memory_space<vmem_shared>>)
        tpu.yield
      }) : () -> ()
      %add3A_244 = arith.constant 0 : i32
      %add3A_245 = arith.addi %mul3A_233, %add3A_244 : i32
      %add3A_246 = arith.constant 2 : i32
      %add3A_247 = arith.addi %add3A_245, %add3A_246 : i32
      %lt3A = arith.constant 16 : i32
      %lt3A_248 = arith.cmpi slt, %add3A_247, %lt3A : i32
      %convert_element_type3A = arith.extui %lt3A_248 : i1 to i32
      %cond3A = arith.constant 0 : i32
      %cond3A_249 = arith.cmpi ne, %convert_element_type3A, %cond3A : i32
      scf.if %cond3A_249 {
        %add3A_269 = arith.constant 0 : i32
        %add3A_270 = arith.addi %mul3A_233, %add3A_269 : i32
        %add3A_271 = arith.constant 2 : i32
        %add3A_272 = arith.addi %add3A_270, %add3A_271 : i32
        %dma_start3A_273 = arith.constant 0 : i32
        %dma_start3A_274 = tpu.memref_slice %arg6[%add3A_272, %dma_start3A_273] : memref<16x128xi32, #tpu.memory_space<vmem>> -> memref<1x128xi32, #tpu.memory_space<vmem>>
        %dma_start3A_275 = tpu.memref_squeeze %dma_start3A_274 : memref<1x128xi32, #tpu.memory_space<vmem>> -> memref<128xi32, #tpu.memory_space<vmem>>
        %dma_start3A_276 = arith.constant 0 : i32
        %dma_start3A_277 = arith.constant 0 : i32
        %dma_start3A_278 = tpu.memref_slice %arg2[%dma_start3A_276, %dma_start3A_277] : memref<10000x128xf32, #tpu.memory_space<hbm>> -> memref<10000x128xf32, #tpu.memory_space<hbm>>
        tpu.enqueue_indirect_dma source(%dma_start3A_278 : memref<10000x128xf32, #tpu.memory_space<hbm>>) target(%arg10 : memref<128x128xf32, #tpu.memory_space<vmem>>) offsets(%dma_start3A_275 : memref<128xi32, #tpu.memory_space<vmem>>) semaphore(%arg14 : memref<!tpu.dma_semaphore, #tpu.memory_space<semaphore_mem>>)
      } else {
      }
      %add3A_250 = arith.constant 1 : i32
      %add3A_251 = arith.addi %mul3A_233, %add3A_250 : i32
      %dma_wait3A_252 = arith.constant 0 : i32
      %dma_wait3A_253 = tpu.memref_slice %arg6[%add3A_251, %dma_wait3A_252] : memref<16x128xi32, #tpu.memory_space<vmem>> -> memref<1x128xi32, #tpu.memory_space<vmem>>
      %dma_wait3A_254 = tpu.memref_squeeze %dma_wait3A_253 : memref<1x128xi32, #tpu.memory_space<vmem>> -> memref<128xi32, #tpu.memory_space<vmem>>
      %dma_wait3A_255 = arith.constant 0 : i32
      %dma_wait3A_256 = arith.constant 0 : i32
      %dma_wait3A_257 = tpu.memref_slice %arg2[%dma_wait3A_255, %dma_wait3A_256] : memref<10000x128xf32, #tpu.memory_space<hbm>> -> memref<10000x128xf32, #tpu.memory_space<hbm>>
      tpu.wait_indirect_dma semaphore(%arg15 : memref<!tpu.dma_semaphore, #tpu.memory_space<semaphore_mem>>) src(%dma_wait3A_257 : memref<10000x128xf32, #tpu.memory_space<hbm>>) dst(%arg11 : memref<128x128xf32, #tpu.memory_space<vmem>>)
      %add3A_258 = arith.constant 1 : i32
      %add3A_259 = arith.addi %mul3A_233, %add3A_258 : i32
      "tpu.region"() ({
        %run_scoped3A = tpu.sem_alloc : memref<!tpu.dma_semaphore, #tpu.memory_space<semaphore_mem>>
        %dma_start3A_269 = arith.constant 0 : i32
        %dma_start3A_270 = tpu.memref_slice %arg8[%add3A_259, %dma_start3A_269] : memref<16x128xi32, #tpu.memory_space<vmem>> -> memref<1x128xi32, #tpu.memory_space<vmem>>
        %dma_start3A_271 = tpu.memref_squeeze %dma_start3A_270 : memref<1x128xi32, #tpu.memory_space<vmem>> -> memref<128xi32, #tpu.memory_space<vmem>>
        %dma_start3A_272 = arith.constant 0 : i32
        %dma_start3A_273 = arith.constant 0 : i32
        %dma_start3A_274 = tpu.memref_slice %arg13[%dma_start3A_272, %dma_start3A_273] : memref<10240x128xf32, #tpu.memory_space<vmem_shared>> -> memref<10240x128xf32, #tpu.memory_space<vmem_shared>>
        tpu.enqueue_indirect_dma source(%arg11 : memref<128x128xf32, #tpu.memory_space<vmem>>) target(%dma_start3A_274 : memref<10240x128xf32, #tpu.memory_space<vmem_shared>>) offsets(%dma_start3A_271 : memref<128xi32, #tpu.memory_space<vmem>>) semaphore(%run_scoped3A : memref<!tpu.dma_semaphore, #tpu.memory_space<semaphore_mem>>) {add = true}
        %dma_wait3A_275 = arith.constant 0 : i32
        %dma_wait3A_276 = tpu.memref_slice %arg8[%add3A_259, %dma_wait3A_275] : memref<16x128xi32, #tpu.memory_space<vmem>> -> memref<1x128xi32, #tpu.memory_space<vmem>>
        %dma_wait3A_277 = tpu.memref_squeeze %dma_wait3A_276 : memref<1x128xi32, #tpu.memory_space<vmem>> -> memref<128xi32, #tpu.memory_space<vmem>>
        %dma_wait3A_278 = arith.constant 0 : i32
        %dma_wait3A_279 = arith.constant 0 : i32
        %dma_wait3A_280 = tpu.memref_slice %arg13[%dma_wait3A_278, %dma_wait3A_279] : memref<10240x128xf32, #tpu.memory_space<vmem_shared>> -> memref<10240x128xf32, #tpu.memory_space<vmem_shared>>
        tpu.wait_indirect_dma semaphore(%run_scoped3A : memref<!tpu.dma_semaphore, #tpu.memory_space<semaphore_mem>>) src(%arg11 : memref<128x128xf32, #tpu.memory_space<vmem>>) dst(%dma_wait3A_280 : memref<10240x128xf32, #tpu.memory_space<vmem_shared>>)
        tpu.yield
      }) : () -> ()
      %add3A_260 = arith.constant 1 : i32
      %add3A_261 = arith.addi %mul3A_233, %add3A_260 : i32
      %add3A_262 = arith.constant 2 : i32
      %add3A_263 = arith.addi %add3A_261, %add3A_262 : i32
      %lt3A_264 = arith.constant 16 : i32
      %lt3A_265 = arith.cmpi slt, %add3A_263, %lt3A_264 : i32
      %convert_element_type3A_266 = arith.extui %lt3A_265 : i1 to i32
      %cond3A_267 = arith.constant 0 : i32
      %cond3A_268 = arith.cmpi ne, %convert_element_type3A_266, %cond3A_267 : i32
      scf.if %cond3A_268 {
        %add3A_269 = arith.constant 1 : i32
        %add3A_270 = arith.addi %mul3A_233, %add3A_269 : i32
        %add3A_271 = arith.constant 2 : i32
        %add3A_272 = arith.addi %add3A_270, %add3A_271 : i32
        %dma_start3A_273 = arith.constant 0 : i32
        %dma_start3A_274 = tpu.memref_slice %arg6[%add3A_272, %dma_start3A_273] : memref<16x128xi32, #tpu.memory_space<vmem>> -> memref<1x128xi32, #tpu.memory_space<vmem>>
        %dma_start3A_275 = tpu.memref_squeeze %dma_start3A_274 : memref<1x128xi32, #tpu.memory_space<vmem>> -> memref<128xi32, #tpu.memory_space<vmem>>
        %dma_start3A_276 = arith.constant 0 : i32
        %dma_start3A_277 = arith.constant 0 : i32
        %dma_start3A_278 = tpu.memref_slice %arg2[%dma_start3A_276, %dma_start3A_277] : memref<10000x128xf32, #tpu.memory_space<hbm>> -> memref<10000x128xf32, #tpu.memory_space<hbm>>
        tpu.enqueue_indirect_dma source(%dma_start3A_278 : memref<10000x128xf32, #tpu.memory_space<hbm>>) target(%arg11 : memref<128x128xf32, #tpu.memory_space<vmem>>) offsets(%dma_start3A_275 : memref<128xi32, #tpu.memory_space<vmem>>) semaphore(%arg15 : memref<!tpu.dma_semaphore, #tpu.memory_space<semaphore_mem>>)
      } else {
      }
    }
    %scan3A_149 = arith.constant 8 : i32
    %mul3A_150 = arith.constant 80 : i32
    %mul3A_151 = arith.muli %add3A, %mul3A_150 : i32
    %add3A_152 = arith.constant 48 : i32
    %add3A_153 = arith.addi %mul3A_151, %add3A_152 : i32
    %dma_wait3A_154 = arith.constant 0 : i32
    %dma_wait3A_155 = tpu.memref_slice %arg3[%add3A_153, %dma_wait3A_154] : memref<2560x128xi32, #tpu.memory_space<hbm>> -> memref<16x128xi32, #tpu.memory_space<hbm>>
    %dma_wait3A_156 = arith.constant 0 : i32
    %dma_wait3A_157 = tpu.memref_slice %arg3[%add3A_153, %dma_wait3A_156] : memref<2560x128xi32, #tpu.memory_space<hbm>> -> memref<16x128xi32, #tpu.memory_space<hbm>>
    tpu.wait_dma2 semaphore(%arg17 : memref<!tpu.dma_semaphore, #tpu.memory_space<semaphore_mem>>) src(%dma_wait3A_157 : memref<16x128xi32, #tpu.memory_space<hbm>>) dst(%arg7 : memref<16x128xi32, #tpu.memory_space<vmem>>)
    %dma_wait3A_158 = arith.constant 0 : i32
    %dma_wait3A_159 = tpu.memref_slice %arg4[%add3A_153, %dma_wait3A_158] : memref<2560x128xi32, #tpu.memory_space<hbm>> -> memref<16x128xi32, #tpu.memory_space<hbm>>
    %dma_wait3A_160 = arith.constant 0 : i32
    %dma_wait3A_161 = tpu.memref_slice %arg4[%add3A_153, %dma_wait3A_160] : memref<2560x128xi32, #tpu.memory_space<hbm>> -> memref<16x128xi32, #tpu.memory_space<hbm>>
    tpu.wait_dma2 semaphore(%arg17 : memref<!tpu.dma_semaphore, #tpu.memory_space<semaphore_mem>>) src(%dma_wait3A_161 : memref<16x128xi32, #tpu.memory_space<hbm>>) dst(%arg9 : memref<16x128xi32, #tpu.memory_space<vmem>>)
    %dma_start3A_162 = arith.constant 0 : i32
    %dma_start3A_163 = arith.constant 0 : i32
    %dma_start3A_164 = tpu.memref_slice %arg7[%dma_start3A_162, %dma_start3A_163] : memref<16x128xi32, #tpu.memory_space<vmem>> -> memref<1x128xi32, #tpu.memory_space<vmem>>
    %dma_start3A_165 = tpu.memref_squeeze %dma_start3A_164 : memref<1x128xi32, #tpu.memory_space<vmem>> -> memref<128xi32, #tpu.memory_space<vmem>>
    %dma_start3A_166 = arith.constant 0 : i32
    %dma_start3A_167 = arith.constant 0 : i32
    %dma_start3A_168 = tpu.memref_slice %arg2[%dma_start3A_166, %dma_start3A_167] : memref<10000x128xf32, #tpu.memory_space<hbm>> -> memref<10000x128xf32, #tpu.memory_space<hbm>>
    tpu.enqueue_indirect_dma source(%dma_start3A_168 : memref<10000x128xf32, #tpu.memory_space<hbm>>) target(%arg10 : memref<128x128xf32, #tpu.memory_space<vmem>>) offsets(%dma_start3A_165 : memref<128xi32, #tpu.memory_space<vmem>>) semaphore(%arg14 : memref<!tpu.dma_semaphore, #tpu.memory_space<semaphore_mem>>)
    %dma_start3A_169 = arith.constant 1 : i32
    %dma_start3A_170 = arith.constant 0 : i32
    %dma_start3A_171 = tpu.memref_slice %arg7[%dma_start3A_169, %dma_start3A_170] : memref<16x128xi32, #tpu.memory_space<vmem>> -> memref<1x128xi32, #tpu.memory_space<vmem>>
    %dma_start3A_172 = tpu.memref_squeeze %dma_start3A_171 : memref<1x128xi32, #tpu.memory_space<vmem>> -> memref<128xi32, #tpu.memory_space<vmem>>
    %dma_start3A_173 = arith.constant 0 : i32
    %dma_start3A_174 = arith.constant 0 : i32
    %dma_start3A_175 = tpu.memref_slice %arg2[%dma_start3A_173, %dma_start3A_174] : memref<10000x128xf32, #tpu.memory_space<hbm>> -> memref<10000x128xf32, #tpu.memory_space<hbm>>
    tpu.enqueue_indirect_dma source(%dma_start3A_175 : memref<10000x128xf32, #tpu.memory_space<hbm>>) target(%arg11 : memref<128x128xf32, #tpu.memory_space<vmem>>) offsets(%dma_start3A_172 : memref<128xi32, #tpu.memory_space<vmem>>) semaphore(%arg15 : memref<!tpu.dma_semaphore, #tpu.memory_space<semaphore_mem>>)
    %mul3A_176 = arith.constant 80 : i32
    %mul3A_177 = arith.muli %add3A, %mul3A_176 : i32
    %add3A_178 = arith.constant 64 : i32
    %add3A_179 = arith.addi %mul3A_177, %add3A_178 : i32
    %dma_start3A_180 = arith.constant 0 : i32
    %dma_start3A_181 = tpu.memref_slice %arg3[%add3A_179, %dma_start3A_180] : memref<2560x128xi32, #tpu.memory_space<hbm>> -> memref<16x128xi32, #tpu.memory_space<hbm>>
    %dma_start3A_182 = arith.constant 0 : i32
    %dma_start3A_183 = tpu.memref_slice %arg3[%add3A_179, %dma_start3A_182] : memref<2560x128xi32, #tpu.memory_space<hbm>> -> memref<16x128xi32, #tpu.memory_space<hbm>>
    tpu.enqueue_dma source(%dma_start3A_183 : memref<16x128xi32, #tpu.memory_space<hbm>>) target(%arg6 : memref<16x128xi32, #tpu.memory_space<vmem>>) target_semaphore(%arg16 : memref<!tpu.dma_semaphore, #tpu.memory_space<semaphore_mem>>)
    %dma_start3A_184 = arith.constant 0 : i32
    %dma_start3A_185 = tpu.memref_slice %arg4[%add3A_179, %dma_start3A_184] : memref<2560x128xi32, #tpu.memory_space<hbm>> -> memref<16x128xi32, #tpu.memory_space<hbm>>
    %dma_start3A_186 = arith.constant 0 : i32
    %dma_start3A_187 = tpu.memref_slice %arg4[%add3A_179, %dma_start3A_186] : memref<2560x128xi32, #tpu.memory_space<hbm>> -> memref<16x128xi32, #tpu.memory_space<hbm>>
    tpu.enqueue_dma source(%dma_start3A_187 : memref<16x128xi32, #tpu.memory_space<hbm>>) target(%arg8 : memref<16x128xi32, #tpu.memory_space<vmem>>) target_semaphore(%arg16 : memref<!tpu.dma_semaphore, #tpu.memory_space<semaphore_mem>>)
    %scan3A_188 = arith.constant 0 : i32
    %scan3A_189 = arith.constant 8 : i32
    %scan3A_190 = arith.addi %scan3A_188, %scan3A_189 : i32
    %scan3A_191 = arith.constant 1 : i32
    scf.for %scan3A_227 = %scan3A_188 to %scan3A_190 step %scan3A_191  : i32 {
      %mul3A_228 = arith.constant 1 : i32
      %mul3A_229 = arith.muli %scan3A_227, %mul3A_228 : i32
      %add3A_230 = arith.constant 0 : i32
      %add3A_231 = arith.addi %add3A_230, %mul3A_229 : i32
      %mul3A_232 = arith.constant 2 : i32
      %mul3A_233 = arith.muli %add3A_231, %mul3A_232 : i32
      %add3A_234 = arith.constant 0 : i32
      %add3A_235 = arith.addi %mul3A_233, %add3A_234 : i32
      %dma_wait3A_236 = arith.constant 0 : i32
      %dma_wait3A_237 = tpu.memref_slice %arg7[%add3A_235, %dma_wait3A_236] : memref<16x128xi32, #tpu.memory_space<vmem>> -> memref<1x128xi32, #tpu.memory_space<vmem>>
      %dma_wait3A_238 = tpu.memref_squeeze %dma_wait3A_237 : memref<1x128xi32, #tpu.memory_space<vmem>> -> memref<128xi32, #tpu.memory_space<vmem>>
      %dma_wait3A_239 = arith.constant 0 : i32
      %dma_wait3A_240 = arith.constant 0 : i32
      %dma_wait3A_241 = tpu.memref_slice %arg2[%dma_wait3A_239, %dma_wait3A_240] : memref<10000x128xf32, #tpu.memory_space<hbm>> -> memref<10000x128xf32, #tpu.memory_space<hbm>>
      tpu.wait_indirect_dma semaphore(%arg14 : memref<!tpu.dma_semaphore, #tpu.memory_space<semaphore_mem>>) src(%dma_wait3A_241 : memref<10000x128xf32, #tpu.memory_space<hbm>>) dst(%arg10 : memref<128x128xf32, #tpu.memory_space<vmem>>)
      %add3A_242 = arith.constant 0 : i32
      %add3A_243 = arith.addi %mul3A_233, %add3A_242 : i32
      "tpu.region"() ({
        %run_scoped3A = tpu.sem_alloc : memref<!tpu.dma_semaphore, #tpu.memory_space<semaphore_mem>>
        %dma_start3A_269 = arith.constant 0 : i32
        %dma_start3A_270 = tpu.memref_slice %arg9[%add3A_243, %dma_start3A_269] : memref<16x128xi32, #tpu.memory_space<vmem>> -> memref<1x128xi32, #tpu.memory_space<vmem>>
        %dma_start3A_271 = tpu.memref_squeeze %dma_start3A_270 : memref<1x128xi32, #tpu.memory_space<vmem>> -> memref<128xi32, #tpu.memory_space<vmem>>
        %dma_start3A_272 = arith.constant 0 : i32
        %dma_start3A_273 = arith.constant 0 : i32
        %dma_start3A_274 = tpu.memref_slice %arg13[%dma_start3A_272, %dma_start3A_273] : memref<10240x128xf32, #tpu.memory_space<vmem_shared>> -> memref<10240x128xf32, #tpu.memory_space<vmem_shared>>
        tpu.enqueue_indirect_dma source(%arg10 : memref<128x128xf32, #tpu.memory_space<vmem>>) target(%dma_start3A_274 : memref<10240x128xf32, #tpu.memory_space<vmem_shared>>) offsets(%dma_start3A_271 : memref<128xi32, #tpu.memory_space<vmem>>) semaphore(%run_scoped3A : memref<!tpu.dma_semaphore, #tpu.memory_space<semaphore_mem>>) {add = true}
        %dma_wait3A_275 = arith.constant 0 : i32
        %dma_wait3A_276 = tpu.memref_slice %arg9[%add3A_243, %dma_wait3A_275] : memref<16x128xi32, #tpu.memory_space<vmem>> -> memref<1x128xi32, #tpu.memory_space<vmem>>
        %dma_wait3A_277 = tpu.memref_squeeze %dma_wait3A_276 : memref<1x128xi32, #tpu.memory_space<vmem>> -> memref<128xi32, #tpu.memory_space<vmem>>
        %dma_wait3A_278 = arith.constant 0 : i32
        %dma_wait3A_279 = arith.constant 0 : i32
        %dma_wait3A_280 = tpu.memref_slice %arg13[%dma_wait3A_278, %dma_wait3A_279] : memref<10240x128xf32, #tpu.memory_space<vmem_shared>> -> memref<10240x128xf32, #tpu.memory_space<vmem_shared>>
        tpu.wait_indirect_dma semaphore(%run_scoped3A : memref<!tpu.dma_semaphore, #tpu.memory_space<semaphore_mem>>) src(%arg10 : memref<128x128xf32, #tpu.memory_space<vmem>>) dst(%dma_wait3A_280 : memref<10240x128xf32, #tpu.memory_space<vmem_shared>>)
        tpu.yield
      }) : () -> ()
      %add3A_244 = arith.constant 0 : i32
      %add3A_245 = arith.addi %mul3A_233, %add3A_244 : i32
      %add3A_246 = arith.constant 2 : i32
      %add3A_247 = arith.addi %add3A_245, %add3A_246 : i32
      %lt3A = arith.constant 16 : i32
      %lt3A_248 = arith.cmpi slt, %add3A_247, %lt3A : i32
      %convert_element_type3A = arith.extui %lt3A_248 : i1 to i32
      %cond3A = arith.constant 0 : i32
      %cond3A_249 = arith.cmpi ne, %convert_element_type3A, %cond3A : i32
      scf.if %cond3A_249 {
        %add3A_269 = arith.constant 0 : i32
        %add3A_270 = arith.addi %mul3A_233, %add3A_269 : i32
        %add3A_271 = arith.constant 2 : i32
        %add3A_272 = arith.addi %add3A_270, %add3A_271 : i32
        %dma_start3A_273 = arith.constant 0 : i32
        %dma_start3A_274 = tpu.memref_slice %arg7[%add3A_272, %dma_start3A_273] : memref<16x128xi32, #tpu.memory_space<vmem>> -> memref<1x128xi32, #tpu.memory_space<vmem>>
        %dma_start3A_275 = tpu.memref_squeeze %dma_start3A_274 : memref<1x128xi32, #tpu.memory_space<vmem>> -> memref<128xi32, #tpu.memory_space<vmem>>
        %dma_start3A_276 = arith.constant 0 : i32
        %dma_start3A_277 = arith.constant 0 : i32
        %dma_start3A_278 = tpu.memref_slice %arg2[%dma_start3A_276, %dma_start3A_277] : memref<10000x128xf32, #tpu.memory_space<hbm>> -> memref<10000x128xf32, #tpu.memory_space<hbm>>
        tpu.enqueue_indirect_dma source(%dma_start3A_278 : memref<10000x128xf32, #tpu.memory_space<hbm>>) target(%arg10 : memref<128x128xf32, #tpu.memory_space<vmem>>) offsets(%dma_start3A_275 : memref<128xi32, #tpu.memory_space<vmem>>) semaphore(%arg14 : memref<!tpu.dma_semaphore, #tpu.memory_space<semaphore_mem>>)
      } else {
      }
      %add3A_250 = arith.constant 1 : i32
      %add3A_251 = arith.addi %mul3A_233, %add3A_250 : i32
      %dma_wait3A_252 = arith.constant 0 : i32
      %dma_wait3A_253 = tpu.memref_slice %arg7[%add3A_251, %dma_wait3A_252] : memref<16x128xi32, #tpu.memory_space<vmem>> -> memref<1x128xi32, #tpu.memory_space<vmem>>
      %dma_wait3A_254 = tpu.memref_squeeze %dma_wait3A_253 : memref<1x128xi32, #tpu.memory_space<vmem>> -> memref<128xi32, #tpu.memory_space<vmem>>
      %dma_wait3A_255 = arith.constant 0 : i32
      %dma_wait3A_256 = arith.constant 0 : i32
      %dma_wait3A_257 = tpu.memref_slice %arg2[%dma_wait3A_255, %dma_wait3A_256] : memref<10000x128xf32, #tpu.memory_space<hbm>> -> memref<10000x128xf32, #tpu.memory_space<hbm>>
      tpu.wait_indirect_dma semaphore(%arg15 : memref<!tpu.dma_semaphore, #tpu.memory_space<semaphore_mem>>) src(%dma_wait3A_257 : memref<10000x128xf32, #tpu.memory_space<hbm>>) dst(%arg11 : memref<128x128xf32, #tpu.memory_space<vmem>>)
      %add3A_258 = arith.constant 1 : i32
      %add3A_259 = arith.addi %mul3A_233, %add3A_258 : i32
      "tpu.region"() ({
        %run_scoped3A = tpu.sem_alloc : memref<!tpu.dma_semaphore, #tpu.memory_space<semaphore_mem>>
        %dma_start3A_269 = arith.constant 0 : i32
        %dma_start3A_270 = tpu.memref_slice %arg9[%add3A_259, %dma_start3A_269] : memref<16x128xi32, #tpu.memory_space<vmem>> -> memref<1x128xi32, #tpu.memory_space<vmem>>
        %dma_start3A_271 = tpu.memref_squeeze %dma_start3A_270 : memref<1x128xi32, #tpu.memory_space<vmem>> -> memref<128xi32, #tpu.memory_space<vmem>>
        %dma_start3A_272 = arith.constant 0 : i32
        %dma_start3A_273 = arith.constant 0 : i32
        %dma_start3A_274 = tpu.memref_slice %arg13[%dma_start3A_272, %dma_start3A_273] : memref<10240x128xf32, #tpu.memory_space<vmem_shared>> -> memref<10240x128xf32, #tpu.memory_space<vmem_shared>>
        tpu.enqueue_indirect_dma source(%arg11 : memref<128x128xf32, #tpu.memory_space<vmem>>) target(%dma_start3A_274 : memref<10240x128xf32, #tpu.memory_space<vmem_shared>>) offsets(%dma_start3A_271 : memref<128xi32, #tpu.memory_space<vmem>>) semaphore(%run_scoped3A : memref<!tpu.dma_semaphore, #tpu.memory_space<semaphore_mem>>) {add = true}
        %dma_wait3A_275 = arith.constant 0 : i32
        %dma_wait3A_276 = tpu.memref_slice %arg9[%add3A_259, %dma_wait3A_275] : memref<16x128xi32, #tpu.memory_space<vmem>> -> memref<1x128xi32, #tpu.memory_space<vmem>>
        %dma_wait3A_277 = tpu.memref_squeeze %dma_wait3A_276 : memref<1x128xi32, #tpu.memory_space<vmem>> -> memref<128xi32, #tpu.memory_space<vmem>>
        %dma_wait3A_278 = arith.constant 0 : i32
        %dma_wait3A_279 = arith.constant 0 : i32
        %dma_wait3A_280 = tpu.memref_slice %arg13[%dma_wait3A_278, %dma_wait3A_279] : memref<10240x128xf32, #tpu.memory_space<vmem_shared>> -> memref<10240x128xf32, #tpu.memory_space<vmem_shared>>
        tpu.wait_indirect_dma semaphore(%run_scoped3A : memref<!tpu.dma_semaphore, #tpu.memory_space<semaphore_mem>>) src(%arg11 : memref<128x128xf32, #tpu.memory_space<vmem>>) dst(%dma_wait3A_280 : memref<10240x128xf32, #tpu.memory_space<vmem_shared>>)
        tpu.yield
      }) : () -> ()
      %add3A_260 = arith.constant 1 : i32
      %add3A_261 = arith.addi %mul3A_233, %add3A_260 : i32
      %add3A_262 = arith.constant 2 : i32
      %add3A_263 = arith.addi %add3A_261, %add3A_262 : i32
      %lt3A_264 = arith.constant 16 : i32
      %lt3A_265 = arith.cmpi slt, %add3A_263, %lt3A_264 : i32
      %convert_element_type3A_266 = arith.extui %lt3A_265 : i1 to i32
      %cond3A_267 = arith.constant 0 : i32
      %cond3A_268 = arith.cmpi ne, %convert_element_type3A_266, %cond3A_267 : i32
      scf.if %cond3A_268 {
        %add3A_269 = arith.constant 1 : i32
        %add3A_270 = arith.addi %mul3A_233, %add3A_269 : i32
        %add3A_271 = arith.constant 2 : i32
        %add3A_272 = arith.addi %add3A_270, %add3A_271 : i32
        %dma_start3A_273 = arith.constant 0 : i32
        %dma_start3A_274 = tpu.memref_slice %arg7[%add3A_272, %dma_start3A_273] : memref<16x128xi32, #tpu.memory_space<vmem>> -> memref<1x128xi32, #tpu.memory_space<vmem>>
        %dma_start3A_275 = tpu.memref_squeeze %dma_start3A_274 : memref<1x128xi32, #tpu.memory_space<vmem>> -> memref<128xi32, #tpu.memory_space<vmem>>
        %dma_start3A_276 = arith.constant 0 : i32
        %dma_start3A_277 = arith.constant 0 : i32
        %dma_start3A_278 = tpu.memref_slice %arg2[%dma_start3A_276, %dma_start3A_277] : memref<10000x128xf32, #tpu.memory_space<hbm>> -> memref<10000x128xf32, #tpu.memory_space<hbm>>
        tpu.enqueue_indirect_dma source(%dma_start3A_278 : memref<10000x128xf32, #tpu.memory_space<hbm>>) target(%arg11 : memref<128x128xf32, #tpu.memory_space<vmem>>) offsets(%dma_start3A_275 : memref<128xi32, #tpu.memory_space<vmem>>) semaphore(%arg15 : memref<!tpu.dma_semaphore, #tpu.memory_space<semaphore_mem>>)
      } else {
      }
    }
    %scan3A_192 = arith.constant 8 : i32
    %mul3A_193 = arith.constant 80 : i32
    %mul3A_194 = arith.muli %add3A, %mul3A_193 : i32
    %add3A_195 = arith.constant 64 : i32
    %add3A_196 = arith.addi %mul3A_194, %add3A_195 : i32
    %dma_wait3A_197 = arith.constant 0 : i32
    %dma_wait3A_198 = tpu.memref_slice %arg3[%add3A_196, %dma_wait3A_197] : memref<2560x128xi32, #tpu.memory_space<hbm>> -> memref<16x128xi32, #tpu.memory_space<hbm>>
    %dma_wait3A_199 = arith.constant 0 : i32
    %dma_wait3A_200 = tpu.memref_slice %arg3[%add3A_196, %dma_wait3A_199] : memref<2560x128xi32, #tpu.memory_space<hbm>> -> memref<16x128xi32, #tpu.memory_space<hbm>>
    tpu.wait_dma2 semaphore(%arg16 : memref<!tpu.dma_semaphore, #tpu.memory_space<semaphore_mem>>) src(%dma_wait3A_200 : memref<16x128xi32, #tpu.memory_space<hbm>>) dst(%arg6 : memref<16x128xi32, #tpu.memory_space<vmem>>)
    %dma_wait3A_201 = arith.constant 0 : i32
    %dma_wait3A_202 = tpu.memref_slice %arg4[%add3A_196, %dma_wait3A_201] : memref<2560x128xi32, #tpu.memory_space<hbm>> -> memref<16x128xi32, #tpu.memory_space<hbm>>
    %dma_wait3A_203 = arith.constant 0 : i32
    %dma_wait3A_204 = tpu.memref_slice %arg4[%add3A_196, %dma_wait3A_203] : memref<2560x128xi32, #tpu.memory_space<hbm>> -> memref<16x128xi32, #tpu.memory_space<hbm>>
    tpu.wait_dma2 semaphore(%arg16 : memref<!tpu.dma_semaphore, #tpu.memory_space<semaphore_mem>>) src(%dma_wait3A_204 : memref<16x128xi32, #tpu.memory_space<hbm>>) dst(%arg8 : memref<16x128xi32, #tpu.memory_space<vmem>>)
    %dma_start3A_205 = arith.constant 0 : i32
    %dma_start3A_206 = arith.constant 0 : i32
    %dma_start3A_207 = tpu.memref_slice %arg6[%dma_start3A_205, %dma_start3A_206] : memref<16x128xi32, #tpu.memory_space<vmem>> -> memref<1x128xi32, #tpu.memory_space<vmem>>
    %dma_start3A_208 = tpu.memref_squeeze %dma_start3A_207 : memref<1x128xi32, #tpu.memory_space<vmem>> -> memref<128xi32, #tpu.memory_space<vmem>>
    %dma_start3A_209 = arith.constant 0 : i32
    %dma_start3A_210 = arith.constant 0 : i32
    %dma_start3A_211 = tpu.memref_slice %arg2[%dma_start3A_209, %dma_start3A_210] : memref<10000x128xf32, #tpu.memory_space<hbm>> -> memref<10000x128xf32, #tpu.memory_space<hbm>>
    tpu.enqueue_indirect_dma source(%dma_start3A_211 : memref<10000x128xf32, #tpu.memory_space<hbm>>) target(%arg10 : memref<128x128xf32, #tpu.memory_space<vmem>>) offsets(%dma_start3A_208 : memref<128xi32, #tpu.memory_space<vmem>>) semaphore(%arg14 : memref<!tpu.dma_semaphore, #tpu.memory_space<semaphore_mem>>)
    %dma_start3A_212 = arith.constant 1 : i32
    %dma_start3A_213 = arith.constant 0 : i32
    %dma_start3A_214 = tpu.memref_slice %arg6[%dma_start3A_212, %dma_start3A_213] : memref<16x128xi32, #tpu.memory_space<vmem>> -> memref<1x128xi32, #tpu.memory_space<vmem>>
    %dma_start3A_215 = tpu.memref_squeeze %dma_start3A_214 : memref<1x128xi32, #tpu.memory_space<vmem>> -> memref<128xi32, #tpu.memory_space<vmem>>
    %dma_start3A_216 = arith.constant 0 : i32
    %dma_start3A_217 = arith.constant 0 : i32
    %dma_start3A_218 = tpu.memref_slice %arg2[%dma_start3A_216, %dma_start3A_217] : memref<10000x128xf32, #tpu.memory_space<hbm>> -> memref<10000x128xf32, #tpu.memory_space<hbm>>
    tpu.enqueue_indirect_dma source(%dma_start3A_218 : memref<10000x128xf32, #tpu.memory_space<hbm>>) target(%arg11 : memref<128x128xf32, #tpu.memory_space<vmem>>) offsets(%dma_start3A_215 : memref<128xi32, #tpu.memory_space<vmem>>) semaphore(%arg15 : memref<!tpu.dma_semaphore, #tpu.memory_space<semaphore_mem>>)
    %scan3A_219 = arith.constant 0 : i32
    %scan3A_220 = arith.constant 8 : i32
    %scan3A_221 = arith.addi %scan3A_219, %scan3A_220 : i32
    %scan3A_222 = arith.constant 1 : i32
    scf.for %scan3A_227 = %scan3A_219 to %scan3A_221 step %scan3A_222  : i32 {
      %mul3A_228 = arith.constant 1 : i32
      %mul3A_229 = arith.muli %scan3A_227, %mul3A_228 : i32
      %add3A_230 = arith.constant 0 : i32
      %add3A_231 = arith.addi %add3A_230, %mul3A_229 : i32
      %mul3A_232 = arith.constant 2 : i32
      %mul3A_233 = arith.muli %add3A_231, %mul3A_232 : i32
      %add3A_234 = arith.constant 0 : i32
      %add3A_235 = arith.addi %mul3A_233, %add3A_234 : i32
      %dma_wait3A_236 = arith.constant 0 : i32
      %dma_wait3A_237 = tpu.memref_slice %arg6[%add3A_235, %dma_wait3A_236] : memref<16x128xi32, #tpu.memory_space<vmem>> -> memref<1x128xi32, #tpu.memory_space<vmem>>
      %dma_wait3A_238 = tpu.memref_squeeze %dma_wait3A_237 : memref<1x128xi32, #tpu.memory_space<vmem>> -> memref<128xi32, #tpu.memory_space<vmem>>
      %dma_wait3A_239 = arith.constant 0 : i32
      %dma_wait3A_240 = arith.constant 0 : i32
      %dma_wait3A_241 = tpu.memref_slice %arg2[%dma_wait3A_239, %dma_wait3A_240] : memref<10000x128xf32, #tpu.memory_space<hbm>> -> memref<10000x128xf32, #tpu.memory_space<hbm>>
      tpu.wait_indirect_dma semaphore(%arg14 : memref<!tpu.dma_semaphore, #tpu.memory_space<semaphore_mem>>) src(%dma_wait3A_241 : memref<10000x128xf32, #tpu.memory_space<hbm>>) dst(%arg10 : memref<128x128xf32, #tpu.memory_space<vmem>>)
      %add3A_242 = arith.constant 0 : i32
      %add3A_243 = arith.addi %mul3A_233, %add3A_242 : i32
      "tpu.region"() ({
        %run_scoped3A = tpu.sem_alloc : memref<!tpu.dma_semaphore, #tpu.memory_space<semaphore_mem>>
        %dma_start3A_269 = arith.constant 0 : i32
        %dma_start3A_270 = tpu.memref_slice %arg8[%add3A_243, %dma_start3A_269] : memref<16x128xi32, #tpu.memory_space<vmem>> -> memref<1x128xi32, #tpu.memory_space<vmem>>
        %dma_start3A_271 = tpu.memref_squeeze %dma_start3A_270 : memref<1x128xi32, #tpu.memory_space<vmem>> -> memref<128xi32, #tpu.memory_space<vmem>>
        %dma_start3A_272 = arith.constant 0 : i32
        %dma_start3A_273 = arith.constant 0 : i32
        %dma_start3A_274 = tpu.memref_slice %arg13[%dma_start3A_272, %dma_start3A_273] : memref<10240x128xf32, #tpu.memory_space<vmem_shared>> -> memref<10240x128xf32, #tpu.memory_space<vmem_shared>>
        tpu.enqueue_indirect_dma source(%arg10 : memref<128x128xf32, #tpu.memory_space<vmem>>) target(%dma_start3A_274 : memref<10240x128xf32, #tpu.memory_space<vmem_shared>>) offsets(%dma_start3A_271 : memref<128xi32, #tpu.memory_space<vmem>>) semaphore(%run_scoped3A : memref<!tpu.dma_semaphore, #tpu.memory_space<semaphore_mem>>) {add = true}
        %dma_wait3A_275 = arith.constant 0 : i32
        %dma_wait3A_276 = tpu.memref_slice %arg8[%add3A_243, %dma_wait3A_275] : memref<16x128xi32, #tpu.memory_space<vmem>> -> memref<1x128xi32, #tpu.memory_space<vmem>>
        %dma_wait3A_277 = tpu.memref_squeeze %dma_wait3A_276 : memref<1x128xi32, #tpu.memory_space<vmem>> -> memref<128xi32, #tpu.memory_space<vmem>>
        %dma_wait3A_278 = arith.constant 0 : i32
        %dma_wait3A_279 = arith.constant 0 : i32
        %dma_wait3A_280 = tpu.memref_slice %arg13[%dma_wait3A_278, %dma_wait3A_279] : memref<10240x128xf32, #tpu.memory_space<vmem_shared>> -> memref<10240x128xf32, #tpu.memory_space<vmem_shared>>
        tpu.wait_indirect_dma semaphore(%run_scoped3A : memref<!tpu.dma_semaphore, #tpu.memory_space<semaphore_mem>>) src(%arg10 : memref<128x128xf32, #tpu.memory_space<vmem>>) dst(%dma_wait3A_280 : memref<10240x128xf32, #tpu.memory_space<vmem_shared>>)
        tpu.yield
      }) : () -> ()
      %add3A_244 = arith.constant 0 : i32
      %add3A_245 = arith.addi %mul3A_233, %add3A_244 : i32
      %add3A_246 = arith.constant 2 : i32
      %add3A_247 = arith.addi %add3A_245, %add3A_246 : i32
      %lt3A = arith.constant 16 : i32
      %lt3A_248 = arith.cmpi slt, %add3A_247, %lt3A : i32
      %convert_element_type3A = arith.extui %lt3A_248 : i1 to i32
      %cond3A = arith.constant 0 : i32
      %cond3A_249 = arith.cmpi ne, %convert_element_type3A, %cond3A : i32
      scf.if %cond3A_249 {
        %add3A_269 = arith.constant 0 : i32
        %add3A_270 = arith.addi %mul3A_233, %add3A_269 : i32
        %add3A_271 = arith.constant 2 : i32
        %add3A_272 = arith.addi %add3A_270, %add3A_271 : i32
        %dma_start3A_273 = arith.constant 0 : i32
        %dma_start3A_274 = tpu.memref_slice %arg6[%add3A_272, %dma_start3A_273] : memref<16x128xi32, #tpu.memory_space<vmem>> -> memref<1x128xi32, #tpu.memory_space<vmem>>
        %dma_start3A_275 = tpu.memref_squeeze %dma_start3A_274 : memref<1x128xi32, #tpu.memory_space<vmem>> -> memref<128xi32, #tpu.memory_space<vmem>>
        %dma_start3A_276 = arith.constant 0 : i32
        %dma_start3A_277 = arith.constant 0 : i32
        %dma_start3A_278 = tpu.memref_slice %arg2[%dma_start3A_276, %dma_start3A_277] : memref<10000x128xf32, #tpu.memory_space<hbm>> -> memref<10000x128xf32, #tpu.memory_space<hbm>>
        tpu.enqueue_indirect_dma source(%dma_start3A_278 : memref<10000x128xf32, #tpu.memory_space<hbm>>) target(%arg10 : memref<128x128xf32, #tpu.memory_space<vmem>>) offsets(%dma_start3A_275 : memref<128xi32, #tpu.memory_space<vmem>>) semaphore(%arg14 : memref<!tpu.dma_semaphore, #tpu.memory_space<semaphore_mem>>)
      } else {
      }
      %add3A_250 = arith.constant 1 : i32
      %add3A_251 = arith.addi %mul3A_233, %add3A_250 : i32
      %dma_wait3A_252 = arith.constant 0 : i32
      %dma_wait3A_253 = tpu.memref_slice %arg6[%add3A_251, %dma_wait3A_252] : memref<16x128xi32, #tpu.memory_space<vmem>> -> memref<1x128xi32, #tpu.memory_space<vmem>>
      %dma_wait3A_254 = tpu.memref_squeeze %dma_wait3A_253 : memref<1x128xi32, #tpu.memory_space<vmem>> -> memref<128xi32, #tpu.memory_space<vmem>>
      %dma_wait3A_255 = arith.constant 0 : i32
      %dma_wait3A_256 = arith.constant 0 : i32
      %dma_wait3A_257 = tpu.memref_slice %arg2[%dma_wait3A_255, %dma_wait3A_256] : memref<10000x128xf32, #tpu.memory_space<hbm>> -> memref<10000x128xf32, #tpu.memory_space<hbm>>
      tpu.wait_indirect_dma semaphore(%arg15 : memref<!tpu.dma_semaphore, #tpu.memory_space<semaphore_mem>>) src(%dma_wait3A_257 : memref<10000x128xf32, #tpu.memory_space<hbm>>) dst(%arg11 : memref<128x128xf32, #tpu.memory_space<vmem>>)
      %add3A_258 = arith.constant 1 : i32
      %add3A_259 = arith.addi %mul3A_233, %add3A_258 : i32
      "tpu.region"() ({
        %run_scoped3A = tpu.sem_alloc : memref<!tpu.dma_semaphore, #tpu.memory_space<semaphore_mem>>
        %dma_start3A_269 = arith.constant 0 : i32
        %dma_start3A_270 = tpu.memref_slice %arg8[%add3A_259, %dma_start3A_269] : memref<16x128xi32, #tpu.memory_space<vmem>> -> memref<1x128xi32, #tpu.memory_space<vmem>>
        %dma_start3A_271 = tpu.memref_squeeze %dma_start3A_270 : memref<1x128xi32, #tpu.memory_space<vmem>> -> memref<128xi32, #tpu.memory_space<vmem>>
        %dma_start3A_272 = arith.constant 0 : i32
        %dma_start3A_273 = arith.constant 0 : i32
        %dma_start3A_274 = tpu.memref_slice %arg13[%dma_start3A_272, %dma_start3A_273] : memref<10240x128xf32, #tpu.memory_space<vmem_shared>> -> memref<10240x128xf32, #tpu.memory_space<vmem_shared>>
        tpu.enqueue_indirect_dma source(%arg11 : memref<128x128xf32, #tpu.memory_space<vmem>>) target(%dma_start3A_274 : memref<10240x128xf32, #tpu.memory_space<vmem_shared>>) offsets(%dma_start3A_271 : memref<128xi32, #tpu.memory_space<vmem>>) semaphore(%run_scoped3A : memref<!tpu.dma_semaphore, #tpu.memory_space<semaphore_mem>>) {add = true}
        %dma_wait3A_275 = arith.constant 0 : i32
        %dma_wait3A_276 = tpu.memref_slice %arg8[%add3A_259, %dma_wait3A_275] : memref<16x128xi32, #tpu.memory_space<vmem>> -> memref<1x128xi32, #tpu.memory_space<vmem>>
        %dma_wait3A_277 = tpu.memref_squeeze %dma_wait3A_276 : memref<1x128xi32, #tpu.memory_space<vmem>> -> memref<128xi32, #tpu.memory_space<vmem>>
        %dma_wait3A_278 = arith.constant 0 : i32
        %dma_wait3A_279 = arith.constant 0 : i32
        %dma_wait3A_280 = tpu.memref_slice %arg13[%dma_wait3A_278, %dma_wait3A_279] : memref<10240x128xf32, #tpu.memory_space<vmem_shared>> -> memref<10240x128xf32, #tpu.memory_space<vmem_shared>>
        tpu.wait_indirect_dma semaphore(%run_scoped3A : memref<!tpu.dma_semaphore, #tpu.memory_space<semaphore_mem>>) src(%arg11 : memref<128x128xf32, #tpu.memory_space<vmem>>) dst(%dma_wait3A_280 : memref<10240x128xf32, #tpu.memory_space<vmem_shared>>)
        tpu.yield
      }) : () -> ()
      %add3A_260 = arith.constant 1 : i32
      %add3A_261 = arith.addi %mul3A_233, %add3A_260 : i32
      %add3A_262 = arith.constant 2 : i32
      %add3A_263 = arith.addi %add3A_261, %add3A_262 : i32
      %lt3A_264 = arith.constant 16 : i32
      %lt3A_265 = arith.cmpi slt, %add3A_263, %lt3A_264 : i32
      %convert_element_type3A_266 = arith.extui %lt3A_265 : i1 to i32
      %cond3A_267 = arith.constant 0 : i32
      %cond3A_268 = arith.cmpi ne, %convert_element_type3A_266, %cond3A_267 : i32
      scf.if %cond3A_268 {
        %add3A_269 = arith.constant 1 : i32
        %add3A_270 = arith.addi %mul3A_233, %add3A_269 : i32
        %add3A_271 = arith.constant 2 : i32
        %add3A_272 = arith.addi %add3A_270, %add3A_271 : i32
        %dma_start3A_273 = arith.constant 0 : i32
        %dma_start3A_274 = tpu.memref_slice %arg6[%add3A_272, %dma_start3A_273] : memref<16x128xi32, #tpu.memory_space<vmem>> -> memref<1x128xi32, #tpu.memory_space<vmem>>
        %dma_start3A_275 = tpu.memref_squeeze %dma_start3A_274 : memref<1x128xi32, #tpu.memory_space<vmem>> -> memref<128xi32, #tpu.memory_space<vmem>>
        %dma_start3A_276 = arith.constant 0 : i32
        %dma_start3A_277 = arith.constant 0 : i32
        %dma_start3A_278 = tpu.memref_slice %arg2[%dma_start3A_276, %dma_start3A_277] : memref<10000x128xf32, #tpu.memory_space<hbm>> -> memref<10000x128xf32, #tpu.memory_space<hbm>>
        tpu.enqueue_indirect_dma source(%dma_start3A_278 : memref<10000x128xf32, #tpu.memory_space<hbm>>) target(%arg11 : memref<128x128xf32, #tpu.memory_space<vmem>>) offsets(%dma_start3A_275 : memref<128xi32, #tpu.memory_space<vmem>>) semaphore(%arg15 : memref<!tpu.dma_semaphore, #tpu.memory_space<semaphore_mem>>)
      } else {
      }
    }
    %scan3A_223 = arith.constant 8 : i32
    %barrier3A_224 = arith.constant 0 : index
    tpu.barrier barrier_id(%barrier3A_224)
    %mul3A_225 = arith.constant 640 : i32
    %mul3A_226 = arith.muli %arg1, %mul3A_225 : i32
    "tpu.region"() ({
      %run_scoped3A = tpu.sem_alloc : memref<!tpu.dma_semaphore, #tpu.memory_space<semaphore_mem>>
      %dma_start3A_227 = arith.constant 0 : i32
      %dma_start3A_228 = tpu.memref_slice %arg5[%arg0, %mul3A_226, %dma_start3A_227] : memref<2x10240x128xf32, #tpu.memory_space<hbm>> -> memref<1x640x128xf32, #tpu.memory_space<hbm>>
      %dma_start3A_229 = tpu.memref_squeeze %dma_start3A_228 : memref<1x640x128xf32, #tpu.memory_space<hbm>> -> memref<640x128xf32, #tpu.memory_space<hbm>>
      %dma_start3A_230 = arith.constant 0 : i32
      %dma_start3A_231 = tpu.memref_slice %arg13[%mul3A_226, %dma_start3A_230] : memref<10240x128xf32, #tpu.memory_space<vmem_shared>> -> memref<640x128xf32, #tpu.memory_space<vmem_shared>>
      tpu.enqueue_dma source(%dma_start3A_231 : memref<640x128xf32, #tpu.memory_space<vmem_shared>>) target(%dma_start3A_229 : memref<640x128xf32, #tpu.memory_space<hbm>>) target_semaphore(%run_scoped3A : memref<!tpu.dma_semaphore, #tpu.memory_space<semaphore_mem>>)
      %dma_wait3A_232 = arith.constant 0 : i32
      %dma_wait3A_233 = tpu.memref_slice %arg5[%arg0, %mul3A_226, %dma_wait3A_232] : memref<2x10240x128xf32, #tpu.memory_space<hbm>> -> memref<1x640x128xf32, #tpu.memory_space<hbm>>
      %dma_wait3A_234 = tpu.memref_squeeze %dma_wait3A_233 : memref<1x640x128xf32, #tpu.memory_space<hbm>> -> memref<640x128xf32, #tpu.memory_space<hbm>>
      %dma_wait3A_235 = arith.constant 0 : i32
      %dma_wait3A_236 = tpu.memref_slice %arg13[%mul3A_226, %dma_wait3A_235] : memref<10240x128xf32, #tpu.memory_space<vmem_shared>> -> memref<640x128xf32, #tpu.memory_space<vmem_shared>>
      tpu.wait_dma2 semaphore(%run_scoped3A : memref<!tpu.dma_semaphore, #tpu.memory_space<semaphore_mem>>) src(%dma_wait3A_236 : memref<640x128xf32, #tpu.memory_space<vmem_shared>>) dst(%dma_wait3A_234 : memref<640x128xf32, #tpu.memory_space<hbm>>)
      tpu.yield
    }) : () -> ()
    return
  }
}

module attributes {stable_mosaic.version = 14 : i64} {
  func.func @body(%arg0: i32, %arg1: memref<1000x2xf32, #tpu.memory_space<vmem>>, %arg2: memref<1000x128xf32, #tpu.memory_space<vmem>>, %arg3: memref<128x128xf32, #tpu.memory_space<vmem>>, %arg4: memref<1000x128xf32, #tpu.memory_space<vmem>>) attributes {dimension_semantics = [#tpu.dimension_semantics<arbitrary>], iteration_bounds = array<i64: 10>, scalar_prefetch = 0 : i64, scratch_operands = 0 : i64, tpu.core_type = #tpu.core_type<tc>, window_params = [{transform_indices = @transform_0, window_bounds = array<i64: 1000, 2>}, {transform_indices = @transform_1, window_bounds = array<i64: 1000, 128>}, {pipeline_mode = #tpu.pipeline_mode<synchronous>, transform_indices = @transform_2, window_bounds = array<i64: 128, 128>}, {transform_indices = @transform_3, window_bounds = array<i64: 1000, 128>}]} {
    %get3A = arith.constant 0 : index
    %get3A_0 = arith.constant 0 : index
    %get3A_1 = vector.load %arg1[%get3A, %get3A_0] : memref<1000x2xf32, #tpu.memory_space<vmem>>, vector<1000x1xf32>
    %get3A_2 = arith.constant 0 : index
    %get3A_3 = arith.constant 1 : index
    %get3A_4 = vector.load %arg1[%get3A_2, %get3A_3] : memref<1000x2xf32, #tpu.memory_space<vmem>>, vector<1000x1xf32>
    %add3A = arith.addf %get3A_1, %get3A_4 : vector<1000x1xf32>
    %add3A_5 = arith.constant 1.000000e+00 : f32
    %add3A_6 = vector.broadcast %add3A_5 : f32 to vector<1000x1xf32>
    %add3A_7 = arith.addf %add3A, %add3A_6 : vector<1000x1xf32>
    %rsqrt3A = math.rsqrt %add3A_7 : vector<1000x1xf32>
    %get3A_8 = arith.constant 0 : index
    %get3A_9 = arith.constant 0 : index
    %get3A_10 = vector.load %arg2[%get3A_8, %get3A_9] : memref<1000x128xf32, #tpu.memory_space<vmem>>, vector<1000x128xf32>
    %get3A_11 = arith.constant 0 : index
    %get3A_12 = arith.constant 0 : index
    %get3A_13 = vector.load %arg3[%get3A_11, %get3A_12] : memref<128x128xf32, #tpu.memory_space<vmem>>, vector<128x128xf32>
    %dot_general3A = arith.constant dense<0.000000e+00> : vector<1000x128xf32>
    %dot_general3A_14 = tpu.matmul %get3A_10, %get3A_13, %dot_general3A {dimension_numbers = #tpu.dot_dimension_numbers<[1], [0], [0], [1], [0, 0, 1, 1], [], []>, transpose_lhs_hint = false} : vector<1000x128xf32>, vector<128x128xf32>, vector<1000x128xf32> -> vector<1000x128xf32>
    %mul3A = vector.broadcast %rsqrt3A : vector<1000x1xf32> to vector<1000x128xf32>
    %mul3A_15 = arith.mulf %dot_general3A_14, %mul3A : vector<1000x128xf32>
    %swap3A = arith.constant 0 : index
    %swap3A_16 = arith.constant 0 : index
    %swap3A_17 = vector.load %arg4[%swap3A, %swap3A_16] : memref<1000x128xf32, #tpu.memory_space<vmem>>, vector<1000x128xf32>
    tpu.vector_store %arg4[%swap3A, %swap3A_16], %mul3A_15 {strides = array<i32>} : memref<1000x128xf32, #tpu.memory_space<vmem>>, vector<1000x128xf32>,
    return
  }
  func.func @transform_0(%arg0: i32) -> (i32, i32) {
    %c0_i32 = arith.constant 0 : i32
    %c0_i32_0 = arith.constant 0 : i32
    return %arg0, %c0_i32 : i32, i32
  }
  func.func @transform_1(%arg0: i32) -> (i32, i32) {
    %c0_i32 = arith.constant 0 : i32
    %c0_i32_0 = arith.constant 0 : i32
    return %arg0, %c0_i32 : i32, i32
  }
  func.func @transform_2(%arg0: i32) -> (i32, i32) {
    %c0_i32 = arith.constant 0 : i32
    %c0_i32_0 = arith.constant 0 : i32
    %c0_i32_1 = arith.constant 0 : i32
    return %c0_i32, %c0_i32_0 : i32, i32
  }
  func.func @transform_3(%arg0: i32) -> (i32, i32) {
    %c0_i32 = arith.constant 0 : i32
    %c0_i32_0 = arith.constant 0 : i32
    return %arg0, %c0_i32 : i32, i32
  }
}

module attributes {stable_mosaic.version = 14 : i64} {
  func.func @body(%arg0: i32, %arg1: memref<1000x2xf32, #tpu.memory_space<vmem>>, %arg2: memref<2x1000x128xf32, #tpu.memory_space<vmem>>, %arg3: memref<1000x128xf32, #tpu.memory_space<vmem>>, %arg4: memref<1x128xf32, #tpu.memory_space<vmem>>, %arg5: memref<128x128xf32, #tpu.memory_space<vmem>>, %arg6: memref<1000x128xf32, #tpu.memory_space<vmem>>) attributes {dimension_semantics = [#tpu.dimension_semantics<arbitrary>], iteration_bounds = array<i64: 10>, scalar_prefetch = 0 : i64, scratch_operands = 0 : i64, tpu.core_type = #tpu.core_type<tc>, window_params = [{transform_indices = @transform_0, window_bounds = array<i64: 1000, 2>}, {transform_indices = @transform_1, window_bounds = array<i64: 2, 1000, 128>}, {transform_indices = @transform_2, window_bounds = array<i64: 1000, 128>}, {pipeline_mode = #tpu.pipeline_mode<synchronous>, transform_indices = @transform_3, window_bounds = array<i64: 1, 128>}, {pipeline_mode = #tpu.pipeline_mode<synchronous>, transform_indices = @transform_4, window_bounds = array<i64: 128, 128>}, {transform_indices = @transform_5, window_bounds = array<i64: 1000, 128>}]} {
    %get3A = arith.constant 0 : index
    %get3A_0 = arith.constant 0 : index
    %get3A_1 = vector.load %arg1[%get3A, %get3A_0] : memref<1000x2xf32, #tpu.memory_space<vmem>>, vector<1000x1xf32>
    %get3A_2 = arith.constant 0 : index
    %get3A_3 = arith.constant 1 : index
    %get3A_4 = vector.load %arg1[%get3A_2, %get3A_3] : memref<1000x2xf32, #tpu.memory_space<vmem>>, vector<1000x1xf32>
    %add3A = arith.addf %get3A_1, %get3A_4 : vector<1000x1xf32>
    %add3A_5 = arith.constant 1.000000e+00 : f32
    %add3A_6 = vector.broadcast %add3A_5 : f32 to vector<1000x1xf32>
    %add3A_7 = arith.addf %add3A, %add3A_6 : vector<1000x1xf32>
    %rsqrt3A = math.rsqrt %add3A_7 : vector<1000x1xf32>
    %get3A_8 = arith.constant 0 : index
    %get3A_9 = arith.constant 0 : index
    %get3A_10 = arith.constant 0 : index
    %get3A_11 = vector.load %arg2[%get3A_8, %get3A_9, %get3A_10] : memref<2x1000x128xf32, #tpu.memory_space<vmem>>, vector<1x1000x128xf32>
    %get3A_12 = vector.shape_cast %get3A_11 : vector<1x1000x128xf32> to vector<1000x128xf32>
    %get3A_13 = arith.constant 1 : index
    %get3A_14 = arith.constant 0 : index
    %get3A_15 = arith.constant 0 : index
    %get3A_16 = vector.load %arg2[%get3A_13, %get3A_14, %get3A_15] : memref<2x1000x128xf32, #tpu.memory_space<vmem>>, vector<1x1000x128xf32>
    %get3A_17 = vector.shape_cast %get3A_16 : vector<1x1000x128xf32> to vector<1000x128xf32>
    %add3A_18 = arith.addf %get3A_12, %get3A_17 : vector<1000x128xf32>
    %get3A_19 = arith.constant 0 : index
    %get3A_20 = arith.constant 0 : index
    %get3A_21 = vector.load %arg3[%get3A_19, %get3A_20] : memref<1000x128xf32, #tpu.memory_space<vmem>>, vector<1000x128xf32>
    %add3A_22 = arith.addf %add3A_18, %get3A_21 : vector<1000x128xf32>
    %mul3A = vector.broadcast %rsqrt3A : vector<1000x1xf32> to vector<1000x128xf32>
    %mul3A_23 = arith.mulf %mul3A, %add3A_22 : vector<1000x128xf32>
    %get3A_24 = arith.constant 0 : index
    %get3A_25 = arith.constant 0 : index
    %get3A_26 = vector.load %arg4[%get3A_24, %get3A_25] : memref<1x128xf32, #tpu.memory_space<vmem>>, vector<1x128xf32>
    %add3A_27 = vector.broadcast %get3A_26 : vector<1x128xf32> to vector<1000x128xf32>
    %add3A_28 = arith.addf %mul3A_23, %add3A_27 : vector<1000x128xf32>
    %max3A = arith.constant 0.000000e+00 : f32
    %max3A_29 = vector.broadcast %max3A : f32 to vector<1000x128xf32>
    %max3A_30 = arith.maximumf %add3A_28, %max3A_29 : vector<1000x128xf32>
    %get3A_31 = arith.constant 0 : index
    %get3A_32 = arith.constant 0 : index
    %get3A_33 = vector.load %arg5[%get3A_31, %get3A_32] : memref<128x128xf32, #tpu.memory_space<vmem>>, vector<128x128xf32>
    %dot_general3A = arith.constant dense<0.000000e+00> : vector<1000x128xf32>
    %dot_general3A_34 = tpu.matmul %max3A_30, %get3A_33, %dot_general3A {dimension_numbers = #tpu.dot_dimension_numbers<[1], [0], [0], [1], [0, 0, 1, 1], [], []>, transpose_lhs_hint = false} : vector<1000x128xf32>, vector<128x128xf32>, vector<1000x128xf32> -> vector<1000x128xf32>
    %mul3A_35 = vector.broadcast %rsqrt3A : vector<1000x1xf32> to vector<1000x128xf32>
    %mul3A_36 = arith.mulf %dot_general3A_34, %mul3A_35 : vector<1000x128xf32>
    %swap3A = arith.constant 0 : index
    %swap3A_37 = arith.constant 0 : index
    %swap3A_38 = vector.load %arg6[%swap3A, %swap3A_37] : memref<1000x128xf32, #tpu.memory_space<vmem>>, vector<1000x128xf32>
    tpu.vector_store %arg6[%swap3A, %swap3A_37], %mul3A_36 {strides = array<i32>} : memref<1000x128xf32, #tpu.memory_space<vmem>>, vector<1000x128xf32>,
    return
  }
  func.func @transform_0(%arg0: i32) -> (i32, i32) {
    %c0_i32 = arith.constant 0 : i32
    %c0_i32_0 = arith.constant 0 : i32
    return %arg0, %c0_i32 : i32, i32
  }
  func.func @transform_1(%arg0: i32) -> (i32, i32, i32) {
    %c0_i32 = arith.constant 0 : i32
    %c0_i32_0 = arith.constant 0 : i32
    %c0_i32_1 = arith.constant 0 : i32
    return %c0_i32, %arg0, %c0_i32_0 : i32, i32, i32
  }
  func.func @transform_2(%arg0: i32) -> (i32, i32) {
    %c0_i32 = arith.constant 0 : i32
    %c0_i32_0 = arith.constant 0 : i32
    return %arg0, %c0_i32 : i32, i32
  }
  func.func @transform_3(%arg0: i32) -> (i32, i32) {
    %c0_i32 = arith.constant 0 : i32
    %c0_i32_0 = arith.constant 0 : i32
    %c0_i32_1 = arith.constant 0 : i32
    return %c0_i32, %c0_i32_0 : i32, i32
  }
  func.func @transform_4(%arg0: i32) -> (i32, i32) {
    %c0_i32 = arith.constant 0 : i32
    %c0_i32_0 = arith.constant 0 : i32
    %c0_i32_1 = arith.constant 0 : i32
    return %c0_i32, %c0_i32_0 : i32, i32
  }
  func.func @transform_5(%arg0: i32) -> (i32, i32) {
    %c0_i32 = arith.constant 0 : i32
    %c0_i32_0 = arith.constant 0 : i32
    return %arg0, %c0_i32 : i32, i32
  }
}

module attributes {stable_mosaic.version = 14 : i64} {
  func.func @body(%arg0: i32, %arg1: memref<1000x2xf32, #tpu.memory_space<vmem>>, %arg2: memref<2x1000x128xf32, #tpu.memory_space<vmem>>, %arg3: memref<1000x128xf32, #tpu.memory_space<vmem>>, %arg4: memref<1x128xf32, #tpu.memory_space<vmem>>, %arg5: memref<128x128xf32, #tpu.memory_space<vmem>>, %arg6: memref<1x128xf32, #tpu.memory_space<vmem>>, %arg7: memref<1000x128xf32, #tpu.memory_space<vmem>>) attributes {dimension_semantics = [#tpu.dimension_semantics<arbitrary>], iteration_bounds = array<i64: 10>, scalar_prefetch = 0 : i64, scratch_operands = 0 : i64, tpu.core_type = #tpu.core_type<tc>, window_params = [{transform_indices = @transform_0, window_bounds = array<i64: 1000, 2>}, {transform_indices = @transform_1, window_bounds = array<i64: 2, 1000, 128>}, {transform_indices = @transform_2, window_bounds = array<i64: 1000, 128>}, {pipeline_mode = #tpu.pipeline_mode<synchronous>, transform_indices = @transform_3, window_bounds = array<i64: 1, 128>}, {pipeline_mode = #tpu.pipeline_mode<synchronous>, transform_indices = @transform_4, window_bounds = array<i64: 128, 128>}, {pipeline_mode = #tpu.pipeline_mode<synchronous>, transform_indices = @transform_5, window_bounds = array<i64: 1, 128>}, {transform_indices = @transform_6, window_bounds = array<i64: 1000, 128>}]} {
    %get3A = arith.constant 0 : index
    %get3A_0 = arith.constant 0 : index
    %get3A_1 = vector.load %arg1[%get3A, %get3A_0] : memref<1000x2xf32, #tpu.memory_space<vmem>>, vector<1000x1xf32>
    %get3A_2 = arith.constant 0 : index
    %get3A_3 = arith.constant 1 : index
    %get3A_4 = vector.load %arg1[%get3A_2, %get3A_3] : memref<1000x2xf32, #tpu.memory_space<vmem>>, vector<1000x1xf32>
    %add3A = arith.addf %get3A_1, %get3A_4 : vector<1000x1xf32>
    %add3A_5 = arith.constant 1.000000e+00 : f32
    %add3A_6 = vector.broadcast %add3A_5 : f32 to vector<1000x1xf32>
    %add3A_7 = arith.addf %add3A, %add3A_6 : vector<1000x1xf32>
    %rsqrt3A = math.rsqrt %add3A_7 : vector<1000x1xf32>
    %get3A_8 = arith.constant 0 : index
    %get3A_9 = arith.constant 0 : index
    %get3A_10 = arith.constant 0 : index
    %get3A_11 = vector.load %arg2[%get3A_8, %get3A_9, %get3A_10] : memref<2x1000x128xf32, #tpu.memory_space<vmem>>, vector<1x1000x128xf32>
    %get3A_12 = vector.shape_cast %get3A_11 : vector<1x1000x128xf32> to vector<1000x128xf32>
    %get3A_13 = arith.constant 1 : index
    %get3A_14 = arith.constant 0 : index
    %get3A_15 = arith.constant 0 : index
    %get3A_16 = vector.load %arg2[%get3A_13, %get3A_14, %get3A_15] : memref<2x1000x128xf32, #tpu.memory_space<vmem>>, vector<1x1000x128xf32>
    %get3A_17 = vector.shape_cast %get3A_16 : vector<1x1000x128xf32> to vector<1000x128xf32>
    %add3A_18 = arith.addf %get3A_12, %get3A_17 : vector<1000x128xf32>
    %get3A_19 = arith.constant 0 : index
    %get3A_20 = arith.constant 0 : index
    %get3A_21 = vector.load %arg3[%get3A_19, %get3A_20] : memref<1000x128xf32, #tpu.memory_space<vmem>>, vector<1000x128xf32>
    %add3A_22 = arith.addf %add3A_18, %get3A_21 : vector<1000x128xf32>
    %mul3A = vector.broadcast %rsqrt3A : vector<1000x1xf32> to vector<1000x128xf32>
    %mul3A_23 = arith.mulf %mul3A, %add3A_22 : vector<1000x128xf32>
    %get3A_24 = arith.constant 0 : index
    %get3A_25 = arith.constant 0 : index
    %get3A_26 = vector.load %arg4[%get3A_24, %get3A_25] : memref<1x128xf32, #tpu.memory_space<vmem>>, vector<1x128xf32>
    %add3A_27 = vector.broadcast %get3A_26 : vector<1x128xf32> to vector<1000x128xf32>
    %add3A_28 = arith.addf %mul3A_23, %add3A_27 : vector<1000x128xf32>
    %max3A = arith.constant 0.000000e+00 : f32
    %max3A_29 = vector.broadcast %max3A : f32 to vector<1000x128xf32>
    %max3A_30 = arith.maximumf %add3A_28, %max3A_29 : vector<1000x128xf32>
    %get3A_31 = arith.constant 0 : index
    %get3A_32 = arith.constant 0 : index
    %get3A_33 = vector.load %arg5[%get3A_31, %get3A_32] : memref<128x128xf32, #tpu.memory_space<vmem>>, vector<128x128xf32>
    %dot_general3A = arith.constant dense<0.000000e+00> : vector<1000x128xf32>
    %dot_general3A_34 = tpu.matmul %max3A_30, %get3A_33, %dot_general3A {dimension_numbers = #tpu.dot_dimension_numbers<[1], [0], [0], [1], [0, 0, 1, 1], [], []>, transpose_lhs_hint = false} : vector<1000x128xf32>, vector<128x128xf32>, vector<1000x128xf32> -> vector<1000x128xf32>
    %get3A_35 = arith.constant 0 : index
    %get3A_36 = arith.constant 0 : index
    %get3A_37 = vector.load %arg6[%get3A_35, %get3A_36] : memref<1x128xf32, #tpu.memory_space<vmem>>, vector<1x128xf32>
    %add3A_38 = vector.broadcast %get3A_37 : vector<1x128xf32> to vector<1000x128xf32>
    %add3A_39 = arith.addf %dot_general3A_34, %add3A_38 : vector<1000x128xf32>
    %swap3A = arith.constant 0 : index
    %swap3A_40 = arith.constant 0 : index
    %swap3A_41 = vector.load %arg7[%swap3A, %swap3A_40] : memref<1000x128xf32, #tpu.memory_space<vmem>>, vector<1000x128xf32>
    tpu.vector_store %arg7[%swap3A, %swap3A_40], %add3A_39 {strides = array<i32>} : memref<1000x128xf32, #tpu.memory_space<vmem>>, vector<1000x128xf32>,
    return
  }
  func.func @transform_0(%arg0: i32) -> (i32, i32) {
    %c0_i32 = arith.constant 0 : i32
    %c0_i32_0 = arith.constant 0 : i32
    return %arg0, %c0_i32 : i32, i32
  }
  func.func @transform_1(%arg0: i32) -> (i32, i32, i32) {
    %c0_i32 = arith.constant 0 : i32
    %c0_i32_0 = arith.constant 0 : i32
    %c0_i32_1 = arith.constant 0 : i32
    return %c0_i32, %arg0, %c0_i32_0 : i32, i32, i32
  }
  func.func @transform_2(%arg0: i32) -> (i32, i32) {
    %c0_i32 = arith.constant 0 : i32
    %c0_i32_0 = arith.constant 0 : i32
    return %arg0, %c0_i32 : i32, i32
  }
  func.func @transform_3(%arg0: i32) -> (i32, i32) {
    %c0_i32 = arith.constant 0 : i32
    %c0_i32_0 = arith.constant 0 : i32
    %c0_i32_1 = arith.constant 0 : i32
    return %c0_i32, %c0_i32_0 : i32, i32
  }
  func.func @transform_4(%arg0: i32) -> (i32, i32) {
    %c0_i32 = arith.constant 0 : i32
    %c0_i32_0 = arith.constant 0 : i32
    %c0_i32_1 = arith.constant 0 : i32
    return %c0_i32, %c0_i32_0 : i32, i32
  }
  func.func @transform_5(%arg0: i32) -> (i32, i32) {
    %c0_i32 = arith.constant 0 : i32
    %c0_i32_0 = arith.constant 0 : i32
    %c0_i32_1 = arith.constant 0 : i32
    return %c0_i32, %c0_i32_0 : i32, i32
  }
  func.func @transform_6(%arg0: i32) -> (i32, i32) {
    %c0_i32 = arith.constant 0 : i32
    %c0_i32_0 = arith.constant 0 : i32
    return %arg0, %c0_i32 : i32, i32
  }
}

</mosaic_0001>

<sc_bundles>
// kernel: kernel.11.cloned.1.call-start
scs
__scs_entry_jumppad:
0x0: {  	(pc) =	sbr.rel $0x88, $3  }
0x1: {  	(tag) =	ssettag $0x0;
	lr =	simm.s32 $0x1  }
0x2: {  	[smem:$0x3F99] =	sst lr;
	_ =	strace $0xD0000000  }
0x3: {  	_ = 	snop  }
0x4: {  	_ = 	snop  }
0x5: {  	_ = 	snop  }
0x6: {  	_ = 	snop  }
0x7: {  	_ = 	snop  }
__scs_overlays_trampoline_lowered:
0x8: {  	[smem:$0x3FA8] =	sst s0  }
0x9: {  	[smem:$0x3FA9] =	sst s1  }
0xa: {  	[smem:$0x3FAA] =	sst s2  }
0xb: {  	[smem:$0x3FAB] =	sst s3  }
0xc: {  	[smem:$0x3FAC] =	sst s4  }
0xd: {  	[smem:$0x3FAD] =	sst s5  }
0xe: {  	[smem:$0x3FAE] =	sst s6  }
0xf: {  	[smem:$0x3FAF] =	sst s7  }
0x10: {  	[smem:$0x3FB0] =	sst s8  }
0x11: {  	[smem:$0x3FB1] =	sst s9;
	s0 =	simm.s32 @!p0 $0x0  }
0x12: {  	s1 =	sld [smem:$0x3F97];
	s0 =	simm.s32 @p0 $0x1  }
0x13: {  	[smem:$0x3FB2] =	sst s0;
	s0 =	simm.s32 @!p1 $0x0  }
0x14: {  	s2 =	sld [smem:$0x3F96];
	s0 =	simm.s32 @p1 $0x1  }
0x15: {  	[smem:$0x3FB3] =	sst s0;
	s0 =	simm.s32 @!p2 $0x0  }
0x16: {  	s3 =	sld [smem:$0x3FDB];
	s0 =	simm.s32 @p2 $0x1  }
0x17: {  	s4 =	simm.s32 $0x1BF5;
	[smem:$0x3FB5] =	sst s0  }
0x18: {  	s0 =	sld [smem:$0x3F98];
	_ =	swait.ge [sflag:s4], $0x0  }
0x19: {  	s7 =	sld [smem:$0x3F99]  }
0x1a: {  	s8 =	sadd.s32 $0xFFFFE003, lr  }
0x1b: {  	s9 =	sadd.s32 $0xFFFFFEF7, lr;
	s5 =	simm.s32 $0xFFFFFFFF;
	p2 =	slt.u32 s8, $0xFFFFF086  }
0x1c: {  	p1 =	slt.u32 s9, $0xF7A;
	s5 =	simm.s32 @!p2 $0x0  }
0x1d: {  	s5 =	simm.s32 @p1 $0x1;
	p0 =	seq.s32 s7, s2  }
0x1e: {  	s7 =	smul.u32 @!p0 $0xF7A, s2;
	p2 =	seq.s32 @!p0 s5, $0x0  }
0x1f: {  	s9 =	smul.u32 $0xF7A, s1;
	s8 =	simm.s32 @!p0 $0x1BF5;
	p2 =	por !p2, p0  }
0x20: {  	[sflag:s8] =	ssyncset.s32 @!p0 $0xFFFFF086;
	s6 =	sadd.s32 @!p0 s3, s7;
	s7 =	simm.s32 @!p0 $0x108  }
0x21: {  	s3 =	sadd.s32 s3, s9;
	s6 =	sadd.s32 @!p0 $0x88, s6;
	s7 =	simm.s32 @p2 $0x1082  }
0x22: {  	[simem:s7], [sflag:s8] =	dma.local @!p0 [hbm:s6], $0xF7A  }
0x23: {  	s9 =	sor.u32 $0xD0000000, s2;
	s6 =	simm.s32 $0x108;
	_ =	swait.ge @!p0 [sflag:s8], $0x0  }
0x24: {  	s3 =	sadd.s32 $0x88, s3;
	s6 =	simm.s32 @!p1 $0x1082;
	[sflag:s4] =	ssyncset.s32 $0xFFFFF086  }
0x25: {  	[simem:s6], [sflag:s4] =	dma.local [hbm:s3], $0xF7A  }
0x26: {  	[smem:$0x3F99] =	sst s1;
	(tag) =	ssettag s2;
	_ =	strace s9  }
0x27: {  	s1 =	sld [smem:$0x3FA9]  }
0x28: {  	s2 =	sld [smem:$0x3FAA]  }
0x29: {  	s4 =	sld [smem:$0x3FAC]  }
0x2a: {  	p0 =	seq.s32 s5, $0x0;
	s5 =	sld [smem:$0x3FAD]  }
0x2b: {  	s6 =	sld [smem:$0x3FAE]  }
0x2c: {  	s7 =	sld [smem:$0x3FAF]  }
0x2d: {  	s3 =	simm.s32 $0x108;
	s8 =	sld [smem:$0x3FB0]  }
0x2e: {  	s3 =	simm.s32 @!p0 $0x1082;
	s9 =	sld [smem:$0x3FB1]  }
0x2f: {  	lr =	sadd.s32 s0, s3;
	s0 =	sld [smem:$0x3FA8]  }
0x30: {  	s3 =	sld [smem:$0x3FAB]  }
0x31: {  	[smem:$0x3FB4] =	sst s10  }
0x32: {  	s10 =	sld [smem:$0x3FB2];
	_ =	sdelay $0x3  }
0x33: {  	p0 =	seq.s32 s10, $0x1;
	s10 =	sld [smem:$0x3FB4];
	_ =	sdelay $0x3  }
0x34: {  	[smem:$0x3FB4] =	sst s10  }
0x35: {  	s10 =	sld [smem:$0x3FB3];
	_ =	sdelay $0x3  }
0x36: {  	p1 =	seq.s32 s10, $0x1;
	s10 =	sld [smem:$0x3FB4];
	_ =	sdelay $0x3  }
0x37: {  	[smem:$0x3FB4] =	sst s10  }
0x38: {  	s10 =	sld [smem:$0x3FB5]  }
0x39: {  	_ = 	snop;
	(pc) =	sbr.ind lr, $3  }
0x3a: {  	_ = 	snop  }
0x3b: {  	_ = 	snop  }
0x3c: {  	p2 =	seq.s32 s10, $0x1;
	s10 =	sld [smem:$0x3FB4]  }
0x3d: {  	_ =	shalt  }
0x3e: {  	_ =	shalt  }
0x3f: {  	_ =	shalt  }
0x40: {  	_ =	shalt  }
0x41: {  	_ =	shalt  }
0x42: {  	_ =	shalt  }
0x43: {  	_ =	shalt  }
0x44: {  	_ =	shalt  }
0x45: {  	_ =	shalt  }
0x46: {  	_ =	shalt  }
0x47: {  	_ =	shalt  }
0x48: {  	_ =	shalt  }
0x49: {  	_ =	shalt  }
0x4a: {  	_ =	shalt  }
0x4b: {  	_ =	shalt  }
0x4c: {  	_ =	shalt  }
0x4d: {  	_ =	shalt  }
0x4e: {  	_ =	shalt  }
0x4f: {  	_ =	shalt  }
0x50: {  	_ =	shalt  }
0x51: {  	_ =	shalt  }
0x52: {  	_ =	shalt  }
0x53: {  	_ =	shalt  }
0x54: {  	_ =	shalt  }
0x55: {  	_ =	shalt  }
0x56: {  	_ =	shalt  }
0x57: {  	_ =	shalt  }
0x58: {  	_ =	shalt  }
0x59: {  	_ =	shalt  }
0x5a: {  	_ =	shalt  }
0x5b: {  	_ =	shalt  }
0x5c: {  	_ =	shalt  }
0x5d: {  	_ =	shalt  }
0x5e: {  	_ =	shalt  }
0x5f: {  	_ =	shalt  }
0x60: {  	_ =	shalt  }
0x61: {  	_ =	shalt  }
0x62: {  	_ =	shalt  }
0x63: {  	_ =	shalt  }
0x64: {  	_ =	shalt  }
0x65: {  	_ =	shalt  }
0x66: {  	_ =	shalt  }
0x67: {  	_ =	shalt  }
0x68: {  	_ =	shalt  }
0x69: {  	_ =	shalt  }
0x6a: {  	_ =	shalt  }
0x6b: {  	_ =	shalt  }
0x6c: {  	_ =	shalt  }
0x6d: {  	_ =	shalt  }
0x6e: {  	_ =	shalt  }
0x6f: {  	_ =	shalt  }
0x70: {  	_ =	shalt  }
0x71: {  	_ =	shalt  }
0x72: {  	_ =	shalt  }
0x73: {  	_ =	shalt  }
0x74: {  	_ =	shalt  }
0x75: {  	_ =	shalt  }
0x76: {  	_ =	shalt  }
0x77: {  	_ =	shalt  }
0x78: {  	_ =	shalt  }
0x79: {  	_ =	shalt  }
0x7a: {  	_ =	shalt  }
0x7b: {  	_ =	shalt  }
0x7c: {  	_ =	shalt  }
0x7d: {  	_ =	shalt  }
0x7e: {  	_ =	shalt  }
0x7f: {  	_ =	shalt  }
0x80: {  	_ =	shalt  }
0x81: {  	_ =	shalt  }
0x82: {  	_ =	shalt  }
0x83: {  	_ =	shalt  }
0x84: {  	_ =	shalt  }
0x85: {  	_ =	shalt  }
0x86: {  	_ =	shalt  }
0x87: {  	_ =	shalt  }
.Lfunc_end0:
.L_simem_size_0:
called_computation.1_lowered:
.L_overlay_start_0:
0x88: {  	s2 =	sld [smem:$0x3FD9]  }
0x89: {  	s3 =	sld [smem:$0x3FFE];
	_ =	sdelay $0x1  }
0x8a: {  	s1 =	srdreg.scid  }
0x8b: {  	s0 =	sand.u32 $0x1, s1  }
0x8c: {  	s17 =	sshll.u32 s0, $0xA;
	s2 =	sadd.s32 s3, s2  }
0x8d: {  	s2 =	sadd.s32 s2, s17  }
0x8e: {  	[smem:$0x3FC0] =	sst s2  }
0x8f: {  	_ = 	snop  }
0x90: {  	s2 =	sld [smem:$0x3FD0];
	(tm) =	ssettm $0x1  }
0x91: {  	s18 =	sld [smem:$0x3FFB];
	_ =	sdelay $0x3  }
0x92: {  	_ =	strace s18  }
0x93: {  	s3 =	sld [smem:$0x3FFC];
	_ =	sdelay $0x3  }
0x94: {  	_ =	strace s3  }
0x95: {  	s3 =	sld [smem:$0x3FFD];
	_ =	sdelay $0x3  }
0x96: {  	_ =	strace s3  }
0x97: {  	_ =	strace $0x8FFFFFFF  }
0x98: {  	s19 =	sld [smem:$0x3FDB];
	_ =	sdelay $0x1  }
0x99: {  	s4 =	simm.s32 $_scs_section_size  }
0x9a: {  	s5 =	simm.s32 $_size__tile_overlayer_lowered;
	s6 =	simm.s32 $_tile_overlayer_lowered  }
0x9b: {  	s22 =	simm.s32 $0x1BFF;
	s21 =	sshll.u32 s6, $0x1;
	s3 =	sadd.s32 s4, s19  }
0x9c: {  	s7 =	simm.s32 $0x0;
	s20 =	sshll.u32 s5, $0x1;
	s5 =	sadd.s32 s21, s3  }
0x9d: {  	[timem:s7], [sflag:s22] =	dma.local [hbm:s5], s20  }
0x9e: {  	_ =	swait.ge [sflag:s22], s20  }
0x9f: {  	s4 =	ssub.s32 $0x0, s20;
	[sflag:s22] =	ssyncset.done $0x0  }
0xa0: {  	[sflag:s22] =	ssyncadd.s32 s4;
	_ =	sdelay $0x1  }
0xa1: {  	s23 =	simm.s32 $0x1B8B  }
0xa2: {  	_ =	swait.ge [sflag:s23], $0x1  }
0xa3: {  	[sflag:s23] =	ssyncset.done $0x0  }
0xa4: {  	s25 =	simm.s32 $0x1B8E;
	s24 =	sld [smem:$0x3FFE];
	[sflag:s23] =	ssyncadd.s32 $0xFFFFFFFF  }
0xa5: {  	s26 =	simm.s32 $execute0_lowered;
	[smem:$0x3FD2] =	sst s25  }
0xa6: {  	s5 =	sshll.u32 s26, $0x1;
	_ =	strace $0x80000049;
	[dreg:$0x1] =	wrdreg $0xFFFFFFFF  }
0xa7: {  	s28 =	simm.s32 $_size_execute0_lowered;
	s3 =	sadd.s32 s3, s5;
	[dreg:$0x0] =	wrdreg $0x0  }
0xa8: {  	s5 =	sshll.u32 s28, $0x1;
	[dreg:$0x2] =	wrdreg s3  }
0xa9: {  	[dreg:$0x3] =	wrdreg s5  }
0xaa: {  	[dreg:$0x4] =	wrdreg $0xC0  }
0xab: {  	_ =	task [dreg:s7], $0x5FFFF  }
0xac: {  	[dreg:$0x1] =	wrdreg $0xFFFFFFFF  }
0xad: {  	[dreg:$0x0] =	wrdreg $0x60  }
0xae: {  	[dreg:$0x2] =	wrdreg s2  }
0xaf: {  	[dreg:$0x3] =	wrdreg s24  }
0xb0: {  	[dreg:$0x4] =	wrdreg $0xC0000  }
0xb1: {  	[dreg:$0x5] =	wrdreg $0x9  }
0xb2: {  	_ =	task.clear_ibuf [dreg:s7], $0x6FFFF;
	_ =	strace $0x90000049  }
0xb3: {  	s29 =	simm.s32 $0x9;
	_ =	strace $0x8000004B  }
0xb4: {  	_ =	swait.ge [sflag:s29], $0x1  }
0xb5: {  	[sflag:s29] =	ssyncadd.s32 $0xFFFFFFFF  }
0xb6: {  	_ =	strace $0x9000004B  }
0xb7: {  	_ =	sfence  }
0xb8: {  	s30 =	sld [smem:$0x0];
	_ =	sdelay $0x2  }
0xb9: {  	s31 =	sshll.u32 s1, $0xD;
	s1 =	sshrl.u32 s1, $0x2  }
0xba: {  	s3 =	sand.u32 $0x4000, s31;
	s1 =	sadd.s32 s1, s30  }
0xbb: {  	s0 =	sor.u32 s3, s0;
	s1 =	sshll.u32 s1, $0x11  }
0xbc: {  	s0 =	sor.u32 s1, s0  }
0xbd: {  	s0 =	sadd.s32 $0x8F2B, s0  }
0xbe: {  	[sflag:s0] =	ssyncadd.remote.s32 $0x1  }
0xbf: {  	_ =	sfence.sel $0xFFFF  }
0xc0: {  	[dreg:$0x0] =	wrdreg $0xFFFFFFFF;
	(pc) =	sbr.abs _section_cstart, $3  }
0xc1: {  	[dreg:$0x1] =	wrdreg $0xFFFFFFFF  }
0xc2: {  	_ =	task.clear_ibuf [dreg:s7], $0x2FFFF;
	_ =	strace $0x9FFFFFFF  }
0xc3: {  	(tm) =	ssettm $0x7FFFFFFF  }
tec
execute0_lowered:
.L_overlay_start_1:
0x0: {  	(tag) =	ssettag $0x1  }
0x1: {  	s1 =	rddreg [dreg:$0x0]  }
0x2: {  	s0 =	rddreg [dreg:$0x1]  }
0x3: {  	s2 =	rddreg [dreg:$0x2];
	s4 =	simm.s32 $0x0  }
0x4: {  	s3 =	srdreg.scid;
	s11 =	stileid.u32;
	s29 =	simm.s32 $0xA000  }
0x5: {  	s30 =	simm.s32 $0x5;
	s31 =	simm.s32 $0x3;
	s28 =	simm.s32 $0xC00  }
0x6: {  	[smem:$0x7FF] =	sst s4;
	s3 =	sand.u32 $0x1, s3;
	s7 =	smul.u32 $0x14000, s11  }
0x7: {  	s8 =	sadd.s32 $0xCA00, s0;
	s9 =	sadd.s32 $0x2A00, s0;
	s19 =	smul.u32 $0x50000, s11  }
0x8: {  	s5 =	smul.u32 $0x140000, s3;
	s6 =	sshll.u32 s3, $0x4;
	s3 =	ssub.s32 $0x2, s3  }
0x9: {  	_ =	strace $0x8000004A;
	s20 =	sshrl.u32 s3, $0x1;
	s23 =	sshrl.u32 s19, $0x2  }
0xa: {  	s5 =	sadd.s32 s7, s5;
	s3 =	ssub.s32 s3, s20;
	s7 =	sadd.s32 s23, s2  }
0xb: {  	s6 =	sor.u32 s11, s6;
	s17 =	smax.u32 s3, $0x1;
	[dreg:$0x19] =	wrdreg s7  }
0xc: {  	s10 =	smul.u32 $0x500, s6;
	s18 =	sadd.s32 $0x2000, s7;
	[dreg:$0xf] =	wrdreg s17  }
0xd: {  	s6 =	smul.u32 $0x2800, s6;
	s19 =	sadd.s32 $0x4000, s7;
	[dreg:$0x10] =	wrdreg s18  }
0xe: {  	s5 =	sshrl.u32 s5, $0x3;
	s20 =	sadd.s32 $0x6000, s7;
	[dreg:$0x11] =	wrdreg s19  }
0xf: {  	s23 =	sadd.s32 $0xC000, s7;
	s3 =	simm.s32 $0x2000;
	[dreg:$0x12] =	wrdreg s20  }
0x10: {  	s0 =	sadd.s32 s5, s0;
	s21 =	sadd.s32 s8, s10;
	[dreg:$0x15] =	wrdreg s23  }
0x11: {  	s22 =	sadd.s32 s9, s10;
	s6 =	sshrl.u32 s6, $0x3;
	[dreg:$0x4] =	wrdreg s21  }
0x12: {  	s17 =	simm.s32 $0xA00;
	[dreg:$0x5] =	wrdreg s22;
	s0 =	sadd.s32 $0x16A00, s0  }
0x13: {  	s18 =	simm.s32 $0x1980;
	s21 =	sadd.s32 $0x8000, s7;
	[dreg:$0xe] =	wrdreg s0  }
0x14: {  	s24 =	sadd.s32 $0x100, s6;
	s22 =	sadd.s32 $0xA000, s7;
	[dreg:$0x13] =	wrdreg s21  }
0x15: {  	s19 =	simm.s32 $0xA80;
	s26 =	sadd.s32 s8, s24;
	[dreg:$0x14] =	wrdreg s22  }
0x16: {  	s25 =	sadd.s32 $0x200, s6;
	s5 =	sadd.s32 s9, s24;
	[dreg:$0x6] =	wrdreg s26  }
0x17: {  	s20 =	simm.s32 $0x1A00;
	s11 =	sadd.s32 s8, s25;
	[dreg:$0x7] =	wrdreg s5  }
0x18: {  	s13 =	sadd.s32 $0x300, s6;
	s12 =	sadd.s32 s9, s25;
	[dreg:$0x8] =	wrdreg s11  }
0x19: {  	s6 =	sadd.s32 $0x400, s6;
	s14 =	sadd.s32 s8, s13;
	[dreg:$0x9] =	wrdreg s12  }
0x1a: {  	s23 =	simm.s32 $0xB80;
	s15 =	sadd.s32 s8, s6;
	[dreg:$0xa] =	wrdreg s14  }
0x1b: {  	s16 =	sadd.s32 s9, s6;
	s24 =	sadd.s32 $0xE000, s7;
	[dreg:$0xc] =	wrdreg s15  }
0x1c: {  	s25 =	sadd.s32 $0x10000, s7;
	s0 =	simm.s32 $0x80;
	[dreg:$0xd] =	wrdreg s16  }
0x1d: {  	s8 =	simm.s32 $0x800;
	s21 =	simm.s32 $0xB00;
	[dreg:$0x16] =	wrdreg s24  }
0x1e: {  	s22 =	simm.s32 $0x1A80;
	s5 =	sadd.s32 s9, s13;
	[dreg:$0x17] =	wrdreg s25  }
0x1f: {  	s26 =	sadd.s32 $0x12000, s7;
	s9 =	simm.s32 $0x1;
	s11 =	simm.s32 $0x2  }
0x20: {  	s24 =	simm.s32 $0x4;
	s25 =	simm.s32 $0x0;
	s13 =	simm.s32 $0x900  }
0x21: {  	s14 =	simm.s32 $0x1880;
	s15 =	simm.s32 $0x980;
	[dreg:$0xb] =	wrdreg s5  }
0x22: {  	v0 =	vimm.f32 $0.0e+00;
	s16 =	simm.s32 $0x1900;
	[dreg:$0x18] =	wrdreg s26;
	s5 =	simm.s32 $0x6000  }
.LBB2_1:
0x23: {  	s26 =	simm.s32 $0x0;
	s10 =	simm.s32 $0x200  }
.LBB2_2:
0x24: {  	p0 =	sne.s32 s10, $0x7E00;
	[tilespmem:s26+$0xA070] =	vst v0  }
0x25: {  	[tilespmem:s26+$0xA000] =	vst v0  }
0x26: {  	[tilespmem:s26+$0xA010] =	vst v0  }
.Ltmp0:
0x27: {  	[tilespmem:s26+$0xA020] =	vst v0;
	(pc) =	sbr.rel @p0 .LBB2_2-.Ltmp0, $4  }
0x28: {  	[tilespmem:s26+$0xA030] =	vst v0  }
0x29: {  	[tilespmem:s26+$0xA040] =	vst v0  }
0x2a: {  	[tilespmem:s26+$0xA050] =	vst v0  }
0x2b: {  	[tilespmem:s26+$0xA060] =	vst v0;
	s26 =	sshra.s32 s10, $0x2;
	s10 =	sadd.s32 $0x200, s10  }
0x2c: {  	[tilespmem:s26+$0xA070] =	vst v0  }
0x2d: {  	[tilespmem:s26+$0xA000] =	vst v0  }
0x2e: {  	[tilespmem:s26+$0xA010] =	vst v0  }
0x2f: {  	[tilespmem:s26+$0xA020] =	vst v0  }
0x30: {  	[tilespmem:s26+$0xA030] =	vst v0  }
0x31: {  	[tilespmem:s26+$0xA040] =	vst v0  }
0x32: {  	[tilespmem:s26+$0xA050] =	vst v0  }
0x33: {  	[tilespmem:s26+$0xA060] =	vst v0;
	s10 =	rddreg [dreg:$0x4]  }
0x34: {  	[tilespmem:s4], [sflag:$0x3] =	stream.linear.gather [hbm4b:s10+s4], $0x800, $0x38;
	v63 =	vld [tilespmem:$0x0]  }
0x35: {  	s7 =	rddreg [dreg:$0x5];
	s6 =	simm.s32 $0x1000  }
0x36: {  	[tilespmem:s6], [sflag:$0x3] =	stream.linear.gather [hbm4b:s7+s4], $0x800, $0x38;
	v63 =	vld [tilespmem:$0x0]  }
0x37: {  	s7 =	rddreg [dreg:$0x19]  }
0x38: {  	[spmem:s7] =	stream.linear.scatter [tilespmem:s29], [sflag:$0x5], $0x2000, $0x38;
	v63 =	vld [tilespmem:$0x0]  }
0x39: {  	_ =	swait.ge [sflag:s30], $0x2000  }
0x3a: {  	[sflag:s30] =	ssyncset.done $0x0  }
0x3b: {  	s12 =	rddreg [dreg:$0x10];
	[sflag:s30] =	ssyncadd.s32 $0xFFFFE000  }
0x3c: {  	[spmem:s12] =	stream.linear.scatter [tilespmem:s29], [sflag:$0x5], $0x2000, $0x38;
	v63 =	vld [tilespmem:$0x0]  }
0x3d: {  	_ =	swait.ge [sflag:s30], $0x2000  }
0x3e: {  	[sflag:s30] =	ssyncset.done $0x0  }
0x3f: {  	s26 =	rddreg [dreg:$0x11];
	[sflag:s30] =	ssyncadd.s32 $0xFFFFE000  }
0x40: {  	[spmem:s26] =	stream.linear.scatter [tilespmem:s29], [sflag:$0x5], $0x2000, $0x38;
	v63 =	vld [tilespmem:$0x0]  }
0x41: {  	_ =	swait.ge [sflag:s30], $0x2000  }
0x42: {  	[sflag:s30] =	ssyncset.done $0x0  }
0x43: {  	s7 =	rddreg [dreg:$0x12];
	[sflag:s30] =	ssyncadd.s32 $0xFFFFE000  }
0x44: {  	[spmem:s7] =	stream.linear.scatter [tilespmem:s29], [sflag:$0x5], $0x2000, $0x38;
	v63 =	vld [tilespmem:$0x0]  }
0x45: {  	_ =	swait.ge [sflag:s30], $0x2000  }
0x46: {  	[sflag:s30] =	ssyncset.done $0x0  }
0x47: {  	s12 =	rddreg [dreg:$0x13];
	[sflag:s30] =	ssyncadd.s32 $0xFFFFE000  }
0x48: {  	[spmem:s12] =	stream.linear.scatter [tilespmem:s29], [sflag:$0x5], $0x2000, $0x38;
	v63 =	vld [tilespmem:$0x0]  }
0x49: {  	_ =	swait.ge [sflag:s30], $0x2000  }
0x4a: {  	[sflag:s30] =	ssyncset.done $0x0  }
0x4b: {  	s26 =	rddreg [dreg:$0x14];
	[sflag:s30] =	ssyncadd.s32 $0xFFFFE000  }
0x4c: {  	[spmem:s26] =	stream.linear.scatter [tilespmem:s29], [sflag:$0x5], $0x2000, $0x38;
	v63 =	vld [tilespmem:$0x0]  }
0x4d: {  	_ =	swait.ge [sflag:s30], $0x2000  }
0x4e: {  	[sflag:s30] =	ssyncset.done $0x0  }
0x4f: {  	s7 =	rddreg [dreg:$0x15];
	[sflag:s30] =	ssyncadd.s32 $0xFFFFE000  }
0x50: {  	[spmem:s7] =	stream.linear.scatter [tilespmem:s29], [sflag:$0x5], $0x2000, $0x38;
	v63 =	vld [tilespmem:$0x0]  }
0x51: {  	_ =	swait.ge [sflag:s30], $0x2000  }
0x52: {  	[sflag:s30] =	ssyncset.done $0x0  }
0x53: {  	s12 =	rddreg [dreg:$0x16];
	[sflag:s30] =	ssyncadd.s32 $0xFFFFE000  }
0x54: {  	[spmem:s12] =	stream.linear.scatter [tilespmem:s29], [sflag:$0x5], $0x2000, $0x38;
	v63 =	vld [tilespmem:$0x0]  }
0x55: {  	_ =	swait.ge [sflag:s30], $0x2000  }
0x56: {  	[sflag:s30] =	ssyncset.done $0x0  }
0x57: {  	s26 =	rddreg [dreg:$0x17];
	[sflag:s30] =	ssyncadd.s32 $0xFFFFE000  }
0x58: {  	[spmem:s26] =	stream.linear.scatter [tilespmem:s29], [sflag:$0x5], $0x2000, $0x38;
	v63 =	vld [tilespmem:$0x0]  }
0x59: {  	_ =	swait.ge [sflag:s30], $0x2000  }
0x5a: {  	[sflag:s30] =	ssyncset.done $0x0  }
0x5b: {  	s7 =	rddreg [dreg:$0x18];
	[sflag:s30] =	ssyncadd.s32 $0xFFFFE000  }
0x5c: {  	[spmem:s7] =	stream.linear.scatter [tilespmem:s29], [sflag:$0x5], $0x2000, $0x38;
	v63 =	vld [tilespmem:$0x0]  }
0x5d: {  	_ =	swait.ge [sflag:s30], $0x2000  }
0x5e: {  	[sflag:s30] =	ssyncset.done $0x0  }
0x5f: {  	[sflag:s30] =	ssyncadd.s32 $0xFFFFE000  }
0x60: {  	_ =	swait.ge [sflag:s31], $0x800  }
0x61: {  	[sflag:s31] =	ssyncset.done $0x0  }
0x62: {  	[sflag:s31] =	ssyncadd.s32 $0xFFFFF800  }
0x63: {  	_ =	swait.ge [sflag:s31], $0x800  }
0x64: {  	[sflag:s31] =	ssyncset.done $0x0  }
0x65: {  	[sflag:s31] =	ssyncadd.s32 $0xFFFFF800  }
0x66: {  	[tilespmem:s3], [sflag:$0x1] =	stream.indirect.gather [hbm4b:s1+s0], $0x80, s4, s0, $0xb8;
	v63 =	vld [tilespmem:$0x0]  }
0x67: {  	_ = 	snop  }
0x68: {  	[tilespmem:s5], [sflag:$0x2] =	stream.indirect.gather [hbm4b:s1+s0], $0x80, s0, s0, $0xb8;
	v63 =	vld [tilespmem:$0x0]  }
0x69: {  	[bflag:$0x0] =	sbarrier.arrive $0xFFFF  }
0x6a: {  	s12 =	rddreg [dreg:$0x6]  }
0x6b: {  	[tilespmem:s8], [sflag:$0x4] =	stream.linear.gather [hbm4b:s12+s4], $0x800, $0x38;
	v63 =	vld [tilespmem:$0x0]  }
0x6c: {  	s7 =	simm.s32 $0x1800;
	s26 =	rddreg [dreg:$0x7]  }
0x6d: {  	[tilespmem:s7], [sflag:$0x4] =	stream.linear.gather [hbm4b:s26+s4], $0x800, $0x38;
	v63 =	vld [tilespmem:$0x0]  }
0x6e: {  	_ =	swait.ge [sflag:s9], $0x4000  }
0x6f: {  	[sflag:s9] =	ssyncset.done $0x0  }
0x70: {  	[sflag:s9] =	ssyncadd.s32 $0xFFFFC000  }
0x71: {  	[spmem:s2] =	stream.indirect.scatter.add.f32 [tilespmem:s3], [sflag:$0x5], $0x80, s6, s0, $0xb8;
	v63 =	vld [tilespmem:$0x0]  }
0x72: {  	_ =	swait.ge [sflag:s30], $0x4000  }
0x73: {  	[sflag:s30] =	ssyncset.done $0x0  }
0x74: {  	s12 =	simm.s32 $0x100;
	[sflag:s30] =	ssyncadd.s32 $0xFFFFC000  }
0x75: {  	[tilespmem:s3], [sflag:$0x1] =	stream.indirect.gather [hbm4b:s1+s0], $0x80, s12, s0, $0xb8;
	v63 =	vld [tilespmem:$0x0]  }
0x76: {  	_ =	swait.ge [sflag:s11], $0x4000  }
0x77: {  	[sflag:s11] =	ssyncset.done $0x0  }
0x78: {  	s26 =	simm.s32 $0x1080;
	[sflag:s11] =	ssyncadd.s32 $0xFFFFC000  }
0x79: {  	[spmem:s2] =	stream.indirect.scatter.add.f32 [tilespmem:s5], [sflag:$0x5], $0x80, s26, s0, $0xb8;
	v63 =	vld [tilespmem:$0x0]  }
0x7a: {  	_ =	swait.ge [sflag:s30], $0x4000  }
0x7b: {  	[sflag:s30] =	ssyncset.done $0x0  }
0x7c: {  	s12 =	simm.s32 $0x180;
	[sflag:s30] =	ssyncadd.s32 $0xFFFFC000  }
0x7d: {  	[tilespmem:s5], [sflag:$0x2] =	stream.indirect.gather [hbm4b:s1+s0], $0x80, s12, s0, $0xb8;
	v63 =	vld [tilespmem:$0x0]  }
0x7e: {  	_ =	swait.ge [sflag:s9], $0x4000  }
0x7f: {  	[sflag:s9] =	ssyncset.done $0x0  }
0x80: {  	s26 =	simm.s32 $0x1100;
	[sflag:s9] =	ssyncadd.s32 $0xFFFFC000  }
0x81: {  	[spmem:s2] =	stream.indirect.scatter.add.f32 [tilespmem:s3], [sflag:$0x5], $0x80, s26, s0, $0xb8;
	v63 =	vld [tilespmem:$0x0]  }
0x82: {  	_ =	swait.ge [sflag:s30], $0x4000  }
0x83: {  	[sflag:s30] =	ssyncset.done $0x0  }
0x84: {  	s12 =	simm.s32 $0x200;
	[sflag:s30] =	ssyncadd.s32 $0xFFFFC000  }
0x85: {  	[tilespmem:s3], [sflag:$0x1] =	stream.indirect.gather [hbm4b:s1+s0], $0x80, s12, s0, $0xb8;
	v63 =	vld [tilespmem:$0x0]  }
0x86: {  	_ =	swait.ge [sflag:s11], $0x4000  }
0x87: {  	[sflag:s11] =	ssyncset.done $0x0  }
0x88: {  	s26 =	simm.s32 $0x1180;
	[sflag:s11] =	ssyncadd.s32 $0xFFFFC000  }
0x89: {  	[spmem:s2] =	stream.indirect.scatter.add.f32 [tilespmem:s5], [sflag:$0x5], $0x80, s26, s0, $0xb8;
	v63 =	vld [tilespmem:$0x0]  }
0x8a: {  	_ =	swait.ge [sflag:s30], $0x4000  }
0x8b: {  	[sflag:s30] =	ssyncset.done $0x0  }
0x8c: {  	s12 =	simm.s32 $0x280;
	[sflag:s30] =	ssyncadd.s32 $0xFFFFC000  }
0x8d: {  	[tilespmem:s5], [sflag:$0x2] =	stream.indirect.gather [hbm4b:s1+s0], $0x80, s12, s0, $0xb8;
	v63 =	vld [tilespmem:$0x0]  }
0x8e: {  	_ =	swait.ge [sflag:s9], $0x4000  }
0x8f: {  	[sflag:s9] =	ssyncset.done $0x0  }
0x90: {  	s26 =	simm.s32 $0x1200;
	[sflag:s9] =	ssyncadd.s32 $0xFFFFC000  }
0x91: {  	[spmem:s2] =	stream.indirect.scatter.add.f32 [tilespmem:s3], [sflag:$0x5], $0x80, s26, s0, $0xb8;
	v63 =	vld [tilespmem:$0x0]  }
0x92: {  	_ =	swait.ge [sflag:s30], $0x4000  }
0x93: {  	[sflag:s30] =	ssyncset.done $0x0  }
0x94: {  	s12 =	simm.s32 $0x300;
	[sflag:s30] =	ssyncadd.s32 $0xFFFFC000  }
0x95: {  	[tilespmem:s3], [sflag:$0x1] =	stream.indirect.gather [hbm4b:s1+s0], $0x80, s12, s0, $0xb8;
	v63 =	vld [tilespmem:$0x0]  }
0x96: {  	_ =	swait.ge [sflag:s11], $0x4000  }
0x97: {  	[sflag:s11] =	ssyncset.done $0x0  }
0x98: {  	s26 =	simm.s32 $0x1280;
	[sflag:s11] =	ssyncadd.s32 $0xFFFFC000  }
0x99: {  	[spmem:s2] =	stream.indirect.scatter.add.f32 [tilespmem:s5], [sflag:$0x5], $0x80, s26, s0, $0xb8;
	v63 =	vld [tilespmem:$0x0]  }
0x9a: {  	_ =	swait.ge [sflag:s30], $0x4000  }
0x9b: {  	[sflag:s30] =	ssyncset.done $0x0  }
0x9c: {  	s12 =	simm.s32 $0x380;
	[sflag:s30] =	ssyncadd.s32 $0xFFFFC000  }
0x9d: {  	[tilespmem:s5], [sflag:$0x2] =	stream.indirect.gather [hbm4b:s1+s0], $0x80, s12, s0, $0xb8;
	v63 =	vld [tilespmem:$0x0]  }
0x9e: {  	_ =	swait.ge [sflag:s9], $0x4000  }
0x9f: {  	[sflag:s9] =	ssyncset.done $0x0  }
0xa0: {  	s26 =	simm.s32 $0x1300;
	[sflag:s9] =	ssyncadd.s32 $0xFFFFC000  }
0xa1: {  	[spmem:s2] =	stream.indirect.scatter.add.f32 [tilespmem:s3], [sflag:$0x5], $0x80, s26, s0, $0xb8;
	v63 =	vld [tilespmem:$0x0]  }
0xa2: {  	_ =	swait.ge [sflag:s30], $0x4000  }
0xa3: {  	[sflag:s30] =	ssyncset.done $0x0  }
0xa4: {  	s12 =	simm.s32 $0x400;
	[sflag:s30] =	ssyncadd.s32 $0xFFFFC000  }
0xa5: {  	[tilespmem:s3], [sflag:$0x1] =	stream.indirect.gather [hbm4b:s1+s0], $0x80, s12, s0, $0xb8;
	v63 =	vld [tilespmem:$0x0]  }
0xa6: {  	_ =	swait.ge [sflag:s11], $0x4000  }
0xa7: {  	[sflag:s11] =	ssyncset.done $0x0  }
0xa8: {  	s26 =	simm.s32 $0x1380;
	[sflag:s11] =	ssyncadd.s32 $0xFFFFC000  }
0xa9: {  	[spmem:s2] =	stream.indirect.scatter.add.f32 [tilespmem:s5], [sflag:$0x5], $0x80, s26, s0, $0xb8;
	v63 =	vld [tilespmem:$0x0]  }
0xaa: {  	_ =	swait.ge [sflag:s30], $0x4000  }
0xab: {  	[sflag:s30] =	ssyncset.done $0x0  }
0xac: {  	s12 =	simm.s32 $0x480;
	[sflag:s30] =	ssyncadd.s32 $0xFFFFC000  }
0xad: {  	[tilespmem:s5], [sflag:$0x2] =	stream.indirect.gather [hbm4b:s1+s0], $0x80, s12, s0, $0xb8;
	v63 =	vld [tilespmem:$0x0]  }
0xae: {  	_ =	swait.ge [sflag:s9], $0x4000  }
0xaf: {  	[sflag:s9] =	ssyncset.done $0x0  }
0xb0: {  	s26 =	simm.s32 $0x1400;
	[sflag:s9] =	ssyncadd.s32 $0xFFFFC000  }
0xb1: {  	[spmem:s2] =	stream.indirect.scatter.add.f32 [tilespmem:s3], [sflag:$0x5], $0x80, s26, s0, $0xb8;
	v63 =	vld [tilespmem:$0x0]  }
0xb2: {  	_ =	swait.ge [sflag:s30], $0x4000  }
0xb3: {  	[sflag:s30] =	ssyncset.done $0x0  }
0xb4: {  	s12 =	simm.s32 $0x500;
	[sflag:s30] =	ssyncadd.s32 $0xFFFFC000  }
0xb5: {  	[tilespmem:s3], [sflag:$0x1] =	stream.indirect.gather [hbm4b:s1+s0], $0x80, s12, s0, $0xb8;
	v63 =	vld [tilespmem:$0x0]  }
0xb6: {  	_ =	swait.ge [sflag:s11], $0x4000  }
0xb7: {  	[sflag:s11] =	ssyncset.done $0x0  }
0xb8: {  	s26 =	simm.s32 $0x1480;
	[sflag:s11] =	ssyncadd.s32 $0xFFFFC000  }
0xb9: {  	[spmem:s2] =	stream.indirect.scatter.add.f32 [tilespmem:s5], [sflag:$0x5], $0x80, s26, s0, $0xb8;
	v63 =	vld [tilespmem:$0x0]  }
0xba: {  	_ =	swait.ge [sflag:s30], $0x4000  }
0xbb: {  	[sflag:s30] =	ssyncset.done $0x0  }
0xbc: {  	s12 =	simm.s32 $0x580;
	[sflag:s30] =	ssyncadd.s32 $0xFFFFC000  }
0xbd: {  	[tilespmem:s5], [sflag:$0x2] =	stream.indirect.gather [hbm4b:s1+s0], $0x80, s12, s0, $0xb8;
	v63 =	vld [tilespmem:$0x0]  }
0xbe: {  	_ =	swait.ge [sflag:s9], $0x4000  }
0xbf: {  	[sflag:s9] =	ssyncset.done $0x0  }
0xc0: {  	s26 =	simm.s32 $0x1500;
	[sflag:s9] =	ssyncadd.s32 $0xFFFFC000  }
0xc1: {  	[spmem:s2] =	stream.indirect.scatter.add.f32 [tilespmem:s3], [sflag:$0x5], $0x80, s26, s0, $0xb8;
	v63 =	vld [tilespmem:$0x0]  }
0xc2: {  	_ =	swait.ge [sflag:s30], $0x4000  }
0xc3: {  	[sflag:s30] =	ssyncset.done $0x0  }
0xc4: {  	s12 =	simm.s32 $0x600;
	[sflag:s30] =	ssyncadd.s32 $0xFFFFC000  }
0xc5: {  	[tilespmem:s3], [sflag:$0x1] =	stream.indirect.gather [hbm4b:s1+s0], $0x80, s12, s0, $0xb8;
	v63 =	vld [tilespmem:$0x0]  }
0xc6: {  	_ =	swait.ge [sflag:s11], $0x4000  }
0xc7: {  	[sflag:s11] =	ssyncset.done $0x0  }
0xc8: {  	s26 =	simm.s32 $0x1580;
	[sflag:s11] =	ssyncadd.s32 $0xFFFFC000  }
0xc9: {  	[spmem:s2] =	stream.indirect.scatter.add.f32 [tilespmem:s5], [sflag:$0x5], $0x80, s26, s0, $0xb8;
	v63 =	vld [tilespmem:$0x0]  }
0xca: {  	_ =	swait.ge [sflag:s30], $0x4000  }
0xcb: {  	[sflag:s30] =	ssyncset.done $0x0  }
0xcc: {  	s12 =	simm.s32 $0x680;
	[sflag:s30] =	ssyncadd.s32 $0xFFFFC000  }
0xcd: {  	[tilespmem:s5], [sflag:$0x2] =	stream.indirect.gather [hbm4b:s1+s0], $0x80, s12, s0, $0xb8;
	v63 =	vld [tilespmem:$0x0]  }
0xce: {  	_ =	swait.ge [sflag:s9], $0x4000  }
0xcf: {  	[sflag:s9] =	ssyncset.done $0x0  }
0xd0: {  	s26 =	simm.s32 $0x1600;
	[sflag:s9] =	ssyncadd.s32 $0xFFFFC000  }
0xd1: {  	[spmem:s2] =	stream.indirect.scatter.add.f32 [tilespmem:s3], [sflag:$0x5], $0x80, s26, s0, $0xb8;
	v63 =	vld [tilespmem:$0x0]  }
0xd2: {  	_ =	swait.ge [sflag:s30], $0x4000  }
0xd3: {  	[sflag:s30] =	ssyncset.done $0x0  }
0xd4: {  	s12 =	simm.s32 $0x700;
	[sflag:s30] =	ssyncadd.s32 $0xFFFFC000  }
0xd5: {  	[tilespmem:s3], [sflag:$0x1] =	stream.indirect.gather [hbm4b:s1+s0], $0x80, s12, s0, $0xb8;
	v63 =	vld [tilespmem:$0x0]  }
0xd6: {  	_ =	swait.ge [sflag:s11], $0x4000  }
0xd7: {  	[sflag:s11] =	ssyncset.done $0x0  }
0xd8: {  	s26 =	simm.s32 $0x1680;
	[sflag:s11] =	ssyncadd.s32 $0xFFFFC000  }
0xd9: {  	[spmem:s2] =	stream.indirect.scatter.add.f32 [tilespmem:s5], [sflag:$0x5], $0x80, s26, s0, $0xb8;
	v63 =	vld [tilespmem:$0x0]  }
0xda: {  	_ =	swait.ge [sflag:s30], $0x4000  }
0xdb: {  	[sflag:s30] =	ssyncset.done $0x0  }
0xdc: {  	s12 =	simm.s32 $0x780;
	[sflag:s30] =	ssyncadd.s32 $0xFFFFC000  }
0xdd: {  	[tilespmem:s5], [sflag:$0x2] =	stream.indirect.gather [hbm4b:s1+s0], $0x80, s12, s0, $0xb8;
	v63 =	vld [tilespmem:$0x0]  }
0xde: {  	_ =	swait.ge [sflag:s9], $0x4000  }
0xdf: {  	[sflag:s9] =	ssyncset.done $0x0  }
0xe0: {  	s26 =	simm.s32 $0x1700;
	[sflag:s9] =	ssyncadd.s32 $0xFFFFC000  }
0xe1: {  	[spmem:s2] =	stream.indirect.scatter.add.f32 [tilespmem:s3], [sflag:$0x5], $0x80, s26, s0, $0xb8;
	v63 =	vld [tilespmem:$0x0]  }
0xe2: {  	_ =	swait.ge [sflag:s30], $0x4000  }
0xe3: {  	[sflag:s30] =	ssyncset.done $0x0  }
0xe4: {  	[sflag:s30] =	ssyncadd.s32 $0xFFFFC000  }
0xe5: {  	_ =	swait.ge [sflag:s11], $0x4000  }
0xe6: {  	[sflag:s11] =	ssyncset.done $0x0  }
0xe7: {  	s12 =	simm.s32 $0x1780;
	[sflag:s11] =	ssyncadd.s32 $0xFFFFC000  }
0xe8: {  	[spmem:s2] =	stream.indirect.scatter.add.f32 [tilespmem:s5], [sflag:$0x5], $0x80, s12, s0, $0xb8;
	v63 =	vld [tilespmem:$0x0]  }
0xe9: {  	_ =	swait.ge [sflag:s30], $0x4000  }
0xea: {  	[sflag:s30] =	ssyncset.done $0x0  }
0xeb: {  	[sflag:s30] =	ssyncadd.s32 $0xFFFFC000  }
0xec: {  	_ =	swait.ge [sflag:s24], $0x800  }
0xed: {  	[sflag:s24] =	ssyncset.done $0x0  }
0xee: {  	[sflag:s24] =	ssyncadd.s32 $0xFFFFF800  }
0xef: {  	_ =	swait.ge [sflag:s24], $0x800  }
0xf0: {  	[sflag:s24] =	ssyncset.done $0x0  }
0xf1: {  	[sflag:s24] =	ssyncadd.s32 $0xFFFFF800  }
0xf2: {  	[tilespmem:s3], [sflag:$0x1] =	stream.indirect.gather [hbm4b:s1+s0], $0x80, s8, s0, $0xb8;
	v63 =	vld [tilespmem:$0x0]  }
0xf3: {  	s12 =	simm.s32 $0x880  }
0xf4: {  	[tilespmem:s5], [sflag:$0x2] =	stream.indirect.gather [hbm4b:s1+s0], $0x80, s12, s0, $0xb8;
	v63 =	vld [tilespmem:$0x0]  }
0xf5: {  	s26 =	rddreg [dreg:$0x8]  }
0xf6: {  	[tilespmem:s4], [sflag:$0x3] =	stream.linear.gather [hbm4b:s26+s4], $0x800, $0x38;
	v63 =	vld [tilespmem:$0x0]  }
0xf7: {  	s26 =	rddreg [dreg:$0x9]  }
0xf8: {  	[tilespmem:s6], [sflag:$0x3] =	stream.linear.gather [hbm4b:s26+s4], $0x800, $0x38;
	v63 =	vld [tilespmem:$0x0]  }
0xf9: {  	_ =	swait.ge [sflag:s9], $0x4000  }
0xfa: {  	[sflag:s9] =	ssyncset.done $0x0  }
0xfb: {  	[sflag:s9] =	ssyncadd.s32 $0xFFFFC000  }
0xfc: {  	[spmem:s2] =	stream.indirect.scatter.add.f32 [tilespmem:s3], [sflag:$0x5], $0x80, s7, s0, $0xb8;
	v63 =	vld [tilespmem:$0x0]  }
0xfd: {  	_ =	swait.ge [sflag:s30], $0x4000  }
0xfe: {  	[sflag:s30] =	ssyncset.done $0x0  }
0xff: {  	[sflag:s30] =	ssyncadd.s32 $0xFFFFC000  }
0x100: {  	[tilespmem:s3], [sflag:$0x1] =	stream.indirect.gather [hbm4b:s1+s0], $0x80, s13, s0, $0xb8;
	v63 =	vld [tilespmem:$0x0]  }
0x101: {  	_ =	swait.ge [sflag:s11], $0x4000  }
0x102: {  	[sflag:s11] =	ssyncset.done $0x0  }
0x103: {  	[sflag:s11] =	ssyncadd.s32 $0xFFFFC000  }
0x104: {  	[spmem:s2] =	stream.indirect.scatter.add.f32 [tilespmem:s5], [sflag:$0x5], $0x80, s14, s0, $0xb8;
	v63 =	vld [tilespmem:$0x0]  }
0x105: {  	_ =	swait.ge [sflag:s30], $0x4000  }
0x106: {  	[sflag:s30] =	ssyncset.done $0x0  }
0x107: {  	[sflag:s30] =	ssyncadd.s32 $0xFFFFC000  }
0x108: {  	[tilespmem:s5], [sflag:$0x2] =	stream.indirect.gather [hbm4b:s1+s0], $0x80, s15, s0, $0xb8;
	v63 =	vld [tilespmem:$0x0]  }
0x109: {  	_ =	swait.ge [sflag:s9], $0x4000  }
0x10a: {  	[sflag:s9] =	ssyncset.done $0x0  }
0x10b: {  	[sflag:s9] =	ssyncadd.s32 $0xFFFFC000  }
0x10c: {  	[spmem:s2] =	stream.indirect.scatter.add.f32 [tilespmem:s3], [sflag:$0x5], $0x80, s16, s0, $0xb8;
	v63 =	vld [tilespmem:$0x0]  }
0x10d: {  	_ =	swait.ge [sflag:s30], $0x4000  }
0x10e: {  	[sflag:s30] =	ssyncset.done $0x0  }
0x10f: {  	[sflag:s30] =	ssyncadd.s32 $0xFFFFC000  }
0x110: {  	[tilespmem:s3], [sflag:$0x1] =	stream.indirect.gather [hbm4b:s1+s0], $0x80, s17, s0, $0xb8;
	v63 =	vld [tilespmem:$0x0]  }
0x111: {  	_ =	swait.ge [sflag:s11], $0x4000  }
0x112: {  	[sflag:s11] =	ssyncset.done $0x0  }
0x113: {  	[sflag:s11] =	ssyncadd.s32 $0xFFFFC000  }
0x114: {  	[spmem:s2] =	stream.indirect.scatter.add.f32 [tilespmem:s5], [sflag:$0x5], $0x80, s18, s0, $0xb8;
	v63 =	vld [tilespmem:$0x0]  }
0x115: {  	_ =	swait.ge [sflag:s30], $0x4000  }
0x116: {  	[sflag:s30] =	ssyncset.done $0x0  }
0x117: {  	[sflag:s30] =	ssyncadd.s32 $0xFFFFC000  }
0x118: {  	[tilespmem:s5], [sflag:$0x2] =	stream.indirect.gather [hbm4b:s1+s0], $0x80, s19, s0, $0xb8;
	v63 =	vld [tilespmem:$0x0]  }
0x119: {  	_ =	swait.ge [sflag:s9], $0x4000  }
0x11a: {  	[sflag:s9] =	ssyncset.done $0x0  }
0x11b: {  	[sflag:s9] =	ssyncadd.s32 $0xFFFFC000  }
0x11c: {  	[spmem:s2] =	stream.indirect.scatter.add.f32 [tilespmem:s3], [sflag:$0x5], $0x80, s20, s0, $0xb8;
	v63 =	vld [tilespmem:$0x0]  }
0x11d: {  	_ =	swait.ge [sflag:s30], $0x4000  }
0x11e: {  	[sflag:s30] =	ssyncset.done $0x0  }
0x11f: {  	[sflag:s30] =	ssyncadd.s32 $0xFFFFC000  }
0x120: {  	[tilespmem:s3], [sflag:$0x1] =	stream.indirect.gather [hbm4b:s1+s0], $0x80, s21, s0, $0xb8;
	v63 =	vld [tilespmem:$0x0]  }
0x121: {  	_ =	swait.ge [sflag:s11], $0x4000  }
0x122: {  	[sflag:s11] =	ssyncset.done $0x0  }
0x123: {  	[sflag:s11] =	ssyncadd.s32 $0xFFFFC000  }
0x124: {  	[spmem:s2] =	stream.indirect.scatter.add.f32 [tilespmem:s5], [sflag:$0x5], $0x80, s22, s0, $0xb8;
	v63 =	vld [tilespmem:$0x0]  }
0x125: {  	_ =	swait.ge [sflag:s30], $0x4000  }
0x126: {  	[sflag:s30] =	ssyncset.done $0x0  }
0x127: {  	[sflag:s30] =	ssyncadd.s32 $0xFFFFC000  }
0x128: {  	[tilespmem:s5], [sflag:$0x2] =	stream.indirect.gather [hbm4b:s1+s0], $0x80, s23, s0, $0xb8;
	v63 =	vld [tilespmem:$0x0]  }
0x129: {  	_ =	swait.ge [sflag:s9], $0x4000  }
0x12a: {  	[sflag:s9] =	ssyncset.done $0x0  }
0x12b: {  	s26 =	simm.s32 $0x1B00;
	[sflag:s9] =	ssyncadd.s32 $0xFFFFC000  }
0x12c: {  	[spmem:s2] =	stream.indirect.scatter.add.f32 [tilespmem:s3], [sflag:$0x5], $0x80, s26, s0, $0xb8;
	v63 =	vld [tilespmem:$0x0]  }
0x12d: {  	_ =	swait.ge [sflag:s30], $0x4000  }
0x12e: {  	[sflag:s30] =	ssyncset.done $0x0  }
0x12f: {  	[sflag:s30] =	ssyncadd.s32 $0xFFFFC000  }
0x130: {  	[tilespmem:s3], [sflag:$0x1] =	stream.indirect.gather [hbm4b:s1+s0], $0x80, s28, s0, $0xb8;
	v63 =	vld [tilespmem:$0x0]  }
0x131: {  	_ =	swait.ge [sflag:s11], $0x4000  }
0x132: {  	[sflag:s11] =	ssyncset.done $0x0  }
0x133: {  	s10 =	simm.s32 $0x1B80;
	[sflag:s11] =	ssyncadd.s32 $0xFFFFC000  }
0x134: {  	[spmem:s2] =	stream.indirect.scatter.add.f32 [tilespmem:s5], [sflag:$0x5], $0x80, s10, s0, $0xb8;
	v63 =	vld [tilespmem:$0x0]  }
0x135: {  	_ =	swait.ge [sflag:s30], $0x4000  }
0x136: {  	[sflag:s30] =	ssyncset.done $0x0  }
0x137: {  	s10 =	simm.s32 $0xC80;
	[sflag:s30] =	ssyncadd.s32 $0xFFFFC000  }
0x138: {  	[tilespmem:s5], [sflag:$0x2] =	stream.indirect.gather [hbm4b:s1+s0], $0x80, s10, s0, $0xb8;
	v63 =	vld [tilespmem:$0x0]  }
0x139: {  	_ =	swait.ge [sflag:s9], $0x4000  }
0x13a: {  	[sflag:s9] =	ssyncset.done $0x0  }
0x13b: {  	s10 =	simm.s32 $0x1C00;
	[sflag:s9] =	ssyncadd.s32 $0xFFFFC000  }
0x13c: {  	[spmem:s2] =	stream.indirect.scatter.add.f32 [tilespmem:s3], [sflag:$0x5], $0x80, s10, s0, $0xb8;
	v63 =	vld [tilespmem:$0x0]  }
0x13d: {  	_ =	swait.ge [sflag:s30], $0x4000  }
0x13e: {  	[sflag:s30] =	ssyncset.done $0x0  }
0x13f: {  	s10 =	simm.s32 $0xD00;
	[sflag:s30] =	ssyncadd.s32 $0xFFFFC000  }
0x140: {  	[tilespmem:s3], [sflag:$0x1] =	stream.indirect.gather [hbm4b:s1+s0], $0x80, s10, s0, $0xb8;
	v63 =	vld [tilespmem:$0x0]  }
0x141: {  	_ =	swait.ge [sflag:s11], $0x4000  }
0x142: {  	[sflag:s11] =	ssyncset.done $0x0  }
0x143: {  	s10 =	simm.s32 $0x1C80;
	[sflag:s11] =	ssyncadd.s32 $0xFFFFC000  }
0x144: {  	[spmem:s2] =	stream.indirect.scatter.add.f32 [tilespmem:s5], [sflag:$0x5], $0x80, s10, s0, $0xb8;
	v63 =	vld [tilespmem:$0x0]  }
0x145: {  	_ =	swait.ge [sflag:s30], $0x4000  }
0x146: {  	[sflag:s30] =	ssyncset.done $0x0  }
0x147: {  	s10 =	simm.s32 $0xD80;
	[sflag:s30] =	ssyncadd.s32 $0xFFFFC000  }
0x148: {  	[tilespmem:s5], [sflag:$0x2] =	stream.indirect.gather [hbm4b:s1+s0], $0x80, s10, s0, $0xb8;
	v63 =	vld [tilespmem:$0x0]  }
0x149: {  	_ =	swait.ge [sflag:s9], $0x4000  }
0x14a: {  	[sflag:s9] =	ssyncset.done $0x0  }
0x14b: {  	s10 =	simm.s32 $0x1D00;
	[sflag:s9] =	ssyncadd.s32 $0xFFFFC000  }
0x14c: {  	[spmem:s2] =	stream.indirect.scatter.add.f32 [tilespmem:s3], [sflag:$0x5], $0x80, s10, s0, $0xb8;
	v63 =	vld [tilespmem:$0x0]  }
0x14d: {  	_ =	swait.ge [sflag:s30], $0x4000  }
0x14e: {  	[sflag:s30] =	ssyncset.done $0x0  }
0x14f: {  	s10 =	simm.s32 $0xE00;
	[sflag:s30] =	ssyncadd.s32 $0xFFFFC000  }
0x150: {  	[tilespmem:s3], [sflag:$0x1] =	stream.indirect.gather [hbm4b:s1+s0], $0x80, s10, s0, $0xb8;
	v63 =	vld [tilespmem:$0x0]  }
0x151: {  	_ =	swait.ge [sflag:s11], $0x4000  }
0x152: {  	[sflag:s11] =	ssyncset.done $0x0  }
0x153: {  	s10 =	simm.s32 $0x1D80;
	[sflag:s11] =	ssyncadd.s32 $0xFFFFC000  }
0x154: {  	[spmem:s2] =	stream.indirect.scatter.add.f32 [tilespmem:s5], [sflag:$0x5], $0x80, s10, s0, $0xb8;
	v63 =	vld [tilespmem:$0x0]  }
0x155: {  	_ =	swait.ge [sflag:s30], $0x4000  }
0x156: {  	[sflag:s30] =	ssyncset.done $0x0  }
0x157: {  	s10 =	simm.s32 $0xE80;
	[sflag:s30] =	ssyncadd.s32 $0xFFFFC000  }
0x158: {  	[tilespmem:s5], [sflag:$0x2] =	stream.indirect.gather [hbm4b:s1+s0], $0x80, s10, s0, $0xb8;
	v63 =	vld [tilespmem:$0x0]  }
0x159: {  	_ =	swait.ge [sflag:s9], $0x4000  }
0x15a: {  	[sflag:s9] =	ssyncset.done $0x0  }
0x15b: {  	s10 =	simm.s32 $0x1E00;
	[sflag:s9] =	ssyncadd.s32 $0xFFFFC000  }
0x15c: {  	[spmem:s2] =	stream.indirect.scatter.add.f32 [tilespmem:s3], [sflag:$0x5], $0x80, s10, s0, $0xb8;
	v63 =	vld [tilespmem:$0x0]  }
0x15d: {  	_ =	swait.ge [sflag:s30], $0x4000  }
0x15e: {  	[sflag:s30] =	ssyncset.done $0x0  }
0x15f: {  	s10 =	simm.s32 $0xF00;
	[sflag:s30] =	ssyncadd.s32 $0xFFFFC000  }
0x160: {  	[tilespmem:s3], [sflag:$0x1] =	stream.indirect.gather [hbm4b:s1+s0], $0x80, s10, s0, $0xb8;
	v63 =	vld [tilespmem:$0x0]  }
0x161: {  	_ =	swait.ge [sflag:s11], $0x4000  }
0x162: {  	[sflag:s11] =	ssyncset.done $0x0  }
0x163: {  	s10 =	simm.s32 $0x1E80;
	[sflag:s11] =	ssyncadd.s32 $0xFFFFC000  }
0x164: {  	[spmem:s2] =	stream.indirect.scatter.add.f32 [tilespmem:s5], [sflag:$0x5], $0x80, s10, s0, $0xb8;
	v63 =	vld [tilespmem:$0x0]  }
0x165: {  	_ =	swait.ge [sflag:s30], $0x4000  }
0x166: {  	[sflag:s30] =	ssyncset.done $0x0  }
0x167: {  	s10 =	simm.s32 $0xF80;
	[sflag:s30] =	ssyncadd.s32 $0xFFFFC000  }
0x168: {  	[tilespmem:s5], [sflag:$0x2] =	stream.indirect.gather [hbm4b:s1+s0], $0x80, s10, s0, $0xb8;
	v63 =	vld [tilespmem:$0x0]  }
0x169: {  	_ =	swait.ge [sflag:s9], $0x4000  }
0x16a: {  	[sflag:s9] =	ssyncset.done $0x0  }
0x16b: {  	s10 =	simm.s32 $0x1F00;
	[sflag:s9] =	ssyncadd.s32 $0xFFFFC000  }
0x16c: {  	[spmem:s2] =	stream.indirect.scatter.add.f32 [tilespmem:s3], [sflag:$0x5], $0x80, s10, s0, $0xb8;
	v63 =	vld [tilespmem:$0x0]  }
0x16d: {  	_ =	swait.ge [sflag:s30], $0x4000  }
0x16e: {  	[sflag:s30] =	ssyncset.done $0x0  }
0x16f: {  	[sflag:s30] =	ssyncadd.s32 $0xFFFFC000  }
0x170: {  	_ =	swait.ge [sflag:s11], $0x4000  }
0x171: {  	[sflag:s11] =	ssyncset.done $0x0  }
0x172: {  	s10 =	simm.s32 $0x1F80;
	[sflag:s11] =	ssyncadd.s32 $0xFFFFC000  }
0x173: {  	[spmem:s2] =	stream.indirect.scatter.add.f32 [tilespmem:s5], [sflag:$0x5], $0x80, s10, s0, $0xb8;
	v63 =	vld [tilespmem:$0x0]  }
0x174: {  	_ =	swait.ge [sflag:s30], $0x4000  }
0x175: {  	[sflag:s30] =	ssyncset.done $0x0  }
0x176: {  	[sflag:s30] =	ssyncadd.s32 $0xFFFFC000  }
0x177: {  	_ =	swait.ge [sflag:s31], $0x800  }
0x178: {  	[sflag:s31] =	ssyncset.done $0x0  }
0x179: {  	[sflag:s31] =	ssyncadd.s32 $0xFFFFF800  }
0x17a: {  	_ =	swait.ge [sflag:s31], $0x800  }
0x17b: {  	[sflag:s31] =	ssyncset.done $0x0  }
0x17c: {  	[sflag:s31] =	ssyncadd.s32 $0xFFFFF800  }
0x17d: {  	[tilespmem:s3], [sflag:$0x1] =	stream.indirect.gather [hbm4b:s1+s0], $0x80, s4, s0, $0xb8;
	v63 =	vld [tilespmem:$0x0]  }
0x17e: {  	_ = 	snop  }
0x17f: {  	[tilespmem:s5], [sflag:$0x2] =	stream.indirect.gather [hbm4b:s1+s0], $0x80, s0, s0, $0xb8;
	v63 =	vld [tilespmem:$0x0]  }
0x180: {  	s10 =	rddreg [dreg:$0xa]  }
0x181: {  	[tilespmem:s8], [sflag:$0x4] =	stream.linear.gather [hbm4b:s10+s4], $0x800, $0x38;
	v63 =	vld [tilespmem:$0x0]  }
0x182: {  	s10 =	rddreg [dreg:$0xb]  }
0x183: {  	[tilespmem:s7], [sflag:$0x4] =	stream.linear.gather [hbm4b:s10+s4], $0x800, $0x38;
	v63 =	vld [tilespmem:$0x0]  }
0x184: {  	_ =	swait.ge [sflag:s9], $0x4000  }
0x185: {  	[sflag:s9] =	ssyncset.done $0x0  }
0x186: {  	[sflag:s9] =	ssyncadd.s32 $0xFFFFC000  }
0x187: {  	[spmem:s2] =	stream.indirect.scatter.add.f32 [tilespmem:s3], [sflag:$0x5], $0x80, s6, s0, $0xb8;
	v63 =	vld [tilespmem:$0x0]  }
0x188: {  	_ =	swait.ge [sflag:s30], $0x4000  }
0x189: {  	[sflag:s30] =	ssyncset.done $0x0  }
0x18a: {  	s10 =	simm.s32 $0x100;
	[sflag:s30] =	ssyncadd.s32 $0xFFFFC000  }
0x18b: {  	[tilespmem:s3], [sflag:$0x1] =	stream.indirect.gather [hbm4b:s1+s0], $0x80, s10, s0, $0xb8;
	v63 =	vld [tilespmem:$0x0]  }
0x18c: {  	_ =	swait.ge [sflag:s11], $0x4000  }
0x18d: {  	[sflag:s11] =	ssyncset.done $0x0  }
0x18e: {  	s10 =	simm.s32 $0x1080;
	[sflag:s11] =	ssyncadd.s32 $0xFFFFC000  }
0x18f: {  	[spmem:s2] =	stream.indirect.scatter.add.f32 [tilespmem:s5], [sflag:$0x5], $0x80, s10, s0, $0xb8;
	v63 =	vld [tilespmem:$0x0]  }
0x190: {  	_ =	swait.ge [sflag:s30], $0x4000  }
0x191: {  	[sflag:s30] =	ssyncset.done $0x0  }
0x192: {  	s10 =	simm.s32 $0x180;
	[sflag:s30] =	ssyncadd.s32 $0xFFFFC000  }
0x193: {  	[tilespmem:s5], [sflag:$0x2] =	stream.indirect.gather [hbm4b:s1+s0], $0x80, s10, s0, $0xb8;
	v63 =	vld [tilespmem:$0x0]  }
0x194: {  	_ =	swait.ge [sflag:s9], $0x4000  }
0x195: {  	[sflag:s9] =	ssyncset.done $0x0  }
0x196: {  	s10 =	simm.s32 $0x1100;
	[sflag:s9] =	ssyncadd.s32 $0xFFFFC000  }
0x197: {  	[spmem:s2] =	stream.indirect.scatter.add.f32 [tilespmem:s3], [sflag:$0x5], $0x80, s10, s0, $0xb8;
	v63 =	vld [tilespmem:$0x0]  }
0x198: {  	_ =	swait.ge [sflag:s30], $0x4000  }
0x199: {  	[sflag:s30] =	ssyncset.done $0x0  }
0x19a: {  	s10 =	simm.s32 $0x200;
	[sflag:s30] =	ssyncadd.s32 $0xFFFFC000  }
0x19b: {  	[tilespmem:s3], [sflag:$0x1] =	stream.indirect.gather [hbm4b:s1+s0], $0x80, s10, s0, $0xb8;
	v63 =	vld [tilespmem:$0x0]  }
0x19c: {  	_ =	swait.ge [sflag:s11], $0x4000  }
0x19d: {  	[sflag:s11] =	ssyncset.done $0x0  }
0x19e: {  	s10 =	simm.s32 $0x1180;
	[sflag:s11] =	ssyncadd.s32 $0xFFFFC000  }
0x19f: {  	[spmem:s2] =	stream.indirect.scatter.add.f32 [tilespmem:s5], [sflag:$0x5], $0x80, s10, s0, $0xb8;
	v63 =	vld [tilespmem:$0x0]  }
0x1a0: {  	_ =	swait.ge [sflag:s30], $0x4000  }
0x1a1: {  	[sflag:s30] =	ssyncset.done $0x0  }
0x1a2: {  	s10 =	simm.s32 $0x280;
	[sflag:s30] =	ssyncadd.s32 $0xFFFFC000  }
0x1a3: {  	[tilespmem:s5], [sflag:$0x2] =	stream.indirect.gather [hbm4b:s1+s0], $0x80, s10, s0, $0xb8;
	v63 =	vld [tilespmem:$0x0]  }
0x1a4: {  	_ =	swait.ge [sflag:s9], $0x4000  }
0x1a5: {  	[sflag:s9] =	ssyncset.done $0x0  }
0x1a6: {  	s10 =	simm.s32 $0x1200;
	[sflag:s9] =	ssyncadd.s32 $0xFFFFC000  }
0x1a7: {  	[spmem:s2] =	stream.indirect.scatter.add.f32 [tilespmem:s3], [sflag:$0x5], $0x80, s10, s0, $0xb8;
	v63 =	vld [tilespmem:$0x0]  }
0x1a8: {  	_ =	swait.ge [sflag:s30], $0x4000  }
0x1a9: {  	[sflag:s30] =	ssyncset.done $0x0  }
0x1aa: {  	s10 =	simm.s32 $0x300;
	[sflag:s30] =	ssyncadd.s32 $0xFFFFC000  }
0x1ab: {  	[tilespmem:s3], [sflag:$0x1] =	stream.indirect.gather [hbm4b:s1+s0], $0x80, s10, s0, $0xb8;
	v63 =	vld [tilespmem:$0x0]  }
0x1ac: {  	_ =	swait.ge [sflag:s11], $0x4000  }
0x1ad: {  	[sflag:s11] =	ssyncset.done $0x0  }
0x1ae: {  	s10 =	simm.s32 $0x1280;
	[sflag:s11] =	ssyncadd.s32 $0xFFFFC000  }
0x1af: {  	[spmem:s2] =	stream.indirect.scatter.add.f32 [tilespmem:s5], [sflag:$0x5], $0x80, s10, s0, $0xb8;
	v63 =	vld [tilespmem:$0x0]  }
0x1b0: {  	_ =	swait.ge [sflag:s30], $0x4000  }
0x1b1: {  	[sflag:s30] =	ssyncset.done $0x0  }
0x1b2: {  	s10 =	simm.s32 $0x380;
	[sflag:s30] =	ssyncadd.s32 $0xFFFFC000  }
0x1b3: {  	[tilespmem:s5], [sflag:$0x2] =	stream.indirect.gather [hbm4b:s1+s0], $0x80, s10, s0, $0xb8;
	v63 =	vld [tilespmem:$0x0]  }
0x1b4: {  	_ =	swait.ge [sflag:s9], $0x4000  }
0x1b5: {  	[sflag:s9] =	ssyncset.done $0x0  }
0x1b6: {  	s10 =	simm.s32 $0x1300;
	[sflag:s9] =	ssyncadd.s32 $0xFFFFC000  }
0x1b7: {  	[spmem:s2] =	stream.indirect.scatter.add.f32 [tilespmem:s3], [sflag:$0x5], $0x80, s10, s0, $0xb8;
	v63 =	vld [tilespmem:$0x0]  }
0x1b8: {  	_ =	swait.ge [sflag:s30], $0x4000  }
0x1b9: {  	[sflag:s30] =	ssyncset.done $0x0  }
0x1ba: {  	s10 =	simm.s32 $0x400;
	[sflag:s30] =	ssyncadd.s32 $0xFFFFC000  }
0x1bb: {  	[tilespmem:s3], [sflag:$0x1] =	stream.indirect.gather [hbm4b:s1+s0], $0x80, s10, s0, $0xb8;
	v63 =	vld [tilespmem:$0x0]  }
0x1bc: {  	_ =	swait.ge [sflag:s11], $0x4000  }
0x1bd: {  	[sflag:s11] =	ssyncset.done $0x0  }
0x1be: {  	s10 =	simm.s32 $0x1380;
	[sflag:s11] =	ssyncadd.s32 $0xFFFFC000  }
0x1bf: {  	[spmem:s2] =	stream.indirect.scatter.add.f32 [tilespmem:s5], [sflag:$0x5], $0x80, s10, s0, $0xb8;
	v63 =	vld [tilespmem:$0x0]  }
0x1c0: {  	_ =	swait.ge [sflag:s30], $0x4000  }
0x1c1: {  	[sflag:s30] =	ssyncset.done $0x0  }
0x1c2: {  	s10 =	simm.s32 $0x480;
	[sflag:s30] =	ssyncadd.s32 $0xFFFFC000  }
0x1c3: {  	[tilespmem:s5], [sflag:$0x2] =	stream.indirect.gather [hbm4b:s1+s0], $0x80, s10, s0, $0xb8;
	v63 =	vld [tilespmem:$0x0]  }
0x1c4: {  	_ =	swait.ge [sflag:s9], $0x4000  }
0x1c5: {  	[sflag:s9] =	ssyncset.done $0x0  }
0x1c6: {  	s10 =	simm.s32 $0x1400;
	[sflag:s9] =	ssyncadd.s32 $0xFFFFC000  }
0x1c7: {  	[spmem:s2] =	stream.indirect.scatter.add.f32 [tilespmem:s3], [sflag:$0x5], $0x80, s10, s0, $0xb8;
	v63 =	vld [tilespmem:$0x0]  }
0x1c8: {  	_ =	swait.ge [sflag:s30], $0x4000  }
0x1c9: {  	[sflag:s30] =	ssyncset.done $0x0  }
0x1ca: {  	s10 =	simm.s32 $0x500;
	[sflag:s30] =	ssyncadd.s32 $0xFFFFC000  }
0x1cb: {  	[tilespmem:s3], [sflag:$0x1] =	stream.indirect.gather [hbm4b:s1+s0], $0x80, s10, s0, $0xb8;
	v63 =	vld [tilespmem:$0x0]  }
0x1cc: {  	_ =	swait.ge [sflag:s11], $0x4000  }
0x1cd: {  	[sflag:s11] =	ssyncset.done $0x0  }
0x1ce: {  	s10 =	simm.s32 $0x1480;
	[sflag:s11] =	ssyncadd.s32 $0xFFFFC000  }
0x1cf: {  	[spmem:s2] =	stream.indirect.scatter.add.f32 [tilespmem:s5], [sflag:$0x5], $0x80, s10, s0, $0xb8;
	v63 =	vld [tilespmem:$0x0]  }
0x1d0: {  	_ =	swait.ge [sflag:s30], $0x4000  }
0x1d1: {  	[sflag:s30] =	ssyncset.done $0x0  }
0x1d2: {  	s10 =	simm.s32 $0x580;
	[sflag:s30] =	ssyncadd.s32 $0xFFFFC000  }
0x1d3: {  	[tilespmem:s5], [sflag:$0x2] =	stream.indirect.gather [hbm4b:s1+s0], $0x80, s10, s0, $0xb8;
	v63 =	vld [tilespmem:$0x0]  }
0x1d4: {  	_ =	swait.ge [sflag:s9], $0x4000  }
0x1d5: {  	[sflag:s9] =	ssyncset.done $0x0  }
0x1d6: {  	s10 =	simm.s32 $0x1500;
	[sflag:s9] =	ssyncadd.s32 $0xFFFFC000  }
0x1d7: {  	[spmem:s2] =	stream.indirect.scatter.add.f32 [tilespmem:s3], [sflag:$0x5], $0x80, s10, s0, $0xb8;
	v63 =	vld [tilespmem:$0x0]  }
0x1d8: {  	_ =	swait.ge [sflag:s30], $0x4000  }
0x1d9: {  	[sflag:s30] =	ssyncset.done $0x0  }
0x1da: {  	s10 =	simm.s32 $0x600;
	[sflag:s30] =	ssyncadd.s32 $0xFFFFC000  }
0x1db: {  	[tilespmem:s3], [sflag:$0x1] =	stream.indirect.gather [hbm4b:s1+s0], $0x80, s10, s0, $0xb8;
	v63 =	vld [tilespmem:$0x0]  }
0x1dc: {  	_ =	swait.ge [sflag:s11], $0x4000  }
0x1dd: {  	[sflag:s11] =	ssyncset.done $0x0  }
0x1de: {  	s10 =	simm.s32 $0x1580;
	[sflag:s11] =	ssyncadd.s32 $0xFFFFC000  }
0x1df: {  	[spmem:s2] =	stream.indirect.scatter.add.f32 [tilespmem:s5], [sflag:$0x5], $0x80, s10, s0, $0xb8;
	v63 =	vld [tilespmem:$0x0]  }
0x1e0: {  	_ =	swait.ge [sflag:s30], $0x4000  }
0x1e1: {  	[sflag:s30] =	ssyncset.done $0x0  }
0x1e2: {  	s10 =	simm.s32 $0x680;
	[sflag:s30] =	ssyncadd.s32 $0xFFFFC000  }
0x1e3: {  	[tilespmem:s5], [sflag:$0x2] =	stream.indirect.gather [hbm4b:s1+s0], $0x80, s10, s0, $0xb8;
	v63 =	vld [tilespmem:$0x0]  }
0x1e4: {  	_ =	swait.ge [sflag:s9], $0x4000  }
0x1e5: {  	[sflag:s9] =	ssyncset.done $0x0  }
0x1e6: {  	s10 =	simm.s32 $0x1600;
	[sflag:s9] =	ssyncadd.s32 $0xFFFFC000  }
0x1e7: {  	[spmem:s2] =	stream.indirect.scatter.add.f32 [tilespmem:s3], [sflag:$0x5], $0x80, s10, s0, $0xb8;
	v63 =	vld [tilespmem:$0x0]  }
0x1e8: {  	_ =	swait.ge [sflag:s30], $0x4000  }
0x1e9: {  	[sflag:s30] =	ssyncset.done $0x0  }
0x1ea: {  	s10 =	simm.s32 $0x700;
	[sflag:s30] =	ssyncadd.s32 $0xFFFFC000  }
0x1eb: {  	[tilespmem:s3], [sflag:$0x1] =	stream.indirect.gather [hbm4b:s1+s0], $0x80, s10, s0, $0xb8;
	v63 =	vld [tilespmem:$0x0]  }
0x1ec: {  	_ =	swait.ge [sflag:s11], $0x4000  }
0x1ed: {  	[sflag:s11] =	ssyncset.done $0x0  }
0x1ee: {  	s10 =	simm.s32 $0x1680;
	[sflag:s11] =	ssyncadd.s32 $0xFFFFC000  }
0x1ef: {  	[spmem:s2] =	stream.indirect.scatter.add.f32 [tilespmem:s5], [sflag:$0x5], $0x80, s10, s0, $0xb8;
	v63 =	vld [tilespmem:$0x0]  }
0x1f0: {  	_ =	swait.ge [sflag:s30], $0x4000  }
0x1f1: {  	[sflag:s30] =	ssyncset.done $0x0  }
0x1f2: {  	s10 =	simm.s32 $0x780;
	[sflag:s30] =	ssyncadd.s32 $0xFFFFC000  }
0x1f3: {  	[tilespmem:s5], [sflag:$0x2] =	stream.indirect.gather [hbm4b:s1+s0], $0x80, s10, s0, $0xb8;
	v63 =	vld [tilespmem:$0x0]  }
0x1f4: {  	_ =	swait.ge [sflag:s9], $0x4000  }
0x1f5: {  	[sflag:s9] =	ssyncset.done $0x0  }
0x1f6: {  	s10 =	simm.s32 $0x1700;
	[sflag:s9] =	ssyncadd.s32 $0xFFFFC000  }
0x1f7: {  	[spmem:s2] =	stream.indirect.scatter.add.f32 [tilespmem:s3], [sflag:$0x5], $0x80, s10, s0, $0xb8;
	v63 =	vld [tilespmem:$0x0]  }
0x1f8: {  	_ =	swait.ge [sflag:s30], $0x4000  }
0x1f9: {  	[sflag:s30] =	ssyncset.done $0x0  }
0x1fa: {  	[sflag:s30] =	ssyncadd.s32 $0xFFFFC000  }
0x1fb: {  	_ =	swait.ge [sflag:s11], $0x4000  }
0x1fc: {  	[sflag:s11] =	ssyncset.done $0x0  }
0x1fd: {  	s10 =	simm.s32 $0x1780;
	[sflag:s11] =	ssyncadd.s32 $0xFFFFC000  }
0x1fe: {  	[spmem:s2] =	stream.indirect.scatter.add.f32 [tilespmem:s5], [sflag:$0x5], $0x80, s10, s0, $0xb8;
	v63 =	vld [tilespmem:$0x0]  }
0x1ff: {  	_ =	swait.ge [sflag:s30], $0x4000  }
0x200: {  	[sflag:s30] =	ssyncset.done $0x0  }
0x201: {  	[sflag:s30] =	ssyncadd.s32 $0xFFFFC000  }
0x202: {  	_ =	swait.ge [sflag:s24], $0x800  }
0x203: {  	[sflag:s24] =	ssyncset.done $0x0  }
0x204: {  	[sflag:s24] =	ssyncadd.s32 $0xFFFFF800  }
0x205: {  	_ =	swait.ge [sflag:s24], $0x800  }
0x206: {  	[sflag:s24] =	ssyncset.done $0x0  }
0x207: {  	[sflag:s24] =	ssyncadd.s32 $0xFFFFF800  }
0x208: {  	[tilespmem:s3], [sflag:$0x1] =	stream.indirect.gather [hbm4b:s1+s0], $0x80, s8, s0, $0xb8;
	v63 =	vld [tilespmem:$0x0]  }
0x209: {  	_ = 	snop  }
0x20a: {  	[tilespmem:s5], [sflag:$0x2] =	stream.indirect.gather [hbm4b:s1+s0], $0x80, s12, s0, $0xb8;
	v63 =	vld [tilespmem:$0x0]  }
0x20b: {  	s12 =	rddreg [dreg:$0xc]  }
0x20c: {  	[tilespmem:s4], [sflag:$0x3] =	stream.linear.gather [hbm4b:s12+s4], $0x800, $0x38;
	v63 =	vld [tilespmem:$0x0]  }
0x20d: {  	s12 =	rddreg [dreg:$0xd]  }
0x20e: {  	[tilespmem:s6], [sflag:$0x3] =	stream.linear.gather [hbm4b:s12+s4], $0x800, $0x38;
	v63 =	vld [tilespmem:$0x0]  }
0x20f: {  	_ =	swait.ge [sflag:s9], $0x4000  }
0x210: {  	[sflag:s9] =	ssyncset.done $0x0  }
0x211: {  	[sflag:s9] =	ssyncadd.s32 $0xFFFFC000  }
0x212: {  	[spmem:s2] =	stream.indirect.scatter.add.f32 [tilespmem:s3], [sflag:$0x5], $0x80, s7, s0, $0xb8;
	v63 =	vld [tilespmem:$0x0]  }
0x213: {  	_ =	swait.ge [sflag:s30], $0x4000  }
0x214: {  	[sflag:s30] =	ssyncset.done $0x0  }
0x215: {  	[sflag:s30] =	ssyncadd.s32 $0xFFFFC000  }
0x216: {  	[tilespmem:s3], [sflag:$0x1] =	stream.indirect.gather [hbm4b:s1+s0], $0x80, s13, s0, $0xb8;
	v63 =	vld [tilespmem:$0x0]  }
0x217: {  	_ =	swait.ge [sflag:s11], $0x4000  }
0x218: {  	[sflag:s11] =	ssyncset.done $0x0  }
0x219: {  	[sflag:s11] =	ssyncadd.s32 $0xFFFFC000  }
0x21a: {  	[spmem:s2] =	stream.indirect.scatter.add.f32 [tilespmem:s5], [sflag:$0x5], $0x80, s14, s0, $0xb8;
	v63 =	vld [tilespmem:$0x0]  }
0x21b: {  	_ =	swait.ge [sflag:s30], $0x4000  }
0x21c: {  	[sflag:s30] =	ssyncset.done $0x0  }
0x21d: {  	[sflag:s30] =	ssyncadd.s32 $0xFFFFC000  }
0x21e: {  	[tilespmem:s5], [sflag:$0x2] =	stream.indirect.gather [hbm4b:s1+s0], $0x80, s15, s0, $0xb8;
	v63 =	vld [tilespmem:$0x0]  }
0x21f: {  	_ =	swait.ge [sflag:s9], $0x4000  }
0x220: {  	[sflag:s9] =	ssyncset.done $0x0  }
0x221: {  	[sflag:s9] =	ssyncadd.s32 $0xFFFFC000  }
0x222: {  	[spmem:s2] =	stream.indirect.scatter.add.f32 [tilespmem:s3], [sflag:$0x5], $0x80, s16, s0, $0xb8;
	v63 =	vld [tilespmem:$0x0]  }
0x223: {  	_ =	swait.ge [sflag:s30], $0x4000  }
0x224: {  	[sflag:s30] =	ssyncset.done $0x0  }
0x225: {  	[sflag:s30] =	ssyncadd.s32 $0xFFFFC000  }
0x226: {  	[tilespmem:s3], [sflag:$0x1] =	stream.indirect.gather [hbm4b:s1+s0], $0x80, s17, s0, $0xb8;
	v63 =	vld [tilespmem:$0x0]  }
0x227: {  	_ =	swait.ge [sflag:s11], $0x4000  }
0x228: {  	[sflag:s11] =	ssyncset.done $0x0  }
0x229: {  	[sflag:s11] =	ssyncadd.s32 $0xFFFFC000  }
0x22a: {  	[spmem:s2] =	stream.indirect.scatter.add.f32 [tilespmem:s5], [sflag:$0x5], $0x80, s18, s0, $0xb8;
	v63 =	vld [tilespmem:$0x0]  }
0x22b: {  	_ =	swait.ge [sflag:s30], $0x4000  }
0x22c: {  	[sflag:s30] =	ssyncset.done $0x0  }
0x22d: {  	[sflag:s30] =	ssyncadd.s32 $0xFFFFC000  }
0x22e: {  	[tilespmem:s5], [sflag:$0x2] =	stream.indirect.gather [hbm4b:s1+s0], $0x80, s19, s0, $0xb8;
	v63 =	vld [tilespmem:$0x0]  }
0x22f: {  	_ =	swait.ge [sflag:s9], $0x4000  }
0x230: {  	[sflag:s9] =	ssyncset.done $0x0  }
0x231: {  	[sflag:s9] =	ssyncadd.s32 $0xFFFFC000  }
0x232: {  	[spmem:s2] =	stream.indirect.scatter.add.f32 [tilespmem:s3], [sflag:$0x5], $0x80, s20, s0, $0xb8;
	v63 =	vld [tilespmem:$0x0]  }
0x233: {  	_ =	swait.ge [sflag:s30], $0x4000  }
0x234: {  	[sflag:s30] =	ssyncset.done $0x0  }
0x235: {  	[sflag:s30] =	ssyncadd.s32 $0xFFFFC000  }
0x236: {  	[tilespmem:s3], [sflag:$0x1] =	stream.indirect.gather [hbm4b:s1+s0], $0x80, s21, s0, $0xb8;
	v63 =	vld [tilespmem:$0x0]  }
0x237: {  	_ =	swait.ge [sflag:s11], $0x4000  }
0x238: {  	[sflag:s11] =	ssyncset.done $0x0  }
0x239: {  	[sflag:s11] =	ssyncadd.s32 $0xFFFFC000  }
0x23a: {  	[spmem:s2] =	stream.indirect.scatter.add.f32 [tilespmem:s5], [sflag:$0x5], $0x80, s22, s0, $0xb8;
	v63 =	vld [tilespmem:$0x0]  }
0x23b: {  	_ =	swait.ge [sflag:s30], $0x4000  }
0x23c: {  	[sflag:s30] =	ssyncset.done $0x0  }
0x23d: {  	[sflag:s30] =	ssyncadd.s32 $0xFFFFC000  }
0x23e: {  	[tilespmem:s5], [sflag:$0x2] =	stream.indirect.gather [hbm4b:s1+s0], $0x80, s23, s0, $0xb8;
	v63 =	vld [tilespmem:$0x0]  }
0x23f: {  	_ =	swait.ge [sflag:s9], $0x4000  }
0x240: {  	[sflag:s9] =	ssyncset.done $0x0  }
0x241: {  	[sflag:s9] =	ssyncadd.s32 $0xFFFFC000  }
0x242: {  	[spmem:s2] =	stream.indirect.scatter.add.f32 [tilespmem:s3], [sflag:$0x5], $0x80, s26, s0, $0xb8;
	v63 =	vld [tilespmem:$0x0]  }
0x243: {  	_ =	swait.ge [sflag:s30], $0x4000  }
0x244: {  	[sflag:s30] =	ssyncset.done $0x0  }
0x245: {  	[sflag:s30] =	ssyncadd.s32 $0xFFFFC000  }
0x246: {  	[tilespmem:s3], [sflag:$0x1] =	stream.indirect.gather [hbm4b:s1+s0], $0x80, s28, s0, $0xb8;
	v63 =	vld [tilespmem:$0x0]  }
0x247: {  	_ =	swait.ge [sflag:s11], $0x4000  }
0x248: {  	[sflag:s11] =	ssyncset.done $0x0  }
0x249: {  	s26 =	simm.s32 $0x1B80;
	[sflag:s11] =	ssyncadd.s32 $0xFFFFC000  }
0x24a: {  	[spmem:s2] =	stream.indirect.scatter.add.f32 [tilespmem:s5], [sflag:$0x5], $0x80, s26, s0, $0xb8;
	v63 =	vld [tilespmem:$0x0]  }
0x24b: {  	_ =	swait.ge [sflag:s30], $0x4000  }
0x24c: {  	[sflag:s30] =	ssyncset.done $0x0  }
0x24d: {  	s10 =	simm.s32 $0xC80;
	[sflag:s30] =	ssyncadd.s32 $0xFFFFC000  }
0x24e: {  	[tilespmem:s5], [sflag:$0x2] =	stream.indirect.gather [hbm4b:s1+s0], $0x80, s10, s0, $0xb8;
	v63 =	vld [tilespmem:$0x0]  }
0x24f: {  	_ =	swait.ge [sflag:s9], $0x4000  }
0x250: {  	[sflag:s9] =	ssyncset.done $0x0  }
0x251: {  	s12 =	simm.s32 $0x1C00;
	[sflag:s9] =	ssyncadd.s32 $0xFFFFC000  }
0x252: {  	[spmem:s2] =	stream.indirect.scatter.add.f32 [tilespmem:s3], [sflag:$0x5], $0x80, s12, s0, $0xb8;
	v63 =	vld [tilespmem:$0x0]  }
0x253: {  	_ =	swait.ge [sflag:s30], $0x4000  }
0x254: {  	[sflag:s30] =	ssyncset.done $0x0  }
0x255: {  	s26 =	simm.s32 $0xD00;
	[sflag:s30] =	ssyncadd.s32 $0xFFFFC000  }
0x256: {  	[tilespmem:s3], [sflag:$0x1] =	stream.indirect.gather [hbm4b:s1+s0], $0x80, s26, s0, $0xb8;
	v63 =	vld [tilespmem:$0x0]  }
0x257: {  	_ =	swait.ge [sflag:s11], $0x4000  }
0x258: {  	[sflag:s11] =	ssyncset.done $0x0  }
0x259: {  	s10 =	simm.s32 $0x1C80;
	[sflag:s11] =	ssyncadd.s32 $0xFFFFC000  }
0x25a: {  	[spmem:s2] =	stream.indirect.scatter.add.f32 [tilespmem:s5], [sflag:$0x5], $0x80, s10, s0, $0xb8;
	v63 =	vld [tilespmem:$0x0]  }
0x25b: {  	_ =	swait.ge [sflag:s30], $0x4000  }
0x25c: {  	[sflag:s30] =	ssyncset.done $0x0  }
0x25d: {  	s12 =	simm.s32 $0xD80;
	[sflag:s30] =	ssyncadd.s32 $0xFFFFC000  }
0x25e: {  	[tilespmem:s5], [sflag:$0x2] =	stream.indirect.gather [hbm4b:s1+s0], $0x80, s12, s0, $0xb8;
	v63 =	vld [tilespmem:$0x0]  }
0x25f: {  	_ =	swait.ge [sflag:s9], $0x4000  }
0x260: {  	[sflag:s9] =	ssyncset.done $0x0  }
0x261: {  	s26 =	simm.s32 $0x1D00;
	[sflag:s9] =	ssyncadd.s32 $0xFFFFC000  }
0x262: {  	[spmem:s2] =	stream.indirect.scatter.add.f32 [tilespmem:s3], [sflag:$0x5], $0x80, s26, s0, $0xb8;
	v63 =	vld [tilespmem:$0x0]  }
0x263: {  	_ =	swait.ge [sflag:s30], $0x4000  }
0x264: {  	[sflag:s30] =	ssyncset.done $0x0  }
0x265: {  	s10 =	simm.s32 $0xE00;
	[sflag:s30] =	ssyncadd.s32 $0xFFFFC000  }
0x266: {  	[tilespmem:s3], [sflag:$0x1] =	stream.indirect.gather [hbm4b:s1+s0], $0x80, s10, s0, $0xb8;
	v63 =	vld [tilespmem:$0x0]  }
0x267: {  	_ =	swait.ge [sflag:s11], $0x4000  }
0x268: {  	[sflag:s11] =	ssyncset.done $0x0  }
0x269: {  	s12 =	simm.s32 $0x1D80;
	[sflag:s11] =	ssyncadd.s32 $0xFFFFC000  }
0x26a: {  	[spmem:s2] =	stream.indirect.scatter.add.f32 [tilespmem:s5], [sflag:$0x5], $0x80, s12, s0, $0xb8;
	v63 =	vld [tilespmem:$0x0]  }
0x26b: {  	_ =	swait.ge [sflag:s30], $0x4000  }
0x26c: {  	[sflag:s30] =	ssyncset.done $0x0  }
0x26d: {  	s26 =	simm.s32 $0xE80;
	[sflag:s30] =	ssyncadd.s32 $0xFFFFC000  }
0x26e: {  	[tilespmem:s5], [sflag:$0x2] =	stream.indirect.gather [hbm4b:s1+s0], $0x80, s26, s0, $0xb8;
	v63 =	vld [tilespmem:$0x0]  }
0x26f: {  	_ =	swait.ge [sflag:s9], $0x4000  }
0x270: {  	[sflag:s9] =	ssyncset.done $0x0  }
0x271: {  	s10 =	simm.s32 $0x1E00;
	[sflag:s9] =	ssyncadd.s32 $0xFFFFC000  }
0x272: {  	[spmem:s2] =	stream.indirect.scatter.add.f32 [tilespmem:s3], [sflag:$0x5], $0x80, s10, s0, $0xb8;
	v63 =	vld [tilespmem:$0x0]  }
0x273: {  	_ =	swait.ge [sflag:s30], $0x4000  }
0x274: {  	[sflag:s30] =	ssyncset.done $0x0  }
0x275: {  	s12 =	simm.s32 $0xF00;
	[sflag:s30] =	ssyncadd.s32 $0xFFFFC000  }
0x276: {  	[tilespmem:s3], [sflag:$0x1] =	stream.indirect.gather [hbm4b:s1+s0], $0x80, s12, s0, $0xb8;
	v63 =	vld [tilespmem:$0x0]  }
0x277: {  	_ =	swait.ge [sflag:s11], $0x4000  }
0x278: {  	[sflag:s11] =	ssyncset.done $0x0  }
0x279: {  	s26 =	simm.s32 $0x1E80;
	[sflag:s11] =	ssyncadd.s32 $0xFFFFC000  }
0x27a: {  	[spmem:s2] =	stream.indirect.scatter.add.f32 [tilespmem:s5], [sflag:$0x5], $0x80, s26, s0, $0xb8;
	v63 =	vld [tilespmem:$0x0]  }
0x27b: {  	_ =	swait.ge [sflag:s30], $0x4000  }
0x27c: {  	[sflag:s30] =	ssyncset.done $0x0  }
0x27d: {  	s10 =	simm.s32 $0xF80;
	[sflag:s30] =	ssyncadd.s32 $0xFFFFC000  }
0x27e: {  	[tilespmem:s5], [sflag:$0x2] =	stream.indirect.gather [hbm4b:s1+s0], $0x80, s10, s0, $0xb8;
	v63 =	vld [tilespmem:$0x0]  }
0x27f: {  	_ =	swait.ge [sflag:s9], $0x4000  }
0x280: {  	[sflag:s9] =	ssyncset.done $0x0  }
0x281: {  	s12 =	simm.s32 $0x1F00;
	[sflag:s9] =	ssyncadd.s32 $0xFFFFC000  }
0x282: {  	[spmem:s2] =	stream.indirect.scatter.add.f32 [tilespmem:s3], [sflag:$0x5], $0x80, s12, s0, $0xb8;
	v63 =	vld [tilespmem:$0x0]  }
0x283: {  	_ =	swait.ge [sflag:s30], $0x4000  }
0x284: {  	[sflag:s30] =	ssyncset.done $0x0  }
0x285: {  	[sflag:s30] =	ssyncadd.s32 $0xFFFFC000  }
0x286: {  	_ =	swait.ge [sflag:s11], $0x4000  }
0x287: {  	[sflag:s11] =	ssyncset.done $0x0  }
0x288: {  	s26 =	simm.s32 $0x1F80;
	[sflag:s11] =	ssyncadd.s32 $0xFFFFC000  }
0x289: {  	[spmem:s2] =	stream.indirect.scatter.add.f32 [tilespmem:s5], [sflag:$0x5], $0x80, s26, s0, $0xb8;
	v63 =	vld [tilespmem:$0x0]  }
0x28a: {  	_ =	swait.ge [sflag:s30], $0x4000  }
0x28b: {  	[sflag:s30] =	ssyncset.done $0x0  }
0x28c: {  	[sflag:s30] =	ssyncadd.s32 $0xFFFFC000  }
0x28d: {  	_ =	swait.ge [sflag:s31], $0x800  }
0x28e: {  	[sflag:s31] =	ssyncset.done $0x0  }
0x28f: {  	[sflag:s31] =	ssyncadd.s32 $0xFFFFF800  }
0x290: {  	_ =	swait.ge [sflag:s31], $0x800  }
0x291: {  	[sflag:s31] =	ssyncset.done $0x0  }
0x292: {  	[sflag:s31] =	ssyncadd.s32 $0xFFFFF800  }
0x293: {  	[tilespmem:s3], [sflag:$0x1] =	stream.indirect.gather [hbm4b:s1+s0], $0x80, s4, s0, $0xb8;
	v63 =	vld [tilespmem:$0x0]  }
0x294: {  	_ = 	snop  }
0x295: {  	[tilespmem:s5], [sflag:$0x2] =	stream.indirect.gather [hbm4b:s1+s0], $0x80, s0, s0, $0xb8;
	v63 =	vld [tilespmem:$0x0]  }
0x296: {  	_ =	swait.ge [sflag:s9], $0x4000  }
0x297: {  	[sflag:s9] =	ssyncset.done $0x0  }
0x298: {  	[sflag:s9] =	ssyncadd.s32 $0xFFFFC000  }
0x299: {  	[spmem:s2] =	stream.indirect.scatter.add.f32 [tilespmem:s3], [sflag:$0x5], $0x80, s6, s0, $0xb8;
	v63 =	vld [tilespmem:$0x0]  }
0x29a: {  	_ =	swait.ge [sflag:s30], $0x4000  }
0x29b: {  	[sflag:s30] =	ssyncset.done $0x0  }
0x29c: {  	s10 =	simm.s32 $0x100;
	[sflag:s30] =	ssyncadd.s32 $0xFFFFC000  }
0x29d: {  	[tilespmem:s3], [sflag:$0x1] =	stream.indirect.gather [hbm4b:s1+s0], $0x80, s10, s0, $0xb8;
	v63 =	vld [tilespmem:$0x0]  }
0x29e: {  	_ =	swait.ge [sflag:s11], $0x4000  }
0x29f: {  	[sflag:s11] =	ssyncset.done $0x0  }
0x2a0: {  	s12 =	simm.s32 $0x1080;
	[sflag:s11] =	ssyncadd.s32 $0xFFFFC000  }
0x2a1: {  	[spmem:s2] =	stream.indirect.scatter.add.f32 [tilespmem:s5], [sflag:$0x5], $0x80, s12, s0, $0xb8;
	v63 =	vld [tilespmem:$0x0]  }
0x2a2: {  	_ =	swait.ge [sflag:s30], $0x4000  }
0x2a3: {  	[sflag:s30] =	ssyncset.done $0x0  }
0x2a4: {  	s26 =	simm.s32 $0x180;
	[sflag:s30] =	ssyncadd.s32 $0xFFFFC000  }
0x2a5: {  	[tilespmem:s5], [sflag:$0x2] =	stream.indirect.gather [hbm4b:s1+s0], $0x80, s26, s0, $0xb8;
	v63 =	vld [tilespmem:$0x0]  }
0x2a6: {  	_ =	swait.ge [sflag:s9], $0x4000  }
0x2a7: {  	[sflag:s9] =	ssyncset.done $0x0  }
0x2a8: {  	s7 =	simm.s32 $0x1100;
	[sflag:s9] =	ssyncadd.s32 $0xFFFFC000  }
0x2a9: {  	[spmem:s2] =	stream.indirect.scatter.add.f32 [tilespmem:s3], [sflag:$0x5], $0x80, s7, s0, $0xb8;
	v63 =	vld [tilespmem:$0x0]  }
0x2aa: {  	_ =	swait.ge [sflag:s30], $0x4000  }
0x2ab: {  	[sflag:s30] =	ssyncset.done $0x0  }
0x2ac: {  	s10 =	simm.s32 $0x200;
	[sflag:s30] =	ssyncadd.s32 $0xFFFFC000  }
0x2ad: {  	[tilespmem:s3], [sflag:$0x1] =	stream.indirect.gather [hbm4b:s1+s0], $0x80, s10, s0, $0xb8;
	v63 =	vld [tilespmem:$0x0]  }
0x2ae: {  	_ =	swait.ge [sflag:s11], $0x4000  }
0x2af: {  	[sflag:s11] =	ssyncset.done $0x0  }
0x2b0: {  	s12 =	simm.s32 $0x1180;
	[sflag:s11] =	ssyncadd.s32 $0xFFFFC000  }
0x2b1: {  	[spmem:s2] =	stream.indirect.scatter.add.f32 [tilespmem:s5], [sflag:$0x5], $0x80, s12, s0, $0xb8;
	v63 =	vld [tilespmem:$0x0]  }
0x2b2: {  	_ =	swait.ge [sflag:s30], $0x4000  }
0x2b3: {  	[sflag:s30] =	ssyncset.done $0x0  }
0x2b4: {  	s26 =	simm.s32 $0x280;
	[sflag:s30] =	ssyncadd.s32 $0xFFFFC000  }
0x2b5: {  	[tilespmem:s5], [sflag:$0x2] =	stream.indirect.gather [hbm4b:s1+s0], $0x80, s26, s0, $0xb8;
	v63 =	vld [tilespmem:$0x0]  }
0x2b6: {  	_ =	swait.ge [sflag:s9], $0x4000  }
0x2b7: {  	[sflag:s9] =	ssyncset.done $0x0  }
0x2b8: {  	s7 =	simm.s32 $0x1200;
	[sflag:s9] =	ssyncadd.s32 $0xFFFFC000  }
0x2b9: {  	[spmem:s2] =	stream.indirect.scatter.add.f32 [tilespmem:s3], [sflag:$0x5], $0x80, s7, s0, $0xb8;
	v63 =	vld [tilespmem:$0x0]  }
0x2ba: {  	_ =	swait.ge [sflag:s30], $0x4000  }
0x2bb: {  	[sflag:s30] =	ssyncset.done $0x0  }
0x2bc: {  	s10 =	simm.s32 $0x300;
	[sflag:s30] =	ssyncadd.s32 $0xFFFFC000  }
0x2bd: {  	[tilespmem:s3], [sflag:$0x1] =	stream.indirect.gather [hbm4b:s1+s0], $0x80, s10, s0, $0xb8;
	v63 =	vld [tilespmem:$0x0]  }
0x2be: {  	_ =	swait.ge [sflag:s11], $0x4000  }
0x2bf: {  	[sflag:s11] =	ssyncset.done $0x0  }
0x2c0: {  	s12 =	simm.s32 $0x1280;
	[sflag:s11] =	ssyncadd.s32 $0xFFFFC000  }
0x2c1: {  	[spmem:s2] =	stream.indirect.scatter.add.f32 [tilespmem:s5], [sflag:$0x5], $0x80, s12, s0, $0xb8;
	v63 =	vld [tilespmem:$0x0]  }
0x2c2: {  	_ =	swait.ge [sflag:s30], $0x4000  }
0x2c3: {  	[sflag:s30] =	ssyncset.done $0x0  }
0x2c4: {  	s26 =	simm.s32 $0x380;
	[sflag:s30] =	ssyncadd.s32 $0xFFFFC000  }
0x2c5: {  	[tilespmem:s5], [sflag:$0x2] =	stream.indirect.gather [hbm4b:s1+s0], $0x80, s26, s0, $0xb8;
	v63 =	vld [tilespmem:$0x0]  }
0x2c6: {  	_ =	swait.ge [sflag:s9], $0x4000  }
0x2c7: {  	[sflag:s9] =	ssyncset.done $0x0  }
0x2c8: {  	s7 =	simm.s32 $0x1300;
	[sflag:s9] =	ssyncadd.s32 $0xFFFFC000  }
0x2c9: {  	[spmem:s2] =	stream.indirect.scatter.add.f32 [tilespmem:s3], [sflag:$0x5], $0x80, s7, s0, $0xb8;
	v63 =	vld [tilespmem:$0x0]  }
0x2ca: {  	_ =	swait.ge [sflag:s30], $0x4000  }
0x2cb: {  	[sflag:s30] =	ssyncset.done $0x0  }
0x2cc: {  	s10 =	simm.s32 $0x400;
	[sflag:s30] =	ssyncadd.s32 $0xFFFFC000  }
0x2cd: {  	[tilespmem:s3], [sflag:$0x1] =	stream.indirect.gather [hbm4b:s1+s0], $0x80, s10, s0, $0xb8;
	v63 =	vld [tilespmem:$0x0]  }
0x2ce: {  	_ =	swait.ge [sflag:s11], $0x4000  }
0x2cf: {  	[sflag:s11] =	ssyncset.done $0x0  }
0x2d0: {  	s12 =	simm.s32 $0x1380;
	[sflag:s11] =	ssyncadd.s32 $0xFFFFC000  }
0x2d1: {  	[spmem:s2] =	stream.indirect.scatter.add.f32 [tilespmem:s5], [sflag:$0x5], $0x80, s12, s0, $0xb8;
	v63 =	vld [tilespmem:$0x0]  }
0x2d2: {  	_ =	swait.ge [sflag:s30], $0x4000  }
0x2d3: {  	[sflag:s30] =	ssyncset.done $0x0  }
0x2d4: {  	s26 =	simm.s32 $0x480;
	[sflag:s30] =	ssyncadd.s32 $0xFFFFC000  }
0x2d5: {  	[tilespmem:s5], [sflag:$0x2] =	stream.indirect.gather [hbm4b:s1+s0], $0x80, s26, s0, $0xb8;
	v63 =	vld [tilespmem:$0x0]  }
0x2d6: {  	_ =	swait.ge [sflag:s9], $0x4000  }
0x2d7: {  	[sflag:s9] =	ssyncset.done $0x0  }
0x2d8: {  	s7 =	simm.s32 $0x1400;
	[sflag:s9] =	ssyncadd.s32 $0xFFFFC000  }
0x2d9: {  	[spmem:s2] =	stream.indirect.scatter.add.f32 [tilespmem:s3], [sflag:$0x5], $0x80, s7, s0, $0xb8;
	v63 =	vld [tilespmem:$0x0]  }
0x2da: {  	_ =	swait.ge [sflag:s30], $0x4000  }
0x2db: {  	[sflag:s30] =	ssyncset.done $0x0  }
0x2dc: {  	s10 =	simm.s32 $0x500;
	[sflag:s30] =	ssyncadd.s32 $0xFFFFC000  }
0x2dd: {  	[tilespmem:s3], [sflag:$0x1] =	stream.indirect.gather [hbm4b:s1+s0], $0x80, s10, s0, $0xb8;
	v63 =	vld [tilespmem:$0x0]  }
0x2de: {  	_ =	swait.ge [sflag:s11], $0x4000  }
0x2df: {  	[sflag:s11] =	ssyncset.done $0x0  }
0x2e0: {  	s12 =	simm.s32 $0x1480;
	[sflag:s11] =	ssyncadd.s32 $0xFFFFC000  }
0x2e1: {  	[spmem:s2] =	stream.indirect.scatter.add.f32 [tilespmem:s5], [sflag:$0x5], $0x80, s12, s0, $0xb8;
	v63 =	vld [tilespmem:$0x0]  }
0x2e2: {  	_ =	swait.ge [sflag:s30], $0x4000  }
0x2e3: {  	[sflag:s30] =	ssyncset.done $0x0  }
0x2e4: {  	s26 =	simm.s32 $0x580;
	[sflag:s30] =	ssyncadd.s32 $0xFFFFC000  }
0x2e5: {  	[tilespmem:s5], [sflag:$0x2] =	stream.indirect.gather [hbm4b:s1+s0], $0x80, s26, s0, $0xb8;
	v63 =	vld [tilespmem:$0x0]  }
0x2e6: {  	_ =	swait.ge [sflag:s9], $0x4000  }
0x2e7: {  	[sflag:s9] =	ssyncset.done $0x0  }
0x2e8: {  	s7 =	simm.s32 $0x1500;
	[sflag:s9] =	ssyncadd.s32 $0xFFFFC000  }
0x2e9: {  	[spmem:s2] =	stream.indirect.scatter.add.f32 [tilespmem:s3], [sflag:$0x5], $0x80, s7, s0, $0xb8;
	v63 =	vld [tilespmem:$0x0]  }
0x2ea: {  	_ =	swait.ge [sflag:s30], $0x4000  }
0x2eb: {  	[sflag:s30] =	ssyncset.done $0x0  }
0x2ec: {  	s10 =	simm.s32 $0x600;
	[sflag:s30] =	ssyncadd.s32 $0xFFFFC000  }
0x2ed: {  	[tilespmem:s3], [sflag:$0x1] =	stream.indirect.gather [hbm4b:s1+s0], $0x80, s10, s0, $0xb8;
	v63 =	vld [tilespmem:$0x0]  }
0x2ee: {  	_ =	swait.ge [sflag:s11], $0x4000  }
0x2ef: {  	[sflag:s11] =	ssyncset.done $0x0  }
0x2f0: {  	s12 =	simm.s32 $0x1580;
	[sflag:s11] =	ssyncadd.s32 $0xFFFFC000  }
0x2f1: {  	[spmem:s2] =	stream.indirect.scatter.add.f32 [tilespmem:s5], [sflag:$0x5], $0x80, s12, s0, $0xb8;
	v63 =	vld [tilespmem:$0x0]  }
0x2f2: {  	_ =	swait.ge [sflag:s30], $0x4000  }
0x2f3: {  	[sflag:s30] =	ssyncset.done $0x0  }
0x2f4: {  	s26 =	simm.s32 $0x680;
	[sflag:s30] =	ssyncadd.s32 $0xFFFFC000  }
0x2f5: {  	[tilespmem:s5], [sflag:$0x2] =	stream.indirect.gather [hbm4b:s1+s0], $0x80, s26, s0, $0xb8;
	v63 =	vld [tilespmem:$0x0]  }
0x2f6: {  	_ =	swait.ge [sflag:s9], $0x4000  }
0x2f7: {  	[sflag:s9] =	ssyncset.done $0x0  }
0x2f8: {  	s7 =	simm.s32 $0x1600;
	[sflag:s9] =	ssyncadd.s32 $0xFFFFC000  }
0x2f9: {  	[spmem:s2] =	stream.indirect.scatter.add.f32 [tilespmem:s3], [sflag:$0x5], $0x80, s7, s0, $0xb8;
	v63 =	vld [tilespmem:$0x0]  }
0x2fa: {  	_ =	swait.ge [sflag:s30], $0x4000  }
0x2fb: {  	[sflag:s30] =	ssyncset.done $0x0  }
0x2fc: {  	s10 =	simm.s32 $0x700;
	[sflag:s30] =	ssyncadd.s32 $0xFFFFC000  }
0x2fd: {  	[tilespmem:s3], [sflag:$0x1] =	stream.indirect.gather [hbm4b:s1+s0], $0x80, s10, s0, $0xb8;
	v63 =	vld [tilespmem:$0x0]  }
0x2fe: {  	_ =	swait.ge [sflag:s11], $0x4000  }
0x2ff: {  	[sflag:s11] =	ssyncset.done $0x0  }
0x300: {  	s12 =	simm.s32 $0x1680;
	[sflag:s11] =	ssyncadd.s32 $0xFFFFC000  }
0x301: {  	[spmem:s2] =	stream.indirect.scatter.add.f32 [tilespmem:s5], [sflag:$0x5], $0x80, s12, s0, $0xb8;
	v63 =	vld [tilespmem:$0x0]  }
0x302: {  	_ =	swait.ge [sflag:s30], $0x4000  }
0x303: {  	[sflag:s30] =	ssyncset.done $0x0  }
0x304: {  	s26 =	simm.s32 $0x780;
	[sflag:s30] =	ssyncadd.s32 $0xFFFFC000  }
0x305: {  	[tilespmem:s5], [sflag:$0x2] =	stream.indirect.gather [hbm4b:s1+s0], $0x80, s26, s0, $0xb8;
	v63 =	vld [tilespmem:$0x0]  }
0x306: {  	_ =	swait.ge [sflag:s9], $0x4000  }
0x307: {  	[sflag:s9] =	ssyncset.done $0x0  }
0x308: {  	s7 =	simm.s32 $0x1700;
	[sflag:s9] =	ssyncadd.s32 $0xFFFFC000  }
0x309: {  	[spmem:s2] =	stream.indirect.scatter.add.f32 [tilespmem:s3], [sflag:$0x5], $0x80, s7, s0, $0xb8;
	v63 =	vld [tilespmem:$0x0]  }
0x30a: {  	_ =	swait.ge [sflag:s30], $0x4000  }
0x30b: {  	[sflag:s30] =	ssyncset.done $0x0  }
0x30c: {  	[sflag:s30] =	ssyncadd.s32 $0xFFFFC000  }
0x30d: {  	_ =	swait.ge [sflag:s11], $0x4000  }
0x30e: {  	[sflag:s11] =	ssyncset.done $0x0  }
0x30f: {  	s10 =	simm.s32 $0x1780;
	[sflag:s11] =	ssyncadd.s32 $0xFFFFC000  }
0x310: {  	[spmem:s2] =	stream.indirect.scatter.add.f32 [tilespmem:s5], [sflag:$0x5], $0x80, s10, s0, $0xb8;
	v63 =	vld [tilespmem:$0x0]  }
0x311: {  	_ =	swait.ge [sflag:s30], $0x4000  }
0x312: {  	[sflag:s30] =	ssyncset.done $0x0  }
0x313: {  	[sflag:s30] =	ssyncadd.s32 $0xFFFFC000  }
0x314: {  	s12 =	stileid.u32;
	[bflag:$0x0] =	sbarrier.arrive $0xFFFF  }
0x315: {  	s10 =	sshll.u32 s12, $0x6;
	s26 =	rddreg [dreg:$0x19]  }
0x316: {  	s10 =	sor.u32 $0x1C05, s10;
	s7 =	rddreg [dreg:$0xe];
	s6 =	sshrl.u32 s26, $0x3  }
0x317: {  	[hbm:s7], [sflag:s10] =	dma.local [spmem:s6], $0x2800  }
0x318: {  	_ =	swait.ge [sflag:s30], $0x2800  }
0x319: {  	s25 =	sadd.s32 $0x1, s25;
	s26 =	rddreg [dreg:$0xf]  }
0x31a: {  	p0 =	sne.s32 s25, s26  }
.Ltmp1:
0x31b: {  	_ = 	snop;
	(pc) =	sbr.rel @p0 .LBB2_1-.Ltmp1, $3  }
0x31c: {  	_ =	sdelay $0x1  }
0x31d: {  	[sflag:s30] =	ssyncset.done $0x0  }
0x31e: {  	[sflag:s30] =	ssyncadd.s32 $0xFFFFD800  }
0x31f: {  	_ =	sfence.sel $0x180000  }
0x320: {  	[bflag:$0x0] =	sbarrier.arrive $0xFFFF  }
0x321: {  	_ =	strace $0x9000004A  }
0x322: {  	s0 =	stileid.u32;
	[bflag:$0x2] =	sbarrier.arrive $0xFFFF  }
0x323: {  	p0 =	sne.s32 s0, $0x0;
	s0 =	rddreg [dreg:$0x3]  }
0x324: {  	s0 =	sadd.s32 @!p0 $0x100000, s0  }
0x325: {  	[sflag:s0] =	ssyncadd.tile.s32 @!p0 $0x1;
	_ =	shalt  }
.Lfunc_end2:
_tile_overlayer_lowered:
.L_overlay_start_2:
0x326: {  	(tag) =	ssettag $0x2  }
0x327: {  	s0 =	rddreg [dreg:$0x0];
	s2 =	stileid.u32  }
0x328: {  	s1 =	rddreg [dreg:$0x1];
	p0 =	sne.s32 s2, $0x0  }
0x329: {  	s3 =	rddreg [dreg:$0x2];
	[bflag:$0x3] =	sbarrier.arrive $0xFFFF;
	s2 =	simm.s32 @!p0 $0x1C05  }
0x32a: {  	[timem:s3], [sflag:s2] =	dma.local @!p0 [hbm:s0], s1  }
0x32b: {  	s0 =	simm.s32 @!p0 $0x5  }
0x32c: {  	_ =	swait.ge @!p0 [sflag:s0], s1  }
0x32d: {  	s1 =	ssub.s32 @!p0 $0x0, s1;
	[sflag:s0] =	ssyncset.done @!p0 $0x0  }
0x32e: {  	[sflag:s0] =	ssyncadd.s32 @!p0 s1  }
0x32f: {  	[bflag:$0x3] =	sbarrier.arrive $0xFFFF  }
0x330: {  	_ =	shalt  }

// kernel: kernel.14.cloned.1.call-start
scs
__scs_entry_jumppad:
0x0: {  	(pc) =	sbr.rel $0x88, $3  }
0x1: {  	(tag) =	ssettag $0x0;
	lr =	simm.s32 $0x1  }
0x2: {  	[smem:$0x3F99] =	sst lr;
	_ =	strace $0xD0000000  }
0x3: {  	_ = 	snop  }
0x4: {  	_ = 	snop  }
0x5: {  	_ = 	snop  }
0x6: {  	_ = 	snop  }
0x7: {  	_ = 	snop  }
__scs_overlays_trampoline_lowered:
0x8: {  	[smem:$0x3FA8] =	sst s0  }
0x9: {  	[smem:$0x3FA9] =	sst s1  }
0xa: {  	[smem:$0x3FAA] =	sst s2  }
0xb: {  	[smem:$0x3FAB] =	sst s3  }
0xc: {  	[smem:$0x3FAC] =	sst s4  }
0xd: {  	[smem:$0x3FAD] =	sst s5  }
0xe: {  	[smem:$0x3FAE] =	sst s6  }
0xf: {  	[smem:$0x3FAF] =	sst s7  }
0x10: {  	[smem:$0x3FB0] =	sst s8  }
0x11: {  	[smem:$0x3FB1] =	sst s9;
	s0 =	simm.s32 @!p0 $0x0  }
0x12: {  	s1 =	sld [smem:$0x3F97];
	s0 =	simm.s32 @p0 $0x1  }
0x13: {  	[smem:$0x3FB2] =	sst s0;
	s0 =	simm.s32 @!p1 $0x0  }
0x14: {  	s2 =	sld [smem:$0x3F96];
	s0 =	simm.s32 @p1 $0x1  }
0x15: {  	[smem:$0x3FB3] =	sst s0;
	s0 =	simm.s32 @!p2 $0x0  }
0x16: {  	s3 =	sld [smem:$0x3FDB];
	s0 =	simm.s32 @p2 $0x1  }
0x17: {  	s4 =	simm.s32 $0x1BF5;
	[smem:$0x3FB5] =	sst s0  }
0x18: {  	s0 =	sld [smem:$0x3F98];
	_ =	swait.ge [sflag:s4], $0x0  }
0x19: {  	s7 =	sld [smem:$0x3F99]  }
0x1a: {  	s8 =	sadd.s32 $0xFFFFE003, lr  }
0x1b: {  	s9 =	sadd.s32 $0xFFFFFEF7, lr;
	s5 =	simm.s32 $0xFFFFFFFF;
	p2 =	slt.u32 s8, $0xFFFFF086  }
0x1c: {  	p1 =	slt.u32 s9, $0xF7A;
	s5 =	simm.s32 @!p2 $0x0  }
0x1d: {  	s5 =	simm.s32 @p1 $0x1;
	p0 =	seq.s32 s7, s2  }
0x1e: {  	s7 =	smul.u32 @!p0 $0xF7A, s2;
	p2 =	seq.s32 @!p0 s5, $0x0  }
0x1f: {  	s9 =	smul.u32 $0xF7A, s1;
	s8 =	simm.s32 @!p0 $0x1BF5;
	p2 =	por !p2, p0  }
0x20: {  	[sflag:s8] =	ssyncset.s32 @!p0 $0xFFFFF086;
	s6 =	sadd.s32 @!p0 s3, s7;
	s7 =	simm.s32 @!p0 $0x108  }
0x21: {  	s3 =	sadd.s32 s3, s9;
	s6 =	sadd.s32 @!p0 $0x88, s6;
	s7 =	simm.s32 @p2 $0x1082  }
0x22: {  	[simem:s7], [sflag:s8] =	dma.local @!p0 [hbm:s6], $0xF7A  }
0x23: {  	s9 =	sor.u32 $0xD0000000, s2;
	s6 =	simm.s32 $0x108;
	_ =	swait.ge @!p0 [sflag:s8], $0x0  }
0x24: {  	s3 =	sadd.s32 $0x88, s3;
	s6 =	simm.s32 @!p1 $0x1082;
	[sflag:s4] =	ssyncset.s32 $0xFFFFF086  }
0x25: {  	[simem:s6], [sflag:s4] =	dma.local [hbm:s3], $0xF7A  }
0x26: {  	[smem:$0x3F99] =	sst s1;
	(tag) =	ssettag s2;
	_ =	strace s9  }
0x27: {  	s1 =	sld [smem:$0x3FA9]  }
0x28: {  	s2 =	sld [smem:$0x3FAA]  }
0x29: {  	s4 =	sld [smem:$0x3FAC]  }
0x2a: {  	p0 =	seq.s32 s5, $0x0;
	s5 =	sld [smem:$0x3FAD]  }
0x2b: {  	s6 =	sld [smem:$0x3FAE]  }
0x2c: {  	s7 =	sld [smem:$0x3FAF]  }
0x2d: {  	s3 =	simm.s32 $0x108;
	s8 =	sld [smem:$0x3FB0]  }
0x2e: {  	s3 =	simm.s32 @!p0 $0x1082;
	s9 =	sld [smem:$0x3FB1]  }
0x2f: {  	lr =	sadd.s32 s0, s3;
	s0 =	sld [smem:$0x3FA8]  }
0x30: {  	s3 =	sld [smem:$0x3FAB]  }
0x31: {  	[smem:$0x3FB4] =	sst s10  }
0x32: {  	s10 =	sld [smem:$0x3FB2];
	_ =	sdelay $0x3  }
0x33: {  	p0 =	seq.s32 s10, $0x1;
	s10 =	sld [smem:$0x3FB4];
	_ =	sdelay $0x3  }
0x34: {  	[smem:$0x3FB4] =	sst s10  }
0x35: {  	s10 =	sld [smem:$0x3FB3];
	_ =	sdelay $0x3  }
0x36: {  	p1 =	seq.s32 s10, $0x1;
	s10 =	sld [smem:$0x3FB4];
	_ =	sdelay $0x3  }
0x37: {  	[smem:$0x3FB4] =	sst s10  }
0x38: {  	s10 =	sld [smem:$0x3FB5]  }
0x39: {  	_ = 	snop;
	(pc) =	sbr.ind lr, $3  }
0x3a: {  	_ = 	snop  }
0x3b: {  	_ = 	snop  }
0x3c: {  	p2 =	seq.s32 s10, $0x1;
	s10 =	sld [smem:$0x3FB4]  }
0x3d: {  	_ =	shalt  }
0x3e: {  	_ =	shalt  }
0x3f: {  	_ =	shalt  }
0x40: {  	_ =	shalt  }
0x41: {  	_ =	shalt  }
0x42: {  	_ =	shalt  }
0x43: {  	_ =	shalt  }
0x44: {  	_ =	shalt  }
0x45: {  	_ =	shalt  }
0x46: {  	_ =	shalt  }
0x47: {  	_ =	shalt  }
0x48: {  	_ =	shalt  }
0x49: {  	_ =	shalt  }
0x4a: {  	_ =	shalt  }
0x4b: {  	_ =	shalt  }
0x4c: {  	_ =	shalt  }
0x4d: {  	_ =	shalt  }
0x4e: {  	_ =	shalt  }
0x4f: {  	_ =	shalt  }
0x50: {  	_ =	shalt  }
0x51: {  	_ =	shalt  }
0x52: {  	_ =	shalt  }
0x53: {  	_ =	shalt  }
0x54: {  	_ =	shalt  }
0x55: {  	_ =	shalt  }
0x56: {  	_ =	shalt  }
0x57: {  	_ =	shalt  }
0x58: {  	_ =	shalt  }
0x59: {  	_ =	shalt  }
0x5a: {  	_ =	shalt  }
0x5b: {  	_ =	shalt  }
0x5c: {  	_ =	shalt  }
0x5d: {  	_ =	shalt  }
0x5e: {  	_ =	shalt  }
0x5f: {  	_ =	shalt  }
0x60: {  	_ =	shalt  }
0x61: {  	_ =	shalt  }
0x62: {  	_ =	shalt  }
0x63: {  	_ =	shalt  }
0x64: {  	_ =	shalt  }
0x65: {  	_ =	shalt  }
0x66: {  	_ =	shalt  }
0x67: {  	_ =	shalt  }
0x68: {  	_ =	shalt  }
0x69: {  	_ =	shalt  }
0x6a: {  	_ =	shalt  }
0x6b: {  	_ =	shalt  }
0x6c: {  	_ =	shalt  }
0x6d: {  	_ =	shalt  }
0x6e: {  	_ =	shalt  }
0x6f: {  	_ =	shalt  }
0x70: {  	_ =	shalt  }
0x71: {  	_ =	shalt  }
0x72: {  	_ =	shalt  }
0x73: {  	_ =	shalt  }
0x74: {  	_ =	shalt  }
0x75: {  	_ =	shalt  }
0x76: {  	_ =	shalt  }
0x77: {  	_ =	shalt  }
0x78: {  	_ =	shalt  }
0x79: {  	_ =	shalt  }
0x7a: {  	_ =	shalt  }
0x7b: {  	_ =	shalt  }
0x7c: {  	_ =	shalt  }
0x7d: {  	_ =	shalt  }
0x7e: {  	_ =	shalt  }
0x7f: {  	_ =	shalt  }
0x80: {  	_ =	shalt  }
0x81: {  	_ =	shalt  }
0x82: {  	_ =	shalt  }
0x83: {  	_ =	shalt  }
0x84: {  	_ =	shalt  }
0x85: {  	_ =	shalt  }
0x86: {  	_ =	shalt  }
0x87: {  	_ =	shalt  }
.Lfunc_end0:
.L_simem_size_0:
called_computation.2_lowered:
.L_overlay_start_0:
0x88: {  	s2 =	sld [smem:$0x3FD9]  }
0x89: {  	s3 =	sld [smem:$0x3FFE];
	_ =	sdelay $0x1  }
0x8a: {  	s1 =	srdreg.scid  }
0x8b: {  	s0 =	sand.u32 $0x1, s1  }
0x8c: {  	s17 =	sshll.u32 s0, $0xA;
	s2 =	sadd.s32 s3, s2  }
0x8d: {  	s2 =	sadd.s32 s2, s17  }
0x8e: {  	[smem:$0x3FC0] =	sst s2  }
0x8f: {  	_ = 	snop  }
0x90: {  	s2 =	sld [smem:$0x3FD0];
	(tm) =	ssettm $0x1  }
0x91: {  	s18 =	sld [smem:$0x3FFB];
	_ =	sdelay $0x3  }
0x92: {  	_ =	strace s18  }
0x93: {  	s3 =	sld [smem:$0x3FFC];
	_ =	sdelay $0x3  }
0x94: {  	_ =	strace s3  }
0x95: {  	s3 =	sld [smem:$0x3FFD];
	_ =	sdelay $0x3  }
0x96: {  	_ =	strace s3  }
0x97: {  	_ =	strace $0x8FFFFFFF  }
0x98: {  	s19 =	sld [smem:$0x3FDB];
	_ =	sdelay $0x1  }
0x99: {  	s4 =	simm.s32 $_scs_section_size  }
0x9a: {  	s5 =	simm.s32 $_size__tile_overlayer_lowered;
	s6 =	simm.s32 $_tile_overlayer_lowered  }
0x9b: {  	s22 =	simm.s32 $0x1BFF;
	s21 =	sshll.u32 s6, $0x1;
	s3 =	sadd.s32 s4, s19  }
0x9c: {  	s7 =	simm.s32 $0x0;
	s20 =	sshll.u32 s5, $0x1;
	s5 =	sadd.s32 s21, s3  }
0x9d: {  	[timem:s7], [sflag:s22] =	dma.local [hbm:s5], s20  }
0x9e: {  	_ =	swait.ge [sflag:s22], s20  }
0x9f: {  	s4 =	ssub.s32 $0x0, s20;
	[sflag:s22] =	ssyncset.done $0x0  }
0xa0: {  	[sflag:s22] =	ssyncadd.s32 s4;
	_ =	sdelay $0x1  }
0xa1: {  	s23 =	simm.s32 $0x1B8B  }
0xa2: {  	_ =	swait.ge [sflag:s23], $0x1  }
0xa3: {  	[sflag:s23] =	ssyncset.done $0x0  }
0xa4: {  	s25 =	simm.s32 $0x1B8E;
	s24 =	sld [smem:$0x3FFE];
	[sflag:s23] =	ssyncadd.s32 $0xFFFFFFFF  }
0xa5: {  	s26 =	simm.s32 $execute0_lowered;
	[smem:$0x3FD2] =	sst s25  }
0xa6: {  	s5 =	sshll.u32 s26, $0x1;
	_ =	strace $0x8000004C;
	[dreg:$0x1] =	wrdreg $0xFFFFFFFF  }
0xa7: {  	s28 =	simm.s32 $_size_execute0_lowered;
	s3 =	sadd.s32 s3, s5;
	[dreg:$0x0] =	wrdreg $0x0  }
0xa8: {  	s5 =	sshll.u32 s28, $0x1;
	[dreg:$0x2] =	wrdreg s3  }
0xa9: {  	[dreg:$0x3] =	wrdreg s5  }
0xaa: {  	[dreg:$0x4] =	wrdreg $0xC0  }
0xab: {  	_ =	task [dreg:s7], $0x5FFFF  }
0xac: {  	[dreg:$0x1] =	wrdreg $0xFFFFFFFF  }
0xad: {  	[dreg:$0x0] =	wrdreg $0x60  }
0xae: {  	[dreg:$0x2] =	wrdreg s2  }
0xaf: {  	[dreg:$0x3] =	wrdreg s24  }
0xb0: {  	[dreg:$0x4] =	wrdreg $0xC0000  }
0xb1: {  	[dreg:$0x5] =	wrdreg $0x9  }
0xb2: {  	_ =	task.clear_ibuf [dreg:s7], $0x6FFFF;
	_ =	strace $0x9000004C  }
0xb3: {  	s29 =	simm.s32 $0x9;
	_ =	strace $0x8000004E  }
0xb4: {  	_ =	swait.ge [sflag:s29], $0x1  }
0xb5: {  	[sflag:s29] =	ssyncadd.s32 $0xFFFFFFFF  }
0xb6: {  	_ =	strace $0x9000004E  }
0xb7: {  	_ =	sfence  }
0xb8: {  	s30 =	sld [smem:$0x0];
	_ =	sdelay $0x2  }
0xb9: {  	s31 =	sshll.u32 s1, $0xD;
	s1 =	sshrl.u32 s1, $0x2  }
0xba: {  	s3 =	sand.u32 $0x4000, s31;
	s1 =	sadd.s32 s1, s30  }
0xbb: {  	s0 =	sor.u32 s3, s0;
	s1 =	sshll.u32 s1, $0x11  }
0xbc: {  	s0 =	sor.u32 s1, s0  }
0xbd: {  	s0 =	sadd.s32 $0x8F2B, s0  }
0xbe: {  	[sflag:s0] =	ssyncadd.remote.s32 $0x1  }
0xbf: {  	_ =	sfence.sel $0xFFFF  }
0xc0: {  	[dreg:$0x0] =	wrdreg $0xFFFFFFFF;
	(pc) =	sbr.abs _section_cstart, $3  }
0xc1: {  	[dreg:$0x1] =	wrdreg $0xFFFFFFFF  }
0xc2: {  	_ =	task.clear_ibuf [dreg:s7], $0x2FFFF;
	_ =	strace $0x9FFFFFFF  }
0xc3: {  	(tm) =	ssettm $0x7FFFFFFF  }
tec
execute0_lowered:
.L_overlay_start_1:
0x0: {  	(tag) =	ssettag $0x1  }
0x1: {  	s1 =	rddreg [dreg:$0x0]  }
0x2: {  	s0 =	rddreg [dreg:$0x1]  }
0x3: {  	s2 =	rddreg [dreg:$0x2];
	s4 =	simm.s32 $0x0  }
0x4: {  	s3 =	srdreg.scid;
	s11 =	stileid.u32;
	s29 =	simm.s32 $0xA000  }
0x5: {  	s30 =	simm.s32 $0x5;
	s31 =	simm.s32 $0x3;
	s28 =	simm.s32 $0xC00  }
0x6: {  	[smem:$0x7FF] =	sst s4;
	s3 =	sand.u32 $0x1, s3;
	s7 =	smul.u32 $0x14000, s11  }
0x7: {  	s8 =	sadd.s32 $0xCA00, s0;
	s9 =	sadd.s32 $0x2A00, s0;
	s19 =	smul.u32 $0x50000, s11  }
0x8: {  	s5 =	smul.u32 $0x140000, s3;
	s6 =	sshll.u32 s3, $0x4;
	s3 =	ssub.s32 $0x2, s3  }
0x9: {  	_ =	strace $0x8000004D;
	s20 =	sshrl.u32 s3, $0x1;
	s23 =	sshrl.u32 s19, $0x2  }
0xa: {  	s5 =	sadd.s32 s7, s5;
	s3 =	ssub.s32 s3, s20;
	s7 =	sadd.s32 s23, s2  }
0xb: {  	s6 =	sor.u32 s11, s6;
	s17 =	smax.u32 s3, $0x1;
	[dreg:$0x19] =	wrdreg s7  }
0xc: {  	s10 =	smul.u32 $0x500, s6;
	s18 =	sadd.s32 $0x2000, s7;
	[dreg:$0xf] =	wrdreg s17  }
0xd: {  	s6 =	smul.u32 $0x2800, s6;
	s19 =	sadd.s32 $0x4000, s7;
	[dreg:$0x10] =	wrdreg s18  }
0xe: {  	s5 =	sshrl.u32 s5, $0x3;
	s20 =	sadd.s32 $0x6000, s7;
	[dreg:$0x11] =	wrdreg s19  }
0xf: {  	s23 =	sadd.s32 $0xC000, s7;
	s3 =	simm.s32 $0x2000;
	[dreg:$0x12] =	wrdreg s20  }
0x10: {  	s0 =	sadd.s32 s5, s0;
	s21 =	sadd.s32 s8, s10;
	[dreg:$0x15] =	wrdreg s23  }
0x11: {  	s22 =	sadd.s32 s9, s10;
	s6 =	sshrl.u32 s6, $0x3;
	[dreg:$0x4] =	wrdreg s21  }
0x12: {  	s17 =	simm.s32 $0xA00;
	[dreg:$0x5] =	wrdreg s22;
	s0 =	sadd.s32 $0x16A00, s0  }
0x13: {  	s18 =	simm.s32 $0x1980;
	s21 =	sadd.s32 $0x8000, s7;
	[dreg:$0xe] =	wrdreg s0  }
0x14: {  	s24 =	sadd.s32 $0x100, s6;
	s22 =	sadd.s32 $0xA000, s7;
	[dreg:$0x13] =	wrdreg s21  }
0x15: {  	s19 =	simm.s32 $0xA80;
	s26 =	sadd.s32 s8, s24;
	[dreg:$0x14] =	wrdreg s22  }
0x16: {  	s25 =	sadd.s32 $0x200, s6;
	s5 =	sadd.s32 s9, s24;
	[dreg:$0x6] =	wrdreg s26  }
0x17: {  	s20 =	simm.s32 $0x1A00;
	s11 =	sadd.s32 s8, s25;
	[dreg:$0x7] =	wrdreg s5  }
0x18: {  	s13 =	sadd.s32 $0x300, s6;
	s12 =	sadd.s32 s9, s25;
	[dreg:$0x8] =	wrdreg s11  }
0x19: {  	s6 =	sadd.s32 $0x400, s6;
	s14 =	sadd.s32 s8, s13;
	[dreg:$0x9] =	wrdreg s12  }
0x1a: {  	s23 =	simm.s32 $0xB80;
	s15 =	sadd.s32 s8, s6;
	[dreg:$0xa] =	wrdreg s14  }
0x1b: {  	s16 =	sadd.s32 s9, s6;
	s24 =	sadd.s32 $0xE000, s7;
	[dreg:$0xc] =	wrdreg s15  }
0x1c: {  	s25 =	sadd.s32 $0x10000, s7;
	s0 =	simm.s32 $0x80;
	[dreg:$0xd] =	wrdreg s16  }
0x1d: {  	s8 =	simm.s32 $0x800;
	s21 =	simm.s32 $0xB00;
	[dreg:$0x16] =	wrdreg s24  }
0x1e: {  	s22 =	simm.s32 $0x1A80;
	s5 =	sadd.s32 s9, s13;
	[dreg:$0x17] =	wrdreg s25  }
0x1f: {  	s26 =	sadd.s32 $0x12000, s7;
	s9 =	simm.s32 $0x1;
	s11 =	simm.s32 $0x2  }
0x20: {  	s24 =	simm.s32 $0x4;
	s25 =	simm.s32 $0x0;
	s13 =	simm.s32 $0x900  }
0x21: {  	s14 =	simm.s32 $0x1880;
	s15 =	simm.s32 $0x980;
	[dreg:$0xb] =	wrdreg s5  }
0x22: {  	v0 =	vimm.f32 $0.0e+00;
	s16 =	simm.s32 $0x1900;
	[dreg:$0x18] =	wrdreg s26;
	s5 =	simm.s32 $0x6000  }
.LBB2_1:
0x23: {  	s26 =	simm.s32 $0x0;
	s10 =	simm.s32 $0x200  }
.LBB2_2:
0x24: {  	p0 =	sne.s32 s10, $0x7E00;
	[tilespmem:s26+$0xA070] =	vst v0  }
0x25: {  	[tilespmem:s26+$0xA000] =	vst v0  }
0x26: {  	[tilespmem:s26+$0xA010] =	vst v0  }
.Ltmp0:
0x27: {  	[tilespmem:s26+$0xA020] =	vst v0;
	(pc) =	sbr.rel @p0 .LBB2_2-.Ltmp0, $4  }
0x28: {  	[tilespmem:s26+$0xA030] =	vst v0  }
0x29: {  	[tilespmem:s26+$0xA040] =	vst v0  }
0x2a: {  	[tilespmem:s26+$0xA050] =	vst v0  }
0x2b: {  	[tilespmem:s26+$0xA060] =	vst v0;
	s26 =	sshra.s32 s10, $0x2;
	s10 =	sadd.s32 $0x200, s10  }
0x2c: {  	[tilespmem:s26+$0xA070] =	vst v0  }
0x2d: {  	[tilespmem:s26+$0xA000] =	vst v0  }
0x2e: {  	[tilespmem:s26+$0xA010] =	vst v0  }
0x2f: {  	[tilespmem:s26+$0xA020] =	vst v0  }
0x30: {  	[tilespmem:s26+$0xA030] =	vst v0  }
0x31: {  	[tilespmem:s26+$0xA040] =	vst v0  }
0x32: {  	[tilespmem:s26+$0xA050] =	vst v0  }
0x33: {  	[tilespmem:s26+$0xA060] =	vst v0;
	s10 =	rddreg [dreg:$0x4]  }
0x34: {  	[tilespmem:s4], [sflag:$0x3] =	stream.linear.gather [hbm4b:s10+s4], $0x800, $0x38;
	v63 =	vld [tilespmem:$0x0]  }
0x35: {  	s7 =	rddreg [dreg:$0x5];
	s6 =	simm.s32 $0x1000  }
0x36: {  	[tilespmem:s6], [sflag:$0x3] =	stream.linear.gather [hbm4b:s7+s4], $0x800, $0x38;
	v63 =	vld [tilespmem:$0x0]  }
0x37: {  	s7 =	rddreg [dreg:$0x19]  }
0x38: {  	[spmem:s7] =	stream.linear.scatter [tilespmem:s29], [sflag:$0x5], $0x2000, $0x38;
	v63 =	vld [tilespmem:$0x0]  }
0x39: {  	_ =	swait.ge [sflag:s30], $0x2000  }
0x3a: {  	[sflag:s30] =	ssyncset.done $0x0  }
0x3b: {  	s12 =	rddreg [dreg:$0x10];
	[sflag:s30] =	ssyncadd.s32 $0xFFFFE000  }
0x3c: {  	[spmem:s12] =	stream.linear.scatter [tilespmem:s29], [sflag:$0x5], $0x2000, $0x38;
	v63 =	vld [tilespmem:$0x0]  }
0x3d: {  	_ =	swait.ge [sflag:s30], $0x2000  }
0x3e: {  	[sflag:s30] =	ssyncset.done $0x0  }
0x3f: {  	s26 =	rddreg [dreg:$0x11];
	[sflag:s30] =	ssyncadd.s32 $0xFFFFE000  }
0x40: {  	[spmem:s26] =	stream.linear.scatter [tilespmem:s29], [sflag:$0x5], $0x2000, $0x38;
	v63 =	vld [tilespmem:$0x0]  }
0x41: {  	_ =	swait.ge [sflag:s30], $0x2000  }
0x42: {  	[sflag:s30] =	ssyncset.done $0x0  }
0x43: {  	s7 =	rddreg [dreg:$0x12];
	[sflag:s30] =	ssyncadd.s32 $0xFFFFE000  }
0x44: {  	[spmem:s7] =	stream.linear.scatter [tilespmem:s29], [sflag:$0x5], $0x2000, $0x38;
	v63 =	vld [tilespmem:$0x0]  }
0x45: {  	_ =	swait.ge [sflag:s30], $0x2000  }
0x46: {  	[sflag:s30] =	ssyncset.done $0x0  }
0x47: {  	s12 =	rddreg [dreg:$0x13];
	[sflag:s30] =	ssyncadd.s32 $0xFFFFE000  }
0x48: {  	[spmem:s12] =	stream.linear.scatter [tilespmem:s29], [sflag:$0x5], $0x2000, $0x38;
	v63 =	vld [tilespmem:$0x0]  }
0x49: {  	_ =	swait.ge [sflag:s30], $0x2000  }
0x4a: {  	[sflag:s30] =	ssyncset.done $0x0  }
0x4b: {  	s26 =	rddreg [dreg:$0x14];
	[sflag:s30] =	ssyncadd.s32 $0xFFFFE000  }
0x4c: {  	[spmem:s26] =	stream.linear.scatter [tilespmem:s29], [sflag:$0x5], $0x2000, $0x38;
	v63 =	vld [tilespmem:$0x0]  }
0x4d: {  	_ =	swait.ge [sflag:s30], $0x2000  }
0x4e: {  	[sflag:s30] =	ssyncset.done $0x0  }
0x4f: {  	s7 =	rddreg [dreg:$0x15];
	[sflag:s30] =	ssyncadd.s32 $0xFFFFE000  }
0x50: {  	[spmem:s7] =	stream.linear.scatter [tilespmem:s29], [sflag:$0x5], $0x2000, $0x38;
	v63 =	vld [tilespmem:$0x0]  }
0x51: {  	_ =	swait.ge [sflag:s30], $0x2000  }
0x52: {  	[sflag:s30] =	ssyncset.done $0x0  }
0x53: {  	s12 =	rddreg [dreg:$0x16];
	[sflag:s30] =	ssyncadd.s32 $0xFFFFE000  }
0x54: {  	[spmem:s12] =	stream.linear.scatter [tilespmem:s29], [sflag:$0x5], $0x2000, $0x38;
	v63 =	vld [tilespmem:$0x0]  }
0x55: {  	_ =	swait.ge [sflag:s30], $0x2000  }
0x56: {  	[sflag:s30] =	ssyncset.done $0x0  }
0x57: {  	s26 =	rddreg [dreg:$0x17];
	[sflag:s30] =	ssyncadd.s32 $0xFFFFE000  }
0x58: {  	[spmem:s26] =	stream.linear.scatter [tilespmem:s29], [sflag:$0x5], $0x2000, $0x38;
	v63 =	vld [tilespmem:$0x0]  }
0x59: {  	_ =	swait.ge [sflag:s30], $0x2000  }
0x5a: {  	[sflag:s30] =	ssyncset.done $0x0  }
0x5b: {  	s7 =	rddreg [dreg:$0x18];
	[sflag:s30] =	ssyncadd.s32 $0xFFFFE000  }
0x5c: {  	[spmem:s7] =	stream.linear.scatter [tilespmem:s29], [sflag:$0x5], $0x2000, $0x38;
	v63 =	vld [tilespmem:$0x0]  }
0x5d: {  	_ =	swait.ge [sflag:s30], $0x2000  }
0x5e: {  	[sflag:s30] =	ssyncset.done $0x0  }
0x5f: {  	[sflag:s30] =	ssyncadd.s32 $0xFFFFE000  }
0x60: {  	_ =	swait.ge [sflag:s31], $0x800  }
0x61: {  	[sflag:s31] =	ssyncset.done $0x0  }
0x62: {  	[sflag:s31] =	ssyncadd.s32 $0xFFFFF800  }
0x63: {  	_ =	swait.ge [sflag:s31], $0x800  }
0x64: {  	[sflag:s31] =	ssyncset.done $0x0  }
0x65: {  	[sflag:s31] =	ssyncadd.s32 $0xFFFFF800  }
0x66: {  	[tilespmem:s3], [sflag:$0x1] =	stream.indirect.gather [hbm4b:s1+s0], $0x80, s4, s0, $0xb8;
	v63 =	vld [tilespmem:$0x0]  }
0x67: {  	_ = 	snop  }
0x68: {  	[tilespmem:s5], [sflag:$0x2] =	stream.indirect.gather [hbm4b:s1+s0], $0x80, s0, s0, $0xb8;
	v63 =	vld [tilespmem:$0x0]  }
0x69: {  	[bflag:$0x0] =	sbarrier.arrive $0xFFFF  }
0x6a: {  	s12 =	rddreg [dreg:$0x6]  }
0x6b: {  	[tilespmem:s8], [sflag:$0x4] =	stream.linear.gather [hbm4b:s12+s4], $0x800, $0x38;
	v63 =	vld [tilespmem:$0x0]  }
0x6c: {  	s7 =	simm.s32 $0x1800;
	s26 =	rddreg [dreg:$0x7]  }
0x6d: {  	[tilespmem:s7], [sflag:$0x4] =	stream.linear.gather [hbm4b:s26+s4], $0x800, $0x38;
	v63 =	vld [tilespmem:$0x0]  }
0x6e: {  	_ =	swait.ge [sflag:s9], $0x4000  }
0x6f: {  	[sflag:s9] =	ssyncset.done $0x0  }
0x70: {  	[sflag:s9] =	ssyncadd.s32 $0xFFFFC000  }
0x71: {  	[spmem:s2] =	stream.indirect.scatter.add.f32 [tilespmem:s3], [sflag:$0x5], $0x80, s6, s0, $0xb8;
	v63 =	vld [tilespmem:$0x0]  }
0x72: {  	_ =	swait.ge [sflag:s30], $0x4000  }
0x73: {  	[sflag:s30] =	ssyncset.done $0x0  }
0x74: {  	s12 =	simm.s32 $0x100;
	[sflag:s30] =	ssyncadd.s32 $0xFFFFC000  }
0x75: {  	[tilespmem:s3], [sflag:$0x1] =	stream.indirect.gather [hbm4b:s1+s0], $0x80, s12, s0, $0xb8;
	v63 =	vld [tilespmem:$0x0]  }
0x76: {  	_ =	swait.ge [sflag:s11], $0x4000  }
0x77: {  	[sflag:s11] =	ssyncset.done $0x0  }
0x78: {  	s26 =	simm.s32 $0x1080;
	[sflag:s11] =	ssyncadd.s32 $0xFFFFC000  }
0x79: {  	[spmem:s2] =	stream.indirect.scatter.add.f32 [tilespmem:s5], [sflag:$0x5], $0x80, s26, s0, $0xb8;
	v63 =	vld [tilespmem:$0x0]  }
0x7a: {  	_ =	swait.ge [sflag:s30], $0x4000  }
0x7b: {  	[sflag:s30] =	ssyncset.done $0x0  }
0x7c: {  	s12 =	simm.s32 $0x180;
	[sflag:s30] =	ssyncadd.s32 $0xFFFFC000  }
0x7d: {  	[tilespmem:s5], [sflag:$0x2] =	stream.indirect.gather [hbm4b:s1+s0], $0x80, s12, s0, $0xb8;
	v63 =	vld [tilespmem:$0x0]  }
0x7e: {  	_ =	swait.ge [sflag:s9], $0x4000  }
0x7f: {  	[sflag:s9] =	ssyncset.done $0x0  }
0x80: {  	s26 =	simm.s32 $0x1100;
	[sflag:s9] =	ssyncadd.s32 $0xFFFFC000  }
0x81: {  	[spmem:s2] =	stream.indirect.scatter.add.f32 [tilespmem:s3], [sflag:$0x5], $0x80, s26, s0, $0xb8;
	v63 =	vld [tilespmem:$0x0]  }
0x82: {  	_ =	swait.ge [sflag:s30], $0x4000  }
0x83: {  	[sflag:s30] =	ssyncset.done $0x0  }
0x84: {  	s12 =	simm.s32 $0x200;
	[sflag:s30] =	ssyncadd.s32 $0xFFFFC000  }
0x85: {  	[tilespmem:s3], [sflag:$0x1] =	stream.indirect.gather [hbm4b:s1+s0], $0x80, s12, s0, $0xb8;
	v63 =	vld [tilespmem:$0x0]  }
0x86: {  	_ =	swait.ge [sflag:s11], $0x4000  }
0x87: {  	[sflag:s11] =	ssyncset.done $0x0  }
0x88: {  	s26 =	simm.s32 $0x1180;
	[sflag:s11] =	ssyncadd.s32 $0xFFFFC000  }
0x89: {  	[spmem:s2] =	stream.indirect.scatter.add.f32 [tilespmem:s5], [sflag:$0x5], $0x80, s26, s0, $0xb8;
	v63 =	vld [tilespmem:$0x0]  }
0x8a: {  	_ =	swait.ge [sflag:s30], $0x4000  }
0x8b: {  	[sflag:s30] =	ssyncset.done $0x0  }
0x8c: {  	s12 =	simm.s32 $0x280;
	[sflag:s30] =	ssyncadd.s32 $0xFFFFC000  }
0x8d: {  	[tilespmem:s5], [sflag:$0x2] =	stream.indirect.gather [hbm4b:s1+s0], $0x80, s12, s0, $0xb8;
	v63 =	vld [tilespmem:$0x0]  }
0x8e: {  	_ =	swait.ge [sflag:s9], $0x4000  }
0x8f: {  	[sflag:s9] =	ssyncset.done $0x0  }
0x90: {  	s26 =	simm.s32 $0x1200;
	[sflag:s9] =	ssyncadd.s32 $0xFFFFC000  }
0x91: {  	[spmem:s2] =	stream.indirect.scatter.add.f32 [tilespmem:s3], [sflag:$0x5], $0x80, s26, s0, $0xb8;
	v63 =	vld [tilespmem:$0x0]  }
0x92: {  	_ =	swait.ge [sflag:s30], $0x4000  }
0x93: {  	[sflag:s30] =	ssyncset.done $0x0  }
0x94: {  	s12 =	simm.s32 $0x300;
	[sflag:s30] =	ssyncadd.s32 $0xFFFFC000  }
0x95: {  	[tilespmem:s3], [sflag:$0x1] =	stream.indirect.gather [hbm4b:s1+s0], $0x80, s12, s0, $0xb8;
	v63 =	vld [tilespmem:$0x0]  }
0x96: {  	_ =	swait.ge [sflag:s11], $0x4000  }
0x97: {  	[sflag:s11] =	ssyncset.done $0x0  }
0x98: {  	s26 =	simm.s32 $0x1280;
	[sflag:s11] =	ssyncadd.s32 $0xFFFFC000  }
0x99: {  	[spmem:s2] =	stream.indirect.scatter.add.f32 [tilespmem:s5], [sflag:$0x5], $0x80, s26, s0, $0xb8;
	v63 =	vld [tilespmem:$0x0]  }
0x9a: {  	_ =	swait.ge [sflag:s30], $0x4000  }
0x9b: {  	[sflag:s30] =	ssyncset.done $0x0  }
0x9c: {  	s12 =	simm.s32 $0x380;
	[sflag:s30] =	ssyncadd.s32 $0xFFFFC000  }
0x9d: {  	[tilespmem:s5], [sflag:$0x2] =	stream.indirect.gather [hbm4b:s1+s0], $0x80, s12, s0, $0xb8;
	v63 =	vld [tilespmem:$0x0]  }
0x9e: {  	_ =	swait.ge [sflag:s9], $0x4000  }
0x9f: {  	[sflag:s9] =	ssyncset.done $0x0  }
0xa0: {  	s26 =	simm.s32 $0x1300;
	[sflag:s9] =	ssyncadd.s32 $0xFFFFC000  }
0xa1: {  	[spmem:s2] =	stream.indirect.scatter.add.f32 [tilespmem:s3], [sflag:$0x5], $0x80, s26, s0, $0xb8;
	v63 =	vld [tilespmem:$0x0]  }
0xa2: {  	_ =	swait.ge [sflag:s30], $0x4000  }
0xa3: {  	[sflag:s30] =	ssyncset.done $0x0  }
0xa4: {  	s12 =	simm.s32 $0x400;
	[sflag:s30] =	ssyncadd.s32 $0xFFFFC000  }
0xa5: {  	[tilespmem:s3], [sflag:$0x1] =	stream.indirect.gather [hbm4b:s1+s0], $0x80, s12, s0, $0xb8;
	v63 =	vld [tilespmem:$0x0]  }
0xa6: {  	_ =	swait.ge [sflag:s11], $0x4000  }
0xa7: {  	[sflag:s11] =	ssyncset.done $0x0  }
0xa8: {  	s26 =	simm.s32 $0x1380;
	[sflag:s11] =	ssyncadd.s32 $0xFFFFC000  }
0xa9: {  	[spmem:s2] =	stream.indirect.scatter.add.f32 [tilespmem:s5], [sflag:$0x5], $0x80, s26, s0, $0xb8;
	v63 =	vld [tilespmem:$0x0]  }
0xaa: {  	_ =	swait.ge [sflag:s30], $0x4000  }
0xab: {  	[sflag:s30] =	ssyncset.done $0x0  }
0xac: {  	s12 =	simm.s32 $0x480;
	[sflag:s30] =	ssyncadd.s32 $0xFFFFC000  }
0xad: {  	[tilespmem:s5], [sflag:$0x2] =	stream.indirect.gather [hbm4b:s1+s0], $0x80, s12, s0, $0xb8;
	v63 =	vld [tilespmem:$0x0]  }
0xae: {  	_ =	swait.ge [sflag:s9], $0x4000  }
0xaf: {  	[sflag:s9] =	ssyncset.done $0x0  }
0xb0: {  	s26 =	simm.s32 $0x1400;
	[sflag:s9] =	ssyncadd.s32 $0xFFFFC000  }
0xb1: {  	[spmem:s2] =	stream.indirect.scatter.add.f32 [tilespmem:s3], [sflag:$0x5], $0x80, s26, s0, $0xb8;
	v63 =	vld [tilespmem:$0x0]  }
0xb2: {  	_ =	swait.ge [sflag:s30], $0x4000  }
0xb3: {  	[sflag:s30] =	ssyncset.done $0x0  }
0xb4: {  	s12 =	simm.s32 $0x500;
	[sflag:s30] =	ssyncadd.s32 $0xFFFFC000  }
0xb5: {  	[tilespmem:s3], [sflag:$0x1] =	stream.indirect.gather [hbm4b:s1+s0], $0x80, s12, s0, $0xb8;
	v63 =	vld [tilespmem:$0x0]  }
0xb6: {  	_ =	swait.ge [sflag:s11], $0x4000  }
0xb7: {  	[sflag:s11] =	ssyncset.done $0x0  }
0xb8: {  	s26 =	simm.s32 $0x1480;
	[sflag:s11] =	ssyncadd.s32 $0xFFFFC000  }
0xb9: {  	[spmem:s2] =	stream.indirect.scatter.add.f32 [tilespmem:s5], [sflag:$0x5], $0x80, s26, s0, $0xb8;
	v63 =	vld [tilespmem:$0x0]  }
0xba: {  	_ =	swait.ge [sflag:s30], $0x4000  }
0xbb: {  	[sflag:s30] =	ssyncset.done $0x0  }
0xbc: {  	s12 =	simm.s32 $0x580;
	[sflag:s30] =	ssyncadd.s32 $0xFFFFC000  }
0xbd: {  	[tilespmem:s5], [sflag:$0x2] =	stream.indirect.gather [hbm4b:s1+s0], $0x80, s12, s0, $0xb8;
	v63 =	vld [tilespmem:$0x0]  }
0xbe: {  	_ =	swait.ge [sflag:s9], $0x4000  }
0xbf: {  	[sflag:s9] =	ssyncset.done $0x0  }
0xc0: {  	s26 =	simm.s32 $0x1500;
	[sflag:s9] =	ssyncadd.s32 $0xFFFFC000  }
0xc1: {  	[spmem:s2] =	stream.indirect.scatter.add.f32 [tilespmem:s3], [sflag:$0x5], $0x80, s26, s0, $0xb8;
	v63 =	vld [tilespmem:$0x0]  }
0xc2: {  	_ =	swait.ge [sflag:s30], $0x4000  }
0xc3: {  	[sflag:s30] =	ssyncset.done $0x0  }
0xc4: {  	s12 =	simm.s32 $0x600;
	[sflag:s30] =	ssyncadd.s32 $0xFFFFC000  }
0xc5: {  	[tilespmem:s3], [sflag:$0x1] =	stream.indirect.gather [hbm4b:s1+s0], $0x80, s12, s0, $0xb8;
	v63 =	vld [tilespmem:$0x0]  }
0xc6: {  	_ =	swait.ge [sflag:s11], $0x4000  }
0xc7: {  	[sflag:s11] =	ssyncset.done $0x0  }
0xc8: {  	s26 =	simm.s32 $0x1580;
	[sflag:s11] =	ssyncadd.s32 $0xFFFFC000  }
0xc9: {  	[spmem:s2] =	stream.indirect.scatter.add.f32 [tilespmem:s5], [sflag:$0x5], $0x80, s26, s0, $0xb8;
	v63 =	vld [tilespmem:$0x0]  }
0xca: {  	_ =	swait.ge [sflag:s30], $0x4000  }
0xcb: {  	[sflag:s30] =	ssyncset.done $0x0  }
0xcc: {  	s12 =	simm.s32 $0x680;
	[sflag:s30] =	ssyncadd.s32 $0xFFFFC000  }
0xcd: {  	[tilespmem:s5], [sflag:$0x2] =	stream.indirect.gather [hbm4b:s1+s0], $0x80, s12, s0, $0xb8;
	v63 =	vld [tilespmem:$0x0]  }
0xce: {  	_ =	swait.ge [sflag:s9], $0x4000  }
0xcf: {  	[sflag:s9] =	ssyncset.done $0x0  }
0xd0: {  	s26 =	simm.s32 $0x1600;
	[sflag:s9] =	ssyncadd.s32 $0xFFFFC000  }
0xd1: {  	[spmem:s2] =	stream.indirect.scatter.add.f32 [tilespmem:s3], [sflag:$0x5], $0x80, s26, s0, $0xb8;
	v63 =	vld [tilespmem:$0x0]  }
0xd2: {  	_ =	swait.ge [sflag:s30], $0x4000  }
0xd3: {  	[sflag:s30] =	ssyncset.done $0x0  }
0xd4: {  	s12 =	simm.s32 $0x700;
	[sflag:s30] =	ssyncadd.s32 $0xFFFFC000  }
0xd5: {  	[tilespmem:s3], [sflag:$0x1] =	stream.indirect.gather [hbm4b:s1+s0], $0x80, s12, s0, $0xb8;
	v63 =	vld [tilespmem:$0x0]  }
0xd6: {  	_ =	swait.ge [sflag:s11], $0x4000  }
0xd7: {  	[sflag:s11] =	ssyncset.done $0x0  }
0xd8: {  	s26 =	simm.s32 $0x1680;
	[sflag:s11] =	ssyncadd.s32 $0xFFFFC000  }
0xd9: {  	[spmem:s2] =	stream.indirect.scatter.add.f32 [tilespmem:s5], [sflag:$0x5], $0x80, s26, s0, $0xb8;
	v63 =	vld [tilespmem:$0x0]  }
0xda: {  	_ =	swait.ge [sflag:s30], $0x4000  }
0xdb: {  	[sflag:s30] =	ssyncset.done $0x0  }
0xdc: {  	s12 =	simm.s32 $0x780;
	[sflag:s30] =	ssyncadd.s32 $0xFFFFC000  }
0xdd: {  	[tilespmem:s5], [sflag:$0x2] =	stream.indirect.gather [hbm4b:s1+s0], $0x80, s12, s0, $0xb8;
	v63 =	vld [tilespmem:$0x0]  }
0xde: {  	_ =	swait.ge [sflag:s9], $0x4000  }
0xdf: {  	[sflag:s9] =	ssyncset.done $0x0  }
0xe0: {  	s26 =	simm.s32 $0x1700;
	[sflag:s9] =	ssyncadd.s32 $0xFFFFC000  }
0xe1: {  	[spmem:s2] =	stream.indirect.scatter.add.f32 [tilespmem:s3], [sflag:$0x5], $0x80, s26, s0, $0xb8;
	v63 =	vld [tilespmem:$0x0]  }
0xe2: {  	_ =	swait.ge [sflag:s30], $0x4000  }
0xe3: {  	[sflag:s30] =	ssyncset.done $0x0  }
0xe4: {  	[sflag:s30] =	ssyncadd.s32 $0xFFFFC000  }
0xe5: {  	_ =	swait.ge [sflag:s11], $0x4000  }
0xe6: {  	[sflag:s11] =	ssyncset.done $0x0  }
0xe7: {  	s12 =	simm.s32 $0x1780;
	[sflag:s11] =	ssyncadd.s32 $0xFFFFC000  }
0xe8: {  	[spmem:s2] =	stream.indirect.scatter.add.f32 [tilespmem:s5], [sflag:$0x5], $0x80, s12, s0, $0xb8;
	v63 =	vld [tilespmem:$0x0]  }
0xe9: {  	_ =	swait.ge [sflag:s30], $0x4000  }
0xea: {  	[sflag:s30] =	ssyncset.done $0x0  }
0xeb: {  	[sflag:s30] =	ssyncadd.s32 $0xFFFFC000  }
0xec: {  	_ =	swait.ge [sflag:s24], $0x800  }
0xed: {  	[sflag:s24] =	ssyncset.done $0x0  }
0xee: {  	[sflag:s24] =	ssyncadd.s32 $0xFFFFF800  }
0xef: {  	_ =	swait.ge [sflag:s24], $0x800  }
0xf0: {  	[sflag:s24] =	ssyncset.done $0x0  }
0xf1: {  	[sflag:s24] =	ssyncadd.s32 $0xFFFFF800  }
0xf2: {  	[tilespmem:s3], [sflag:$0x1] =	stream.indirect.gather [hbm4b:s1+s0], $0x80, s8, s0, $0xb8;
	v63 =	vld [tilespmem:$0x0]  }
0xf3: {  	s12 =	simm.s32 $0x880  }
0xf4: {  	[tilespmem:s5], [sflag:$0x2] =	stream.indirect.gather [hbm4b:s1+s0], $0x80, s12, s0, $0xb8;
	v63 =	vld [tilespmem:$0x0]  }
0xf5: {  	s26 =	rddreg [dreg:$0x8]  }
0xf6: {  	[tilespmem:s4], [sflag:$0x3] =	stream.linear.gather [hbm4b:s26+s4], $0x800, $0x38;
	v63 =	vld [tilespmem:$0x0]  }
0xf7: {  	s26 =	rddreg [dreg:$0x9]  }
0xf8: {  	[tilespmem:s6], [sflag:$0x3] =	stream.linear.gather [hbm4b:s26+s4], $0x800, $0x38;
	v63 =	vld [tilespmem:$0x0]  }
0xf9: {  	_ =	swait.ge [sflag:s9], $0x4000  }
0xfa: {  	[sflag:s9] =	ssyncset.done $0x0  }
0xfb: {  	[sflag:s9] =	ssyncadd.s32 $0xFFFFC000  }
0xfc: {  	[spmem:s2] =	stream.indirect.scatter.add.f32 [tilespmem:s3], [sflag:$0x5], $0x80, s7, s0, $0xb8;
	v63 =	vld [tilespmem:$0x0]  }
0xfd: {  	_ =	swait.ge [sflag:s30], $0x4000  }
0xfe: {  	[sflag:s30] =	ssyncset.done $0x0  }
0xff: {  	[sflag:s30] =	ssyncadd.s32 $0xFFFFC000  }
0x100: {  	[tilespmem:s3], [sflag:$0x1] =	stream.indirect.gather [hbm4b:s1+s0], $0x80, s13, s0, $0xb8;
	v63 =	vld [tilespmem:$0x0]  }
0x101: {  	_ =	swait.ge [sflag:s11], $0x4000  }
0x102: {  	[sflag:s11] =	ssyncset.done $0x0  }
0x103: {  	[sflag:s11] =	ssyncadd.s32 $0xFFFFC000  }
0x104: {  	[spmem:s2] =	stream.indirect.scatter.add.f32 [tilespmem:s5], [sflag:$0x5], $0x80, s14, s0, $0xb8;
	v63 =	vld [tilespmem:$0x0]  }
0x105: {  	_ =	swait.ge [sflag:s30], $0x4000  }
0x106: {  	[sflag:s30] =	ssyncset.done $0x0  }
0x107: {  	[sflag:s30] =	ssyncadd.s32 $0xFFFFC000  }
0x108: {  	[tilespmem:s5], [sflag:$0x2] =	stream.indirect.gather [hbm4b:s1+s0], $0x80, s15, s0, $0xb8;
	v63 =	vld [tilespmem:$0x0]  }
0x109: {  	_ =	swait.ge [sflag:s9], $0x4000  }
0x10a: {  	[sflag:s9] =	ssyncset.done $0x0  }
0x10b: {  	[sflag:s9] =	ssyncadd.s32 $0xFFFFC000  }
0x10c: {  	[spmem:s2] =	stream.indirect.scatter.add.f32 [tilespmem:s3], [sflag:$0x5], $0x80, s16, s0, $0xb8;
	v63 =	vld [tilespmem:$0x0]  }
0x10d: {  	_ =	swait.ge [sflag:s30], $0x4000  }
0x10e: {  	[sflag:s30] =	ssyncset.done $0x0  }
0x10f: {  	[sflag:s30] =	ssyncadd.s32 $0xFFFFC000  }
0x110: {  	[tilespmem:s3], [sflag:$0x1] =	stream.indirect.gather [hbm4b:s1+s0], $0x80, s17, s0, $0xb8;
	v63 =	vld [tilespmem:$0x0]  }
0x111: {  	_ =	swait.ge [sflag:s11], $0x4000  }
0x112: {  	[sflag:s11] =	ssyncset.done $0x0  }
0x113: {  	[sflag:s11] =	ssyncadd.s32 $0xFFFFC000  }
0x114: {  	[spmem:s2] =	stream.indirect.scatter.add.f32 [tilespmem:s5], [sflag:$0x5], $0x80, s18, s0, $0xb8;
	v63 =	vld [tilespmem:$0x0]  }
0x115: {  	_ =	swait.ge [sflag:s30], $0x4000  }
0x116: {  	[sflag:s30] =	ssyncset.done $0x0  }
0x117: {  	[sflag:s30] =	ssyncadd.s32 $0xFFFFC000  }
0x118: {  	[tilespmem:s5], [sflag:$0x2] =	stream.indirect.gather [hbm4b:s1+s0], $0x80, s19, s0, $0xb8;
	v63 =	vld [tilespmem:$0x0]  }
0x119: {  	_ =	swait.ge [sflag:s9], $0x4000  }
0x11a: {  	[sflag:s9] =	ssyncset.done $0x0  }
0x11b: {  	[sflag:s9] =	ssyncadd.s32 $0xFFFFC000  }
0x11c: {  	[spmem:s2] =	stream.indirect.scatter.add.f32 [tilespmem:s3], [sflag:$0x5], $0x80, s20, s0, $0xb8;
	v63 =	vld [tilespmem:$0x0]  }
0x11d: {  	_ =	swait.ge [sflag:s30], $0x4000  }
0x11e: {  	[sflag:s30] =	ssyncset.done $0x0  }
0x11f: {  	[sflag:s30] =	ssyncadd.s32 $0xFFFFC000  }
0x120: {  	[tilespmem:s3], [sflag:$0x1] =	stream.indirect.gather [hbm4b:s1+s0], $0x80, s21, s0, $0xb8;
	v63 =	vld [tilespmem:$0x0]  }
0x121: {  	_ =	swait.ge [sflag:s11], $0x4000  }
0x122: {  	[sflag:s11] =	ssyncset.done $0x0  }
0x123: {  	[sflag:s11] =	ssyncadd.s32 $0xFFFFC000  }
0x124: {  	[spmem:s2] =	stream.indirect.scatter.add.f32 [tilespmem:s5], [sflag:$0x5], $0x80, s22, s0, $0xb8;
	v63 =	vld [tilespmem:$0x0]  }
0x125: {  	_ =	swait.ge [sflag:s30], $0x4000  }
0x126: {  	[sflag:s30] =	ssyncset.done $0x0  }
0x127: {  	[sflag:s30] =	ssyncadd.s32 $0xFFFFC000  }
0x128: {  	[tilespmem:s5], [sflag:$0x2] =	stream.indirect.gather [hbm4b:s1+s0], $0x80, s23, s0, $0xb8;
	v63 =	vld [tilespmem:$0x0]  }
0x129: {  	_ =	swait.ge [sflag:s9], $0x4000  }
0x12a: {  	[sflag:s9] =	ssyncset.done $0x0  }
0x12b: {  	s26 =	simm.s32 $0x1B00;
	[sflag:s9] =	ssyncadd.s32 $0xFFFFC000  }
0x12c: {  	[spmem:s2] =	stream.indirect.scatter.add.f32 [tilespmem:s3], [sflag:$0x5], $0x80, s26, s0, $0xb8;
	v63 =	vld [tilespmem:$0x0]  }
0x12d: {  	_ =	swait.ge [sflag:s30], $0x4000  }
0x12e: {  	[sflag:s30] =	ssyncset.done $0x0  }
0x12f: {  	[sflag:s30] =	ssyncadd.s32 $0xFFFFC000  }
0x130: {  	[tilespmem:s3], [sflag:$0x1] =	stream.indirect.gather [hbm4b:s1+s0], $0x80, s28, s0, $0xb8;
	v63 =	vld [tilespmem:$0x0]  }
0x131: {  	_ =	swait.ge [sflag:s11], $0x4000  }
0x132: {  	[sflag:s11] =	ssyncset.done $0x0  }
0x133: {  	s10 =	simm.s32 $0x1B80;
	[sflag:s11] =	ssyncadd.s32 $0xFFFFC000  }
0x134: {  	[spmem:s2] =	stream.indirect.scatter.add.f32 [tilespmem:s5], [sflag:$0x5], $0x80, s10, s0, $0xb8;
	v63 =	vld [tilespmem:$0x0]  }
0x135: {  	_ =	swait.ge [sflag:s30], $0x4000  }
0x136: {  	[sflag:s30] =	ssyncset.done $0x0  }
0x137: {  	s10 =	simm.s32 $0xC80;
	[sflag:s30] =	ssyncadd.s32 $0xFFFFC000  }
0x138: {  	[tilespmem:s5], [sflag:$0x2] =	stream.indirect.gather [hbm4b:s1+s0], $0x80, s10, s0, $0xb8;
	v63 =	vld [tilespmem:$0x0]  }
0x139: {  	_ =	swait.ge [sflag:s9], $0x4000  }
0x13a: {  	[sflag:s9] =	ssyncset.done $0x0  }
0x13b: {  	s10 =	simm.s32 $0x1C00;
	[sflag:s9] =	ssyncadd.s32 $0xFFFFC000  }
0x13c: {  	[spmem:s2] =	stream.indirect.scatter.add.f32 [tilespmem:s3], [sflag:$0x5], $0x80, s10, s0, $0xb8;
	v63 =	vld [tilespmem:$0x0]  }
0x13d: {  	_ =	swait.ge [sflag:s30], $0x4000  }
0x13e: {  	[sflag:s30] =	ssyncset.done $0x0  }
0x13f: {  	s10 =	simm.s32 $0xD00;
	[sflag:s30] =	ssyncadd.s32 $0xFFFFC000  }
0x140: {  	[tilespmem:s3], [sflag:$0x1] =	stream.indirect.gather [hbm4b:s1+s0], $0x80, s10, s0, $0xb8;
	v63 =	vld [tilespmem:$0x0]  }
0x141: {  	_ =	swait.ge [sflag:s11], $0x4000  }
0x142: {  	[sflag:s11] =	ssyncset.done $0x0  }
0x143: {  	s10 =	simm.s32 $0x1C80;
	[sflag:s11] =	ssyncadd.s32 $0xFFFFC000  }
0x144: {  	[spmem:s2] =	stream.indirect.scatter.add.f32 [tilespmem:s5], [sflag:$0x5], $0x80, s10, s0, $0xb8;
	v63 =	vld [tilespmem:$0x0]  }
0x145: {  	_ =	swait.ge [sflag:s30], $0x4000  }
0x146: {  	[sflag:s30] =	ssyncset.done $0x0  }
0x147: {  	s10 =	simm.s32 $0xD80;
	[sflag:s30] =	ssyncadd.s32 $0xFFFFC000  }
0x148: {  	[tilespmem:s5], [sflag:$0x2] =	stream.indirect.gather [hbm4b:s1+s0], $0x80, s10, s0, $0xb8;
	v63 =	vld [tilespmem:$0x0]  }
0x149: {  	_ =	swait.ge [sflag:s9], $0x4000  }
0x14a: {  	[sflag:s9] =	ssyncset.done $0x0  }
0x14b: {  	s10 =	simm.s32 $0x1D00;
	[sflag:s9] =	ssyncadd.s32 $0xFFFFC000  }
0x14c: {  	[spmem:s2] =	stream.indirect.scatter.add.f32 [tilespmem:s3], [sflag:$0x5], $0x80, s10, s0, $0xb8;
	v63 =	vld [tilespmem:$0x0]  }
0x14d: {  	_ =	swait.ge [sflag:s30], $0x4000  }
0x14e: {  	[sflag:s30] =	ssyncset.done $0x0  }
0x14f: {  	s10 =	simm.s32 $0xE00;
	[sflag:s30] =	ssyncadd.s32 $0xFFFFC000  }
0x150: {  	[tilespmem:s3], [sflag:$0x1] =	stream.indirect.gather [hbm4b:s1+s0], $0x80, s10, s0, $0xb8;
	v63 =	vld [tilespmem:$0x0]  }
0x151: {  	_ =	swait.ge [sflag:s11], $0x4000  }
0x152: {  	[sflag:s11] =	ssyncset.done $0x0  }
0x153: {  	s10 =	simm.s32 $0x1D80;
	[sflag:s11] =	ssyncadd.s32 $0xFFFFC000  }
0x154: {  	[spmem:s2] =	stream.indirect.scatter.add.f32 [tilespmem:s5], [sflag:$0x5], $0x80, s10, s0, $0xb8;
	v63 =	vld [tilespmem:$0x0]  }
0x155: {  	_ =	swait.ge [sflag:s30], $0x4000  }
0x156: {  	[sflag:s30] =	ssyncset.done $0x0  }
0x157: {  	s10 =	simm.s32 $0xE80;
	[sflag:s30] =	ssyncadd.s32 $0xFFFFC000  }
0x158: {  	[tilespmem:s5], [sflag:$0x2] =	stream.indirect.gather [hbm4b:s1+s0], $0x80, s10, s0, $0xb8;
	v63 =	vld [tilespmem:$0x0]  }
0x159: {  	_ =	swait.ge [sflag:s9], $0x4000  }
0x15a: {  	[sflag:s9] =	ssyncset.done $0x0  }
0x15b: {  	s10 =	simm.s32 $0x1E00;
	[sflag:s9] =	ssyncadd.s32 $0xFFFFC000  }
0x15c: {  	[spmem:s2] =	stream.indirect.scatter.add.f32 [tilespmem:s3], [sflag:$0x5], $0x80, s10, s0, $0xb8;
	v63 =	vld [tilespmem:$0x0]  }
0x15d: {  	_ =	swait.ge [sflag:s30], $0x4000  }
0x15e: {  	[sflag:s30] =	ssyncset.done $0x0  }
0x15f: {  	s10 =	simm.s32 $0xF00;
	[sflag:s30] =	ssyncadd.s32 $0xFFFFC000  }
0x160: {  	[tilespmem:s3], [sflag:$0x1] =	stream.indirect.gather [hbm4b:s1+s0], $0x80, s10, s0, $0xb8;
	v63 =	vld [tilespmem:$0x0]  }
0x161: {  	_ =	swait.ge [sflag:s11], $0x4000  }
0x162: {  	[sflag:s11] =	ssyncset.done $0x0  }
0x163: {  	s10 =	simm.s32 $0x1E80;
	[sflag:s11] =	ssyncadd.s32 $0xFFFFC000  }
0x164: {  	[spmem:s2] =	stream.indirect.scatter.add.f32 [tilespmem:s5], [sflag:$0x5], $0x80, s10, s0, $0xb8;
	v63 =	vld [tilespmem:$0x0]  }
0x165: {  	_ =	swait.ge [sflag:s30], $0x4000  }
0x166: {  	[sflag:s30] =	ssyncset.done $0x0  }
0x167: {  	s10 =	simm.s32 $0xF80;
	[sflag:s30] =	ssyncadd.s32 $0xFFFFC000  }
0x168: {  	[tilespmem:s5], [sflag:$0x2] =	stream.indirect.gather [hbm4b:s1+s0], $0x80, s10, s0, $0xb8;
	v63 =	vld [tilespmem:$0x0]  }
0x169: {  	_ =	swait.ge [sflag:s9], $0x4000  }
0x16a: {  	[sflag:s9] =	ssyncset.done $0x0  }
0x16b: {  	s10 =	simm.s32 $0x1F00;
	[sflag:s9] =	ssyncadd.s32 $0xFFFFC000  }
0x16c: {  	[spmem:s2] =	stream.indirect.scatter.add.f32 [tilespmem:s3], [sflag:$0x5], $0x80, s10, s0, $0xb8;
	v63 =	vld [tilespmem:$0x0]  }
0x16d: {  	_ =	swait.ge [sflag:s30], $0x4000  }
0x16e: {  	[sflag:s30] =	ssyncset.done $0x0  }
0x16f: {  	[sflag:s30] =	ssyncadd.s32 $0xFFFFC000  }
0x170: {  	_ =	swait.ge [sflag:s11], $0x4000  }
0x171: {  	[sflag:s11] =	ssyncset.done $0x0  }
0x172: {  	s10 =	simm.s32 $0x1F80;
	[sflag:s11] =	ssyncadd.s32 $0xFFFFC000  }
0x173: {  	[spmem:s2] =	stream.indirect.scatter.add.f32 [tilespmem:s5], [sflag:$0x5], $0x80, s10, s0, $0xb8;
	v63 =	vld [tilespmem:$0x0]  }
0x174: {  	_ =	swait.ge [sflag:s30], $0x4000  }
0x175: {  	[sflag:s30] =	ssyncset.done $0x0  }
0x176: {  	[sflag:s30] =	ssyncadd.s32 $0xFFFFC000  }
0x177: {  	_ =	swait.ge [sflag:s31], $0x800  }
0x178: {  	[sflag:s31] =	ssyncset.done $0x0  }
0x179: {  	[sflag:s31] =	ssyncadd.s32 $0xFFFFF800  }
0x17a: {  	_ =	swait.ge [sflag:s31], $0x800  }
0x17b: {  	[sflag:s31] =	ssyncset.done $0x0  }
0x17c: {  	[sflag:s31] =	ssyncadd.s32 $0xFFFFF800  }
0x17d: {  	[tilespmem:s3], [sflag:$0x1] =	stream.indirect.gather [hbm4b:s1+s0], $0x80, s4, s0, $0xb8;
	v63 =	vld [tilespmem:$0x0]  }
0x17e: {  	_ = 	snop  }
0x17f: {  	[tilespmem:s5], [sflag:$0x2] =	stream.indirect.gather [hbm4b:s1+s0], $0x80, s0, s0, $0xb8;
	v63 =	vld [tilespmem:$0x0]  }
0x180: {  	s10 =	rddreg [dreg:$0xa]  }
0x181: {  	[tilespmem:s8], [sflag:$0x4] =	stream.linear.gather [hbm4b:s10+s4], $0x800, $0x38;
	v63 =	vld [tilespmem:$0x0]  }
0x182: {  	s10 =	rddreg [dreg:$0xb]  }
0x183: {  	[tilespmem:s7], [sflag:$0x4] =	stream.linear.gather [hbm4b:s10+s4], $0x800, $0x38;
	v63 =	vld [tilespmem:$0x0]  }
0x184: {  	_ =	swait.ge [sflag:s9], $0x4000  }
0x185: {  	[sflag:s9] =	ssyncset.done $0x0  }
0x186: {  	[sflag:s9] =	ssyncadd.s32 $0xFFFFC000  }
0x187: {  	[spmem:s2] =	stream.indirect.scatter.add.f32 [tilespmem:s3], [sflag:$0x5], $0x80, s6, s0, $0xb8;
	v63 =	vld [tilespmem:$0x0]  }
0x188: {  	_ =	swait.ge [sflag:s30], $0x4000  }
0x189: {  	[sflag:s30] =	ssyncset.done $0x0  }
0x18a: {  	s10 =	simm.s32 $0x100;
	[sflag:s30] =	ssyncadd.s32 $0xFFFFC000  }
0x18b: {  	[tilespmem:s3], [sflag:$0x1] =	stream.indirect.gather [hbm4b:s1+s0], $0x80, s10, s0, $0xb8;
	v63 =	vld [tilespmem:$0x0]  }
0x18c: {  	_ =	swait.ge [sflag:s11], $0x4000  }
0x18d: {  	[sflag:s11] =	ssyncset.done $0x0  }
0x18e: {  	s10 =	simm.s32 $0x1080;
	[sflag:s11] =	ssyncadd.s32 $0xFFFFC000  }
0x18f: {  	[spmem:s2] =	stream.indirect.scatter.add.f32 [tilespmem:s5], [sflag:$0x5], $0x80, s10, s0, $0xb8;
	v63 =	vld [tilespmem:$0x0]  }
0x190: {  	_ =	swait.ge [sflag:s30], $0x4000  }
0x191: {  	[sflag:s30] =	ssyncset.done $0x0  }
0x192: {  	s10 =	simm.s32 $0x180;
	[sflag:s30] =	ssyncadd.s32 $0xFFFFC000  }
0x193: {  	[tilespmem:s5], [sflag:$0x2] =	stream.indirect.gather [hbm4b:s1+s0], $0x80, s10, s0, $0xb8;
	v63 =	vld [tilespmem:$0x0]  }
0x194: {  	_ =	swait.ge [sflag:s9], $0x4000  }
0x195: {  	[sflag:s9] =	ssyncset.done $0x0  }
0x196: {  	s10 =	simm.s32 $0x1100;
	[sflag:s9] =	ssyncadd.s32 $0xFFFFC000  }
0x197: {  	[spmem:s2] =	stream.indirect.scatter.add.f32 [tilespmem:s3], [sflag:$0x5], $0x80, s10, s0, $0xb8;
	v63 =	vld [tilespmem:$0x0]  }
0x198: {  	_ =	swait.ge [sflag:s30], $0x4000  }
0x199: {  	[sflag:s30] =	ssyncset.done $0x0  }
0x19a: {  	s10 =	simm.s32 $0x200;
	[sflag:s30] =	ssyncadd.s32 $0xFFFFC000  }
0x19b: {  	[tilespmem:s3], [sflag:$0x1] =	stream.indirect.gather [hbm4b:s1+s0], $0x80, s10, s0, $0xb8;
	v63 =	vld [tilespmem:$0x0]  }
0x19c: {  	_ =	swait.ge [sflag:s11], $0x4000  }
0x19d: {  	[sflag:s11] =	ssyncset.done $0x0  }
0x19e: {  	s10 =	simm.s32 $0x1180;
	[sflag:s11] =	ssyncadd.s32 $0xFFFFC000  }
0x19f: {  	[spmem:s2] =	stream.indirect.scatter.add.f32 [tilespmem:s5], [sflag:$0x5], $0x80, s10, s0, $0xb8;
	v63 =	vld [tilespmem:$0x0]  }
0x1a0: {  	_ =	swait.ge [sflag:s30], $0x4000  }
0x1a1: {  	[sflag:s30] =	ssyncset.done $0x0  }
0x1a2: {  	s10 =	simm.s32 $0x280;
	[sflag:s30] =	ssyncadd.s32 $0xFFFFC000  }
0x1a3: {  	[tilespmem:s5], [sflag:$0x2] =	stream.indirect.gather [hbm4b:s1+s0], $0x80, s10, s0, $0xb8;
	v63 =	vld [tilespmem:$0x0]  }
0x1a4: {  	_ =	swait.ge [sflag:s9], $0x4000  }
0x1a5: {  	[sflag:s9] =	ssyncset.done $0x0  }
0x1a6: {  	s10 =	simm.s32 $0x1200;
	[sflag:s9] =	ssyncadd.s32 $0xFFFFC000  }
0x1a7: {  	[spmem:s2] =	stream.indirect.scatter.add.f32 [tilespmem:s3], [sflag:$0x5], $0x80, s10, s0, $0xb8;
	v63 =	vld [tilespmem:$0x0]  }
0x1a8: {  	_ =	swait.ge [sflag:s30], $0x4000  }
0x1a9: {  	[sflag:s30] =	ssyncset.done $0x0  }
0x1aa: {  	s10 =	simm.s32 $0x300;
	[sflag:s30] =	ssyncadd.s32 $0xFFFFC000  }
0x1ab: {  	[tilespmem:s3], [sflag:$0x1] =	stream.indirect.gather [hbm4b:s1+s0], $0x80, s10, s0, $0xb8;
	v63 =	vld [tilespmem:$0x0]  }
0x1ac: {  	_ =	swait.ge [sflag:s11], $0x4000  }
0x1ad: {  	[sflag:s11] =	ssyncset.done $0x0  }
0x1ae: {  	s10 =	simm.s32 $0x1280;
	[sflag:s11] =	ssyncadd.s32 $0xFFFFC000  }
0x1af: {  	[spmem:s2] =	stream.indirect.scatter.add.f32 [tilespmem:s5], [sflag:$0x5], $0x80, s10, s0, $0xb8;
	v63 =	vld [tilespmem:$0x0]  }
0x1b0: {  	_ =	swait.ge [sflag:s30], $0x4000  }
0x1b1: {  	[sflag:s30] =	ssyncset.done $0x0  }
0x1b2: {  	s10 =	simm.s32 $0x380;
	[sflag:s30] =	ssyncadd.s32 $0xFFFFC000  }
0x1b3: {  	[tilespmem:s5], [sflag:$0x2] =	stream.indirect.gather [hbm4b:s1+s0], $0x80, s10, s0, $0xb8;
	v63 =	vld [tilespmem:$0x0]  }
0x1b4: {  	_ =	swait.ge [sflag:s9], $0x4000  }
0x1b5: {  	[sflag:s9] =	ssyncset.done $0x0  }
0x1b6: {  	s10 =	simm.s32 $0x1300;
	[sflag:s9] =	ssyncadd.s32 $0xFFFFC000  }
0x1b7: {  	[spmem:s2] =	stream.indirect.scatter.add.f32 [tilespmem:s3], [sflag:$0x5], $0x80, s10, s0, $0xb8;
	v63 =	vld [tilespmem:$0x0]  }
0x1b8: {  	_ =	swait.ge [sflag:s30], $0x4000  }
0x1b9: {  	[sflag:s30] =	ssyncset.done $0x0  }
0x1ba: {  	s10 =	simm.s32 $0x400;
	[sflag:s30] =	ssyncadd.s32 $0xFFFFC000  }
0x1bb: {  	[tilespmem:s3], [sflag:$0x1] =	stream.indirect.gather [hbm4b:s1+s0], $0x80, s10, s0, $0xb8;
	v63 =	vld [tilespmem:$0x0]  }
0x1bc: {  	_ =	swait.ge [sflag:s11], $0x4000  }
0x1bd: {  	[sflag:s11] =	ssyncset.done $0x0  }
0x1be: {  	s10 =	simm.s32 $0x1380;
	[sflag:s11] =	ssyncadd.s32 $0xFFFFC000  }
0x1bf: {  	[spmem:s2] =	stream.indirect.scatter.add.f32 [tilespmem:s5], [sflag:$0x5], $0x80, s10, s0, $0xb8;
	v63 =	vld [tilespmem:$0x0]  }
0x1c0: {  	_ =	swait.ge [sflag:s30], $0x4000  }
0x1c1: {  	[sflag:s30] =	ssyncset.done $0x0  }
0x1c2: {  	s10 =	simm.s32 $0x480;
	[sflag:s30] =	ssyncadd.s32 $0xFFFFC000  }
0x1c3: {  	[tilespmem:s5], [sflag:$0x2] =	stream.indirect.gather [hbm4b:s1+s0], $0x80, s10, s0, $0xb8;
	v63 =	vld [tilespmem:$0x0]  }
0x1c4: {  	_ =	swait.ge [sflag:s9], $0x4000  }
0x1c5: {  	[sflag:s9] =	ssyncset.done $0x0  }
0x1c6: {  	s10 =	simm.s32 $0x1400;
	[sflag:s9] =	ssyncadd.s32 $0xFFFFC000  }
0x1c7: {  	[spmem:s2] =	stream.indirect.scatter.add.f32 [tilespmem:s3], [sflag:$0x5], $0x80, s10, s0, $0xb8;
	v63 =	vld [tilespmem:$0x0]  }
0x1c8: {  	_ =	swait.ge [sflag:s30], $0x4000  }
0x1c9: {  	[sflag:s30] =	ssyncset.done $0x0  }
0x1ca: {  	s10 =	simm.s32 $0x500;
	[sflag:s30] =	ssyncadd.s32 $0xFFFFC000  }
0x1cb: {  	[tilespmem:s3], [sflag:$0x1] =	stream.indirect.gather [hbm4b:s1+s0], $0x80, s10, s0, $0xb8;
	v63 =	vld [tilespmem:$0x0]  }
0x1cc: {  	_ =	swait.ge [sflag:s11], $0x4000  }
0x1cd: {  	[sflag:s11] =	ssyncset.done $0x0  }
0x1ce: {  	s10 =	simm.s32 $0x1480;
	[sflag:s11] =	ssyncadd.s32 $0xFFFFC000  }
0x1cf: {  	[spmem:s2] =	stream.indirect.scatter.add.f32 [tilespmem:s5], [sflag:$0x5], $0x80, s10, s0, $0xb8;
	v63 =	vld [tilespmem:$0x0]  }
0x1d0: {  	_ =	swait.ge [sflag:s30], $0x4000  }
0x1d1: {  	[sflag:s30] =	ssyncset.done $0x0  }
0x1d2: {  	s10 =	simm.s32 $0x580;
	[sflag:s30] =	ssyncadd.s32 $0xFFFFC000  }
0x1d3: {  	[tilespmem:s5], [sflag:$0x2] =	stream.indirect.gather [hbm4b:s1+s0], $0x80, s10, s0, $0xb8;
	v63 =	vld [tilespmem:$0x0]  }
0x1d4: {  	_ =	swait.ge [sflag:s9], $0x4000  }
0x1d5: {  	[sflag:s9] =	ssyncset.done $0x0  }
0x1d6: {  	s10 =	simm.s32 $0x1500;
	[sflag:s9] =	ssyncadd.s32 $0xFFFFC000  }
0x1d7: {  	[spmem:s2] =	stream.indirect.scatter.add.f32 [tilespmem:s3], [sflag:$0x5], $0x80, s10, s0, $0xb8;
	v63 =	vld [tilespmem:$0x0]  }
0x1d8: {  	_ =	swait.ge [sflag:s30], $0x4000  }
0x1d9: {  	[sflag:s30] =	ssyncset.done $0x0  }
0x1da: {  	s10 =	simm.s32 $0x600;
	[sflag:s30] =	ssyncadd.s32 $0xFFFFC000  }
0x1db: {  	[tilespmem:s3], [sflag:$0x1] =	stream.indirect.gather [hbm4b:s1+s0], $0x80, s10, s0, $0xb8;
	v63 =	vld [tilespmem:$0x0]  }
0x1dc: {  	_ =	swait.ge [sflag:s11], $0x4000  }
0x1dd: {  	[sflag:s11] =	ssyncset.done $0x0  }
0x1de: {  	s10 =	simm.s32 $0x1580;
	[sflag:s11] =	ssyncadd.s32 $0xFFFFC000  }
0x1df: {  	[spmem:s2] =	stream.indirect.scatter.add.f32 [tilespmem:s5], [sflag:$0x5], $0x80, s10, s0, $0xb8;
	v63 =	vld [tilespmem:$0x0]  }
0x1e0: {  	_ =	swait.ge [sflag:s30], $0x4000  }
0x1e1: {  	[sflag:s30] =	ssyncset.done $0x0  }
0x1e2: {  	s10 =	simm.s32 $0x680;
	[sflag:s30] =	ssyncadd.s32 $0xFFFFC000  }
0x1e3: {  	[tilespmem:s5], [sflag:$0x2] =	stream.indirect.gather [hbm4b:s1+s0], $0x80, s10, s0, $0xb8;
	v63 =	vld [tilespmem:$0x0]  }
0x1e4: {  	_ =	swait.ge [sflag:s9], $0x4000  }
0x1e5: {  	[sflag:s9] =	ssyncset.done $0x0  }
0x1e6: {  	s10 =	simm.s32 $0x1600;
	[sflag:s9] =	ssyncadd.s32 $0xFFFFC000  }
0x1e7: {  	[spmem:s2] =	stream.indirect.scatter.add.f32 [tilespmem:s3], [sflag:$0x5], $0x80, s10, s0, $0xb8;
	v63 =	vld [tilespmem:$0x0]  }
0x1e8: {  	_ =	swait.ge [sflag:s30], $0x4000  }
0x1e9: {  	[sflag:s30] =	ssyncset.done $0x0  }
0x1ea: {  	s10 =	simm.s32 $0x700;
	[sflag:s30] =	ssyncadd.s32 $0xFFFFC000  }
0x1eb: {  	[tilespmem:s3], [sflag:$0x1] =	stream.indirect.gather [hbm4b:s1+s0], $0x80, s10, s0, $0xb8;
	v63 =	vld [tilespmem:$0x0]  }
0x1ec: {  	_ =	swait.ge [sflag:s11], $0x4000  }
0x1ed: {  	[sflag:s11] =	ssyncset.done $0x0  }
0x1ee: {  	s10 =	simm.s32 $0x1680;
	[sflag:s11] =	ssyncadd.s32 $0xFFFFC000  }
0x1ef: {  	[spmem:s2] =	stream.indirect.scatter.add.f32 [tilespmem:s5], [sflag:$0x5], $0x80, s10, s0, $0xb8;
	v63 =	vld [tilespmem:$0x0]  }
0x1f0: {  	_ =	swait.ge [sflag:s30], $0x4000  }
0x1f1: {  	[sflag:s30] =	ssyncset.done $0x0  }
0x1f2: {  	s10 =	simm.s32 $0x780;
	[sflag:s30] =	ssyncadd.s32 $0xFFFFC000  }
0x1f3: {  	[tilespmem:s5], [sflag:$0x2] =	stream.indirect.gather [hbm4b:s1+s0], $0x80, s10, s0, $0xb8;
	v63 =	vld [tilespmem:$0x0]  }
0x1f4: {  	_ =	swait.ge [sflag:s9], $0x4000  }
0x1f5: {  	[sflag:s9] =	ssyncset.done $0x0  }
0x1f6: {  	s10 =	simm.s32 $0x1700;
	[sflag:s9] =	ssyncadd.s32 $0xFFFFC000  }
0x1f7: {  	[spmem:s2] =	stream.indirect.scatter.add.f32 [tilespmem:s3], [sflag:$0x5], $0x80, s10, s0, $0xb8;
	v63 =	vld [tilespmem:$0x0]  }
0x1f8: {  	_ =	swait.ge [sflag:s30], $0x4000  }
0x1f9: {  	[sflag:s30] =	ssyncset.done $0x0  }
0x1fa: {  	[sflag:s30] =	ssyncadd.s32 $0xFFFFC000  }
0x1fb: {  	_ =	swait.ge [sflag:s11], $0x4000  }
0x1fc: {  	[sflag:s11] =	ssyncset.done $0x0  }
0x1fd: {  	s10 =	simm.s32 $0x1780;
	[sflag:s11] =	ssyncadd.s32 $0xFFFFC000  }
0x1fe: {  	[spmem:s2] =	stream.indirect.scatter.add.f32 [tilespmem:s5], [sflag:$0x5], $0x80, s10, s0, $0xb8;
	v63 =	vld [tilespmem:$0x0]  }
0x1ff: {  	_ =	swait.ge [sflag:s30], $0x4000  }
0x200: {  	[sflag:s30] =	ssyncset.done $0x0  }
0x201: {  	[sflag:s30] =	ssyncadd.s32 $0xFFFFC000  }
0x202: {  	_ =	swait.ge [sflag:s24], $0x800  }
0x203: {  	[sflag:s24] =	ssyncset.done $0x0  }
0x204: {  	[sflag:s24] =	ssyncadd.s32 $0xFFFFF800  }
0x205: {  	_ =	swait.ge [sflag:s24], $0x800  }
0x206: {  	[sflag:s24] =	ssyncset.done $0x0  }
0x207: {  	[sflag:s24] =	ssyncadd.s32 $0xFFFFF800  }
0x208: {  	[tilespmem:s3], [sflag:$0x1] =	stream.indirect.gather [hbm4b:s1+s0], $0x80, s8, s0, $0xb8;
	v63 =	vld [tilespmem:$0x0]  }
0x209: {  	_ = 	snop  }
0x20a: {  	[tilespmem:s5], [sflag:$0x2] =	stream.indirect.gather [hbm4b:s1+s0], $0x80, s12, s0, $0xb8;
	v63 =	vld [tilespmem:$0x0]  }
0x20b: {  	s12 =	rddreg [dreg:$0xc]  }
0x20c: {  	[tilespmem:s4], [sflag:$0x3] =	stream.linear.gather [hbm4b:s12+s4], $0x800, $0x38;
	v63 =	vld [tilespmem:$0x0]  }
0x20d: {  	s12 =	rddreg [dreg:$0xd]  }
0x20e: {  	[tilespmem:s6], [sflag:$0x3] =	stream.linear.gather [hbm4b:s12+s4], $0x800, $0x38;
	v63 =	vld [tilespmem:$0x0]  }
0x20f: {  	_ =	swait.ge [sflag:s9], $0x4000  }
0x210: {  	[sflag:s9] =	ssyncset.done $0x0  }
0x211: {  	[sflag:s9] =	ssyncadd.s32 $0xFFFFC000  }
0x212: {  	[spmem:s2] =	stream.indirect.scatter.add.f32 [tilespmem:s3], [sflag:$0x5], $0x80, s7, s0, $0xb8;
	v63 =	vld [tilespmem:$0x0]  }
0x213: {  	_ =	swait.ge [sflag:s30], $0x4000  }
0x214: {  	[sflag:s30] =	ssyncset.done $0x0  }
0x215: {  	[sflag:s30] =	ssyncadd.s32 $0xFFFFC000  }
0x216: {  	[tilespmem:s3], [sflag:$0x1] =	stream.indirect.gather [hbm4b:s1+s0], $0x80, s13, s0, $0xb8;
	v63 =	vld [tilespmem:$0x0]  }
0x217: {  	_ =	swait.ge [sflag:s11], $0x4000  }
0x218: {  	[sflag:s11] =	ssyncset.done $0x0  }
0x219: {  	[sflag:s11] =	ssyncadd.s32 $0xFFFFC000  }
0x21a: {  	[spmem:s2] =	stream.indirect.scatter.add.f32 [tilespmem:s5], [sflag:$0x5], $0x80, s14, s0, $0xb8;
	v63 =	vld [tilespmem:$0x0]  }
0x21b: {  	_ =	swait.ge [sflag:s30], $0x4000  }
0x21c: {  	[sflag:s30] =	ssyncset.done $0x0  }
0x21d: {  	[sflag:s30] =	ssyncadd.s32 $0xFFFFC000  }
0x21e: {  	[tilespmem:s5], [sflag:$0x2] =	stream.indirect.gather [hbm4b:s1+s0], $0x80, s15, s0, $0xb8;
	v63 =	vld [tilespmem:$0x0]  }
0x21f: {  	_ =	swait.ge [sflag:s9], $0x4000  }
0x220: {  	[sflag:s9] =	ssyncset.done $0x0  }
0x221: {  	[sflag:s9] =	ssyncadd.s32 $0xFFFFC000  }
0x222: {  	[spmem:s2] =	stream.indirect.scatter.add.f32 [tilespmem:s3], [sflag:$0x5], $0x80, s16, s0, $0xb8;
	v63 =	vld [tilespmem:$0x0]  }
0x223: {  	_ =	swait.ge [sflag:s30], $0x4000  }
0x224: {  	[sflag:s30] =	ssyncset.done $0x0  }
0x225: {  	[sflag:s30] =	ssyncadd.s32 $0xFFFFC000  }
0x226: {  	[tilespmem:s3], [sflag:$0x1] =	stream.indirect.gather [hbm4b:s1+s0], $0x80, s17, s0, $0xb8;
	v63 =	vld [tilespmem:$0x0]  }
0x227: {  	_ =	swait.ge [sflag:s11], $0x4000  }
0x228: {  	[sflag:s11] =	ssyncset.done $0x0  }
0x229: {  	[sflag:s11] =	ssyncadd.s32 $0xFFFFC000  }
0x22a: {  	[spmem:s2] =	stream.indirect.scatter.add.f32 [tilespmem:s5], [sflag:$0x5], $0x80, s18, s0, $0xb8;
	v63 =	vld [tilespmem:$0x0]  }
0x22b: {  	_ =	swait.ge [sflag:s30], $0x4000  }
0x22c: {  	[sflag:s30] =	ssyncset.done $0x0  }
0x22d: {  	[sflag:s30] =	ssyncadd.s32 $0xFFFFC000  }
0x22e: {  	[tilespmem:s5], [sflag:$0x2] =	stream.indirect.gather [hbm4b:s1+s0], $0x80, s19, s0, $0xb8;
	v63 =	vld [tilespmem:$0x0]  }
0x22f: {  	_ =	swait.ge [sflag:s9], $0x4000  }
0x230: {  	[sflag:s9] =	ssyncset.done $0x0  }
0x231: {  	[sflag:s9] =	ssyncadd.s32 $0xFFFFC000  }
0x232: {  	[spmem:s2] =	stream.indirect.scatter.add.f32 [tilespmem:s3], [sflag:$0x5], $0x80, s20, s0, $0xb8;
	v63 =	vld [tilespmem:$0x0]  }
0x233: {  	_ =	swait.ge [sflag:s30], $0x4000  }
0x234: {  	[sflag:s30] =	ssyncset.done $0x0  }
0x235: {  	[sflag:s30] =	ssyncadd.s32 $0xFFFFC000  }
0x236: {  	[tilespmem:s3], [sflag:$0x1] =	stream.indirect.gather [hbm4b:s1+s0], $0x80, s21, s0, $0xb8;
	v63 =	vld [tilespmem:$0x0]  }
0x237: {  	_ =	swait.ge [sflag:s11], $0x4000  }
0x238: {  	[sflag:s11] =	ssyncset.done $0x0  }
0x239: {  	[sflag:s11] =	ssyncadd.s32 $0xFFFFC000  }
0x23a: {  	[spmem:s2] =	stream.indirect.scatter.add.f32 [tilespmem:s5], [sflag:$0x5], $0x80, s22, s0, $0xb8;
	v63 =	vld [tilespmem:$0x0]  }
0x23b: {  	_ =	swait.ge [sflag:s30], $0x4000  }
0x23c: {  	[sflag:s30] =	ssyncset.done $0x0  }
0x23d: {  	[sflag:s30] =	ssyncadd.s32 $0xFFFFC000  }
0x23e: {  	[tilespmem:s5], [sflag:$0x2] =	stream.indirect.gather [hbm4b:s1+s0], $0x80, s23, s0, $0xb8;
	v63 =	vld [tilespmem:$0x0]  }
0x23f: {  	_ =	swait.ge [sflag:s9], $0x4000  }
0x240: {  	[sflag:s9] =	ssyncset.done $0x0  }
0x241: {  	[sflag:s9] =	ssyncadd.s32 $0xFFFFC000  }
0x242: {  	[spmem:s2] =	stream.indirect.scatter.add.f32 [tilespmem:s3], [sflag:$0x5], $0x80, s26, s0, $0xb8;
	v63 =	vld [tilespmem:$0x0]  }
0x243: {  	_ =	swait.ge [sflag:s30], $0x4000  }
0x244: {  	[sflag:s30] =	ssyncset.done $0x0  }
0x245: {  	[sflag:s30] =	ssyncadd.s32 $0xFFFFC000  }
0x246: {  	[tilespmem:s3], [sflag:$0x1] =	stream.indirect.gather [hbm4b:s1+s0], $0x80, s28, s0, $0xb8;
	v63 =	vld [tilespmem:$0x0]  }
0x247: {  	_ =	swait.ge [sflag:s11], $0x4000  }
0x248: {  	[sflag:s11] =	ssyncset.done $0x0  }
0x249: {  	s26 =	simm.s32 $0x1B80;
	[sflag:s11] =	ssyncadd.s32 $0xFFFFC000  }
0x24a: {  	[spmem:s2] =	stream.indirect.scatter.add.f32 [tilespmem:s5], [sflag:$0x5], $0x80, s26, s0, $0xb8;
	v63 =	vld [tilespmem:$0x0]  }
0x24b: {  	_ =	swait.ge [sflag:s30], $0x4000  }
0x24c: {  	[sflag:s30] =	ssyncset.done $0x0  }
0x24d: {  	s10 =	simm.s32 $0xC80;
	[sflag:s30] =	ssyncadd.s32 $0xFFFFC000  }
0x24e: {  	[tilespmem:s5], [sflag:$0x2] =	stream.indirect.gather [hbm4b:s1+s0], $0x80, s10, s0, $0xb8;
	v63 =	vld [tilespmem:$0x0]  }
0x24f: {  	_ =	swait.ge [sflag:s9], $0x4000  }
0x250: {  	[sflag:s9] =	ssyncset.done $0x0  }
0x251: {  	s12 =	simm.s32 $0x1C00;
	[sflag:s9] =	ssyncadd.s32 $0xFFFFC000  }
0x252: {  	[spmem:s2] =	stream.indirect.scatter.add.f32 [tilespmem:s3], [sflag:$0x5], $0x80, s12, s0, $0xb8;
	v63 =	vld [tilespmem:$0x0]  }
0x253: {  	_ =	swait.ge [sflag:s30], $0x4000  }
0x254: {  	[sflag:s30] =	ssyncset.done $0x0  }
0x255: {  	s26 =	simm.s32 $0xD00;
	[sflag:s30] =	ssyncadd.s32 $0xFFFFC000  }
0x256: {  	[tilespmem:s3], [sflag:$0x1] =	stream.indirect.gather [hbm4b:s1+s0], $0x80, s26, s0, $0xb8;
	v63 =	vld [tilespmem:$0x0]  }
0x257: {  	_ =	swait.ge [sflag:s11], $0x4000  }
0x258: {  	[sflag:s11] =	ssyncset.done $0x0  }
0x259: {  	s10 =	simm.s32 $0x1C80;
	[sflag:s11] =	ssyncadd.s32 $0xFFFFC000  }
0x25a: {  	[spmem:s2] =	stream.indirect.scatter.add.f32 [tilespmem:s5], [sflag:$0x5], $0x80, s10, s0, $0xb8;
	v63 =	vld [tilespmem:$0x0]  }
0x25b: {  	_ =	swait.ge [sflag:s30], $0x4000  }
0x25c: {  	[sflag:s30] =	ssyncset.done $0x0  }
0x25d: {  	s12 =	simm.s32 $0xD80;
	[sflag:s30] =	ssyncadd.s32 $0xFFFFC000  }
0x25e: {  	[tilespmem:s5], [sflag:$0x2] =	stream.indirect.gather [hbm4b:s1+s0], $0x80, s12, s0, $0xb8;
	v63 =	vld [tilespmem:$0x0]  }
0x25f: {  	_ =	swait.ge [sflag:s9], $0x4000  }
0x260: {  	[sflag:s9] =	ssyncset.done $0x0  }
0x261: {  	s26 =	simm.s32 $0x1D00;
	[sflag:s9] =	ssyncadd.s32 $0xFFFFC000  }
0x262: {  	[spmem:s2] =	stream.indirect.scatter.add.f32 [tilespmem:s3], [sflag:$0x5], $0x80, s26, s0, $0xb8;
	v63 =	vld [tilespmem:$0x0]  }
0x263: {  	_ =	swait.ge [sflag:s30], $0x4000  }
0x264: {  	[sflag:s30] =	ssyncset.done $0x0  }
0x265: {  	s10 =	simm.s32 $0xE00;
	[sflag:s30] =	ssyncadd.s32 $0xFFFFC000  }
0x266: {  	[tilespmem:s3], [sflag:$0x1] =	stream.indirect.gather [hbm4b:s1+s0], $0x80, s10, s0, $0xb8;
	v63 =	vld [tilespmem:$0x0]  }
0x267: {  	_ =	swait.ge [sflag:s11], $0x4000  }
0x268: {  	[sflag:s11] =	ssyncset.done $0x0  }
0x269: {  	s12 =	simm.s32 $0x1D80;
	[sflag:s11] =	ssyncadd.s32 $0xFFFFC000  }
0x26a: {  	[spmem:s2] =	stream.indirect.scatter.add.f32 [tilespmem:s5], [sflag:$0x5], $0x80, s12, s0, $0xb8;
	v63 =	vld [tilespmem:$0x0]  }
0x26b: {  	_ =	swait.ge [sflag:s30], $0x4000  }
0x26c: {  	[sflag:s30] =	ssyncset.done $0x0  }
0x26d: {  	s26 =	simm.s32 $0xE80;
	[sflag:s30] =	ssyncadd.s32 $0xFFFFC000  }
0x26e: {  	[tilespmem:s5], [sflag:$0x2] =	stream.indirect.gather [hbm4b:s1+s0], $0x80, s26, s0, $0xb8;
	v63 =	vld [tilespmem:$0x0]  }
0x26f: {  	_ =	swait.ge [sflag:s9], $0x4000  }
0x270: {  	[sflag:s9] =	ssyncset.done $0x0  }
0x271: {  	s10 =	simm.s32 $0x1E00;
	[sflag:s9] =	ssyncadd.s32 $0xFFFFC000  }
0x272: {  	[spmem:s2] =	stream.indirect.scatter.add.f32 [tilespmem:s3], [sflag:$0x5], $0x80, s10, s0, $0xb8;
	v63 =	vld [tilespmem:$0x0]  }
0x273: {  	_ =	swait.ge [sflag:s30], $0x4000  }
0x274: {  	[sflag:s30] =	ssyncset.done $0x0  }
0x275: {  	s12 =	simm.s32 $0xF00;
	[sflag:s30] =	ssyncadd.s32 $0xFFFFC000  }
0x276: {  	[tilespmem:s3], [sflag:$0x1] =	stream.indirect.gather [hbm4b:s1+s0], $0x80, s12, s0, $0xb8;
	v63 =	vld [tilespmem:$0x0]  }
0x277: {  	_ =	swait.ge [sflag:s11], $0x4000  }
0x278: {  	[sflag:s11] =	ssyncset.done $0x0  }
0x279: {  	s26 =	simm.s32 $0x1E80;
	[sflag:s11] =	ssyncadd.s32 $0xFFFFC000  }
0x27a: {  	[spmem:s2] =	stream.indirect.scatter.add.f32 [tilespmem:s5], [sflag:$0x5], $0x80, s26, s0, $0xb8;
	v63 =	vld [tilespmem:$0x0]  }
0x27b: {  	_ =	swait.ge [sflag:s30], $0x4000  }
0x27c: {  	[sflag:s30] =	ssyncset.done $0x0  }
0x27d: {  	s10 =	simm.s32 $0xF80;
	[sflag:s30] =	ssyncadd.s32 $0xFFFFC000  }
0x27e: {  	[tilespmem:s5], [sflag:$0x2] =	stream.indirect.gather [hbm4b:s1+s0], $0x80, s10, s0, $0xb8;
	v63 =	vld [tilespmem:$0x0]  }
0x27f: {  	_ =	swait.ge [sflag:s9], $0x4000  }
0x280: {  	[sflag:s9] =	ssyncset.done $0x0  }
0x281: {  	s12 =	simm.s32 $0x1F00;
	[sflag:s9] =	ssyncadd.s32 $0xFFFFC000  }
0x282: {  	[spmem:s2] =	stream.indirect.scatter.add.f32 [tilespmem:s3], [sflag:$0x5], $0x80, s12, s0, $0xb8;
	v63 =	vld [tilespmem:$0x0]  }
0x283: {  	_ =	swait.ge [sflag:s30], $0x4000  }
0x284: {  	[sflag:s30] =	ssyncset.done $0x0  }
0x285: {  	[sflag:s30] =	ssyncadd.s32 $0xFFFFC000  }
0x286: {  	_ =	swait.ge [sflag:s11], $0x4000  }
0x287: {  	[sflag:s11] =	ssyncset.done $0x0  }
0x288: {  	s26 =	simm.s32 $0x1F80;
	[sflag:s11] =	ssyncadd.s32 $0xFFFFC000  }
0x289: {  	[spmem:s2] =	stream.indirect.scatter.add.f32 [tilespmem:s5], [sflag:$0x5], $0x80, s26, s0, $0xb8;
	v63 =	vld [tilespmem:$0x0]  }
0x28a: {  	_ =	swait.ge [sflag:s30], $0x4000  }
0x28b: {  	[sflag:s30] =	ssyncset.done $0x0  }
0x28c: {  	[sflag:s30] =	ssyncadd.s32 $0xFFFFC000  }
0x28d: {  	_ =	swait.ge [sflag:s31], $0x800  }
0x28e: {  	[sflag:s31] =	ssyncset.done $0x0  }
0x28f: {  	[sflag:s31] =	ssyncadd.s32 $0xFFFFF800  }
0x290: {  	_ =	swait.ge [sflag:s31], $0x800  }
0x291: {  	[sflag:s31] =	ssyncset.done $0x0  }
0x292: {  	[sflag:s31] =	ssyncadd.s32 $0xFFFFF800  }
0x293: {  	[tilespmem:s3], [sflag:$0x1] =	stream.indirect.gather [hbm4b:s1+s0], $0x80, s4, s0, $0xb8;
	v63 =	vld [tilespmem:$0x0]  }
0x294: {  	_ = 	snop  }
0x295: {  	[tilespmem:s5], [sflag:$0x2] =	stream.indirect.gather [hbm4b:s1+s0], $0x80, s0, s0, $0xb8;
	v63 =	vld [tilespmem:$0x0]  }
0x296: {  	_ =	swait.ge [sflag:s9], $0x4000  }
0x297: {  	[sflag:s9] =	ssyncset.done $0x0  }
0x298: {  	[sflag:s9] =	ssyncadd.s32 $0xFFFFC000  }
0x299: {  	[spmem:s2] =	stream.indirect.scatter.add.f32 [tilespmem:s3], [sflag:$0x5], $0x80, s6, s0, $0xb8;
	v63 =	vld [tilespmem:$0x0]  }
0x29a: {  	_ =	swait.ge [sflag:s30], $0x4000  }
0x29b: {  	[sflag:s30] =	ssyncset.done $0x0  }
0x29c: {  	s10 =	simm.s32 $0x100;
	[sflag:s30] =	ssyncadd.s32 $0xFFFFC000  }
0x29d: {  	[tilespmem:s3], [sflag:$0x1] =	stream.indirect.gather [hbm4b:s1+s0], $0x80, s10, s0, $0xb8;
	v63 =	vld [tilespmem:$0x0]  }
0x29e: {  	_ =	swait.ge [sflag:s11], $0x4000  }
0x29f: {  	[sflag:s11] =	ssyncset.done $0x0  }
0x2a0: {  	s12 =	simm.s32 $0x1080;
	[sflag:s11] =	ssyncadd.s32 $0xFFFFC000  }
0x2a1: {  	[spmem:s2] =	stream.indirect.scatter.add.f32 [tilespmem:s5], [sflag:$0x5], $0x80, s12, s0, $0xb8;
	v63 =	vld [tilespmem:$0x0]  }
0x2a2: {  	_ =	swait.ge [sflag:s30], $0x4000  }
0x2a3: {  	[sflag:s30] =	ssyncset.done $0x0  }
0x2a4: {  	s26 =	simm.s32 $0x180;
	[sflag:s30] =	ssyncadd.s32 $0xFFFFC000  }
0x2a5: {  	[tilespmem:s5], [sflag:$0x2] =	stream.indirect.gather [hbm4b:s1+s0], $0x80, s26, s0, $0xb8;
	v63 =	vld [tilespmem:$0x0]  }
0x2a6: {  	_ =	swait.ge [sflag:s9], $0x4000  }
0x2a7: {  	[sflag:s9] =	ssyncset.done $0x0  }
0x2a8: {  	s7 =	simm.s32 $0x1100;
	[sflag:s9] =	ssyncadd.s32 $0xFFFFC000  }
0x2a9: {  	[spmem:s2] =	stream.indirect.scatter.add.f32 [tilespmem:s3], [sflag:$0x5], $0x80, s7, s0, $0xb8;
	v63 =	vld [tilespmem:$0x0]  }
0x2aa: {  	_ =	swait.ge [sflag:s30], $0x4000  }
0x2ab: {  	[sflag:s30] =	ssyncset.done $0x0  }
0x2ac: {  	s10 =	simm.s32 $0x200;
	[sflag:s30] =	ssyncadd.s32 $0xFFFFC000  }
0x2ad: {  	[tilespmem:s3], [sflag:$0x1] =	stream.indirect.gather [hbm4b:s1+s0], $0x80, s10, s0, $0xb8;
	v63 =	vld [tilespmem:$0x0]  }
0x2ae: {  	_ =	swait.ge [sflag:s11], $0x4000  }
0x2af: {  	[sflag:s11] =	ssyncset.done $0x0  }
0x2b0: {  	s12 =	simm.s32 $0x1180;
	[sflag:s11] =	ssyncadd.s32 $0xFFFFC000  }
0x2b1: {  	[spmem:s2] =	stream.indirect.scatter.add.f32 [tilespmem:s5], [sflag:$0x5], $0x80, s12, s0, $0xb8;
	v63 =	vld [tilespmem:$0x0]  }
0x2b2: {  	_ =	swait.ge [sflag:s30], $0x4000  }
0x2b3: {  	[sflag:s30] =	ssyncset.done $0x0  }
0x2b4: {  	s26 =	simm.s32 $0x280;
	[sflag:s30] =	ssyncadd.s32 $0xFFFFC000  }
0x2b5: {  	[tilespmem:s5], [sflag:$0x2] =	stream.indirect.gather [hbm4b:s1+s0], $0x80, s26, s0, $0xb8;
	v63 =	vld [tilespmem:$0x0]  }
0x2b6: {  	_ =	swait.ge [sflag:s9], $0x4000  }
0x2b7: {  	[sflag:s9] =	ssyncset.done $0x0  }
0x2b8: {  	s7 =	simm.s32 $0x1200;
	[sflag:s9] =	ssyncadd.s32 $0xFFFFC000  }
0x2b9: {  	[spmem:s2] =	stream.indirect.scatter.add.f32 [tilespmem:s3], [sflag:$0x5], $0x80, s7, s0, $0xb8;
	v63 =	vld [tilespmem:$0x0]  }
0x2ba: {  	_ =	swait.ge [sflag:s30], $0x4000  }
0x2bb: {  	[sflag:s30] =	ssyncset.done $0x0  }
0x2bc: {  	s10 =	simm.s32 $0x300;
	[sflag:s30] =	ssyncadd.s32 $0xFFFFC000  }
0x2bd: {  	[tilespmem:s3], [sflag:$0x1] =	stream.indirect.gather [hbm4b:s1+s0], $0x80, s10, s0, $0xb8;
	v63 =	vld [tilespmem:$0x0]  }
0x2be: {  	_ =	swait.ge [sflag:s11], $0x4000  }
0x2bf: {  	[sflag:s11] =	ssyncset.done $0x0  }
0x2c0: {  	s12 =	simm.s32 $0x1280;
	[sflag:s11] =	ssyncadd.s32 $0xFFFFC000  }
0x2c1: {  	[spmem:s2] =	stream.indirect.scatter.add.f32 [tilespmem:s5], [sflag:$0x5], $0x80, s12, s0, $0xb8;
	v63 =	vld [tilespmem:$0x0]  }
0x2c2: {  	_ =	swait.ge [sflag:s30], $0x4000  }
0x2c3: {  	[sflag:s30] =	ssyncset.done $0x0  }
0x2c4: {  	s26 =	simm.s32 $0x380;
	[sflag:s30] =	ssyncadd.s32 $0xFFFFC000  }
0x2c5: {  	[tilespmem:s5], [sflag:$0x2] =	stream.indirect.gather [hbm4b:s1+s0], $0x80, s26, s0, $0xb8;
	v63 =	vld [tilespmem:$0x0]  }
0x2c6: {  	_ =	swait.ge [sflag:s9], $0x4000  }
0x2c7: {  	[sflag:s9] =	ssyncset.done $0x0  }
0x2c8: {  	s7 =	simm.s32 $0x1300;
	[sflag:s9] =	ssyncadd.s32 $0xFFFFC000  }
0x2c9: {  	[spmem:s2] =	stream.indirect.scatter.add.f32 [tilespmem:s3], [sflag:$0x5], $0x80, s7, s0, $0xb8;
	v63 =	vld [tilespmem:$0x0]  }
0x2ca: {  	_ =	swait.ge [sflag:s30], $0x4000  }
0x2cb: {  	[sflag:s30] =	ssyncset.done $0x0  }
0x2cc: {  	s10 =	simm.s32 $0x400;
	[sflag:s30] =	ssyncadd.s32 $0xFFFFC000  }
0x2cd: {  	[tilespmem:s3], [sflag:$0x1] =	stream.indirect.gather [hbm4b:s1+s0], $0x80, s10, s0, $0xb8;
	v63 =	vld [tilespmem:$0x0]  }
0x2ce: {  	_ =	swait.ge [sflag:s11], $0x4000  }
0x2cf: {  	[sflag:s11] =	ssyncset.done $0x0  }
0x2d0: {  	s12 =	simm.s32 $0x1380;
	[sflag:s11] =	ssyncadd.s32 $0xFFFFC000  }
0x2d1: {  	[spmem:s2] =	stream.indirect.scatter.add.f32 [tilespmem:s5], [sflag:$0x5], $0x80, s12, s0, $0xb8;
	v63 =	vld [tilespmem:$0x0]  }
0x2d2: {  	_ =	swait.ge [sflag:s30], $0x4000  }
0x2d3: {  	[sflag:s30] =	ssyncset.done $0x0  }
0x2d4: {  	s26 =	simm.s32 $0x480;
	[sflag:s30] =	ssyncadd.s32 $0xFFFFC000  }
0x2d5: {  	[tilespmem:s5], [sflag:$0x2] =	stream.indirect.gather [hbm4b:s1+s0], $0x80, s26, s0, $0xb8;
	v63 =	vld [tilespmem:$0x0]  }
0x2d6: {  	_ =	swait.ge [sflag:s9], $0x4000  }
0x2d7: {  	[sflag:s9] =	ssyncset.done $0x0  }
0x2d8: {  	s7 =	simm.s32 $0x1400;
	[sflag:s9] =	ssyncadd.s32 $0xFFFFC000  }
0x2d9: {  	[spmem:s2] =	stream.indirect.scatter.add.f32 [tilespmem:s3], [sflag:$0x5], $0x80, s7, s0, $0xb8;
	v63 =	vld [tilespmem:$0x0]  }
0x2da: {  	_ =	swait.ge [sflag:s30], $0x4000  }
0x2db: {  	[sflag:s30] =	ssyncset.done $0x0  }
0x2dc: {  	s10 =	simm.s32 $0x500;
	[sflag:s30] =	ssyncadd.s32 $0xFFFFC000  }
0x2dd: {  	[tilespmem:s3], [sflag:$0x1] =	stream.indirect.gather [hbm4b:s1+s0], $0x80, s10, s0, $0xb8;
	v63 =	vld [tilespmem:$0x0]  }
0x2de: {  	_ =	swait.ge [sflag:s11], $0x4000  }
0x2df: {  	[sflag:s11] =	ssyncset.done $0x0  }
0x2e0: {  	s12 =	simm.s32 $0x1480;
	[sflag:s11] =	ssyncadd.s32 $0xFFFFC000  }
0x2e1: {  	[spmem:s2] =	stream.indirect.scatter.add.f32 [tilespmem:s5], [sflag:$0x5], $0x80, s12, s0, $0xb8;
	v63 =	vld [tilespmem:$0x0]  }
0x2e2: {  	_ =	swait.ge [sflag:s30], $0x4000  }
0x2e3: {  	[sflag:s30] =	ssyncset.done $0x0  }
0x2e4: {  	s26 =	simm.s32 $0x580;
	[sflag:s30] =	ssyncadd.s32 $0xFFFFC000  }
0x2e5: {  	[tilespmem:s5], [sflag:$0x2] =	stream.indirect.gather [hbm4b:s1+s0], $0x80, s26, s0, $0xb8;
	v63 =	vld [tilespmem:$0x0]  }
0x2e6: {  	_ =	swait.ge [sflag:s9], $0x4000  }
0x2e7: {  	[sflag:s9] =	ssyncset.done $0x0  }
0x2e8: {  	s7 =	simm.s32 $0x1500;
	[sflag:s9] =	ssyncadd.s32 $0xFFFFC000  }
0x2e9: {  	[spmem:s2] =	stream.indirect.scatter.add.f32 [tilespmem:s3], [sflag:$0x5], $0x80, s7, s0, $0xb8;
	v63 =	vld [tilespmem:$0x0]  }
0x2ea: {  	_ =	swait.ge [sflag:s30], $0x4000  }
0x2eb: {  	[sflag:s30] =	ssyncset.done $0x0  }
0x2ec: {  	s10 =	simm.s32 $0x600;
	[sflag:s30] =	ssyncadd.s32 $0xFFFFC000  }
0x2ed: {  	[tilespmem:s3], [sflag:$0x1] =	stream.indirect.gather [hbm4b:s1+s0], $0x80, s10, s0, $0xb8;
	v63 =	vld [tilespmem:$0x0]  }
0x2ee: {  	_ =	swait.ge [sflag:s11], $0x4000  }
0x2ef: {  	[sflag:s11] =	ssyncset.done $0x0  }
0x2f0: {  	s12 =	simm.s32 $0x1580;
	[sflag:s11] =	ssyncadd.s32 $0xFFFFC000  }
0x2f1: {  	[spmem:s2] =	stream.indirect.scatter.add.f32 [tilespmem:s5], [sflag:$0x5], $0x80, s12, s0, $0xb8;
	v63 =	vld [tilespmem:$0x0]  }
0x2f2: {  	_ =	swait.ge [sflag:s30], $0x4000  }
0x2f3: {  	[sflag:s30] =	ssyncset.done $0x0  }
0x2f4: {  	s26 =	simm.s32 $0x680;
	[sflag:s30] =	ssyncadd.s32 $0xFFFFC000  }
0x2f5: {  	[tilespmem:s5], [sflag:$0x2] =	stream.indirect.gather [hbm4b:s1+s0], $0x80, s26, s0, $0xb8;
	v63 =	vld [tilespmem:$0x0]  }
0x2f6: {  	_ =	swait.ge [sflag:s9], $0x4000  }
0x2f7: {  	[sflag:s9] =	ssyncset.done $0x0  }
0x2f8: {  	s7 =	simm.s32 $0x1600;
	[sflag:s9] =	ssyncadd.s32 $0xFFFFC000  }
0x2f9: {  	[spmem:s2] =	stream.indirect.scatter.add.f32 [tilespmem:s3], [sflag:$0x5], $0x80, s7, s0, $0xb8;
	v63 =	vld [tilespmem:$0x0]  }
0x2fa: {  	_ =	swait.ge [sflag:s30], $0x4000  }
0x2fb: {  	[sflag:s30] =	ssyncset.done $0x0  }
0x2fc: {  	s10 =	simm.s32 $0x700;
	[sflag:s30] =	ssyncadd.s32 $0xFFFFC000  }
0x2fd: {  	[tilespmem:s3], [sflag:$0x1] =	stream.indirect.gather [hbm4b:s1+s0], $0x80, s10, s0, $0xb8;
	v63 =	vld [tilespmem:$0x0]  }
0x2fe: {  	_ =	swait.ge [sflag:s11], $0x4000  }
0x2ff: {  	[sflag:s11] =	ssyncset.done $0x0  }
0x300: {  	s12 =	simm.s32 $0x1680;
	[sflag:s11] =	ssyncadd.s32 $0xFFFFC000  }
0x301: {  	[spmem:s2] =	stream.indirect.scatter.add.f32 [tilespmem:s5], [sflag:$0x5], $0x80, s12, s0, $0xb8;
	v63 =	vld [tilespmem:$0x0]  }
0x302: {  	_ =	swait.ge [sflag:s30], $0x4000  }
0x303: {  	[sflag:s30] =	ssyncset.done $0x0  }
0x304: {  	s26 =	simm.s32 $0x780;
	[sflag:s30] =	ssyncadd.s32 $0xFFFFC000  }
0x305: {  	[tilespmem:s5], [sflag:$0x2] =	stream.indirect.gather [hbm4b:s1+s0], $0x80, s26, s0, $0xb8;
	v63 =	vld [tilespmem:$0x0]  }
0x306: {  	_ =	swait.ge [sflag:s9], $0x4000  }
0x307: {  	[sflag:s9] =	ssyncset.done $0x0  }
0x308: {  	s7 =	simm.s32 $0x1700;
	[sflag:s9] =	ssyncadd.s32 $0xFFFFC000  }
0x309: {  	[spmem:s2] =	stream.indirect.scatter.add.f32 [tilespmem:s3], [sflag:$0x5], $0x80, s7, s0, $0xb8;
	v63 =	vld [tilespmem:$0x0]  }
0x30a: {  	_ =	swait.ge [sflag:s30], $0x4000  }
0x30b: {  	[sflag:s30] =	ssyncset.done $0x0  }
0x30c: {  	[sflag:s30] =	ssyncadd.s32 $0xFFFFC000  }
0x30d: {  	_ =	swait.ge [sflag:s11], $0x4000  }
0x30e: {  	[sflag:s11] =	ssyncset.done $0x0  }
0x30f: {  	s10 =	simm.s32 $0x1780;
	[sflag:s11] =	ssyncadd.s32 $0xFFFFC000  }
0x310: {  	[spmem:s2] =	stream.indirect.scatter.add.f32 [tilespmem:s5], [sflag:$0x5], $0x80, s10, s0, $0xb8;
	v63 =	vld [tilespmem:$0x0]  }
0x311: {  	_ =	swait.ge [sflag:s30], $0x4000  }
0x312: {  	[sflag:s30] =	ssyncset.done $0x0  }
0x313: {  	[sflag:s30] =	ssyncadd.s32 $0xFFFFC000  }
0x314: {  	s12 =	stileid.u32;
	[bflag:$0x0] =	sbarrier.arrive $0xFFFF  }
0x315: {  	s10 =	sshll.u32 s12, $0x6;
	s26 =	rddreg [dreg:$0x19]  }
0x316: {  	s10 =	sor.u32 $0x1C05, s10;
	s7 =	rddreg [dreg:$0xe];
	s6 =	sshrl.u32 s26, $0x3  }
0x317: {  	[hbm:s7], [sflag:s10] =	dma.local [spmem:s6], $0x2800  }
0x318: {  	_ =	swait.ge [sflag:s30], $0x2800  }
0x319: {  	s25 =	sadd.s32 $0x1, s25;
	s26 =	rddreg [dreg:$0xf]  }
0x31a: {  	p0 =	sne.s32 s25, s26  }
.Ltmp1:
0x31b: {  	_ = 	snop;
	(pc) =	sbr.rel @p0 .LBB2_1-.Ltmp1, $3  }
0x31c: {  	_ =	sdelay $0x1  }
0x31d: {  	[sflag:s30] =	ssyncset.done $0x0  }
0x31e: {  	[sflag:s30] =	ssyncadd.s32 $0xFFFFD800  }
0x31f: {  	_ =	sfence.sel $0x180000  }
0x320: {  	[bflag:$0x0] =	sbarrier.arrive $0xFFFF  }
0x321: {  	_ =	strace $0x9000004D  }
0x322: {  	s0 =	stileid.u32;
	[bflag:$0x2] =	sbarrier.arrive $0xFFFF  }
0x323: {  	p0 =	sne.s32 s0, $0x0;
	s0 =	rddreg [dreg:$0x3]  }
0x324: {  	s0 =	sadd.s32 @!p0 $0x100000, s0  }
0x325: {  	[sflag:s0] =	ssyncadd.tile.s32 @!p0 $0x1;
	_ =	shalt  }
.Lfunc_end2:
_tile_overlayer_lowered:
.L_overlay_start_2:
0x326: {  	(tag) =	ssettag $0x2  }
0x327: {  	s0 =	rddreg [dreg:$0x0];
	s2 =	stileid.u32  }
0x328: {  	s1 =	rddreg [dreg:$0x1];
	p0 =	sne.s32 s2, $0x0  }
0x329: {  	s3 =	rddreg [dreg:$0x2];
	[bflag:$0x3] =	sbarrier.arrive $0xFFFF;
	s2 =	simm.s32 @!p0 $0x1C05  }
0x32a: {  	[timem:s3], [sflag:s2] =	dma.local @!p0 [hbm:s0], s1  }
0x32b: {  	s0 =	simm.s32 @!p0 $0x5  }
0x32c: {  	_ =	swait.ge @!p0 [sflag:s0], s1  }
0x32d: {  	s1 =	ssub.s32 @!p0 $0x0, s1;
	[sflag:s0] =	ssyncset.done @!p0 $0x0  }
0x32e: {  	[sflag:s0] =	ssyncadd.s32 @!p0 s1  }
0x32f: {  	[bflag:$0x3] =	sbarrier.arrive $0xFFFF  }
0x330: {  	_ =	shalt  }

// kernel: kernel.8.cloned.1.call-start
scs
__scs_entry_jumppad:
0x0: {  	(pc) =	sbr.rel $0x88, $3  }
0x1: {  	(tag) =	ssettag $0x0;
	lr =	simm.s32 $0x1  }
0x2: {  	[smem:$0x3F99] =	sst lr;
	_ =	strace $0xD0000000  }
0x3: {  	_ = 	snop  }
0x4: {  	_ = 	snop  }
0x5: {  	_ = 	snop  }
0x6: {  	_ = 	snop  }
0x7: {  	_ = 	snop  }
__scs_overlays_trampoline_lowered:
0x8: {  	[smem:$0x3FA8] =	sst s0  }
0x9: {  	[smem:$0x3FA9] =	sst s1  }
0xa: {  	[smem:$0x3FAA] =	sst s2  }
0xb: {  	[smem:$0x3FAB] =	sst s3  }
0xc: {  	[smem:$0x3FAC] =	sst s4  }
0xd: {  	[smem:$0x3FAD] =	sst s5  }
0xe: {  	[smem:$0x3FAE] =	sst s6  }
0xf: {  	[smem:$0x3FAF] =	sst s7  }
0x10: {  	[smem:$0x3FB0] =	sst s8  }
0x11: {  	[smem:$0x3FB1] =	sst s9;
	s0 =	simm.s32 @!p0 $0x0  }
0x12: {  	s1 =	sld [smem:$0x3F97];
	s0 =	simm.s32 @p0 $0x1  }
0x13: {  	[smem:$0x3FB2] =	sst s0;
	s0 =	simm.s32 @!p1 $0x0  }
0x14: {  	s2 =	sld [smem:$0x3F96];
	s0 =	simm.s32 @p1 $0x1  }
0x15: {  	[smem:$0x3FB3] =	sst s0;
	s0 =	simm.s32 @!p2 $0x0  }
0x16: {  	s3 =	sld [smem:$0x3FDB];
	s0 =	simm.s32 @p2 $0x1  }
0x17: {  	s4 =	simm.s32 $0x1BF5;
	[smem:$0x3FB5] =	sst s0  }
0x18: {  	s0 =	sld [smem:$0x3F98];
	_ =	swait.ge [sflag:s4], $0x0  }
0x19: {  	s7 =	sld [smem:$0x3F99]  }
0x1a: {  	s8 =	sadd.s32 $0xFFFFE003, lr  }
0x1b: {  	s9 =	sadd.s32 $0xFFFFFEF7, lr;
	s5 =	simm.s32 $0xFFFFFFFF;
	p2 =	slt.u32 s8, $0xFFFFF086  }
0x1c: {  	p1 =	slt.u32 s9, $0xF7A;
	s5 =	simm.s32 @!p2 $0x0  }
0x1d: {  	s5 =	simm.s32 @p1 $0x1;
	p0 =	seq.s32 s7, s2  }
0x1e: {  	s7 =	smul.u32 @!p0 $0xF7A, s2;
	p2 =	seq.s32 @!p0 s5, $0x0  }
0x1f: {  	s9 =	smul.u32 $0xF7A, s1;
	s8 =	simm.s32 @!p0 $0x1BF5;
	p2 =	por !p2, p0  }
0x20: {  	[sflag:s8] =	ssyncset.s32 @!p0 $0xFFFFF086;
	s6 =	sadd.s32 @!p0 s3, s7;
	s7 =	simm.s32 @!p0 $0x108  }
0x21: {  	s3 =	sadd.s32 s3, s9;
	s6 =	sadd.s32 @!p0 $0x88, s6;
	s7 =	simm.s32 @p2 $0x1082  }
0x22: {  	[simem:s7], [sflag:s8] =	dma.local @!p0 [hbm:s6], $0xF7A  }
0x23: {  	s9 =	sor.u32 $0xD0000000, s2;
	s6 =	simm.s32 $0x108;
	_ =	swait.ge @!p0 [sflag:s8], $0x0  }
0x24: {  	s3 =	sadd.s32 $0x88, s3;
	s6 =	simm.s32 @!p1 $0x1082;
	[sflag:s4] =	ssyncset.s32 $0xFFFFF086  }
0x25: {  	[simem:s6], [sflag:s4] =	dma.local [hbm:s3], $0xF7A  }
0x26: {  	[smem:$0x3F99] =	sst s1;
	(tag) =	ssettag s2;
	_ =	strace s9  }
0x27: {  	s1 =	sld [smem:$0x3FA9]  }
0x28: {  	s2 =	sld [smem:$0x3FAA]  }
0x29: {  	s4 =	sld [smem:$0x3FAC]  }
0x2a: {  	p0 =	seq.s32 s5, $0x0;
	s5 =	sld [smem:$0x3FAD]  }
0x2b: {  	s6 =	sld [smem:$0x3FAE]  }
0x2c: {  	s7 =	sld [smem:$0x3FAF]  }
0x2d: {  	s3 =	simm.s32 $0x108;
	s8 =	sld [smem:$0x3FB0]  }
0x2e: {  	s3 =	simm.s32 @!p0 $0x1082;
	s9 =	sld [smem:$0x3FB1]  }
0x2f: {  	lr =	sadd.s32 s0, s3;
	s0 =	sld [smem:$0x3FA8]  }
0x30: {  	s3 =	sld [smem:$0x3FAB]  }
0x31: {  	[smem:$0x3FB4] =	sst s10  }
0x32: {  	s10 =	sld [smem:$0x3FB2];
	_ =	sdelay $0x3  }
0x33: {  	p0 =	seq.s32 s10, $0x1;
	s10 =	sld [smem:$0x3FB4];
	_ =	sdelay $0x3  }
0x34: {  	[smem:$0x3FB4] =	sst s10  }
0x35: {  	s10 =	sld [smem:$0x3FB3];
	_ =	sdelay $0x3  }
0x36: {  	p1 =	seq.s32 s10, $0x1;
	s10 =	sld [smem:$0x3FB4];
	_ =	sdelay $0x3  }
0x37: {  	[smem:$0x3FB4] =	sst s10  }
0x38: {  	s10 =	sld [smem:$0x3FB5]  }
0x39: {  	_ = 	snop;
	(pc) =	sbr.ind lr, $3  }
0x3a: {  	_ = 	snop  }
0x3b: {  	_ = 	snop  }
0x3c: {  	p2 =	seq.s32 s10, $0x1;
	s10 =	sld [smem:$0x3FB4]  }
0x3d: {  	_ =	shalt  }
0x3e: {  	_ =	shalt  }
0x3f: {  	_ =	shalt  }
0x40: {  	_ =	shalt  }
0x41: {  	_ =	shalt  }
0x42: {  	_ =	shalt  }
0x43: {  	_ =	shalt  }
0x44: {  	_ =	shalt  }
0x45: {  	_ =	shalt  }
0x46: {  	_ =	shalt  }
0x47: {  	_ =	shalt  }
0x48: {  	_ =	shalt  }
0x49: {  	_ =	shalt  }
0x4a: {  	_ =	shalt  }
0x4b: {  	_ =	shalt  }
0x4c: {  	_ =	shalt  }
0x4d: {  	_ =	shalt  }
0x4e: {  	_ =	shalt  }
0x4f: {  	_ =	shalt  }
0x50: {  	_ =	shalt  }
0x51: {  	_ =	shalt  }
0x52: {  	_ =	shalt  }
0x53: {  	_ =	shalt  }
0x54: {  	_ =	shalt  }
0x55: {  	_ =	shalt  }
0x56: {  	_ =	shalt  }
0x57: {  	_ =	shalt  }
0x58: {  	_ =	shalt  }
0x59: {  	_ =	shalt  }
0x5a: {  	_ =	shalt  }
0x5b: {  	_ =	shalt  }
0x5c: {  	_ =	shalt  }
0x5d: {  	_ =	shalt  }
0x5e: {  	_ =	shalt  }
0x5f: {  	_ =	shalt  }
0x60: {  	_ =	shalt  }
0x61: {  	_ =	shalt  }
0x62: {  	_ =	shalt  }
0x63: {  	_ =	shalt  }
0x64: {  	_ =	shalt  }
0x65: {  	_ =	shalt  }
0x66: {  	_ =	shalt  }
0x67: {  	_ =	shalt  }
0x68: {  	_ =	shalt  }
0x69: {  	_ =	shalt  }
0x6a: {  	_ =	shalt  }
0x6b: {  	_ =	shalt  }
0x6c: {  	_ =	shalt  }
0x6d: {  	_ =	shalt  }
0x6e: {  	_ =	shalt  }
0x6f: {  	_ =	shalt  }
0x70: {  	_ =	shalt  }
0x71: {  	_ =	shalt  }
0x72: {  	_ =	shalt  }
0x73: {  	_ =	shalt  }
0x74: {  	_ =	shalt  }
0x75: {  	_ =	shalt  }
0x76: {  	_ =	shalt  }
0x77: {  	_ =	shalt  }
0x78: {  	_ =	shalt  }
0x79: {  	_ =	shalt  }
0x7a: {  	_ =	shalt  }
0x7b: {  	_ =	shalt  }
0x7c: {  	_ =	shalt  }
0x7d: {  	_ =	shalt  }
0x7e: {  	_ =	shalt  }
0x7f: {  	_ =	shalt  }
0x80: {  	_ =	shalt  }
0x81: {  	_ =	shalt  }
0x82: {  	_ =	shalt  }
0x83: {  	_ =	shalt  }
0x84: {  	_ =	shalt  }
0x85: {  	_ =	shalt  }
0x86: {  	_ =	shalt  }
0x87: {  	_ =	shalt  }
.Lfunc_end0:
.L_simem_size_0:
called_computation_lowered:
.L_overlay_start_0:
0x88: {  	s2 =	sld [smem:$0x3FD9]  }
0x89: {  	s3 =	sld [smem:$0x3FFE];
	_ =	sdelay $0x1  }
0x8a: {  	s1 =	srdreg.scid  }
0x8b: {  	s0 =	sand.u32 $0x1, s1  }
0x8c: {  	s17 =	sshll.u32 s0, $0xA;
	s2 =	sadd.s32 s3, s2  }
0x8d: {  	s2 =	sadd.s32 s2, s17  }
0x8e: {  	[smem:$0x3FC0] =	sst s2  }
0x8f: {  	_ = 	snop  }
0x90: {  	s2 =	sld [smem:$0x3FD0];
	(tm) =	ssettm $0x1  }
0x91: {  	s18 =	sld [smem:$0x3FFB];
	_ =	sdelay $0x3  }
0x92: {  	_ =	strace s18  }
0x93: {  	s3 =	sld [smem:$0x3FFC];
	_ =	sdelay $0x3  }
0x94: {  	_ =	strace s3  }
0x95: {  	s3 =	sld [smem:$0x3FFD];
	_ =	sdelay $0x3  }
0x96: {  	_ =	strace s3  }
0x97: {  	_ =	strace $0x8FFFFFFF  }
0x98: {  	s19 =	sld [smem:$0x3FDB];
	_ =	sdelay $0x1  }
0x99: {  	s4 =	simm.s32 $_scs_section_size  }
0x9a: {  	s5 =	simm.s32 $_size__tile_overlayer_lowered;
	s6 =	simm.s32 $_tile_overlayer_lowered  }
0x9b: {  	s22 =	simm.s32 $0x1BFF;
	s21 =	sshll.u32 s6, $0x1;
	s3 =	sadd.s32 s4, s19  }
0x9c: {  	s7 =	simm.s32 $0x0;
	s20 =	sshll.u32 s5, $0x1;
	s5 =	sadd.s32 s21, s3  }
0x9d: {  	[timem:s7], [sflag:s22] =	dma.local [hbm:s5], s20  }
0x9e: {  	_ =	swait.ge [sflag:s22], s20  }
0x9f: {  	s4 =	ssub.s32 $0x0, s20;
	[sflag:s22] =	ssyncset.done $0x0  }
0xa0: {  	[sflag:s22] =	ssyncadd.s32 s4;
	_ =	sdelay $0x1  }
0xa1: {  	s23 =	simm.s32 $0x1B8B  }
0xa2: {  	_ =	swait.ge [sflag:s23], $0x1  }
0xa3: {  	[sflag:s23] =	ssyncset.done $0x0  }
0xa4: {  	s25 =	simm.s32 $0x1B8E;
	s24 =	sld [smem:$0x3FFE];
	[sflag:s23] =	ssyncadd.s32 $0xFFFFFFFF  }
0xa5: {  	s26 =	simm.s32 $execute0_lowered;
	[smem:$0x3FD2] =	sst s25  }
0xa6: {  	s5 =	sshll.u32 s26, $0x1;
	_ =	strace $0x80000046;
	[dreg:$0x1] =	wrdreg $0xFFFFFFFF  }
0xa7: {  	s28 =	simm.s32 $_size_execute0_lowered;
	s3 =	sadd.s32 s3, s5;
	[dreg:$0x0] =	wrdreg $0x0  }
0xa8: {  	s5 =	sshll.u32 s28, $0x1;
	[dreg:$0x2] =	wrdreg s3  }
0xa9: {  	[dreg:$0x3] =	wrdreg s5  }
0xaa: {  	[dreg:$0x4] =	wrdreg $0xC0  }
0xab: {  	_ =	task [dreg:s7], $0x5FFFF  }
0xac: {  	[dreg:$0x1] =	wrdreg $0xFFFFFFFF  }
0xad: {  	[dreg:$0x0] =	wrdreg $0x60  }
0xae: {  	[dreg:$0x2] =	wrdreg s24  }
0xaf: {  	[dreg:$0x3] =	wrdreg s2  }
0xb0: {  	[dreg:$0x4] =	wrdreg $0x2B000  }
0xb1: {  	[dreg:$0x5] =	wrdreg $0x9  }
0xb2: {  	_ =	task.clear_ibuf [dreg:s7], $0x6FFFF;
	_ =	strace $0x90000046  }
0xb3: {  	s29 =	simm.s32 $0x9;
	_ =	strace $0x80000048  }
0xb4: {  	_ =	swait.ge [sflag:s29], $0x1  }
0xb5: {  	[sflag:s29] =	ssyncadd.s32 $0xFFFFFFFF  }
0xb6: {  	_ =	strace $0x90000048  }
0xb7: {  	_ =	sfence  }
0xb8: {  	s30 =	sld [smem:$0x0];
	_ =	sdelay $0x2  }
0xb9: {  	s31 =	sshll.u32 s1, $0xD;
	s1 =	sshrl.u32 s1, $0x2  }
0xba: {  	s3 =	sand.u32 $0x4000, s31;
	s1 =	sadd.s32 s1, s30  }
0xbb: {  	s0 =	sor.u32 s3, s0;
	s1 =	sshll.u32 s1, $0x11  }
0xbc: {  	s0 =	sor.u32 s1, s0  }
0xbd: {  	s0 =	sadd.s32 $0x8F2B, s0  }
0xbe: {  	[sflag:s0] =	ssyncadd.remote.s32 $0x1  }
0xbf: {  	_ =	sfence.sel $0xFFFF  }
0xc0: {  	[dreg:$0x0] =	wrdreg $0xFFFFFFFF;
	(pc) =	sbr.abs _section_cstart, $3  }
0xc1: {  	[dreg:$0x1] =	wrdreg $0xFFFFFFFF  }
0xc2: {  	_ =	task.clear_ibuf [dreg:s7], $0x2FFFF;
	_ =	strace $0x9FFFFFFF  }
0xc3: {  	(tm) =	ssettm $0x7FFFFFFF  }
tec
execute0_lowered:
.L_overlay_start_1:
0x0: {  	(tag) =	ssettag $0x1  }
0x1: {  	s4 =	rddreg [dreg:$0x0]  }
0x2: {  	s6 =	rddreg [dreg:$0x1];
	s0 =	srdreg.scid  }
0x3: {  	s2 =	rddreg [dreg:$0x2];
	s1 =	stileid.u32;
	s3 =	simm.s32 $0x0  }
0x4: {  	s11 =	simm.s32 $0x2800;
	s5 =	sand.u32 $0x1, s0;
	s0 =	rddreg [dreg:$0x3]  }
0x5: {  	s14 =	simm.s32 $0x0;
	s8 =	smul.u32 $0x280, s1;
	[smem:$0x7FF] =	sst s3  }
0x6: {  	s12 =	sshll.u32 s1, $0x6;
	s7 =	sshll.u32 s5, $0x4;
	s9 =	smul.u32 $0x2800, s5  }
0x7: {  	s5 =	ssub.s32 $0x2, s5;
	_ =	strace $0x80000047;
	s7 =	sor.u32 s1, s7  }
0x8: {  	s12 =	sor.u32 $0x1C01, s12;
	s10 =	sshrl.u32 s5, $0x1;
	s7 =	smul.u32 $0x500, s7  }
0x9: {  	s9 =	sadd.s32 s8, s9;
	s31 =	ssub.s32 s5, s10;
	s5 =	sadd.s32 s8, s2  }
0xa: {  	s8 =	simm.s32 $0x1;
	s10 =	simm.s32 $0x80;
	s9 =	sshrl.u32 s9, $0x3  }
0xb: {  	s13 =	sshrl.u32 s5, $0x3;
	s4 =	sadd.s32 s7, s4;
	s6 =	sadd.s32 s6, s9  }
0xc: {  	v0 =	vimm.f32 $1.000000000e+00;
	v1 =	vimm.f32 $0.0e+00;
	s7 =	smax.u32 s31, $0x1;
	s9 =	simm.s32 $0x2880;
	s4 =	sadd.s32 $0x2A00, s4  }
.LBB2_1:
0xd: {  	[tilespmem:$0x2800] =	vst v0  }
0xe: {  	[tilespmem:$0x2810] =	vst v0  }
0xf: {  	[tilespmem:$0x2820] =	vst v0  }
0x10: {  	[tilespmem:$0x2830] =	vst v0  }
0x11: {  	[tilespmem:$0x2840] =	vst v0  }
0x12: {  	[tilespmem:$0x2850] =	vst v0  }
0x13: {  	[tilespmem:$0x2860] =	vst v0  }
0x14: {  	[tilespmem:$0x2870] =	vst v0  }
0x15: {  	[tilespmem:$0x2880] =	vst v1  }
0x16: {  	[tilespmem:$0x2890] =	vst v1  }
0x17: {  	[tilespmem:$0x28A0] =	vst v1  }
0x18: {  	[tilespmem:$0x28B0] =	vst v1  }
0x19: {  	[tilespmem:$0x28C0] =	vst v1  }
0x1a: {  	[tilespmem:$0x28D0] =	vst v1  }
0x1b: {  	[tilespmem:$0x28E0] =	vst v1  }
0x1c: {  	[tilespmem:$0x28F0] =	vst v1  }
0x1d: {  	[tilespmem:$0x2900] =	vst v1  }
0x1e: {  	[tilespmem:$0x2910] =	vst v1  }
0x1f: {  	[tilespmem:$0x2920] =	vst v1  }
0x20: {  	[tilespmem:$0x2930] =	vst v1  }
0x21: {  	[tilespmem:$0x2940] =	vst v1  }
0x22: {  	[tilespmem:$0x2950] =	vst v1  }
0x23: {  	[tilespmem:$0x2960] =	vst v1  }
0x24: {  	[tilespmem:$0x2970] =	vst v1  }
0x25: {  	[tilespmem:$0x2980] =	vst v1  }
0x26: {  	[tilespmem:$0x2990] =	vst v1  }
0x27: {  	[tilespmem:$0x29A0] =	vst v1  }
0x28: {  	[tilespmem:$0x29B0] =	vst v1  }
0x29: {  	[tilespmem:$0x29C0] =	vst v1  }
0x2a: {  	[tilespmem:$0x29D0] =	vst v1  }
0x2b: {  	[tilespmem:$0x29E0] =	vst v1  }
0x2c: {  	[tilespmem:$0x29F0] =	vst v1  }
0x2d: {  	[tilespmem:$0x2A00] =	vst v1  }
0x2e: {  	[tilespmem:$0x2A10] =	vst v1  }
0x2f: {  	[tilespmem:$0x2A20] =	vst v1  }
0x30: {  	[tilespmem:$0x2A30] =	vst v1  }
0x31: {  	[tilespmem:$0x2A40] =	vst v1  }
0x32: {  	[tilespmem:$0x2A50] =	vst v1  }
0x33: {  	[tilespmem:$0x2A60] =	vst v1  }
0x34: {  	[tilespmem:$0x2A70] =	vst v1  }
0x35: {  	[tilespmem:$0x2A80] =	vst v1  }
0x36: {  	[tilespmem:$0x2A90] =	vst v1  }
0x37: {  	[tilespmem:$0x2AA0] =	vst v1  }
0x38: {  	[tilespmem:$0x2AB0] =	vst v1  }
0x39: {  	[tilespmem:$0x2AC0] =	vst v1  }
0x3a: {  	[tilespmem:$0x2AD0] =	vst v1  }
0x3b: {  	[tilespmem:$0x2AE0] =	vst v1  }
0x3c: {  	[tilespmem:$0x2AF0] =	vst v1  }
0x3d: {  	[tilespmem:s3], [sflag:$0x1] =	stream.linear.gather [hbm4b:s4+s3], $0x2800, $0x38;
	[tilespmem:$0x2D80] =	vst v63  }
0x3e: {  	_ =	swait.ge [sflag:s8], $0x2800  }
0x3f: {  	[sflag:s8] =	ssyncset.done $0x0  }
0x40: {  	[sflag:s8] =	ssyncadd.s32 $0xFFFFD800  }
0x41: {  	[spmem:s5] =	stream.linear.scatter [tilespmem:s9], [sflag:$0x1], $0x280, $0x38;
	[tilespmem:$0x2D80] =	vst v63  }
0x42: {  	_ =	swait.ge [sflag:s8], $0x280  }
0x43: {  	[sflag:s8] =	ssyncset.done $0x0  }
0x44: {  	[sflag:s8] =	ssyncadd.s32 $0xFFFFFD80  }
0x45: {  	s15 =	simm.s32 $0x0;
	[bflag:$0x0] =	sbarrier.arrive $0xFFFF  }
0x46: {  	[spmem:s2] =	stream.indirect.scatter.add.f32 [tilespmem:s11], [sflag:$0x1], $0x1, s15, s10, $0xb8;
	[tilespmem:$0x2D80] =	vst v63  }
0x47: {  	_ =	swait.ge [sflag:s8], $0x80  }
0x48: {  	s15 =	simm.s32 $0x200;
	[sflag:s8] =	ssyncset.done $0x0  }
.LBB2_2:
0x49: {  	s16 =	sshra.s32 s15, $0x2;
	[sflag:s8] =	ssyncadd.s32 $0xFFFFFF80;
	p0 =	sne.s32 s15, $0x9E00  }
0x4a: {  	[spmem:s2] =	stream.indirect.scatter.add.f32 [tilespmem:s11], [sflag:$0x1], $0x1, s16, s10, $0xb8;
	[tilespmem:$0x2D80] =	vst v63  }
.Ltmp0:
0x4b: {  	_ = 	snop;
	(pc) =	sbr.rel @p0 .LBB2_2-.Ltmp0, $4  }
0x4c: {  	_ = 	snop  }
0x4d: {  	s15 =	sadd.s32 $0x200, s15  }
0x4e: {  	_ =	swait.ge [sflag:s8], $0x80  }
0x4f: {  	[sflag:s8] =	ssyncset.done $0x0  }
0x50: {  	s14 =	sadd.s32 $0x1, s14  }
0x51: {  	[sflag:s8] =	ssyncadd.s32 $0xFFFFFF80;
	p0 =	sne.s32 s14, s7  }
.Ltmp1:
0x52: {  	[bflag:$0x0] =	sbarrier.arrive $0xFFFF;
	(pc) =	sbr.rel @p0 .LBB2_1-.Ltmp1, $4  }
0x53: {  	[hbm:s6], [sflag:s12] =	dma.local [spmem:s13], $0x50  }
0x54: {  	_ =	swait.ge [sflag:s8], $0x50  }
0x55: {  	[sflag:s8] =	ssyncset.done $0x0  }
0x56: {  	[sflag:s8] =	ssyncadd.s32 $0xFFFFFFB0  }
0x57: {  	_ =	sfence.sel $0x180000  }
0x58: {  	[bflag:$0x0] =	sbarrier.arrive $0xFFFF  }
0x59: {  	p0 =	sne.s32 s1, $0x0;
	_ =	strace $0x90000047  }
0x5a: {  	s0 =	sadd.s32 @!p0 $0x100000, s0;
	[bflag:$0x2] =	sbarrier.arrive $0xFFFF  }
0x5b: {  	[sflag:s0] =	ssyncadd.tile.s32 @!p0 $0x1;
	_ =	shalt  }
.Lfunc_end2:
_tile_overlayer_lowered:
.L_overlay_start_2:
0x5c: {  	(tag) =	ssettag $0x2  }
0x5d: {  	s0 =	rddreg [dreg:$0x0];
	s2 =	stileid.u32  }
0x5e: {  	s1 =	rddreg [dreg:$0x1];
	p0 =	sne.s32 s2, $0x0  }
0x5f: {  	s3 =	rddreg [dreg:$0x2];
	[bflag:$0x3] =	sbarrier.arrive $0xFFFF;
	s2 =	simm.s32 @!p0 $0x1C01  }
0x60: {  	[timem:s3], [sflag:s2] =	dma.local @!p0 [hbm:s0], s1  }
0x61: {  	s0 =	simm.s32 @!p0 $0x1  }
0x62: {  	_ =	swait.ge @!p0 [sflag:s0], s1  }
0x63: {  	s1 =	ssub.s32 @!p0 $0x0, s1;
	[sflag:s0] =	ssyncset.done @!p0 $0x0  }
0x64: {  	[sflag:s0] =	ssyncadd.s32 @!p0 s1  }
0x65: {  	[bflag:$0x3] =	sbarrier.arrive $0xFFFF  }
0x66: {  	_ =	shalt  }

</sc_bundles>
